<compile_context>
chip_gen: v7x
topology: tpu7x:2x2x1
jax: 0.10.2.dev20260603
libtpu: 0.0.44.dev20260713+nightly
codegen_flags: <defaults>
</compile_context>

<pallas_src>
import functools
import jax
import jax.numpy as jnp
from jax import lax
from jax.experimental import pallas as pl
from jax.experimental.pallas import tpu as pltpu
from jax.experimental.pallas import tpu_sc as plsc

B, S, D = 2, 2048, 1024
E, K, DFF = 8, 2, 512
SHF = 1024
T = B * S
P = T * K
BM = 256
NB = 40
PP = NB * BM
NBP = 48
TB = 1024

def _a1_body(x_ref, gw_ref, xb_ref, x3_ref, eid_ref, tw_ref):
    x32 = x_ref[...]
    x3_ref[...] = x32.reshape(TB, 8, 128)
    xb = x32.astype(jnp.bfloat16)
    xb_ref[...] = xb
    logits = jax.lax.dot_general(
        xb, gw_ref[...], (((1,), (0,)), ((), ())),
        preferred_element_type=jnp.float32)
    m = jnp.max(logits, axis=-1, keepdims=True)
    ex = jnp.exp(logits - m)
    scores = ex / jnp.sum(ex, axis=-1, keepdims=True)
    lane = jax.lax.broadcasted_iota(jnp.int32, scores.shape, 1)
    m1 = jnp.max(scores, axis=-1, keepdims=True)
    i1 = jnp.min(jnp.where(scores == m1, lane, E), axis=-1, keepdims=True)
    s2 = jnp.where(lane == i1, -jnp.inf, scores)
    m2 = jnp.max(s2, axis=-1, keepdims=True)
    i2 = jnp.min(jnp.where(s2 == m2, lane, E), axis=-1, keepdims=True)
    denom = m1 + m2 + 1e-20
    eid_ref[...] = jnp.concatenate([i1, i2], axis=1)
    tw_ref[...] = jnp.concatenate([m1 / denom, m2 / denom], axis=1)


def _routing(x, gw_bf):
    return pl.pallas_call(
        _a1_body,
        grid=(T // TB,),
        in_specs=[
            pl.BlockSpec((TB, D), lambda i: (i, 0)),
            pl.BlockSpec((D, E), lambda i: (0, 0)),
        ],
        out_specs=[
            pl.BlockSpec((TB, D), lambda i: (i, 0)),
            pl.BlockSpec((TB, 8, 128), lambda i: (i, 0, 0)),
            pl.BlockSpec((TB, K), lambda i: (i, 0)),
            pl.BlockSpec((TB, K), lambda i: (i, 0)),
        ],
        out_shape=[
            jax.ShapeDtypeStruct((T, D), jnp.bfloat16),
            jax.ShapeDtypeStruct((T, 8, 128), jnp.float32),
            jax.ShapeDtypeStruct((T, K), jnp.int32),
            jax.ShapeDtypeStruct((T, K), jnp.float32),
        ],
    )(x, gw_bf)


def _a2_body(xb_ref, sg_ref, su_ref, sd_ref, o_ref):
    xb = xb_ref[...]
    g = jax.lax.dot_general(xb, sg_ref[...], (((1,), (0,)), ((), ())),
                            preferred_element_type=jnp.float32)
    u = jax.lax.dot_general(xb, su_ref[...], (((1,), (0,)), ((), ())),
                            preferred_element_type=jnp.float32)
    h = ((g * jax.nn.sigmoid(g)) * u).astype(jnp.bfloat16)
    o_ref[...] = jax.lax.dot_general(
        h, sd_ref[...], (((1,), (0,)), ((), ())),
        preferred_element_type=jnp.float32).reshape(TB, 8, 128)


def _shared(xb, sg_t, su_t, sd_t):
    return pl.pallas_call(
        _a2_body,
        grid=(T // TB,),
        in_specs=[
            pl.BlockSpec((TB, D), lambda i: (i, 0)),
            pl.BlockSpec((D, SHF), lambda i: (0, 0)),
            pl.BlockSpec((D, SHF), lambda i: (0, 0)),
            pl.BlockSpec((SHF, D), lambda i: (0, 0)),
        ],
        out_specs=pl.BlockSpec((TB, 8, 128), lambda i: (i, 0, 0)),
        out_shape=jax.ShapeDtypeStruct((T, 8, 128), jnp.float32),
    )(xb, sg_t, su_t, sd_t)


NCHUNK = P // 16
SENT = P
PR, PC = 64, 128
_IOTA = lambda: jax.lax.broadcasted_iota(jnp.int32, (16,), 0)


def _axid(name):
    return lax.axis_index(name)


def _r_body(eid_ref, pos_ref, bexp_ref, bused_ref):
    ev = eid_ref[...]
    ci = jax.lax.broadcasted_iota(jnp.int32, (PC, PC), 0)
    cj = jax.lax.broadcasted_iota(jnp.int32, (PC, PC), 1)
    U = (ci <= cj).astype(jnp.bfloat16)
    ri = jax.lax.broadcasted_iota(jnp.int32, (PR, PR), 0)
    rj = jax.lax.broadcasted_iota(jnp.int32, (PR, PR), 1)
    Ls = (rj < ri).astype(jnp.bfloat16)

    ranks = jnp.zeros((PR, PC), jnp.float32)
    cnt_s = []
    for e in range(E):
        ohe = (ev == e).astype(jnp.bfloat16)
        pref_inc = jax.lax.dot_general(
            ohe, U, (((1,), (0,)), ((), ())),
            preferred_element_type=jnp.float32)
        rowsum = pref_inc[:, PC - 1:PC]
        rowpref = jax.lax.dot_general(
            Ls, rowsum.astype(jnp.bfloat16), (((1,), (0,)), ((), ())),
            preferred_element_type=jnp.float32)
        rank_e = rowpref + pref_inc - ohe.astype(jnp.float32)
        ranks = jnp.where(ev == e, rank_e, ranks)
        cnt_s.append(jnp.sum(ohe.astype(jnp.float32)).astype(jnp.int32))

    nblk_s, sb_s = [], []
    run = jnp.int32(0)
    for e in range(E):
        nb = (cnt_s[e] + (BM - 1)) >> 8
        nblk_s.append(nb)
        sb_s.append(run)
        run = run + nb

    start = jnp.zeros((PR, PC), jnp.float32)
    for e in range(E):
        start = jnp.where(ev == e, (sb_s[e] * BM).astype(jnp.float32), start)
    pos_ref[...] = (start + ranks).astype(jnp.int32)

    bvec = jax.lax.broadcasted_iota(jnp.int32, (8, NBP), 1)
    be = jnp.zeros((8, NBP), jnp.int32)
    used = jnp.zeros((8, NBP), jnp.int32)
    for e in range(E):
        in_g = jnp.logical_and(bvec >= sb_s[e], bvec < sb_s[e] + nblk_s[e])
        be = jnp.where(in_g, e, be)
        used = jnp.where(in_g, 1, used)
    bexp_ref[...] = be
    bused_ref[...] = used


def _rank_positions(eids2):
    return pl.pallas_call(
        _r_body,
        grid=(1,),
        in_specs=[pl.BlockSpec((PR, PC), lambda i: (0, 0))],
        out_specs=[
            pl.BlockSpec((PR, PC), lambda i: (0, 0)),
            pl.BlockSpec((8, NBP), lambda i: (0, 0)),
            pl.BlockSpec((8, NBP), lambda i: (0, 0)),
        ],
        out_shape=[
            jax.ShapeDtypeStruct((PR, PC), jnp.int32),
            jax.ShapeDtypeStruct((8, NBP), jnp.int32),
            jax.ShapeDtypeStruct((8, NBP), jnp.int32),
        ],
    )(eids2)


NW1 = 16
PW1 = P // NW1
FW1 = PP // NW1


def _b_body(pos_hbm, tw_hbm, sp_hbm, sw_hbm,
            pb0, pb1, pb2, pb3, tb0, tb1, tb2, tb3,
            vb0, vb1, vb2, vb3, sentp_v, sentw_v, sem, sem2):
    wid = _axid("s")
    lanes = _IOTA()
    pbs = [pb0, pb1, pb2, pb3]
    tbs = [tb0, tb1, tb2, tb3]
    vbs = [vb0, vb1, vb2, vb3]
    cps = []
    for j in range(4):
        off = wid * PW1 + j * PC
        cps.append(pltpu.async_copy(pos_hbm.at[pl.ds(off, PC)], pbs[j], sem2))
        cps.append(pltpu.async_copy(tw_hbm.at[pl.ds(off, PC)], tbs[j], sem2))
        for c in range(PC // 16):
            q = off + c * 16 + lanes
            vbs[j][pl.ds(c * 16, 16)] = 2 * (q & (T - 1)) + (q >> 12)
    for c in range(FW1 // 16):
        sentp_v[pl.ds(c * 16, 16)] = jnp.full((16,), SENT, jnp.int32)
        sentw_v[pl.ds(c * 16, 16)] = jnp.zeros((16,), jnp.float32)
    f0 = wid * FW1
    pltpu.sync_copy(sentp_v, sp_hbm.at[pl.ds(f0, FW1)])
    pltpu.sync_copy(sentw_v, sw_hbm.at[pl.ds(f0, FW1)])
    for cp in cps:
        cp.wait()
    plsc.subcore_barrier()
    cps = []
    for j in range(4):
        cps.append(pltpu.async_copy(vbs[j], sp_hbm.at[pbs[j]], sem))
        cps.append(pltpu.async_copy(tbs[j], sw_hbm.at[pbs[j]], sem))
    for cp in cps:
        cp.wait()


def _scatter_sorted(pos_flat, tw_flat):
    mesh = plsc.VectorSubcoreMesh(core_axis_name="c", subcore_axis_name="s",
                                  num_cores=1, num_subcores=16)
    f = pl.kernel(
        _b_body,
        name="b_scatter",
        out_type=[
            jax.ShapeDtypeStruct((PP,), jnp.int32),
            jax.ShapeDtypeStruct((PP,), jnp.float32),
        ],
        mesh=mesh,
        scratch_types=(
            [pltpu.VMEM((PC,), jnp.int32) for _ in range(4)]
            + [pltpu.VMEM((PC,), jnp.float32) for _ in range(4)]
            + [pltpu.VMEM((PC,), jnp.int32) for _ in range(4)]
            + [pltpu.VMEM((FW1,), jnp.int32), pltpu.VMEM((FW1,), jnp.float32),
               pltpu.SemaphoreType.DMA, pltpu.SemaphoreType.DMA]
        ),
    )
    return f(pos_flat, tw_flat)


NW = 32
SLW = PP // NW
CG = 64


def _c_body(sp_hbm, x2_hbm, xs_hbm, sp_v,
            ix0, ix1, ix2, ix3, ix4, rows_v, sem0):
    wid = _axid("s") * 2 + _axid("c")
    base_s = wid * SLW
    pltpu.sync_copy(sp_hbm.at[pl.ds(base_s, SLW)], sp_v)
    ixs = [ix0, ix1, ix2, ix3, ix4]
    for c in range(SLW // CG):
        for j in range(CG // 16):
            p = sp_v[pl.ds(c * CG + j * 16, 16)]
            tok = jnp.minimum(jnp.maximum(p >> 1, 0), T - 1)
            ixs[c][pl.ds(j * 16, 16)] = tok
    for c in range(SLW // CG):
        pltpu.async_copy(x2_hbm.at[ixs[c]], rows_v, sem0).wait()
        pltpu.sync_copy(rows_v, xs_hbm.at[pl.ds(base_s + c * CG, CG)])


def _gather_xs(sorted_p, x2):
    mesh = plsc.VectorSubcoreMesh(core_axis_name="c", subcore_axis_name="s",
                                  num_cores=2, num_subcores=16)
    f = pl.kernel(
        _c_body,
        name="c_gather",
        out_type=jax.ShapeDtypeStruct((PP, 8, 128), jnp.float32),
        mesh=mesh,
        scratch_types=[
            pltpu.VMEM((SLW,), jnp.int32),
        ] + [pltpu.VMEM((CG,), jnp.int32) for _ in range(5)] + [
            pltpu.VMEM((CG, 8, 128), jnp.float32),
            pltpu.SemaphoreType.DMA,
        ],
    )
    return f(sorted_p, x2)


def _d_body(bexp_ref, bused_ref, xs_ref, w_ref, eg_ref, eu_ref, ed_ref,
            ys_ref):
    b = pl.program_id(0)
    @pl.when(bused_ref[b] == 1)
    def _():
        xb = xs_ref[...].reshape(BM, D).astype(jnp.bfloat16)
        g = jax.lax.dot_general(xb, eg_ref[0], (((1,), (0,)), ((), ())),
                                preferred_element_type=jnp.float32)
        u = jax.lax.dot_general(xb, eu_ref[0], (((1,), (0,)), ((), ())),
                                preferred_element_type=jnp.float32)
        w = w_ref[0, 0, :].reshape(BM, 1)
        h = ((g * jax.nn.sigmoid(g)) * u * w).astype(jnp.bfloat16)
        ys_ref[...] = jax.lax.dot_general(
            h, ed_ref[0], (((1,), (0,)), ((), ())),
            preferred_element_type=jnp.float32).reshape(BM, 8, 128)


def _gmm(xs2, sw3, eg_t, eu_t, ed_t, bexp, bused):
    grid_spec = pltpu.PrefetchScalarGridSpec(
        num_scalar_prefetch=2,
        grid=(NB,),
        in_specs=[
            pl.BlockSpec((BM, 8, 128), lambda i, be, bu: (i, 0, 0)),
            pl.BlockSpec((1, 1, BM), lambda i, be, bu: (i, 0, 0)),
            pl.BlockSpec((1, D, DFF), lambda i, be, bu: (be[i], 0, 0)),
            pl.BlockSpec((1, D, DFF), lambda i, be, bu: (be[i], 0, 0)),
            pl.BlockSpec((1, DFF, D), lambda i, be, bu: (be[i], 0, 0)),
        ],
        out_specs=pl.BlockSpec((BM, 8, 128), lambda i, be, bu: (i, 0, 0)),
    )
    return pl.pallas_call(
        _d_body,
        grid_spec=grid_spec,
        out_shape=jax.ShapeDtypeStruct((PP, 8, 128), jnp.float32),
    )(bexp, bused, xs2, sw3, eg_t, eu_t, ed_t)


TW = T // NW
CC = 64


def _e_body(inv_hbm, ys3_hbm, sh3_hbm, y_hbm, idx_v, idt_v, buf_v, sem):
    wid = _axid("s") * 2 + _axid("c")
    t0 = wid * TW
    for c in range(TW // CC):
        tc = t0 + c * CC
        for j in range(CC // 16):
            idt_v[pl.ds(j * 16, 16)] = tc + j * 16 + _IOTA()
        pltpu.sync_copy(inv_hbm.at[pl.ds(tc, CC)], idx_v)
        pltpu.async_copy(ys3_hbm.at[idx_v], buf_v, sem).wait()
        pltpu.sync_copy(inv_hbm.at[pl.ds(T + tc, CC)], idx_v)
        pltpu.async_copy(ys3_hbm.at[idx_v], buf_v, sem, add=True).wait()
        pltpu.async_copy(sh3_hbm.at[idt_v], buf_v, sem, add=True).wait()
        pltpu.sync_copy(buf_v, y_hbm.at[pl.ds(tc, CC)])


def _combine(inv2, ys3, sh3):
    mesh = plsc.VectorSubcoreMesh(core_axis_name="c", subcore_axis_name="s",
                                  num_cores=2, num_subcores=16)
    f = pl.kernel(
        _e_body,
        name="e_combine",
        out_type=jax.ShapeDtypeStruct((T, 8, 128), jnp.float32),
        mesh=mesh,
        scratch_types=[
            pltpu.VMEM((CC,), jnp.int32),
            pltpu.VMEM((CC,), jnp.int32),
            pltpu.VMEM((CC, 8, 128), jnp.float32),
            pltpu.SemaphoreType.DMA,
        ],
    )
    return f(inv2, ys3, sh3)


@jax.jit
def kernel(hidden_states, gate_w, expert_gate, expert_up, expert_down,
           shared_gate, shared_up, shared_down):
    x = hidden_states.reshape(T, D)
    gw_bf = gate_w.T.astype(jnp.bfloat16)
    eg_t = expert_gate.transpose(0, 2, 1).astype(jnp.bfloat16)
    eu_t = expert_up.transpose(0, 2, 1).astype(jnp.bfloat16)
    ed_t = expert_down.transpose(0, 2, 1).astype(jnp.bfloat16)
    sg_t = shared_gate.T.astype(jnp.bfloat16)
    su_t = shared_up.T.astype(jnp.bfloat16)
    sd_t = shared_down.T.astype(jnp.bfloat16)

    xb, x3, eids, tw = _routing(x, gw_bf)
    sh = _shared(xb, sg_t, su_t, sd_t)

    eids_q = eids.T.reshape(PR, PC)
    tw_q = tw.T.reshape(P)
    pos2, bexp8, bused8 = _rank_positions(eids_q)
    sorted_p, sorted_w = _scatter_sorted(pos2.reshape(P), tw_q)
    inv2 = pos2.reshape(P)
    bexp = bexp8[0]
    bused = bused8[0]

    xs3 = _gather_xs(sorted_p, x3)
    ys3 = _gmm(xs3, sorted_w.reshape(NB, 1, BM),
               eg_t, eu_t, ed_t, bexp, bused)
    y = _combine(inv2, ys3, sh)
    return y.reshape(B, S, D)

# --- scband reference (transcript-rebuilt; emitter-appended) ---
"""Pipeline reference for scband-stellalayer-55808805044757 (READ-ONLY COPY).

The authoritative reference and input builder live on the scoring server;
editing this copy changes nothing except your own understanding.
"""

import jax, jax.numpy as jnp
import numpy as np

B, S, D = 2, 2048, 1024
E, K, DFF = 8, 2, 512
NSH = 2
SHF = DFF * NSH  # shared expert intermediate size = 1024


def _silu(x):
    return x * jax.nn.sigmoid(x)


def setup_inputs(seed: int = 0) -> dict:
    key = jax.random.key(seed)
    ks = [jax.random.fold_in(key, i) for i in range(10)]
    hidden_states = jax.random.normal(ks[0], (B, S, D), dtype=jnp.float32)
    gate_w = jax.random.normal(ks[1], (E, D), dtype=jnp.float32) * 0.02
    expert_gate = jax.random.normal(ks[2], (E, DFF, D), dtype=jnp.float32) * 0.02
    expert_up = jax.random.normal(ks[3], (E, DFF, D), dtype=jnp.float32) * 0.02
    expert_down = jax.random.normal(ks[4], (E, D, DFF), dtype=jnp.float32) * 0.02
    shared_gate = jax.random.normal(ks[5], (SHF, D), dtype=jnp.float32) * 0.02
    shared_up = jax.random.normal(ks[6], (SHF, D), dtype=jnp.float32) * 0.02
    shared_down = jax.random.normal(ks[7], (D, SHF), dtype=jnp.float32) * 0.02
    return {
        "hidden_states": hidden_states,
        "gate_w": gate_w,
        "expert_gate": expert_gate,
        "expert_up": expert_up,
        "expert_down": expert_down,
        "shared_gate": shared_gate,
        "shared_up": shared_up,
        "shared_down": shared_down,
    }


def reference(hidden_states, gate_w, expert_gate, expert_up, expert_down,
              shared_gate, shared_up, shared_down):
    # DeepseekMoE forward (inference path), math-faithful.
    orig_shape = hidden_states.shape
    x = hidden_states.reshape(-1, orig_shape[-1])  # [T, D]
    # MoEGate: softmax scoring, top-k, normalize top-k probs
    logits = x @ gate_w.T  # [T, E]
    scores = jax.nn.softmax(logits, axis=-1)
    topk_w, topk_idx = jax.lax.top_k(scores, K)  # [T, K]
    topk_w = topk_w / (jnp.sum(topk_w, axis=-1, keepdims=True) + 1e-20)
    # Dense combine weights [T, E]: sum of top-k weights scattered to expert slots
    comb = jnp.sum(jax.nn.one_hot(topk_idx, E, dtype=x.dtype) * topk_w[..., None], axis=1)
    # Routed experts: SwiGLU MLP per expert, combined by gate weights
    g = jnp.einsum('td,efd->tef', x, expert_gate)   # [T, E, DFF]
    u = jnp.einsum('td,efd->tef', x, expert_up)     # [T, E, DFF]
    h = _silu(g) * u
    out = jnp.einsum('tef,edf->ted', h, expert_down)  # [T, E, D]
    y = jnp.sum(out * comb[:, :, None], axis=1)  # [T, D]
    # Shared experts (always-on SwiGLU MLP with intermediate = NSH * DFF)
    shared = (_silu(x @ shared_gate.T) * (x @ shared_up.T)) @ shared_down.T
    y = y + shared
    return y.reshape(orig_shape)

if __name__ == "__main__":
    import jax
    _d = setup_inputs()
    print(jax.jit(kernel)(*tuple(_d.values())))

</pallas_src>

<mosaic_0001>
#map = affine_map<(d0, d1) -> (0)>
#map1 = affine_map<(d0, d1) -> (0, 0, 0)>
module attributes {stable_mosaic.version = 14 : i64} {
  func.func @c_gather(%arg0: i32, %arg1: i32, %arg2: memref<10240xi32, #tpu.memory_space<hbm>>, %arg3: memref<4096x8x128xf32, #tpu.memory_space<hbm>>, %arg4: memref<10240x8x128xf32, #tpu.memory_space<hbm>>, %arg5: memref<320xi32, #tpu.memory_space<vmem>>, %arg6: memref<64xi32, #tpu.memory_space<vmem>>, %arg7: memref<64xi32, #tpu.memory_space<vmem>>, %arg8: memref<64xi32, #tpu.memory_space<vmem>>, %arg9: memref<64xi32, #tpu.memory_space<vmem>>, %arg10: memref<64xi32, #tpu.memory_space<vmem>>, %arg11: memref<64x8x128xf32, #tpu.memory_space<vmem>>, %arg12: memref<!tpu.dma_semaphore, #tpu.memory_space<semaphore_mem>>) attributes {dimension_semantics = [#tpu.dimension_semantics<core_parallel>, #tpu.dimension_semantics<subcore_parallel>], iteration_bounds = array<i64: 2, 16>, scalar_prefetch = 0 : i64, scratch_operands = 8 : i64, tpu.core_type = #tpu.core_type<sc_vector_subcore>, window_params = [{transform_indices = #map}, {transform_indices = #map1}, {transform_indices = #map1}]} {
    %mul3A = arith.constant 2 : i32
    %mul3A_0 = arith.muli %arg1, %mul3A : i32
    %add3A = arith.addi %mul3A_0, %arg0 : i32
    %mul3A_1 = arith.constant 320 : i32
    %mul3A_2 = arith.muli %add3A, %mul3A_1 : i32
    "tpu.region"() ({
      %run_scoped3A = tpu.sem_alloc : memref<!tpu.dma_semaphore, #tpu.memory_space<semaphore_mem>>
      %dma_start3A_366 = tpu.memref_slice %arg2[%mul3A_2] : memref<10240xi32, #tpu.memory_space<hbm>> -> memref<320xi32, #tpu.memory_space<hbm>>
      %dma_start3A_367 = tpu.memref_slice %arg2[%mul3A_2] : memref<10240xi32, #tpu.memory_space<hbm>> -> memref<320xi32, #tpu.memory_space<hbm>>
      tpu.enqueue_dma source(%dma_start3A_367 : memref<320xi32, #tpu.memory_space<hbm>>) target(%arg5 : memref<320xi32, #tpu.memory_space<vmem>>) target_semaphore(%run_scoped3A : memref<!tpu.dma_semaphore, #tpu.memory_space<semaphore_mem>>)
      %dma_wait3A_368 = tpu.memref_slice %arg2[%mul3A_2] : memref<10240xi32, #tpu.memory_space<hbm>> -> memref<320xi32, #tpu.memory_space<hbm>>
      %dma_wait3A_369 = tpu.memref_slice %arg2[%mul3A_2] : memref<10240xi32, #tpu.memory_space<hbm>> -> memref<320xi32, #tpu.memory_space<hbm>>
      tpu.wait_dma2 semaphore(%run_scoped3A : memref<!tpu.dma_semaphore, #tpu.memory_space<semaphore_mem>>) src(%dma_wait3A_369 : memref<320xi32, #tpu.memory_space<hbm>>) dst(%arg5 : memref<320xi32, #tpu.memory_space<vmem>>)
      tpu.yield
    }) : () -> ()
    %get3A = arith.constant 0 : index
    %get3A_3 = tpu.vector_load %arg5[%get3A] {strides = array<i32>} : memref<320xi32, #tpu.memory_space<vmem>>, vector<16xi32>,
    %get3A_4 = vector.shape_cast %get3A_3 : vector<16xi32> to vector<16xi32>
    %shift_right_arithmetic3A = arith.constant 1 : i32
    %shift_right_arithmetic3A_5 = vector.broadcast %shift_right_arithmetic3A : i32 to vector<16xi32>
    %shift_right_arithmetic3A_6 = arith.shrsi %get3A_4, %shift_right_arithmetic3A_5 : vector<16xi32>
    %max3A = arith.constant 0 : i32
    %max3A_7 = vector.broadcast %max3A : i32 to vector<16xi32>
    %max3A_8 = arith.maxsi %shift_right_arithmetic3A_6, %max3A_7 : vector<16xi32>
    %min3A = arith.constant 4095 : i32
    %min3A_9 = vector.broadcast %min3A : i32 to vector<16xi32>
    %min3A_10 = arith.minsi %max3A_8, %min3A_9 : vector<16xi32>
    %swap3A = arith.constant 0 : index
    %swap3A_11 = tpu.vector_load %arg6[%swap3A] {strides = array<i32>} : memref<64xi32, #tpu.memory_space<vmem>>, vector<16xi32>,
    %swap3A_12 = vector.shape_cast %swap3A_11 : vector<16xi32> to vector<16xi32>
    %swap3A_13 = vector.shape_cast %min3A_10 : vector<16xi32> to vector<16xi32>
    tpu.vector_store %arg6[%swap3A], %swap3A_13 {strides = array<i32>} : memref<64xi32, #tpu.memory_space<vmem>>, vector<16xi32>,
    %get3A_14 = arith.constant 16 : index
    %get3A_15 = tpu.vector_load %arg5[%get3A_14] {strides = array<i32>} : memref<320xi32, #tpu.memory_space<vmem>>, vector<16xi32>,
    %get3A_16 = vector.shape_cast %get3A_15 : vector<16xi32> to vector<16xi32>
    %shift_right_arithmetic3A_17 = arith.constant 1 : i32
    %shift_right_arithmetic3A_18 = vector.broadcast %shift_right_arithmetic3A_17 : i32 to vector<16xi32>
    %shift_right_arithmetic3A_19 = arith.shrsi %get3A_16, %shift_right_arithmetic3A_18 : vector<16xi32>
    %max3A_20 = arith.constant 0 : i32
    %max3A_21 = vector.broadcast %max3A_20 : i32 to vector<16xi32>
    %max3A_22 = arith.maxsi %shift_right_arithmetic3A_19, %max3A_21 : vector<16xi32>
    %min3A_23 = arith.constant 4095 : i32
    %min3A_24 = vector.broadcast %min3A_23 : i32 to vector<16xi32>
    %min3A_25 = arith.minsi %max3A_22, %min3A_24 : vector<16xi32>
    %swap3A_26 = arith.constant 16 : index
    %swap3A_27 = tpu.vector_load %arg6[%swap3A_26] {strides = array<i32>} : memref<64xi32, #tpu.memory_space<vmem>>, vector<16xi32>,
    %swap3A_28 = vector.shape_cast %swap3A_27 : vector<16xi32> to vector<16xi32>
    %swap3A_29 = vector.shape_cast %min3A_25 : vector<16xi32> to vector<16xi32>
    tpu.vector_store %arg6[%swap3A_26], %swap3A_29 {strides = array<i32>} : memref<64xi32, #tpu.memory_space<vmem>>, vector<16xi32>,
    %get3A_30 = arith.constant 32 : index
    %get3A_31 = tpu.vector_load %arg5[%get3A_30] {strides = array<i32>} : memref<320xi32, #tpu.memory_space<vmem>>, vector<16xi32>,
    %get3A_32 = vector.shape_cast %get3A_31 : vector<16xi32> to vector<16xi32>
    %shift_right_arithmetic3A_33 = arith.constant 1 : i32
    %shift_right_arithmetic3A_34 = vector.broadcast %shift_right_arithmetic3A_33 : i32 to vector<16xi32>
    %shift_right_arithmetic3A_35 = arith.shrsi %get3A_32, %shift_right_arithmetic3A_34 : vector<16xi32>
    %max3A_36 = arith.constant 0 : i32
    %max3A_37 = vector.broadcast %max3A_36 : i32 to vector<16xi32>
    %max3A_38 = arith.maxsi %shift_right_arithmetic3A_35, %max3A_37 : vector<16xi32>
    %min3A_39 = arith.constant 4095 : i32
    %min3A_40 = vector.broadcast %min3A_39 : i32 to vector<16xi32>
    %min3A_41 = arith.minsi %max3A_38, %min3A_40 : vector<16xi32>
    %swap3A_42 = arith.constant 32 : index
    %swap3A_43 = tpu.vector_load %arg6[%swap3A_42] {strides = array<i32>} : memref<64xi32, #tpu.memory_space<vmem>>, vector<16xi32>,
    %swap3A_44 = vector.shape_cast %swap3A_43 : vector<16xi32> to vector<16xi32>
    %swap3A_45 = vector.shape_cast %min3A_41 : vector<16xi32> to vector<16xi32>
    tpu.vector_store %arg6[%swap3A_42], %swap3A_45 {strides = array<i32>} : memref<64xi32, #tpu.memory_space<vmem>>, vector<16xi32>,
    %get3A_46 = arith.constant 48 : index
    %get3A_47 = tpu.vector_load %arg5[%get3A_46] {strides = array<i32>} : memref<320xi32, #tpu.memory_space<vmem>>, vector<16xi32>,
    %get3A_48 = vector.shape_cast %get3A_47 : vector<16xi32> to vector<16xi32>
    %shift_right_arithmetic3A_49 = arith.constant 1 : i32
    %shift_right_arithmetic3A_50 = vector.broadcast %shift_right_arithmetic3A_49 : i32 to vector<16xi32>
    %shift_right_arithmetic3A_51 = arith.shrsi %get3A_48, %shift_right_arithmetic3A_50 : vector<16xi32>
    %max3A_52 = arith.constant 0 : i32
    %max3A_53 = vector.broadcast %max3A_52 : i32 to vector<16xi32>
    %max3A_54 = arith.maxsi %shift_right_arithmetic3A_51, %max3A_53 : vector<16xi32>
    %min3A_55 = arith.constant 4095 : i32
    %min3A_56 = vector.broadcast %min3A_55 : i32 to vector<16xi32>
    %min3A_57 = arith.minsi %max3A_54, %min3A_56 : vector<16xi32>
    %swap3A_58 = arith.constant 48 : index
    %swap3A_59 = tpu.vector_load %arg6[%swap3A_58] {strides = array<i32>} : memref<64xi32, #tpu.memory_space<vmem>>, vector<16xi32>,
    %swap3A_60 = vector.shape_cast %swap3A_59 : vector<16xi32> to vector<16xi32>
    %swap3A_61 = vector.shape_cast %min3A_57 : vector<16xi32> to vector<16xi32>
    tpu.vector_store %arg6[%swap3A_58], %swap3A_61 {strides = array<i32>} : memref<64xi32, #tpu.memory_space<vmem>>, vector<16xi32>,
    %get3A_62 = arith.constant 64 : index
    %get3A_63 = tpu.vector_load %arg5[%get3A_62] {strides = array<i32>} : memref<320xi32, #tpu.memory_space<vmem>>, vector<16xi32>,
    %get3A_64 = vector.shape_cast %get3A_63 : vector<16xi32> to vector<16xi32>
    %shift_right_arithmetic3A_65 = arith.constant 1 : i32
    %shift_right_arithmetic3A_66 = vector.broadcast %shift_right_arithmetic3A_65 : i32 to vector<16xi32>
    %shift_right_arithmetic3A_67 = arith.shrsi %get3A_64, %shift_right_arithmetic3A_66 : vector<16xi32>
    %max3A_68 = arith.constant 0 : i32
    %max3A_69 = vector.broadcast %max3A_68 : i32 to vector<16xi32>
    %max3A_70 = arith.maxsi %shift_right_arithmetic3A_67, %max3A_69 : vector<16xi32>
    %min3A_71 = arith.constant 4095 : i32
    %min3A_72 = vector.broadcast %min3A_71 : i32 to vector<16xi32>
    %min3A_73 = arith.minsi %max3A_70, %min3A_72 : vector<16xi32>
    %swap3A_74 = arith.constant 0 : index
    %swap3A_75 = tpu.vector_load %arg7[%swap3A_74] {strides = array<i32>} : memref<64xi32, #tpu.memory_space<vmem>>, vector<16xi32>,
    %swap3A_76 = vector.shape_cast %swap3A_75 : vector<16xi32> to vector<16xi32>
    %swap3A_77 = vector.shape_cast %min3A_73 : vector<16xi32> to vector<16xi32>
    tpu.vector_store %arg7[%swap3A_74], %swap3A_77 {strides = array<i32>} : memref<64xi32, #tpu.memory_space<vmem>>, vector<16xi32>,
    %get3A_78 = arith.constant 80 : index
    %get3A_79 = tpu.vector_load %arg5[%get3A_78] {strides = array<i32>} : memref<320xi32, #tpu.memory_space<vmem>>, vector<16xi32>,
    %get3A_80 = vector.shape_cast %get3A_79 : vector<16xi32> to vector<16xi32>
    %shift_right_arithmetic3A_81 = arith.constant 1 : i32
    %shift_right_arithmetic3A_82 = vector.broadcast %shift_right_arithmetic3A_81 : i32 to vector<16xi32>
    %shift_right_arithmetic3A_83 = arith.shrsi %get3A_80, %shift_right_arithmetic3A_82 : vector<16xi32>
    %max3A_84 = arith.constant 0 : i32
    %max3A_85 = vector.broadcast %max3A_84 : i32 to vector<16xi32>
    %max3A_86 = arith.maxsi %shift_right_arithmetic3A_83, %max3A_85 : vector<16xi32>
    %min3A_87 = arith.constant 4095 : i32
    %min3A_88 = vector.broadcast %min3A_87 : i32 to vector<16xi32>
    %min3A_89 = arith.minsi %max3A_86, %min3A_88 : vector<16xi32>
    %swap3A_90 = arith.constant 16 : index
    %swap3A_91 = tpu.vector_load %arg7[%swap3A_90] {strides = array<i32>} : memref<64xi32, #tpu.memory_space<vmem>>, vector<16xi32>,
    %swap3A_92 = vector.shape_cast %swap3A_91 : vector<16xi32> to vector<16xi32>
    %swap3A_93 = vector.shape_cast %min3A_89 : vector<16xi32> to vector<16xi32>
    tpu.vector_store %arg7[%swap3A_90], %swap3A_93 {strides = array<i32>} : memref<64xi32, #tpu.memory_space<vmem>>, vector<16xi32>,
    %get3A_94 = arith.constant 96 : index
    %get3A_95 = tpu.vector_load %arg5[%get3A_94] {strides = array<i32>} : memref<320xi32, #tpu.memory_space<vmem>>, vector<16xi32>,
    %get3A_96 = vector.shape_cast %get3A_95 : vector<16xi32> to vector<16xi32>
    %shift_right_arithmetic3A_97 = arith.constant 1 : i32
    %shift_right_arithmetic3A_98 = vector.broadcast %shift_right_arithmetic3A_97 : i32 to vector<16xi32>
    %shift_right_arithmetic3A_99 = arith.shrsi %get3A_96, %shift_right_arithmetic3A_98 : vector<16xi32>
    %max3A_100 = arith.constant 0 : i32
    %max3A_101 = vector.broadcast %max3A_100 : i32 to vector<16xi32>
    %max3A_102 = arith.maxsi %shift_right_arithmetic3A_99, %max3A_101 : vector<16xi32>
    %min3A_103 = arith.constant 4095 : i32
    %min3A_104 = vector.broadcast %min3A_103 : i32 to vector<16xi32>
    %min3A_105 = arith.minsi %max3A_102, %min3A_104 : vector<16xi32>
    %swap3A_106 = arith.constant 32 : index
    %swap3A_107 = tpu.vector_load %arg7[%swap3A_106] {strides = array<i32>} : memref<64xi32, #tpu.memory_space<vmem>>, vector<16xi32>,
    %swap3A_108 = vector.shape_cast %swap3A_107 : vector<16xi32> to vector<16xi32>
    %swap3A_109 = vector.shape_cast %min3A_105 : vector<16xi32> to vector<16xi32>
    tpu.vector_store %arg7[%swap3A_106], %swap3A_109 {strides = array<i32>} : memref<64xi32, #tpu.memory_space<vmem>>, vector<16xi32>,
    %get3A_110 = arith.constant 112 : index
    %get3A_111 = tpu.vector_load %arg5[%get3A_110] {strides = array<i32>} : memref<320xi32, #tpu.memory_space<vmem>>, vector<16xi32>,
    %get3A_112 = vector.shape_cast %get3A_111 : vector<16xi32> to vector<16xi32>
    %shift_right_arithmetic3A_113 = arith.constant 1 : i32
    %shift_right_arithmetic3A_114 = vector.broadcast %shift_right_arithmetic3A_113 : i32 to vector<16xi32>
    %shift_right_arithmetic3A_115 = arith.shrsi %get3A_112, %shift_right_arithmetic3A_114 : vector<16xi32>
    %max3A_116 = arith.constant 0 : i32
    %max3A_117 = vector.broadcast %max3A_116 : i32 to vector<16xi32>
    %max3A_118 = arith.maxsi %shift_right_arithmetic3A_115, %max3A_117 : vector<16xi32>
    %min3A_119 = arith.constant 4095 : i32
    %min3A_120 = vector.broadcast %min3A_119 : i32 to vector<16xi32>
    %min3A_121 = arith.minsi %max3A_118, %min3A_120 : vector<16xi32>
    %swap3A_122 = arith.constant 48 : index
    %swap3A_123 = tpu.vector_load %arg7[%swap3A_122] {strides = array<i32>} : memref<64xi32, #tpu.memory_space<vmem>>, vector<16xi32>,
    %swap3A_124 = vector.shape_cast %swap3A_123 : vector<16xi32> to vector<16xi32>
    %swap3A_125 = vector.shape_cast %min3A_121 : vector<16xi32> to vector<16xi32>
    tpu.vector_store %arg7[%swap3A_122], %swap3A_125 {strides = array<i32>} : memref<64xi32, #tpu.memory_space<vmem>>, vector<16xi32>,
    %get3A_126 = arith.constant 128 : index
    %get3A_127 = tpu.vector_load %arg5[%get3A_126] {strides = array<i32>} : memref<320xi32, #tpu.memory_space<vmem>>, vector<16xi32>,
    %get3A_128 = vector.shape_cast %get3A_127 : vector<16xi32> to vector<16xi32>
    %shift_right_arithmetic3A_129 = arith.constant 1 : i32
    %shift_right_arithmetic3A_130 = vector.broadcast %shift_right_arithmetic3A_129 : i32 to vector<16xi32>
    %shift_right_arithmetic3A_131 = arith.shrsi %get3A_128, %shift_right_arithmetic3A_130 : vector<16xi32>
    %max3A_132 = arith.constant 0 : i32
    %max3A_133 = vector.broadcast %max3A_132 : i32 to vector<16xi32>
    %max3A_134 = arith.maxsi %shift_right_arithmetic3A_131, %max3A_133 : vector<16xi32>
    %min3A_135 = arith.constant 4095 : i32
    %min3A_136 = vector.broadcast %min3A_135 : i32 to vector<16xi32>
    %min3A_137 = arith.minsi %max3A_134, %min3A_136 : vector<16xi32>
    %swap3A_138 = arith.constant 0 : index
    %swap3A_139 = tpu.vector_load %arg8[%swap3A_138] {strides = array<i32>} : memref<64xi32, #tpu.memory_space<vmem>>, vector<16xi32>,
    %swap3A_140 = vector.shape_cast %swap3A_139 : vector<16xi32> to vector<16xi32>
    %swap3A_141 = vector.shape_cast %min3A_137 : vector<16xi32> to vector<16xi32>
    tpu.vector_store %arg8[%swap3A_138], %swap3A_141 {strides = array<i32>} : memref<64xi32, #tpu.memory_space<vmem>>, vector<16xi32>,
    %get3A_142 = arith.constant 144 : index
    %get3A_143 = tpu.vector_load %arg5[%get3A_142] {strides = array<i32>} : memref<320xi32, #tpu.memory_space<vmem>>, vector<16xi32>,
    %get3A_144 = vector.shape_cast %get3A_143 : vector<16xi32> to vector<16xi32>
    %shift_right_arithmetic3A_145 = arith.constant 1 : i32
    %shift_right_arithmetic3A_146 = vector.broadcast %shift_right_arithmetic3A_145 : i32 to vector<16xi32>
    %shift_right_arithmetic3A_147 = arith.shrsi %get3A_144, %shift_right_arithmetic3A_146 : vector<16xi32>
    %max3A_148 = arith.constant 0 : i32
    %max3A_149 = vector.broadcast %max3A_148 : i32 to vector<16xi32>
    %max3A_150 = arith.maxsi %shift_right_arithmetic3A_147, %max3A_149 : vector<16xi32>
    %min3A_151 = arith.constant 4095 : i32
    %min3A_152 = vector.broadcast %min3A_151 : i32 to vector<16xi32>
    %min3A_153 = arith.minsi %max3A_150, %min3A_152 : vector<16xi32>
    %swap3A_154 = arith.constant 16 : index
    %swap3A_155 = tpu.vector_load %arg8[%swap3A_154] {strides = array<i32>} : memref<64xi32, #tpu.memory_space<vmem>>, vector<16xi32>,
    %swap3A_156 = vector.shape_cast %swap3A_155 : vector<16xi32> to vector<16xi32>
    %swap3A_157 = vector.shape_cast %min3A_153 : vector<16xi32> to vector<16xi32>
    tpu.vector_store %arg8[%swap3A_154], %swap3A_157 {strides = array<i32>} : memref<64xi32, #tpu.memory_space<vmem>>, vector<16xi32>,
    %get3A_158 = arith.constant 160 : index
    %get3A_159 = tpu.vector_load %arg5[%get3A_158] {strides = array<i32>} : memref<320xi32, #tpu.memory_space<vmem>>, vector<16xi32>,
    %get3A_160 = vector.shape_cast %get3A_159 : vector<16xi32> to vector<16xi32>
    %shift_right_arithmetic3A_161 = arith.constant 1 : i32
    %shift_right_arithmetic3A_162 = vector.broadcast %shift_right_arithmetic3A_161 : i32 to vector<16xi32>
    %shift_right_arithmetic3A_163 = arith.shrsi %get3A_160, %shift_right_arithmetic3A_162 : vector<16xi32>
    %max3A_164 = arith.constant 0 : i32
    %max3A_165 = vector.broadcast %max3A_164 : i32 to vector<16xi32>
    %max3A_166 = arith.maxsi %shift_right_arithmetic3A_163, %max3A_165 : vector<16xi32>
    %min3A_167 = arith.constant 4095 : i32
    %min3A_168 = vector.broadcast %min3A_167 : i32 to vector<16xi32>
    %min3A_169 = arith.minsi %max3A_166, %min3A_168 : vector<16xi32>
    %swap3A_170 = arith.constant 32 : index
    %swap3A_171 = tpu.vector_load %arg8[%swap3A_170] {strides = array<i32>} : memref<64xi32, #tpu.memory_space<vmem>>, vector<16xi32>,
    %swap3A_172 = vector.shape_cast %swap3A_171 : vector<16xi32> to vector<16xi32>
    %swap3A_173 = vector.shape_cast %min3A_169 : vector<16xi32> to vector<16xi32>
    tpu.vector_store %arg8[%swap3A_170], %swap3A_173 {strides = array<i32>} : memref<64xi32, #tpu.memory_space<vmem>>, vector<16xi32>,
    %get3A_174 = arith.constant 176 : index
    %get3A_175 = tpu.vector_load %arg5[%get3A_174] {strides = array<i32>} : memref<320xi32, #tpu.memory_space<vmem>>, vector<16xi32>,
    %get3A_176 = vector.shape_cast %get3A_175 : vector<16xi32> to vector<16xi32>
    %shift_right_arithmetic3A_177 = arith.constant 1 : i32
    %shift_right_arithmetic3A_178 = vector.broadcast %shift_right_arithmetic3A_177 : i32 to vector<16xi32>
    %shift_right_arithmetic3A_179 = arith.shrsi %get3A_176, %shift_right_arithmetic3A_178 : vector<16xi32>
    %max3A_180 = arith.constant 0 : i32
    %max3A_181 = vector.broadcast %max3A_180 : i32 to vector<16xi32>
    %max3A_182 = arith.maxsi %shift_right_arithmetic3A_179, %max3A_181 : vector<16xi32>
    %min3A_183 = arith.constant 4095 : i32
    %min3A_184 = vector.broadcast %min3A_183 : i32 to vector<16xi32>
    %min3A_185 = arith.minsi %max3A_182, %min3A_184 : vector<16xi32>
    %swap3A_186 = arith.constant 48 : index
    %swap3A_187 = tpu.vector_load %arg8[%swap3A_186] {strides = array<i32>} : memref<64xi32, #tpu.memory_space<vmem>>, vector<16xi32>,
    %swap3A_188 = vector.shape_cast %swap3A_187 : vector<16xi32> to vector<16xi32>
    %swap3A_189 = vector.shape_cast %min3A_185 : vector<16xi32> to vector<16xi32>
    tpu.vector_store %arg8[%swap3A_186], %swap3A_189 {strides = array<i32>} : memref<64xi32, #tpu.memory_space<vmem>>, vector<16xi32>,
    %get3A_190 = arith.constant 192 : index
    %get3A_191 = tpu.vector_load %arg5[%get3A_190] {strides = array<i32>} : memref<320xi32, #tpu.memory_space<vmem>>, vector<16xi32>,
    %get3A_192 = vector.shape_cast %get3A_191 : vector<16xi32> to vector<16xi32>
    %shift_right_arithmetic3A_193 = arith.constant 1 : i32
    %shift_right_arithmetic3A_194 = vector.broadcast %shift_right_arithmetic3A_193 : i32 to vector<16xi32>
    %shift_right_arithmetic3A_195 = arith.shrsi %get3A_192, %shift_right_arithmetic3A_194 : vector<16xi32>
    %max3A_196 = arith.constant 0 : i32
    %max3A_197 = vector.broadcast %max3A_196 : i32 to vector<16xi32>
    %max3A_198 = arith.maxsi %shift_right_arithmetic3A_195, %max3A_197 : vector<16xi32>
    %min3A_199 = arith.constant 4095 : i32
    %min3A_200 = vector.broadcast %min3A_199 : i32 to vector<16xi32>
    %min3A_201 = arith.minsi %max3A_198, %min3A_200 : vector<16xi32>
    %swap3A_202 = arith.constant 0 : index
    %swap3A_203 = tpu.vector_load %arg9[%swap3A_202] {strides = array<i32>} : memref<64xi32, #tpu.memory_space<vmem>>, vector<16xi32>,
    %swap3A_204 = vector.shape_cast %swap3A_203 : vector<16xi32> to vector<16xi32>
    %swap3A_205 = vector.shape_cast %min3A_201 : vector<16xi32> to vector<16xi32>
    tpu.vector_store %arg9[%swap3A_202], %swap3A_205 {strides = array<i32>} : memref<64xi32, #tpu.memory_space<vmem>>, vector<16xi32>,
    %get3A_206 = arith.constant 208 : index
    %get3A_207 = tpu.vector_load %arg5[%get3A_206] {strides = array<i32>} : memref<320xi32, #tpu.memory_space<vmem>>, vector<16xi32>,
    %get3A_208 = vector.shape_cast %get3A_207 : vector<16xi32> to vector<16xi32>
    %shift_right_arithmetic3A_209 = arith.constant 1 : i32
    %shift_right_arithmetic3A_210 = vector.broadcast %shift_right_arithmetic3A_209 : i32 to vector<16xi32>
    %shift_right_arithmetic3A_211 = arith.shrsi %get3A_208, %shift_right_arithmetic3A_210 : vector<16xi32>
    %max3A_212 = arith.constant 0 : i32
    %max3A_213 = vector.broadcast %max3A_212 : i32 to vector<16xi32>
    %max3A_214 = arith.maxsi %shift_right_arithmetic3A_211, %max3A_213 : vector<16xi32>
    %min3A_215 = arith.constant 4095 : i32
    %min3A_216 = vector.broadcast %min3A_215 : i32 to vector<16xi32>
    %min3A_217 = arith.minsi %max3A_214, %min3A_216 : vector<16xi32>
    %swap3A_218 = arith.constant 16 : index
    %swap3A_219 = tpu.vector_load %arg9[%swap3A_218] {strides = array<i32>} : memref<64xi32, #tpu.memory_space<vmem>>, vector<16xi32>,
    %swap3A_220 = vector.shape_cast %swap3A_219 : vector<16xi32> to vector<16xi32>
    %swap3A_221 = vector.shape_cast %min3A_217 : vector<16xi32> to vector<16xi32>
    tpu.vector_store %arg9[%swap3A_218], %swap3A_221 {strides = array<i32>} : memref<64xi32, #tpu.memory_space<vmem>>, vector<16xi32>,
    %get3A_222 = arith.constant 224 : index
    %get3A_223 = tpu.vector_load %arg5[%get3A_222] {strides = array<i32>} : memref<320xi32, #tpu.memory_space<vmem>>, vector<16xi32>,
    %get3A_224 = vector.shape_cast %get3A_223 : vector<16xi32> to vector<16xi32>
    %shift_right_arithmetic3A_225 = arith.constant 1 : i32
    %shift_right_arithmetic3A_226 = vector.broadcast %shift_right_arithmetic3A_225 : i32 to vector<16xi32>
    %shift_right_arithmetic3A_227 = arith.shrsi %get3A_224, %shift_right_arithmetic3A_226 : vector<16xi32>
    %max3A_228 = arith.constant 0 : i32
    %max3A_229 = vector.broadcast %max3A_228 : i32 to vector<16xi32>
    %max3A_230 = arith.maxsi %shift_right_arithmetic3A_227, %max3A_229 : vector<16xi32>
    %min3A_231 = arith.constant 4095 : i32
    %min3A_232 = vector.broadcast %min3A_231 : i32 to vector<16xi32>
    %min3A_233 = arith.minsi %max3A_230, %min3A_232 : vector<16xi32>
    %swap3A_234 = arith.constant 32 : index
    %swap3A_235 = tpu.vector_load %arg9[%swap3A_234] {strides = array<i32>} : memref<64xi32, #tpu.memory_space<vmem>>, vector<16xi32>,
    %swap3A_236 = vector.shape_cast %swap3A_235 : vector<16xi32> to vector<16xi32>
    %swap3A_237 = vector.shape_cast %min3A_233 : vector<16xi32> to vector<16xi32>
    tpu.vector_store %arg9[%swap3A_234], %swap3A_237 {strides = array<i32>} : memref<64xi32, #tpu.memory_space<vmem>>, vector<16xi32>,
    %get3A_238 = arith.constant 240 : index
    %get3A_239 = tpu.vector_load %arg5[%get3A_238] {strides = array<i32>} : memref<320xi32, #tpu.memory_space<vmem>>, vector<16xi32>,
    %get3A_240 = vector.shape_cast %get3A_239 : vector<16xi32> to vector<16xi32>
    %shift_right_arithmetic3A_241 = arith.constant 1 : i32
    %shift_right_arithmetic3A_242 = vector.broadcast %shift_right_arithmetic3A_241 : i32 to vector<16xi32>
    %shift_right_arithmetic3A_243 = arith.shrsi %get3A_240, %shift_right_arithmetic3A_242 : vector<16xi32>
    %max3A_244 = arith.constant 0 : i32
    %max3A_245 = vector.broadcast %max3A_244 : i32 to vector<16xi32>
    %max3A_246 = arith.maxsi %shift_right_arithmetic3A_243, %max3A_245 : vector<16xi32>
    %min3A_247 = arith.constant 4095 : i32
    %min3A_248 = vector.broadcast %min3A_247 : i32 to vector<16xi32>
    %min3A_249 = arith.minsi %max3A_246, %min3A_248 : vector<16xi32>
    %swap3A_250 = arith.constant 48 : index
    %swap3A_251 = tpu.vector_load %arg9[%swap3A_250] {strides = array<i32>} : memref<64xi32, #tpu.memory_space<vmem>>, vector<16xi32>,
    %swap3A_252 = vector.shape_cast %swap3A_251 : vector<16xi32> to vector<16xi32>
    %swap3A_253 = vector.shape_cast %min3A_249 : vector<16xi32> to vector<16xi32>
    tpu.vector_store %arg9[%swap3A_250], %swap3A_253 {strides = array<i32>} : memref<64xi32, #tpu.memory_space<vmem>>, vector<16xi32>,
    %get3A_254 = arith.constant 256 : index
    %get3A_255 = tpu.vector_load %arg5[%get3A_254] {strides = array<i32>} : memref<320xi32, #tpu.memory_space<vmem>>, vector<16xi32>,
    %get3A_256 = vector.shape_cast %get3A_255 : vector<16xi32> to vector<16xi32>
    %shift_right_arithmetic3A_257 = arith.constant 1 : i32
    %shift_right_arithmetic3A_258 = vector.broadcast %shift_right_arithmetic3A_257 : i32 to vector<16xi32>
    %shift_right_arithmetic3A_259 = arith.shrsi %get3A_256, %shift_right_arithmetic3A_258 : vector<16xi32>
    %max3A_260 = arith.constant 0 : i32
    %max3A_261 = vector.broadcast %max3A_260 : i32 to vector<16xi32>
    %max3A_262 = arith.maxsi %shift_right_arithmetic3A_259, %max3A_261 : vector<16xi32>
    %min3A_263 = arith.constant 4095 : i32
    %min3A_264 = vector.broadcast %min3A_263 : i32 to vector<16xi32>
    %min3A_265 = arith.minsi %max3A_262, %min3A_264 : vector<16xi32>
    %swap3A_266 = arith.constant 0 : index
    %swap3A_267 = tpu.vector_load %arg10[%swap3A_266] {strides = array<i32>} : memref<64xi32, #tpu.memory_space<vmem>>, vector<16xi32>,
    %swap3A_268 = vector.shape_cast %swap3A_267 : vector<16xi32> to vector<16xi32>
    %swap3A_269 = vector.shape_cast %min3A_265 : vector<16xi32> to vector<16xi32>
    tpu.vector_store %arg10[%swap3A_266], %swap3A_269 {strides = array<i32>} : memref<64xi32, #tpu.memory_space<vmem>>, vector<16xi32>,
    %get3A_270 = arith.constant 272 : index
    %get3A_271 = tpu.vector_load %arg5[%get3A_270] {strides = array<i32>} : memref<320xi32, #tpu.memory_space<vmem>>, vector<16xi32>,
    %get3A_272 = vector.shape_cast %get3A_271 : vector<16xi32> to vector<16xi32>
    %shift_right_arithmetic3A_273 = arith.constant 1 : i32
    %shift_right_arithmetic3A_274 = vector.broadcast %shift_right_arithmetic3A_273 : i32 to vector<16xi32>
    %shift_right_arithmetic3A_275 = arith.shrsi %get3A_272, %shift_right_arithmetic3A_274 : vector<16xi32>
    %max3A_276 = arith.constant 0 : i32
    %max3A_277 = vector.broadcast %max3A_276 : i32 to vector<16xi32>
    %max3A_278 = arith.maxsi %shift_right_arithmetic3A_275, %max3A_277 : vector<16xi32>
    %min3A_279 = arith.constant 4095 : i32
    %min3A_280 = vector.broadcast %min3A_279 : i32 to vector<16xi32>
    %min3A_281 = arith.minsi %max3A_278, %min3A_280 : vector<16xi32>
    %swap3A_282 = arith.constant 16 : index
    %swap3A_283 = tpu.vector_load %arg10[%swap3A_282] {strides = array<i32>} : memref<64xi32, #tpu.memory_space<vmem>>, vector<16xi32>,
    %swap3A_284 = vector.shape_cast %swap3A_283 : vector<16xi32> to vector<16xi32>
    %swap3A_285 = vector.shape_cast %min3A_281 : vector<16xi32> to vector<16xi32>
    tpu.vector_store %arg10[%swap3A_282], %swap3A_285 {strides = array<i32>} : memref<64xi32, #tpu.memory_space<vmem>>, vector<16xi32>,
    %get3A_286 = arith.constant 288 : index
    %get3A_287 = tpu.vector_load %arg5[%get3A_286] {strides = array<i32>} : memref<320xi32, #tpu.memory_space<vmem>>, vector<16xi32>,
    %get3A_288 = vector.shape_cast %get3A_287 : vector<16xi32> to vector<16xi32>
    %shift_right_arithmetic3A_289 = arith.constant 1 : i32
    %shift_right_arithmetic3A_290 = vector.broadcast %shift_right_arithmetic3A_289 : i32 to vector<16xi32>
    %shift_right_arithmetic3A_291 = arith.shrsi %get3A_288, %shift_right_arithmetic3A_290 : vector<16xi32>
    %max3A_292 = arith.constant 0 : i32
    %max3A_293 = vector.broadcast %max3A_292 : i32 to vector<16xi32>
    %max3A_294 = arith.maxsi %shift_right_arithmetic3A_291, %max3A_293 : vector<16xi32>
    %min3A_295 = arith.constant 4095 : i32
    %min3A_296 = vector.broadcast %min3A_295 : i32 to vector<16xi32>
    %min3A_297 = arith.minsi %max3A_294, %min3A_296 : vector<16xi32>
    %swap3A_298 = arith.constant 32 : index
    %swap3A_299 = tpu.vector_load %arg10[%swap3A_298] {strides = array<i32>} : memref<64xi32, #tpu.memory_space<vmem>>, vector<16xi32>,
    %swap3A_300 = vector.shape_cast %swap3A_299 : vector<16xi32> to vector<16xi32>
    %swap3A_301 = vector.shape_cast %min3A_297 : vector<16xi32> to vector<16xi32>
    tpu.vector_store %arg10[%swap3A_298], %swap3A_301 {strides = array<i32>} : memref<64xi32, #tpu.memory_space<vmem>>, vector<16xi32>,
    %get3A_302 = arith.constant 304 : index
    %get3A_303 = tpu.vector_load %arg5[%get3A_302] {strides = array<i32>} : memref<320xi32, #tpu.memory_space<vmem>>, vector<16xi32>,
    %get3A_304 = vector.shape_cast %get3A_303 : vector<16xi32> to vector<16xi32>
    %shift_right_arithmetic3A_305 = arith.constant 1 : i32
    %shift_right_arithmetic3A_306 = vector.broadcast %shift_right_arithmetic3A_305 : i32 to vector<16xi32>
    %shift_right_arithmetic3A_307 = arith.shrsi %get3A_304, %shift_right_arithmetic3A_306 : vector<16xi32>
    %max3A_308 = arith.constant 0 : i32
    %max3A_309 = vector.broadcast %max3A_308 : i32 to vector<16xi32>
    %max3A_310 = arith.maxsi %shift_right_arithmetic3A_307, %max3A_309 : vector<16xi32>
    %min3A_311 = arith.constant 4095 : i32
    %min3A_312 = vector.broadcast %min3A_311 : i32 to vector<16xi32>
    %min3A_313 = arith.minsi %max3A_310, %min3A_312 : vector<16xi32>
    %swap3A_314 = arith.constant 48 : index
    %swap3A_315 = tpu.vector_load %arg10[%swap3A_314] {strides = array<i32>} : memref<64xi32, #tpu.memory_space<vmem>>, vector<16xi32>,
    %swap3A_316 = vector.shape_cast %swap3A_315 : vector<16xi32> to vector<16xi32>
    %swap3A_317 = vector.shape_cast %min3A_313 : vector<16xi32> to vector<16xi32>
    tpu.vector_store %arg10[%swap3A_314], %swap3A_317 {strides = array<i32>} : memref<64xi32, #tpu.memory_space<vmem>>, vector<16xi32>,
    %dma_start3A = arith.constant 0 : i32
    %dma_start3A_318 = arith.constant 0 : i32
    %dma_start3A_319 = arith.constant 0 : i32
    %dma_start3A_320 = tpu.memref_slice %arg3[%dma_start3A, %dma_start3A_318, %dma_start3A_319] : memref<4096x8x128xf32, #tpu.memory_space<hbm>> -> memref<4096x8x128xf32, #tpu.memory_space<hbm>>
    tpu.enqueue_indirect_dma source(%dma_start3A_320 : memref<4096x8x128xf32, #tpu.memory_space<hbm>>) target(%arg11 : memref<64x8x128xf32, #tpu.memory_space<vmem>>) offsets(%arg6 : memref<64xi32, #tpu.memory_space<vmem>>) semaphore(%arg12 : memref<!tpu.dma_semaphore, #tpu.memory_space<semaphore_mem>>)
    %dma_wait3A = arith.constant 0 : i32
    %dma_wait3A_321 = arith.constant 0 : i32
    %dma_wait3A_322 = arith.constant 0 : i32
    %dma_wait3A_323 = tpu.memref_slice %arg3[%dma_wait3A, %dma_wait3A_321, %dma_wait3A_322] : memref<4096x8x128xf32, #tpu.memory_space<hbm>> -> memref<4096x8x128xf32, #tpu.memory_space<hbm>>
    tpu.wait_indirect_dma semaphore(%arg12 : memref<!tpu.dma_semaphore, #tpu.memory_space<semaphore_mem>>) src(%dma_wait3A_323 : memref<4096x8x128xf32, #tpu.memory_space<hbm>>) dst(%arg11 : memref<64x8x128xf32, #tpu.memory_space<vmem>>)
    %add3A_324 = arith.constant 0 : i32
    %add3A_325 = arith.addi %mul3A_2, %add3A_324 : i32
    "tpu.region"() ({
      %run_scoped3A = tpu.sem_alloc : memref<!tpu.dma_semaphore, #tpu.memory_space<semaphore_mem>>
      %dma_start3A_366 = arith.constant 0 : i32
      %dma_start3A_367 = arith.constant 0 : i32
      %dma_start3A_368 = tpu.memref_slice %arg4[%add3A_325, %dma_start3A_366, %dma_start3A_367] : memref<10240x8x128xf32, #tpu.memory_space<hbm>> -> memref<64x8x128xf32, #tpu.memory_space<hbm>>
      %dma_start3A_369 = arith.constant 0 : i32
      %dma_start3A_370 = arith.constant 0 : i32
      %dma_start3A_371 = tpu.memref_slice %arg4[%add3A_325, %dma_start3A_369, %dma_start3A_370] : memref<10240x8x128xf32, #tpu.memory_space<hbm>> -> memref<64x8x128xf32, #tpu.memory_space<hbm>>
      tpu.enqueue_dma source(%arg11 : memref<64x8x128xf32, #tpu.memory_space<vmem>>) target(%dma_start3A_371 : memref<64x8x128xf32, #tpu.memory_space<hbm>>) target_semaphore(%run_scoped3A : memref<!tpu.dma_semaphore, #tpu.memory_space<semaphore_mem>>)
      %dma_wait3A_372 = arith.constant 0 : i32
      %dma_wait3A_373 = arith.constant 0 : i32
      %dma_wait3A_374 = tpu.memref_slice %arg4[%add3A_325, %dma_wait3A_372, %dma_wait3A_373] : memref<10240x8x128xf32, #tpu.memory_space<hbm>> -> memref<64x8x128xf32, #tpu.memory_space<hbm>>
      %dma_wait3A_375 = arith.constant 0 : i32
      %dma_wait3A_376 = arith.constant 0 : i32
      %dma_wait3A_377 = tpu.memref_slice %arg4[%add3A_325, %dma_wait3A_375, %dma_wait3A_376] : memref<10240x8x128xf32, #tpu.memory_space<hbm>> -> memref<64x8x128xf32, #tpu.memory_space<hbm>>
      tpu.wait_dma2 semaphore(%run_scoped3A : memref<!tpu.dma_semaphore, #tpu.memory_space<semaphore_mem>>) src(%arg11 : memref<64x8x128xf32, #tpu.memory_space<vmem>>) dst(%dma_wait3A_377 : memref<64x8x128xf32, #tpu.memory_space<hbm>>)
      tpu.yield
    }) : () -> ()
    %dma_start3A_326 = arith.constant 0 : i32
    %dma_start3A_327 = arith.constant 0 : i32
    %dma_start3A_328 = arith.constant 0 : i32
    %dma_start3A_329 = tpu.memref_slice %arg3[%dma_start3A_326, %dma_start3A_327, %dma_start3A_328] : memref<4096x8x128xf32, #tpu.memory_space<hbm>> -> memref<4096x8x128xf32, #tpu.memory_space<hbm>>
    tpu.enqueue_indirect_dma source(%dma_start3A_329 : memref<4096x8x128xf32, #tpu.memory_space<hbm>>) target(%arg11 : memref<64x8x128xf32, #tpu.memory_space<vmem>>) offsets(%arg7 : memref<64xi32, #tpu.memory_space<vmem>>) semaphore(%arg12 : memref<!tpu.dma_semaphore, #tpu.memory_space<semaphore_mem>>)
    %dma_wait3A_330 = arith.constant 0 : i32
    %dma_wait3A_331 = arith.constant 0 : i32
    %dma_wait3A_332 = arith.constant 0 : i32
    %dma_wait3A_333 = tpu.memref_slice %arg3[%dma_wait3A_330, %dma_wait3A_331, %dma_wait3A_332] : memref<4096x8x128xf32, #tpu.memory_space<hbm>> -> memref<4096x8x128xf32, #tpu.memory_space<hbm>>
    tpu.wait_indirect_dma semaphore(%arg12 : memref<!tpu.dma_semaphore, #tpu.memory_space<semaphore_mem>>) src(%dma_wait3A_333 : memref<4096x8x128xf32, #tpu.memory_space<hbm>>) dst(%arg11 : memref<64x8x128xf32, #tpu.memory_space<vmem>>)
    %add3A_334 = arith.constant 64 : i32
    %add3A_335 = arith.addi %mul3A_2, %add3A_334 : i32
    "tpu.region"() ({
      %run_scoped3A = tpu.sem_alloc : memref<!tpu.dma_semaphore, #tpu.memory_space<semaphore_mem>>
      %dma_start3A_366 = arith.constant 0 : i32
      %dma_start3A_367 = arith.constant 0 : i32
      %dma_start3A_368 = tpu.memref_slice %arg4[%add3A_335, %dma_start3A_366, %dma_start3A_367] : memref<10240x8x128xf32, #tpu.memory_space<hbm>> -> memref<64x8x128xf32, #tpu.memory_space<hbm>>
      %dma_start3A_369 = arith.constant 0 : i32
      %dma_start3A_370 = arith.constant 0 : i32
      %dma_start3A_371 = tpu.memref_slice %arg4[%add3A_335, %dma_start3A_369, %dma_start3A_370] : memref<10240x8x128xf32, #tpu.memory_space<hbm>> -> memref<64x8x128xf32, #tpu.memory_space<hbm>>
      tpu.enqueue_dma source(%arg11 : memref<64x8x128xf32, #tpu.memory_space<vmem>>) target(%dma_start3A_371 : memref<64x8x128xf32, #tpu.memory_space<hbm>>) target_semaphore(%run_scoped3A : memref<!tpu.dma_semaphore, #tpu.memory_space<semaphore_mem>>)
      %dma_wait3A_372 = arith.constant 0 : i32
      %dma_wait3A_373 = arith.constant 0 : i32
      %dma_wait3A_374 = tpu.memref_slice %arg4[%add3A_335, %dma_wait3A_372, %dma_wait3A_373] : memref<10240x8x128xf32, #tpu.memory_space<hbm>> -> memref<64x8x128xf32, #tpu.memory_space<hbm>>
      %dma_wait3A_375 = arith.constant 0 : i32
      %dma_wait3A_376 = arith.constant 0 : i32
      %dma_wait3A_377 = tpu.memref_slice %arg4[%add3A_335, %dma_wait3A_375, %dma_wait3A_376] : memref<10240x8x128xf32, #tpu.memory_space<hbm>> -> memref<64x8x128xf32, #tpu.memory_space<hbm>>
      tpu.wait_dma2 semaphore(%run_scoped3A : memref<!tpu.dma_semaphore, #tpu.memory_space<semaphore_mem>>) src(%arg11 : memref<64x8x128xf32, #tpu.memory_space<vmem>>) dst(%dma_wait3A_377 : memref<64x8x128xf32, #tpu.memory_space<hbm>>)
      tpu.yield
    }) : () -> ()
    %dma_start3A_336 = arith.constant 0 : i32
    %dma_start3A_337 = arith.constant 0 : i32
    %dma_start3A_338 = arith.constant 0 : i32
    %dma_start3A_339 = tpu.memref_slice %arg3[%dma_start3A_336, %dma_start3A_337, %dma_start3A_338] : memref<4096x8x128xf32, #tpu.memory_space<hbm>> -> memref<4096x8x128xf32, #tpu.memory_space<hbm>>
    tpu.enqueue_indirect_dma source(%dma_start3A_339 : memref<4096x8x128xf32, #tpu.memory_space<hbm>>) target(%arg11 : memref<64x8x128xf32, #tpu.memory_space<vmem>>) offsets(%arg8 : memref<64xi32, #tpu.memory_space<vmem>>) semaphore(%arg12 : memref<!tpu.dma_semaphore, #tpu.memory_space<semaphore_mem>>)
    %dma_wait3A_340 = arith.constant 0 : i32
    %dma_wait3A_341 = arith.constant 0 : i32
    %dma_wait3A_342 = arith.constant 0 : i32
    %dma_wait3A_343 = tpu.memref_slice %arg3[%dma_wait3A_340, %dma_wait3A_341, %dma_wait3A_342] : memref<4096x8x128xf32, #tpu.memory_space<hbm>> -> memref<4096x8x128xf32, #tpu.memory_space<hbm>>
    tpu.wait_indirect_dma semaphore(%arg12 : memref<!tpu.dma_semaphore, #tpu.memory_space<semaphore_mem>>) src(%dma_wait3A_343 : memref<4096x8x128xf32, #tpu.memory_space<hbm>>) dst(%arg11 : memref<64x8x128xf32, #tpu.memory_space<vmem>>)
    %add3A_344 = arith.constant 128 : i32
    %add3A_345 = arith.addi %mul3A_2, %add3A_344 : i32
    "tpu.region"() ({
      %run_scoped3A = tpu.sem_alloc : memref<!tpu.dma_semaphore, #tpu.memory_space<semaphore_mem>>
      %dma_start3A_366 = arith.constant 0 : i32
      %dma_start3A_367 = arith.constant 0 : i32
      %dma_start3A_368 = tpu.memref_slice %arg4[%add3A_345, %dma_start3A_366, %dma_start3A_367] : memref<10240x8x128xf32, #tpu.memory_space<hbm>> -> memref<64x8x128xf32, #tpu.memory_space<hbm>>
      %dma_start3A_369 = arith.constant 0 : i32
      %dma_start3A_370 = arith.constant 0 : i32
      %dma_start3A_371 = tpu.memref_slice %arg4[%add3A_345, %dma_start3A_369, %dma_start3A_370] : memref<10240x8x128xf32, #tpu.memory_space<hbm>> -> memref<64x8x128xf32, #tpu.memory_space<hbm>>
      tpu.enqueue_dma source(%arg11 : memref<64x8x128xf32, #tpu.memory_space<vmem>>) target(%dma_start3A_371 : memref<64x8x128xf32, #tpu.memory_space<hbm>>) target_semaphore(%run_scoped3A : memref<!tpu.dma_semaphore, #tpu.memory_space<semaphore_mem>>)
      %dma_wait3A_372 = arith.constant 0 : i32
      %dma_wait3A_373 = arith.constant 0 : i32
      %dma_wait3A_374 = tpu.memref_slice %arg4[%add3A_345, %dma_wait3A_372, %dma_wait3A_373] : memref<10240x8x128xf32, #tpu.memory_space<hbm>> -> memref<64x8x128xf32, #tpu.memory_space<hbm>>
      %dma_wait3A_375 = arith.constant 0 : i32
      %dma_wait3A_376 = arith.constant 0 : i32
      %dma_wait3A_377 = tpu.memref_slice %arg4[%add3A_345, %dma_wait3A_375, %dma_wait3A_376] : memref<10240x8x128xf32, #tpu.memory_space<hbm>> -> memref<64x8x128xf32, #tpu.memory_space<hbm>>
      tpu.wait_dma2 semaphore(%run_scoped3A : memref<!tpu.dma_semaphore, #tpu.memory_space<semaphore_mem>>) src(%arg11 : memref<64x8x128xf32, #tpu.memory_space<vmem>>) dst(%dma_wait3A_377 : memref<64x8x128xf32, #tpu.memory_space<hbm>>)
      tpu.yield
    }) : () -> ()
    %dma_start3A_346 = arith.constant 0 : i32
    %dma_start3A_347 = arith.constant 0 : i32
    %dma_start3A_348 = arith.constant 0 : i32
    %dma_start3A_349 = tpu.memref_slice %arg3[%dma_start3A_346, %dma_start3A_347, %dma_start3A_348] : memref<4096x8x128xf32, #tpu.memory_space<hbm>> -> memref<4096x8x128xf32, #tpu.memory_space<hbm>>
    tpu.enqueue_indirect_dma source(%dma_start3A_349 : memref<4096x8x128xf32, #tpu.memory_space<hbm>>) target(%arg11 : memref<64x8x128xf32, #tpu.memory_space<vmem>>) offsets(%arg9 : memref<64xi32, #tpu.memory_space<vmem>>) semaphore(%arg12 : memref<!tpu.dma_semaphore, #tpu.memory_space<semaphore_mem>>)
    %dma_wait3A_350 = arith.constant 0 : i32
    %dma_wait3A_351 = arith.constant 0 : i32
    %dma_wait3A_352 = arith.constant 0 : i32
    %dma_wait3A_353 = tpu.memref_slice %arg3[%dma_wait3A_350, %dma_wait3A_351, %dma_wait3A_352] : memref<4096x8x128xf32, #tpu.memory_space<hbm>> -> memref<4096x8x128xf32, #tpu.memory_space<hbm>>
    tpu.wait_indirect_dma semaphore(%arg12 : memref<!tpu.dma_semaphore, #tpu.memory_space<semaphore_mem>>) src(%dma_wait3A_353 : memref<4096x8x128xf32, #tpu.memory_space<hbm>>) dst(%arg11 : memref<64x8x128xf32, #tpu.memory_space<vmem>>)
    %add3A_354 = arith.constant 192 : i32
    %add3A_355 = arith.addi %mul3A_2, %add3A_354 : i32
    "tpu.region"() ({
      %run_scoped3A = tpu.sem_alloc : memref<!tpu.dma_semaphore, #tpu.memory_space<semaphore_mem>>
      %dma_start3A_366 = arith.constant 0 : i32
      %dma_start3A_367 = arith.constant 0 : i32
      %dma_start3A_368 = tpu.memref_slice %arg4[%add3A_355, %dma_start3A_366, %dma_start3A_367] : memref<10240x8x128xf32, #tpu.memory_space<hbm>> -> memref<64x8x128xf32, #tpu.memory_space<hbm>>
      %dma_start3A_369 = arith.constant 0 : i32
      %dma_start3A_370 = arith.constant 0 : i32
      %dma_start3A_371 = tpu.memref_slice %arg4[%add3A_355, %dma_start3A_369, %dma_start3A_370] : memref<10240x8x128xf32, #tpu.memory_space<hbm>> -> memref<64x8x128xf32, #tpu.memory_space<hbm>>
      tpu.enqueue_dma source(%arg11 : memref<64x8x128xf32, #tpu.memory_space<vmem>>) target(%dma_start3A_371 : memref<64x8x128xf32, #tpu.memory_space<hbm>>) target_semaphore(%run_scoped3A : memref<!tpu.dma_semaphore, #tpu.memory_space<semaphore_mem>>)
      %dma_wait3A_372 = arith.constant 0 : i32
      %dma_wait3A_373 = arith.constant 0 : i32
      %dma_wait3A_374 = tpu.memref_slice %arg4[%add3A_355, %dma_wait3A_372, %dma_wait3A_373] : memref<10240x8x128xf32, #tpu.memory_space<hbm>> -> memref<64x8x128xf32, #tpu.memory_space<hbm>>
      %dma_wait3A_375 = arith.constant 0 : i32
      %dma_wait3A_376 = arith.constant 0 : i32
      %dma_wait3A_377 = tpu.memref_slice %arg4[%add3A_355, %dma_wait3A_375, %dma_wait3A_376] : memref<10240x8x128xf32, #tpu.memory_space<hbm>> -> memref<64x8x128xf32, #tpu.memory_space<hbm>>
      tpu.wait_dma2 semaphore(%run_scoped3A : memref<!tpu.dma_semaphore, #tpu.memory_space<semaphore_mem>>) src(%arg11 : memref<64x8x128xf32, #tpu.memory_space<vmem>>) dst(%dma_wait3A_377 : memref<64x8x128xf32, #tpu.memory_space<hbm>>)
      tpu.yield
    }) : () -> ()
    %dma_start3A_356 = arith.constant 0 : i32
    %dma_start3A_357 = arith.constant 0 : i32
    %dma_start3A_358 = arith.constant 0 : i32
    %dma_start3A_359 = tpu.memref_slice %arg3[%dma_start3A_356, %dma_start3A_357, %dma_start3A_358] : memref<4096x8x128xf32, #tpu.memory_space<hbm>> -> memref<4096x8x128xf32, #tpu.memory_space<hbm>>
    tpu.enqueue_indirect_dma source(%dma_start3A_359 : memref<4096x8x128xf32, #tpu.memory_space<hbm>>) target(%arg11 : memref<64x8x128xf32, #tpu.memory_space<vmem>>) offsets(%arg10 : memref<64xi32, #tpu.memory_space<vmem>>) semaphore(%arg12 : memref<!tpu.dma_semaphore, #tpu.memory_space<semaphore_mem>>)
    %dma_wait3A_360 = arith.constant 0 : i32
    %dma_wait3A_361 = arith.constant 0 : i32
    %dma_wait3A_362 = arith.constant 0 : i32
    %dma_wait3A_363 = tpu.memref_slice %arg3[%dma_wait3A_360, %dma_wait3A_361, %dma_wait3A_362] : memref<4096x8x128xf32, #tpu.memory_space<hbm>> -> memref<4096x8x128xf32, #tpu.memory_space<hbm>>
    tpu.wait_indirect_dma semaphore(%arg12 : memref<!tpu.dma_semaphore, #tpu.memory_space<semaphore_mem>>) src(%dma_wait3A_363 : memref<4096x8x128xf32, #tpu.memory_space<hbm>>) dst(%arg11 : memref<64x8x128xf32, #tpu.memory_space<vmem>>)
    %add3A_364 = arith.constant 256 : i32
    %add3A_365 = arith.addi %mul3A_2, %add3A_364 : i32
    "tpu.region"() ({
      %run_scoped3A = tpu.sem_alloc : memref<!tpu.dma_semaphore, #tpu.memory_space<semaphore_mem>>
      %dma_start3A_366 = arith.constant 0 : i32
      %dma_start3A_367 = arith.constant 0 : i32
      %dma_start3A_368 = tpu.memref_slice %arg4[%add3A_365, %dma_start3A_366, %dma_start3A_367] : memref<10240x8x128xf32, #tpu.memory_space<hbm>> -> memref<64x8x128xf32, #tpu.memory_space<hbm>>
      %dma_start3A_369 = arith.constant 0 : i32
      %dma_start3A_370 = arith.constant 0 : i32
      %dma_start3A_371 = tpu.memref_slice %arg4[%add3A_365, %dma_start3A_369, %dma_start3A_370] : memref<10240x8x128xf32, #tpu.memory_space<hbm>> -> memref<64x8x128xf32, #tpu.memory_space<hbm>>
      tpu.enqueue_dma source(%arg11 : memref<64x8x128xf32, #tpu.memory_space<vmem>>) target(%dma_start3A_371 : memref<64x8x128xf32, #tpu.memory_space<hbm>>) target_semaphore(%run_scoped3A : memref<!tpu.dma_semaphore, #tpu.memory_space<semaphore_mem>>)
      %dma_wait3A_372 = arith.constant 0 : i32
      %dma_wait3A_373 = arith.constant 0 : i32
      %dma_wait3A_374 = tpu.memref_slice %arg4[%add3A_365, %dma_wait3A_372, %dma_wait3A_373] : memref<10240x8x128xf32, #tpu.memory_space<hbm>> -> memref<64x8x128xf32, #tpu.memory_space<hbm>>
      %dma_wait3A_375 = arith.constant 0 : i32
      %dma_wait3A_376 = arith.constant 0 : i32
      %dma_wait3A_377 = tpu.memref_slice %arg4[%add3A_365, %dma_wait3A_375, %dma_wait3A_376] : memref<10240x8x128xf32, #tpu.memory_space<hbm>> -> memref<64x8x128xf32, #tpu.memory_space<hbm>>
      tpu.wait_dma2 semaphore(%run_scoped3A : memref<!tpu.dma_semaphore, #tpu.memory_space<semaphore_mem>>) src(%arg11 : memref<64x8x128xf32, #tpu.memory_space<vmem>>) dst(%dma_wait3A_377 : memref<64x8x128xf32, #tpu.memory_space<hbm>>)
      tpu.yield
    }) : () -> ()
    return
  }
}

#map = affine_map<(d0, d1) -> (0)>
#map1 = affine_map<(d0, d1) -> (0, 0, 0)>
module attributes {stable_mosaic.version = 14 : i64} {
  func.func @e_combine(%arg0: i32, %arg1: i32, %arg2: memref<8192xi32, #tpu.memory_space<hbm>>, %arg3: memref<10240x8x128xf32, #tpu.memory_space<hbm>>, %arg4: memref<4096x8x128xf32, #tpu.memory_space<hbm>>, %arg5: memref<4096x8x128xf32, #tpu.memory_space<hbm>>, %arg6: memref<64xi32, #tpu.memory_space<vmem>>, %arg7: memref<64xi32, #tpu.memory_space<vmem>>, %arg8: memref<64x8x128xf32, #tpu.memory_space<vmem>>, %arg9: memref<!tpu.dma_semaphore, #tpu.memory_space<semaphore_mem>>) attributes {dimension_semantics = [#tpu.dimension_semantics<core_parallel>, #tpu.dimension_semantics<subcore_parallel>], iteration_bounds = array<i64: 2, 16>, scalar_prefetch = 0 : i64, scratch_operands = 4 : i64, tpu.core_type = #tpu.core_type<sc_vector_subcore>, window_params = [{transform_indices = #map}, {transform_indices = #map1}, {transform_indices = #map1}, {transform_indices = #map1}]} {
    %mul3A = arith.constant 2 : i32
    %mul3A_0 = arith.muli %arg1, %mul3A : i32
    %add3A = arith.addi %mul3A_0, %arg0 : i32
    %mul3A_1 = arith.constant 128 : i32
    %mul3A_2 = arith.muli %add3A, %mul3A_1 : i32
    %add3A_3 = arith.constant 0 : i32
    %add3A_4 = arith.addi %mul3A_2, %add3A_3 : i32
    %add3A_5 = arith.constant 0 : i32
    %add3A_6 = arith.addi %add3A_4, %add3A_5 : i32
    %iota3A = tpu.iota {dimensions = array<i32: 0>} : vector<16xi32>
    %add3A_7 = vector.broadcast %add3A_6 : i32 to vector<16xi32>
    %add3A_8 = arith.addi %add3A_7, %iota3A : vector<16xi32>
    %swap3A = arith.constant 0 : index
    %swap3A_9 = tpu.vector_load %arg7[%swap3A] {strides = array<i32>} : memref<64xi32, #tpu.memory_space<vmem>>, vector<16xi32>,
    %swap3A_10 = vector.shape_cast %swap3A_9 : vector<16xi32> to vector<16xi32>
    %swap3A_11 = vector.shape_cast %add3A_8 : vector<16xi32> to vector<16xi32>
    tpu.vector_store %arg7[%swap3A], %swap3A_11 {strides = array<i32>} : memref<64xi32, #tpu.memory_space<vmem>>, vector<16xi32>,
    %add3A_12 = arith.constant 16 : i32
    %add3A_13 = arith.addi %add3A_4, %add3A_12 : i32
    %iota3A_14 = tpu.iota {dimensions = array<i32: 0>} : vector<16xi32>
    %add3A_15 = vector.broadcast %add3A_13 : i32 to vector<16xi32>
    %add3A_16 = arith.addi %add3A_15, %iota3A_14 : vector<16xi32>
    %swap3A_17 = arith.constant 16 : index
    %swap3A_18 = tpu.vector_load %arg7[%swap3A_17] {strides = array<i32>} : memref<64xi32, #tpu.memory_space<vmem>>, vector<16xi32>,
    %swap3A_19 = vector.shape_cast %swap3A_18 : vector<16xi32> to vector<16xi32>
    %swap3A_20 = vector.shape_cast %add3A_16 : vector<16xi32> to vector<16xi32>
    tpu.vector_store %arg7[%swap3A_17], %swap3A_20 {strides = array<i32>} : memref<64xi32, #tpu.memory_space<vmem>>, vector<16xi32>,
    %add3A_21 = arith.constant 32 : i32
    %add3A_22 = arith.addi %add3A_4, %add3A_21 : i32
    %iota3A_23 = tpu.iota {dimensions = array<i32: 0>} : vector<16xi32>
    %add3A_24 = vector.broadcast %add3A_22 : i32 to vector<16xi32>
    %add3A_25 = arith.addi %add3A_24, %iota3A_23 : vector<16xi32>
    %swap3A_26 = arith.constant 32 : index
    %swap3A_27 = tpu.vector_load %arg7[%swap3A_26] {strides = array<i32>} : memref<64xi32, #tpu.memory_space<vmem>>, vector<16xi32>,
    %swap3A_28 = vector.shape_cast %swap3A_27 : vector<16xi32> to vector<16xi32>
    %swap3A_29 = vector.shape_cast %add3A_25 : vector<16xi32> to vector<16xi32>
    tpu.vector_store %arg7[%swap3A_26], %swap3A_29 {strides = array<i32>} : memref<64xi32, #tpu.memory_space<vmem>>, vector<16xi32>,
    %add3A_30 = arith.constant 48 : i32
    %add3A_31 = arith.addi %add3A_4, %add3A_30 : i32
    %iota3A_32 = tpu.iota {dimensions = array<i32: 0>} : vector<16xi32>
    %add3A_33 = vector.broadcast %add3A_31 : i32 to vector<16xi32>
    %add3A_34 = arith.addi %add3A_33, %iota3A_32 : vector<16xi32>
    %swap3A_35 = arith.constant 48 : index
    %swap3A_36 = tpu.vector_load %arg7[%swap3A_35] {strides = array<i32>} : memref<64xi32, #tpu.memory_space<vmem>>, vector<16xi32>,
    %swap3A_37 = vector.shape_cast %swap3A_36 : vector<16xi32> to vector<16xi32>
    %swap3A_38 = vector.shape_cast %add3A_34 : vector<16xi32> to vector<16xi32>
    tpu.vector_store %arg7[%swap3A_35], %swap3A_38 {strides = array<i32>} : memref<64xi32, #tpu.memory_space<vmem>>, vector<16xi32>,
    "tpu.region"() ({
      %run_scoped3A = tpu.sem_alloc : memref<!tpu.dma_semaphore, #tpu.memory_space<semaphore_mem>>
      %dma_start3A_127 = tpu.memref_slice %arg2[%add3A_4] : memref<8192xi32, #tpu.memory_space<hbm>> -> memref<64xi32, #tpu.memory_space<hbm>>
      %dma_start3A_128 = tpu.memref_slice %arg2[%add3A_4] : memref<8192xi32, #tpu.memory_space<hbm>> -> memref<64xi32, #tpu.memory_space<hbm>>
      tpu.enqueue_dma source(%dma_start3A_128 : memref<64xi32, #tpu.memory_space<hbm>>) target(%arg6 : memref<64xi32, #tpu.memory_space<vmem>>) target_semaphore(%run_scoped3A : memref<!tpu.dma_semaphore, #tpu.memory_space<semaphore_mem>>)
      %dma_wait3A_129 = tpu.memref_slice %arg2[%add3A_4] : memref<8192xi32, #tpu.memory_space<hbm>> -> memref<64xi32, #tpu.memory_space<hbm>>
      %dma_wait3A_130 = tpu.memref_slice %arg2[%add3A_4] : memref<8192xi32, #tpu.memory_space<hbm>> -> memref<64xi32, #tpu.memory_space<hbm>>
      tpu.wait_dma2 semaphore(%run_scoped3A : memref<!tpu.dma_semaphore, #tpu.memory_space<semaphore_mem>>) src(%dma_wait3A_130 : memref<64xi32, #tpu.memory_space<hbm>>) dst(%arg6 : memref<64xi32, #tpu.memory_space<vmem>>)
      tpu.yield
    }) : () -> ()
    %dma_start3A = arith.constant 0 : i32
    %dma_start3A_39 = arith.constant 0 : i32
    %dma_start3A_40 = arith.constant 0 : i32
    %dma_start3A_41 = tpu.memref_slice %arg3[%dma_start3A, %dma_start3A_39, %dma_start3A_40] : memref<10240x8x128xf32, #tpu.memory_space<hbm>> -> memref<10240x8x128xf32, #tpu.memory_space<hbm>>
    tpu.enqueue_indirect_dma source(%dma_start3A_41 : memref<10240x8x128xf32, #tpu.memory_space<hbm>>) target(%arg8 : memref<64x8x128xf32, #tpu.memory_space<vmem>>) offsets(%arg6 : memref<64xi32, #tpu.memory_space<vmem>>) semaphore(%arg9 : memref<!tpu.dma_semaphore, #tpu.memory_space<semaphore_mem>>)
    %dma_wait3A = arith.constant 0 : i32
    %dma_wait3A_42 = arith.constant 0 : i32
    %dma_wait3A_43 = arith.constant 0 : i32
    %dma_wait3A_44 = tpu.memref_slice %arg3[%dma_wait3A, %dma_wait3A_42, %dma_wait3A_43] : memref<10240x8x128xf32, #tpu.memory_space<hbm>> -> memref<10240x8x128xf32, #tpu.memory_space<hbm>>
    tpu.wait_indirect_dma semaphore(%arg9 : memref<!tpu.dma_semaphore, #tpu.memory_space<semaphore_mem>>) src(%dma_wait3A_44 : memref<10240x8x128xf32, #tpu.memory_space<hbm>>) dst(%arg8 : memref<64x8x128xf32, #tpu.memory_space<vmem>>)
    %add3A_45 = arith.constant 4096 : i32
    %add3A_46 = arith.addi %add3A_45, %add3A_4 : i32
    "tpu.region"() ({
      %run_scoped3A = tpu.sem_alloc : memref<!tpu.dma_semaphore, #tpu.memory_space<semaphore_mem>>
      %dma_start3A_127 = tpu.memref_slice %arg2[%add3A_46] : memref<8192xi32, #tpu.memory_space<hbm>> -> memref<64xi32, #tpu.memory_space<hbm>>
      %dma_start3A_128 = tpu.memref_slice %arg2[%add3A_46] : memref<8192xi32, #tpu.memory_space<hbm>> -> memref<64xi32, #tpu.memory_space<hbm>>
      tpu.enqueue_dma source(%dma_start3A_128 : memref<64xi32, #tpu.memory_space<hbm>>) target(%arg6 : memref<64xi32, #tpu.memory_space<vmem>>) target_semaphore(%run_scoped3A : memref<!tpu.dma_semaphore, #tpu.memory_space<semaphore_mem>>)
      %dma_wait3A_129 = tpu.memref_slice %arg2[%add3A_46] : memref<8192xi32, #tpu.memory_space<hbm>> -> memref<64xi32, #tpu.memory_space<hbm>>
      %dma_wait3A_130 = tpu.memref_slice %arg2[%add3A_46] : memref<8192xi32, #tpu.memory_space<hbm>> -> memref<64xi32, #tpu.memory_space<hbm>>
      tpu.wait_dma2 semaphore(%run_scoped3A : memref<!tpu.dma_semaphore, #tpu.memory_space<semaphore_mem>>) src(%dma_wait3A_130 : memref<64xi32, #tpu.memory_space<hbm>>) dst(%arg6 : memref<64xi32, #tpu.memory_space<vmem>>)
      tpu.yield
    }) : () -> ()
    %dma_start3A_47 = arith.constant 0 : i32
    %dma_start3A_48 = arith.constant 0 : i32
    %dma_start3A_49 = arith.constant 0 : i32
    %dma_start3A_50 = tpu.memref_slice %arg3[%dma_start3A_47, %dma_start3A_48, %dma_start3A_49] : memref<10240x8x128xf32, #tpu.memory_space<hbm>> -> memref<10240x8x128xf32, #tpu.memory_space<hbm>>
    tpu.enqueue_indirect_dma source(%dma_start3A_50 : memref<10240x8x128xf32, #tpu.memory_space<hbm>>) target(%arg8 : memref<64x8x128xf32, #tpu.memory_space<vmem>>) offsets(%arg6 : memref<64xi32, #tpu.memory_space<vmem>>) semaphore(%arg9 : memref<!tpu.dma_semaphore, #tpu.memory_space<semaphore_mem>>) {add = true}
    %dma_wait3A_51 = arith.constant 0 : i32
    %dma_wait3A_52 = arith.constant 0 : i32
    %dma_wait3A_53 = arith.constant 0 : i32
    %dma_wait3A_54 = tpu.memref_slice %arg3[%dma_wait3A_51, %dma_wait3A_52, %dma_wait3A_53] : memref<10240x8x128xf32, #tpu.memory_space<hbm>> -> memref<10240x8x128xf32, #tpu.memory_space<hbm>>
    tpu.wait_indirect_dma semaphore(%arg9 : memref<!tpu.dma_semaphore, #tpu.memory_space<semaphore_mem>>) src(%dma_wait3A_54 : memref<10240x8x128xf32, #tpu.memory_space<hbm>>) dst(%arg8 : memref<64x8x128xf32, #tpu.memory_space<vmem>>)
    %dma_start3A_55 = arith.constant 0 : i32
    %dma_start3A_56 = arith.constant 0 : i32
    %dma_start3A_57 = arith.constant 0 : i32
    %dma_start3A_58 = tpu.memref_slice %arg4[%dma_start3A_55, %dma_start3A_56, %dma_start3A_57] : memref<4096x8x128xf32, #tpu.memory_space<hbm>> -> memref<4096x8x128xf32, #tpu.memory_space<hbm>>
    tpu.enqueue_indirect_dma source(%dma_start3A_58 : memref<4096x8x128xf32, #tpu.memory_space<hbm>>) target(%arg8 : memref<64x8x128xf32, #tpu.memory_space<vmem>>) offsets(%arg7 : memref<64xi32, #tpu.memory_space<vmem>>) semaphore(%arg9 : memref<!tpu.dma_semaphore, #tpu.memory_space<semaphore_mem>>) {add = true}
    %dma_wait3A_59 = arith.constant 0 : i32
    %dma_wait3A_60 = arith.constant 0 : i32
    %dma_wait3A_61 = arith.constant 0 : i32
    %dma_wait3A_62 = tpu.memref_slice %arg4[%dma_wait3A_59, %dma_wait3A_60, %dma_wait3A_61] : memref<4096x8x128xf32, #tpu.memory_space<hbm>> -> memref<4096x8x128xf32, #tpu.memory_space<hbm>>
    tpu.wait_indirect_dma semaphore(%arg9 : memref<!tpu.dma_semaphore, #tpu.memory_space<semaphore_mem>>) src(%dma_wait3A_62 : memref<4096x8x128xf32, #tpu.memory_space<hbm>>) dst(%arg8 : memref<64x8x128xf32, #tpu.memory_space<vmem>>)
    "tpu.region"() ({
      %run_scoped3A = tpu.sem_alloc : memref<!tpu.dma_semaphore, #tpu.memory_space<semaphore_mem>>
      %dma_start3A_127 = arith.constant 0 : i32
      %dma_start3A_128 = arith.constant 0 : i32
      %dma_start3A_129 = tpu.memref_slice %arg5[%add3A_4, %dma_start3A_127, %dma_start3A_128] : memref<4096x8x128xf32, #tpu.memory_space<hbm>> -> memref<64x8x128xf32, #tpu.memory_space<hbm>>
      %dma_start3A_130 = arith.constant 0 : i32
      %dma_start3A_131 = arith.constant 0 : i32
      %dma_start3A_132 = tpu.memref_slice %arg5[%add3A_4, %dma_start3A_130, %dma_start3A_131] : memref<4096x8x128xf32, #tpu.memory_space<hbm>> -> memref<64x8x128xf32, #tpu.memory_space<hbm>>
      tpu.enqueue_dma source(%arg8 : memref<64x8x128xf32, #tpu.memory_space<vmem>>) target(%dma_start3A_132 : memref<64x8x128xf32, #tpu.memory_space<hbm>>) target_semaphore(%run_scoped3A : memref<!tpu.dma_semaphore, #tpu.memory_space<semaphore_mem>>)
      %dma_wait3A_133 = arith.constant 0 : i32
      %dma_wait3A_134 = arith.constant 0 : i32
      %dma_wait3A_135 = tpu.memref_slice %arg5[%add3A_4, %dma_wait3A_133, %dma_wait3A_134] : memref<4096x8x128xf32, #tpu.memory_space<hbm>> -> memref<64x8x128xf32, #tpu.memory_space<hbm>>
      %dma_wait3A_136 = arith.constant 0 : i32
      %dma_wait3A_137 = arith.constant 0 : i32
      %dma_wait3A_138 = tpu.memref_slice %arg5[%add3A_4, %dma_wait3A_136, %dma_wait3A_137] : memref<4096x8x128xf32, #tpu.memory_space<hbm>> -> memref<64x8x128xf32, #tpu.memory_space<hbm>>
      tpu.wait_dma2 semaphore(%run_scoped3A : memref<!tpu.dma_semaphore, #tpu.memory_space<semaphore_mem>>) src(%arg8 : memref<64x8x128xf32, #tpu.memory_space<vmem>>) dst(%dma_wait3A_138 : memref<64x8x128xf32, #tpu.memory_space<hbm>>)
      tpu.yield
    }) : () -> ()
    %add3A_63 = arith.constant 64 : i32
    %add3A_64 = arith.addi %mul3A_2, %add3A_63 : i32
    %add3A_65 = arith.constant 0 : i32
    %add3A_66 = arith.addi %add3A_64, %add3A_65 : i32
    %iota3A_67 = tpu.iota {dimensions = array<i32: 0>} : vector<16xi32>
    %add3A_68 = vector.broadcast %add3A_66 : i32 to vector<16xi32>
    %add3A_69 = arith.addi %add3A_68, %iota3A_67 : vector<16xi32>
    %swap3A_70 = arith.constant 0 : index
    %swap3A_71 = tpu.vector_load %arg7[%swap3A_70] {strides = array<i32>} : memref<64xi32, #tpu.memory_space<vmem>>, vector<16xi32>,
    %swap3A_72 = vector.shape_cast %swap3A_71 : vector<16xi32> to vector<16xi32>
    %swap3A_73 = vector.shape_cast %add3A_69 : vector<16xi32> to vector<16xi32>
    tpu.vector_store %arg7[%swap3A_70], %swap3A_73 {strides = array<i32>} : memref<64xi32, #tpu.memory_space<vmem>>, vector<16xi32>,
    %add3A_74 = arith.constant 16 : i32
    %add3A_75 = arith.addi %add3A_64, %add3A_74 : i32
    %iota3A_76 = tpu.iota {dimensions = array<i32: 0>} : vector<16xi32>
    %add3A_77 = vector.broadcast %add3A_75 : i32 to vector<16xi32>
    %add3A_78 = arith.addi %add3A_77, %iota3A_76 : vector<16xi32>
    %swap3A_79 = arith.constant 16 : index
    %swap3A_80 = tpu.vector_load %arg7[%swap3A_79] {strides = array<i32>} : memref<64xi32, #tpu.memory_space<vmem>>, vector<16xi32>,
    %swap3A_81 = vector.shape_cast %swap3A_80 : vector<16xi32> to vector<16xi32>
    %swap3A_82 = vector.shape_cast %add3A_78 : vector<16xi32> to vector<16xi32>
    tpu.vector_store %arg7[%swap3A_79], %swap3A_82 {strides = array<i32>} : memref<64xi32, #tpu.memory_space<vmem>>, vector<16xi32>,
    %add3A_83 = arith.constant 32 : i32
    %add3A_84 = arith.addi %add3A_64, %add3A_83 : i32
    %iota3A_85 = tpu.iota {dimensions = array<i32: 0>} : vector<16xi32>
    %add3A_86 = vector.broadcast %add3A_84 : i32 to vector<16xi32>
    %add3A_87 = arith.addi %add3A_86, %iota3A_85 : vector<16xi32>
    %swap3A_88 = arith.constant 32 : index
    %swap3A_89 = tpu.vector_load %arg7[%swap3A_88] {strides = array<i32>} : memref<64xi32, #tpu.memory_space<vmem>>, vector<16xi32>,
    %swap3A_90 = vector.shape_cast %swap3A_89 : vector<16xi32> to vector<16xi32>
    %swap3A_91 = vector.shape_cast %add3A_87 : vector<16xi32> to vector<16xi32>
    tpu.vector_store %arg7[%swap3A_88], %swap3A_91 {strides = array<i32>} : memref<64xi32, #tpu.memory_space<vmem>>, vector<16xi32>,
    %add3A_92 = arith.constant 48 : i32
    %add3A_93 = arith.addi %add3A_64, %add3A_92 : i32
    %iota3A_94 = tpu.iota {dimensions = array<i32: 0>} : vector<16xi32>
    %add3A_95 = vector.broadcast %add3A_93 : i32 to vector<16xi32>
    %add3A_96 = arith.addi %add3A_95, %iota3A_94 : vector<16xi32>
    %swap3A_97 = arith.constant 48 : index
    %swap3A_98 = tpu.vector_load %arg7[%swap3A_97] {strides = array<i32>} : memref<64xi32, #tpu.memory_space<vmem>>, vector<16xi32>,
    %swap3A_99 = vector.shape_cast %swap3A_98 : vector<16xi32> to vector<16xi32>
    %swap3A_100 = vector.shape_cast %add3A_96 : vector<16xi32> to vector<16xi32>
    tpu.vector_store %arg7[%swap3A_97], %swap3A_100 {strides = array<i32>} : memref<64xi32, #tpu.memory_space<vmem>>, vector<16xi32>,
    "tpu.region"() ({
      %run_scoped3A = tpu.sem_alloc : memref<!tpu.dma_semaphore, #tpu.memory_space<semaphore_mem>>
      %dma_start3A_127 = tpu.memref_slice %arg2[%add3A_64] : memref<8192xi32, #tpu.memory_space<hbm>> -> memref<64xi32, #tpu.memory_space<hbm>>
      %dma_start3A_128 = tpu.memref_slice %arg2[%add3A_64] : memref<8192xi32, #tpu.memory_space<hbm>> -> memref<64xi32, #tpu.memory_space<hbm>>
      tpu.enqueue_dma source(%dma_start3A_128 : memref<64xi32, #tpu.memory_space<hbm>>) target(%arg6 : memref<64xi32, #tpu.memory_space<vmem>>) target_semaphore(%run_scoped3A : memref<!tpu.dma_semaphore, #tpu.memory_space<semaphore_mem>>)
      %dma_wait3A_129 = tpu.memref_slice %arg2[%add3A_64] : memref<8192xi32, #tpu.memory_space<hbm>> -> memref<64xi32, #tpu.memory_space<hbm>>
      %dma_wait3A_130 = tpu.memref_slice %arg2[%add3A_64] : memref<8192xi32, #tpu.memory_space<hbm>> -> memref<64xi32, #tpu.memory_space<hbm>>
      tpu.wait_dma2 semaphore(%run_scoped3A : memref<!tpu.dma_semaphore, #tpu.memory_space<semaphore_mem>>) src(%dma_wait3A_130 : memref<64xi32, #tpu.memory_space<hbm>>) dst(%arg6 : memref<64xi32, #tpu.memory_space<vmem>>)
      tpu.yield
    }) : () -> ()
    %dma_start3A_101 = arith.constant 0 : i32
    %dma_start3A_102 = arith.constant 0 : i32
    %dma_start3A_103 = arith.constant 0 : i32
    %dma_start3A_104 = tpu.memref_slice %arg3[%dma_start3A_101, %dma_start3A_102, %dma_start3A_103] : memref<10240x8x128xf32, #tpu.memory_space<hbm>> -> memref<10240x8x128xf32, #tpu.memory_space<hbm>>
    tpu.enqueue_indirect_dma source(%dma_start3A_104 : memref<10240x8x128xf32, #tpu.memory_space<hbm>>) target(%arg8 : memref<64x8x128xf32, #tpu.memory_space<vmem>>) offsets(%arg6 : memref<64xi32, #tpu.memory_space<vmem>>) semaphore(%arg9 : memref<!tpu.dma_semaphore, #tpu.memory_space<semaphore_mem>>)
    %dma_wait3A_105 = arith.constant 0 : i32
    %dma_wait3A_106 = arith.constant 0 : i32
    %dma_wait3A_107 = arith.constant 0 : i32
    %dma_wait3A_108 = tpu.memref_slice %arg3[%dma_wait3A_105, %dma_wait3A_106, %dma_wait3A_107] : memref<10240x8x128xf32, #tpu.memory_space<hbm>> -> memref<10240x8x128xf32, #tpu.memory_space<hbm>>
    tpu.wait_indirect_dma semaphore(%arg9 : memref<!tpu.dma_semaphore, #tpu.memory_space<semaphore_mem>>) src(%dma_wait3A_108 : memref<10240x8x128xf32, #tpu.memory_space<hbm>>) dst(%arg8 : memref<64x8x128xf32, #tpu.memory_space<vmem>>)
    %add3A_109 = arith.constant 4096 : i32
    %add3A_110 = arith.addi %add3A_109, %add3A_64 : i32
    "tpu.region"() ({
      %run_scoped3A = tpu.sem_alloc : memref<!tpu.dma_semaphore, #tpu.memory_space<semaphore_mem>>
      %dma_start3A_127 = tpu.memref_slice %arg2[%add3A_110] : memref<8192xi32, #tpu.memory_space<hbm>> -> memref<64xi32, #tpu.memory_space<hbm>>
      %dma_start3A_128 = tpu.memref_slice %arg2[%add3A_110] : memref<8192xi32, #tpu.memory_space<hbm>> -> memref<64xi32, #tpu.memory_space<hbm>>
      tpu.enqueue_dma source(%dma_start3A_128 : memref<64xi32, #tpu.memory_space<hbm>>) target(%arg6 : memref<64xi32, #tpu.memory_space<vmem>>) target_semaphore(%run_scoped3A : memref<!tpu.dma_semaphore, #tpu.memory_space<semaphore_mem>>)
      %dma_wait3A_129 = tpu.memref_slice %arg2[%add3A_110] : memref<8192xi32, #tpu.memory_space<hbm>> -> memref<64xi32, #tpu.memory_space<hbm>>
      %dma_wait3A_130 = tpu.memref_slice %arg2[%add3A_110] : memref<8192xi32, #tpu.memory_space<hbm>> -> memref<64xi32, #tpu.memory_space<hbm>>
      tpu.wait_dma2 semaphore(%run_scoped3A : memref<!tpu.dma_semaphore, #tpu.memory_space<semaphore_mem>>) src(%dma_wait3A_130 : memref<64xi32, #tpu.memory_space<hbm>>) dst(%arg6 : memref<64xi32, #tpu.memory_space<vmem>>)
      tpu.yield
    }) : () -> ()
    %dma_start3A_111 = arith.constant 0 : i32
    %dma_start3A_112 = arith.constant 0 : i32
    %dma_start3A_113 = arith.constant 0 : i32
    %dma_start3A_114 = tpu.memref_slice %arg3[%dma_start3A_111, %dma_start3A_112, %dma_start3A_113] : memref<10240x8x128xf32, #tpu.memory_space<hbm>> -> memref<10240x8x128xf32, #tpu.memory_space<hbm>>
    tpu.enqueue_indirect_dma source(%dma_start3A_114 : memref<10240x8x128xf32, #tpu.memory_space<hbm>>) target(%arg8 : memref<64x8x128xf32, #tpu.memory_space<vmem>>) offsets(%arg6 : memref<64xi32, #tpu.memory_space<vmem>>) semaphore(%arg9 : memref<!tpu.dma_semaphore, #tpu.memory_space<semaphore_mem>>) {add = true}
    %dma_wait3A_115 = arith.constant 0 : i32
    %dma_wait3A_116 = arith.constant 0 : i32
    %dma_wait3A_117 = arith.constant 0 : i32
    %dma_wait3A_118 = tpu.memref_slice %arg3[%dma_wait3A_115, %dma_wait3A_116, %dma_wait3A_117] : memref<10240x8x128xf32, #tpu.memory_space<hbm>> -> memref<10240x8x128xf32, #tpu.memory_space<hbm>>
    tpu.wait_indirect_dma semaphore(%arg9 : memref<!tpu.dma_semaphore, #tpu.memory_space<semaphore_mem>>) src(%dma_wait3A_118 : memref<10240x8x128xf32, #tpu.memory_space<hbm>>) dst(%arg8 : memref<64x8x128xf32, #tpu.memory_space<vmem>>)
    %dma_start3A_119 = arith.constant 0 : i32
    %dma_start3A_120 = arith.constant 0 : i32
    %dma_start3A_121 = arith.constant 0 : i32
    %dma_start3A_122 = tpu.memref_slice %arg4[%dma_start3A_119, %dma_start3A_120, %dma_start3A_121] : memref<4096x8x128xf32, #tpu.memory_space<hbm>> -> memref<4096x8x128xf32, #tpu.memory_space<hbm>>
    tpu.enqueue_indirect_dma source(%dma_start3A_122 : memref<4096x8x128xf32, #tpu.memory_space<hbm>>) target(%arg8 : memref<64x8x128xf32, #tpu.memory_space<vmem>>) offsets(%arg7 : memref<64xi32, #tpu.memory_space<vmem>>) semaphore(%arg9 : memref<!tpu.dma_semaphore, #tpu.memory_space<semaphore_mem>>) {add = true}
    %dma_wait3A_123 = arith.constant 0 : i32
    %dma_wait3A_124 = arith.constant 0 : i32
    %dma_wait3A_125 = arith.constant 0 : i32
    %dma_wait3A_126 = tpu.memref_slice %arg4[%dma_wait3A_123, %dma_wait3A_124, %dma_wait3A_125] : memref<4096x8x128xf32, #tpu.memory_space<hbm>> -> memref<4096x8x128xf32, #tpu.memory_space<hbm>>
    tpu.wait_indirect_dma semaphore(%arg9 : memref<!tpu.dma_semaphore, #tpu.memory_space<semaphore_mem>>) src(%dma_wait3A_126 : memref<4096x8x128xf32, #tpu.memory_space<hbm>>) dst(%arg8 : memref<64x8x128xf32, #tpu.memory_space<vmem>>)
    "tpu.region"() ({
      %run_scoped3A = tpu.sem_alloc : memref<!tpu.dma_semaphore, #tpu.memory_space<semaphore_mem>>
      %dma_start3A_127 = arith.constant 0 : i32
      %dma_start3A_128 = arith.constant 0 : i32
      %dma_start3A_129 = tpu.memref_slice %arg5[%add3A_64, %dma_start3A_127, %dma_start3A_128] : memref<4096x8x128xf32, #tpu.memory_space<hbm>> -> memref<64x8x128xf32, #tpu.memory_space<hbm>>
      %dma_start3A_130 = arith.constant 0 : i32
      %dma_start3A_131 = arith.constant 0 : i32
      %dma_start3A_132 = tpu.memref_slice %arg5[%add3A_64, %dma_start3A_130, %dma_start3A_131] : memref<4096x8x128xf32, #tpu.memory_space<hbm>> -> memref<64x8x128xf32, #tpu.memory_space<hbm>>
      tpu.enqueue_dma source(%arg8 : memref<64x8x128xf32, #tpu.memory_space<vmem>>) target(%dma_start3A_132 : memref<64x8x128xf32, #tpu.memory_space<hbm>>) target_semaphore(%run_scoped3A : memref<!tpu.dma_semaphore, #tpu.memory_space<semaphore_mem>>)
      %dma_wait3A_133 = arith.constant 0 : i32
      %dma_wait3A_134 = arith.constant 0 : i32
      %dma_wait3A_135 = tpu.memref_slice %arg5[%add3A_64, %dma_wait3A_133, %dma_wait3A_134] : memref<4096x8x128xf32, #tpu.memory_space<hbm>> -> memref<64x8x128xf32, #tpu.memory_space<hbm>>
      %dma_wait3A_136 = arith.constant 0 : i32
      %dma_wait3A_137 = arith.constant 0 : i32
      %dma_wait3A_138 = tpu.memref_slice %arg5[%add3A_64, %dma_wait3A_136, %dma_wait3A_137] : memref<4096x8x128xf32, #tpu.memory_space<hbm>> -> memref<64x8x128xf32, #tpu.memory_space<hbm>>
      tpu.wait_dma2 semaphore(%run_scoped3A : memref<!tpu.dma_semaphore, #tpu.memory_space<semaphore_mem>>) src(%arg8 : memref<64x8x128xf32, #tpu.memory_space<vmem>>) dst(%dma_wait3A_138 : memref<64x8x128xf32, #tpu.memory_space<hbm>>)
      tpu.yield
    }) : () -> ()
    return
  }
}

#map = affine_map<(d0, d1) -> (0)>
module attributes {stable_mosaic.version = 14 : i64} {
  func.func @b_scatter(%arg0: i32, %arg1: i32, %arg2: memref<8192xi32, #tpu.memory_space<hbm>>, %arg3: memref<8192xf32, #tpu.memory_space<hbm>>, %arg4: memref<10240xi32, #tpu.memory_space<hbm>>, %arg5: memref<10240xf32, #tpu.memory_space<hbm>>, %arg6: memref<128xi32, #tpu.memory_space<vmem>>, %arg7: memref<128xi32, #tpu.memory_space<vmem>>, %arg8: memref<128xi32, #tpu.memory_space<vmem>>, %arg9: memref<128xi32, #tpu.memory_space<vmem>>, %arg10: memref<128xf32, #tpu.memory_space<vmem>>, %arg11: memref<128xf32, #tpu.memory_space<vmem>>, %arg12: memref<128xf32, #tpu.memory_space<vmem>>, %arg13: memref<128xf32, #tpu.memory_space<vmem>>, %arg14: memref<128xi32, #tpu.memory_space<vmem>>, %arg15: memref<128xi32, #tpu.memory_space<vmem>>, %arg16: memref<128xi32, #tpu.memory_space<vmem>>, %arg17: memref<128xi32, #tpu.memory_space<vmem>>, %arg18: memref<640xi32, #tpu.memory_space<vmem>>, %arg19: memref<640xf32, #tpu.memory_space<vmem>>, %arg20: memref<!tpu.dma_semaphore, #tpu.memory_space<semaphore_mem>>, %arg21: memref<!tpu.dma_semaphore, #tpu.memory_space<semaphore_mem>>) attributes {dimension_semantics = [#tpu.dimension_semantics<core_parallel>, #tpu.dimension_semantics<subcore_parallel>], iteration_bounds = array<i64: 1, 16>, scalar_prefetch = 0 : i64, scratch_operands = 16 : i64, tpu.core_type = #tpu.core_type<sc_vector_subcore>, window_params = [{transform_indices = #map}, {transform_indices = #map}, {transform_indices = #map}, {transform_indices = #map}]} {
    %iota3A = tpu.iota {dimensions = array<i32: 0>} : vector<16xi32>
    %mul3A = arith.constant 512 : i32
    %mul3A_0 = arith.muli %arg1, %mul3A : i32
    %add3A = arith.constant 0 : i32
    %add3A_1 = arith.addi %mul3A_0, %add3A : i32
    %dma_start3A = tpu.memref_slice %arg2[%add3A_1] : memref<8192xi32, #tpu.memory_space<hbm>> -> memref<128xi32, #tpu.memory_space<hbm>>
    %dma_start3A_2 = tpu.memref_slice %arg2[%add3A_1] : memref<8192xi32, #tpu.memory_space<hbm>> -> memref<128xi32, #tpu.memory_space<hbm>>
    tpu.enqueue_dma source(%dma_start3A_2 : memref<128xi32, #tpu.memory_space<hbm>>) target(%arg6 : memref<128xi32, #tpu.memory_space<vmem>>) target_semaphore(%arg21 : memref<!tpu.dma_semaphore, #tpu.memory_space<semaphore_mem>>)
    %dma_start3A_3 = tpu.memref_slice %arg3[%add3A_1] : memref<8192xf32, #tpu.memory_space<hbm>> -> memref<128xf32, #tpu.memory_space<hbm>>
    %dma_start3A_4 = tpu.memref_slice %arg3[%add3A_1] : memref<8192xf32, #tpu.memory_space<hbm>> -> memref<128xf32, #tpu.memory_space<hbm>>
    tpu.enqueue_dma source(%dma_start3A_4 : memref<128xf32, #tpu.memory_space<hbm>>) target(%arg10 : memref<128xf32, #tpu.memory_space<vmem>>) target_semaphore(%arg21 : memref<!tpu.dma_semaphore, #tpu.memory_space<semaphore_mem>>)
    %add3A_5 = arith.constant 0 : i32
    %add3A_6 = arith.addi %add3A_1, %add3A_5 : i32
    %add3A_7 = vector.broadcast %add3A_6 : i32 to vector<16xi32>
    %add3A_8 = arith.addi %add3A_7, %iota3A : vector<16xi32>
    %and3A = arith.constant 4095 : i32
    %and3A_9 = vector.broadcast %and3A : i32 to vector<16xi32>
    %and3A_10 = arith.andi %add3A_8, %and3A_9 : vector<16xi32>
    %mul3A_11 = arith.constant 2 : i32
    %mul3A_12 = vector.broadcast %mul3A_11 : i32 to vector<16xi32>
    %mul3A_13 = arith.muli %mul3A_12, %and3A_10 : vector<16xi32>
    %shift_right_arithmetic3A = arith.constant 12 : i32
    %shift_right_arithmetic3A_14 = vector.broadcast %shift_right_arithmetic3A : i32 to vector<16xi32>
    %shift_right_arithmetic3A_15 = arith.shrsi %add3A_8, %shift_right_arithmetic3A_14 : vector<16xi32>
    %add3A_16 = arith.addi %mul3A_13, %shift_right_arithmetic3A_15 : vector<16xi32>
    %swap3A = arith.constant 0 : index
    %swap3A_17 = tpu.vector_load %arg14[%swap3A] {strides = array<i32>} : memref<128xi32, #tpu.memory_space<vmem>>, vector<16xi32>,
    %swap3A_18 = vector.shape_cast %swap3A_17 : vector<16xi32> to vector<16xi32>
    %swap3A_19 = vector.shape_cast %add3A_16 : vector<16xi32> to vector<16xi32>
    tpu.vector_store %arg14[%swap3A], %swap3A_19 {strides = array<i32>} : memref<128xi32, #tpu.memory_space<vmem>>, vector<16xi32>,
    %add3A_20 = arith.constant 16 : i32
    %add3A_21 = arith.addi %add3A_1, %add3A_20 : i32
    %add3A_22 = vector.broadcast %add3A_21 : i32 to vector<16xi32>
    %add3A_23 = arith.addi %add3A_22, %iota3A : vector<16xi32>
    %and3A_24 = arith.constant 4095 : i32
    %and3A_25 = vector.broadcast %and3A_24 : i32 to vector<16xi32>
    %and3A_26 = arith.andi %add3A_23, %and3A_25 : vector<16xi32>
    %mul3A_27 = arith.constant 2 : i32
    %mul3A_28 = vector.broadcast %mul3A_27 : i32 to vector<16xi32>
    %mul3A_29 = arith.muli %mul3A_28, %and3A_26 : vector<16xi32>
    %shift_right_arithmetic3A_30 = arith.constant 12 : i32
    %shift_right_arithmetic3A_31 = vector.broadcast %shift_right_arithmetic3A_30 : i32 to vector<16xi32>
    %shift_right_arithmetic3A_32 = arith.shrsi %add3A_23, %shift_right_arithmetic3A_31 : vector<16xi32>
    %add3A_33 = arith.addi %mul3A_29, %shift_right_arithmetic3A_32 : vector<16xi32>
    %swap3A_34 = arith.constant 16 : index
    %swap3A_35 = tpu.vector_load %arg14[%swap3A_34] {strides = array<i32>} : memref<128xi32, #tpu.memory_space<vmem>>, vector<16xi32>,
    %swap3A_36 = vector.shape_cast %swap3A_35 : vector<16xi32> to vector<16xi32>
    %swap3A_37 = vector.shape_cast %add3A_33 : vector<16xi32> to vector<16xi32>
    tpu.vector_store %arg14[%swap3A_34], %swap3A_37 {strides = array<i32>} : memref<128xi32, #tpu.memory_space<vmem>>, vector<16xi32>,
    %add3A_38 = arith.constant 32 : i32
    %add3A_39 = arith.addi %add3A_1, %add3A_38 : i32
    %add3A_40 = vector.broadcast %add3A_39 : i32 to vector<16xi32>
    %add3A_41 = arith.addi %add3A_40, %iota3A : vector<16xi32>
    %and3A_42 = arith.constant 4095 : i32
    %and3A_43 = vector.broadcast %and3A_42 : i32 to vector<16xi32>
    %and3A_44 = arith.andi %add3A_41, %and3A_43 : vector<16xi32>
    %mul3A_45 = arith.constant 2 : i32
    %mul3A_46 = vector.broadcast %mul3A_45 : i32 to vector<16xi32>
    %mul3A_47 = arith.muli %mul3A_46, %and3A_44 : vector<16xi32>
    %shift_right_arithmetic3A_48 = arith.constant 12 : i32
    %shift_right_arithmetic3A_49 = vector.broadcast %shift_right_arithmetic3A_48 : i32 to vector<16xi32>
    %shift_right_arithmetic3A_50 = arith.shrsi %add3A_41, %shift_right_arithmetic3A_49 : vector<16xi32>
    %add3A_51 = arith.addi %mul3A_47, %shift_right_arithmetic3A_50 : vector<16xi32>
    %swap3A_52 = arith.constant 32 : index
    %swap3A_53 = tpu.vector_load %arg14[%swap3A_52] {strides = array<i32>} : memref<128xi32, #tpu.memory_space<vmem>>, vector<16xi32>,
    %swap3A_54 = vector.shape_cast %swap3A_53 : vector<16xi32> to vector<16xi32>
    %swap3A_55 = vector.shape_cast %add3A_51 : vector<16xi32> to vector<16xi32>
    tpu.vector_store %arg14[%swap3A_52], %swap3A_55 {strides = array<i32>} : memref<128xi32, #tpu.memory_space<vmem>>, vector<16xi32>,
    %add3A_56 = arith.constant 48 : i32
    %add3A_57 = arith.addi %add3A_1, %add3A_56 : i32
    %add3A_58 = vector.broadcast %add3A_57 : i32 to vector<16xi32>
    %add3A_59 = arith.addi %add3A_58, %iota3A : vector<16xi32>
    %and3A_60 = arith.constant 4095 : i32
    %and3A_61 = vector.broadcast %and3A_60 : i32 to vector<16xi32>
    %and3A_62 = arith.andi %add3A_59, %and3A_61 : vector<16xi32>
    %mul3A_63 = arith.constant 2 : i32
    %mul3A_64 = vector.broadcast %mul3A_63 : i32 to vector<16xi32>
    %mul3A_65 = arith.muli %mul3A_64, %and3A_62 : vector<16xi32>
    %shift_right_arithmetic3A_66 = arith.constant 12 : i32
    %shift_right_arithmetic3A_67 = vector.broadcast %shift_right_arithmetic3A_66 : i32 to vector<16xi32>
    %shift_right_arithmetic3A_68 = arith.shrsi %add3A_59, %shift_right_arithmetic3A_67 : vector<16xi32>
    %add3A_69 = arith.addi %mul3A_65, %shift_right_arithmetic3A_68 : vector<16xi32>
    %swap3A_70 = arith.constant 48 : index
    %swap3A_71 = tpu.vector_load %arg14[%swap3A_70] {strides = array<i32>} : memref<128xi32, #tpu.memory_space<vmem>>, vector<16xi32>,
    %swap3A_72 = vector.shape_cast %swap3A_71 : vector<16xi32> to vector<16xi32>
    %swap3A_73 = vector.shape_cast %add3A_69 : vector<16xi32> to vector<16xi32>
    tpu.vector_store %arg14[%swap3A_70], %swap3A_73 {strides = array<i32>} : memref<128xi32, #tpu.memory_space<vmem>>, vector<16xi32>,
    %add3A_74 = arith.constant 64 : i32
    %add3A_75 = arith.addi %add3A_1, %add3A_74 : i32
    %add3A_76 = vector.broadcast %add3A_75 : i32 to vector<16xi32>
    %add3A_77 = arith.addi %add3A_76, %iota3A : vector<16xi32>
    %and3A_78 = arith.constant 4095 : i32
    %and3A_79 = vector.broadcast %and3A_78 : i32 to vector<16xi32>
    %and3A_80 = arith.andi %add3A_77, %and3A_79 : vector<16xi32>
    %mul3A_81 = arith.constant 2 : i32
    %mul3A_82 = vector.broadcast %mul3A_81 : i32 to vector<16xi32>
    %mul3A_83 = arith.muli %mul3A_82, %and3A_80 : vector<16xi32>
    %shift_right_arithmetic3A_84 = arith.constant 12 : i32
    %shift_right_arithmetic3A_85 = vector.broadcast %shift_right_arithmetic3A_84 : i32 to vector<16xi32>
    %shift_right_arithmetic3A_86 = arith.shrsi %add3A_77, %shift_right_arithmetic3A_85 : vector<16xi32>
    %add3A_87 = arith.addi %mul3A_83, %shift_right_arithmetic3A_86 : vector<16xi32>
    %swap3A_88 = arith.constant 64 : index
    %swap3A_89 = tpu.vector_load %arg14[%swap3A_88] {strides = array<i32>} : memref<128xi32, #tpu.memory_space<vmem>>, vector<16xi32>,
    %swap3A_90 = vector.shape_cast %swap3A_89 : vector<16xi32> to vector<16xi32>
    %swap3A_91 = vector.shape_cast %add3A_87 : vector<16xi32> to vector<16xi32>
    tpu.vector_store %arg14[%swap3A_88], %swap3A_91 {strides = array<i32>} : memref<128xi32, #tpu.memory_space<vmem>>, vector<16xi32>,
    %add3A_92 = arith.constant 80 : i32
    %add3A_93 = arith.addi %add3A_1, %add3A_92 : i32
    %add3A_94 = vector.broadcast %add3A_93 : i32 to vector<16xi32>
    %add3A_95 = arith.addi %add3A_94, %iota3A : vector<16xi32>
    %and3A_96 = arith.constant 4095 : i32
    %and3A_97 = vector.broadcast %and3A_96 : i32 to vector<16xi32>
    %and3A_98 = arith.andi %add3A_95, %and3A_97 : vector<16xi32>
    %mul3A_99 = arith.constant 2 : i32
    %mul3A_100 = vector.broadcast %mul3A_99 : i32 to vector<16xi32>
    %mul3A_101 = arith.muli %mul3A_100, %and3A_98 : vector<16xi32>
    %shift_right_arithmetic3A_102 = arith.constant 12 : i32
    %shift_right_arithmetic3A_103 = vector.broadcast %shift_right_arithmetic3A_102 : i32 to vector<16xi32>
    %shift_right_arithmetic3A_104 = arith.shrsi %add3A_95, %shift_right_arithmetic3A_103 : vector<16xi32>
    %add3A_105 = arith.addi %mul3A_101, %shift_right_arithmetic3A_104 : vector<16xi32>
    %swap3A_106 = arith.constant 80 : index
    %swap3A_107 = tpu.vector_load %arg14[%swap3A_106] {strides = array<i32>} : memref<128xi32, #tpu.memory_space<vmem>>, vector<16xi32>,
    %swap3A_108 = vector.shape_cast %swap3A_107 : vector<16xi32> to vector<16xi32>
    %swap3A_109 = vector.shape_cast %add3A_105 : vector<16xi32> to vector<16xi32>
    tpu.vector_store %arg14[%swap3A_106], %swap3A_109 {strides = array<i32>} : memref<128xi32, #tpu.memory_space<vmem>>, vector<16xi32>,
    %add3A_110 = arith.constant 96 : i32
    %add3A_111 = arith.addi %add3A_1, %add3A_110 : i32
    %add3A_112 = vector.broadcast %add3A_111 : i32 to vector<16xi32>
    %add3A_113 = arith.addi %add3A_112, %iota3A : vector<16xi32>
    %and3A_114 = arith.constant 4095 : i32
    %and3A_115 = vector.broadcast %and3A_114 : i32 to vector<16xi32>
    %and3A_116 = arith.andi %add3A_113, %and3A_115 : vector<16xi32>
    %mul3A_117 = arith.constant 2 : i32
    %mul3A_118 = vector.broadcast %mul3A_117 : i32 to vector<16xi32>
    %mul3A_119 = arith.muli %mul3A_118, %and3A_116 : vector<16xi32>
    %shift_right_arithmetic3A_120 = arith.constant 12 : i32
    %shift_right_arithmetic3A_121 = vector.broadcast %shift_right_arithmetic3A_120 : i32 to vector<16xi32>
    %shift_right_arithmetic3A_122 = arith.shrsi %add3A_113, %shift_right_arithmetic3A_121 : vector<16xi32>
    %add3A_123 = arith.addi %mul3A_119, %shift_right_arithmetic3A_122 : vector<16xi32>
    %swap3A_124 = arith.constant 96 : index
    %swap3A_125 = tpu.vector_load %arg14[%swap3A_124] {strides = array<i32>} : memref<128xi32, #tpu.memory_space<vmem>>, vector<16xi32>,
    %swap3A_126 = vector.shape_cast %swap3A_125 : vector<16xi32> to vector<16xi32>
    %swap3A_127 = vector.shape_cast %add3A_123 : vector<16xi32> to vector<16xi32>
    tpu.vector_store %arg14[%swap3A_124], %swap3A_127 {strides = array<i32>} : memref<128xi32, #tpu.memory_space<vmem>>, vector<16xi32>,
    %add3A_128 = arith.constant 112 : i32
    %add3A_129 = arith.addi %add3A_1, %add3A_128 : i32
    %add3A_130 = vector.broadcast %add3A_129 : i32 to vector<16xi32>
    %add3A_131 = arith.addi %add3A_130, %iota3A : vector<16xi32>
    %and3A_132 = arith.constant 4095 : i32
    %and3A_133 = vector.broadcast %and3A_132 : i32 to vector<16xi32>
    %and3A_134 = arith.andi %add3A_131, %and3A_133 : vector<16xi32>
    %mul3A_135 = arith.constant 2 : i32
    %mul3A_136 = vector.broadcast %mul3A_135 : i32 to vector<16xi32>
    %mul3A_137 = arith.muli %mul3A_136, %and3A_134 : vector<16xi32>
    %shift_right_arithmetic3A_138 = arith.constant 12 : i32
    %shift_right_arithmetic3A_139 = vector.broadcast %shift_right_arithmetic3A_138 : i32 to vector<16xi32>
    %shift_right_arithmetic3A_140 = arith.shrsi %add3A_131, %shift_right_arithmetic3A_139 : vector<16xi32>
    %add3A_141 = arith.addi %mul3A_137, %shift_right_arithmetic3A_140 : vector<16xi32>
    %swap3A_142 = arith.constant 112 : index
    %swap3A_143 = tpu.vector_load %arg14[%swap3A_142] {strides = array<i32>} : memref<128xi32, #tpu.memory_space<vmem>>, vector<16xi32>,
    %swap3A_144 = vector.shape_cast %swap3A_143 : vector<16xi32> to vector<16xi32>
    %swap3A_145 = vector.shape_cast %add3A_141 : vector<16xi32> to vector<16xi32>
    tpu.vector_store %arg14[%swap3A_142], %swap3A_145 {strides = array<i32>} : memref<128xi32, #tpu.memory_space<vmem>>, vector<16xi32>,
    %mul3A_146 = arith.constant 512 : i32
    %mul3A_147 = arith.muli %arg1, %mul3A_146 : i32
    %add3A_148 = arith.constant 128 : i32
    %add3A_149 = arith.addi %mul3A_147, %add3A_148 : i32
    %dma_start3A_150 = tpu.memref_slice %arg2[%add3A_149] : memref<8192xi32, #tpu.memory_space<hbm>> -> memref<128xi32, #tpu.memory_space<hbm>>
    %dma_start3A_151 = tpu.memref_slice %arg2[%add3A_149] : memref<8192xi32, #tpu.memory_space<hbm>> -> memref<128xi32, #tpu.memory_space<hbm>>
    tpu.enqueue_dma source(%dma_start3A_151 : memref<128xi32, #tpu.memory_space<hbm>>) target(%arg7 : memref<128xi32, #tpu.memory_space<vmem>>) target_semaphore(%arg21 : memref<!tpu.dma_semaphore, #tpu.memory_space<semaphore_mem>>)
    %dma_start3A_152 = tpu.memref_slice %arg3[%add3A_149] : memref<8192xf32, #tpu.memory_space<hbm>> -> memref<128xf32, #tpu.memory_space<hbm>>
    %dma_start3A_153 = tpu.memref_slice %arg3[%add3A_149] : memref<8192xf32, #tpu.memory_space<hbm>> -> memref<128xf32, #tpu.memory_space<hbm>>
    tpu.enqueue_dma source(%dma_start3A_153 : memref<128xf32, #tpu.memory_space<hbm>>) target(%arg11 : memref<128xf32, #tpu.memory_space<vmem>>) target_semaphore(%arg21 : memref<!tpu.dma_semaphore, #tpu.memory_space<semaphore_mem>>)
    %add3A_154 = arith.constant 0 : i32
    %add3A_155 = arith.addi %add3A_149, %add3A_154 : i32
    %add3A_156 = vector.broadcast %add3A_155 : i32 to vector<16xi32>
    %add3A_157 = arith.addi %add3A_156, %iota3A : vector<16xi32>
    %and3A_158 = arith.constant 4095 : i32
    %and3A_159 = vector.broadcast %and3A_158 : i32 to vector<16xi32>
    %and3A_160 = arith.andi %add3A_157, %and3A_159 : vector<16xi32>
    %mul3A_161 = arith.constant 2 : i32
    %mul3A_162 = vector.broadcast %mul3A_161 : i32 to vector<16xi32>
    %mul3A_163 = arith.muli %mul3A_162, %and3A_160 : vector<16xi32>
    %shift_right_arithmetic3A_164 = arith.constant 12 : i32
    %shift_right_arithmetic3A_165 = vector.broadcast %shift_right_arithmetic3A_164 : i32 to vector<16xi32>
    %shift_right_arithmetic3A_166 = arith.shrsi %add3A_157, %shift_right_arithmetic3A_165 : vector<16xi32>
    %add3A_167 = arith.addi %mul3A_163, %shift_right_arithmetic3A_166 : vector<16xi32>
    %swap3A_168 = arith.constant 0 : index
    %swap3A_169 = tpu.vector_load %arg15[%swap3A_168] {strides = array<i32>} : memref<128xi32, #tpu.memory_space<vmem>>, vector<16xi32>,
    %swap3A_170 = vector.shape_cast %swap3A_169 : vector<16xi32> to vector<16xi32>
    %swap3A_171 = vector.shape_cast %add3A_167 : vector<16xi32> to vector<16xi32>
    tpu.vector_store %arg15[%swap3A_168], %swap3A_171 {strides = array<i32>} : memref<128xi32, #tpu.memory_space<vmem>>, vector<16xi32>,
    %add3A_172 = arith.constant 16 : i32
    %add3A_173 = arith.addi %add3A_149, %add3A_172 : i32
    %add3A_174 = vector.broadcast %add3A_173 : i32 to vector<16xi32>
    %add3A_175 = arith.addi %add3A_174, %iota3A : vector<16xi32>
    %and3A_176 = arith.constant 4095 : i32
    %and3A_177 = vector.broadcast %and3A_176 : i32 to vector<16xi32>
    %and3A_178 = arith.andi %add3A_175, %and3A_177 : vector<16xi32>
    %mul3A_179 = arith.constant 2 : i32
    %mul3A_180 = vector.broadcast %mul3A_179 : i32 to vector<16xi32>
    %mul3A_181 = arith.muli %mul3A_180, %and3A_178 : vector<16xi32>
    %shift_right_arithmetic3A_182 = arith.constant 12 : i32
    %shift_right_arithmetic3A_183 = vector.broadcast %shift_right_arithmetic3A_182 : i32 to vector<16xi32>
    %shift_right_arithmetic3A_184 = arith.shrsi %add3A_175, %shift_right_arithmetic3A_183 : vector<16xi32>
    %add3A_185 = arith.addi %mul3A_181, %shift_right_arithmetic3A_184 : vector<16xi32>
    %swap3A_186 = arith.constant 16 : index
    %swap3A_187 = tpu.vector_load %arg15[%swap3A_186] {strides = array<i32>} : memref<128xi32, #tpu.memory_space<vmem>>, vector<16xi32>,
    %swap3A_188 = vector.shape_cast %swap3A_187 : vector<16xi32> to vector<16xi32>
    %swap3A_189 = vector.shape_cast %add3A_185 : vector<16xi32> to vector<16xi32>
    tpu.vector_store %arg15[%swap3A_186], %swap3A_189 {strides = array<i32>} : memref<128xi32, #tpu.memory_space<vmem>>, vector<16xi32>,
    %add3A_190 = arith.constant 32 : i32
    %add3A_191 = arith.addi %add3A_149, %add3A_190 : i32
    %add3A_192 = vector.broadcast %add3A_191 : i32 to vector<16xi32>
    %add3A_193 = arith.addi %add3A_192, %iota3A : vector<16xi32>
    %and3A_194 = arith.constant 4095 : i32
    %and3A_195 = vector.broadcast %and3A_194 : i32 to vector<16xi32>
    %and3A_196 = arith.andi %add3A_193, %and3A_195 : vector<16xi32>
    %mul3A_197 = arith.constant 2 : i32
    %mul3A_198 = vector.broadcast %mul3A_197 : i32 to vector<16xi32>
    %mul3A_199 = arith.muli %mul3A_198, %and3A_196 : vector<16xi32>
    %shift_right_arithmetic3A_200 = arith.constant 12 : i32
    %shift_right_arithmetic3A_201 = vector.broadcast %shift_right_arithmetic3A_200 : i32 to vector<16xi32>
    %shift_right_arithmetic3A_202 = arith.shrsi %add3A_193, %shift_right_arithmetic3A_201 : vector<16xi32>
    %add3A_203 = arith.addi %mul3A_199, %shift_right_arithmetic3A_202 : vector<16xi32>
    %swap3A_204 = arith.constant 32 : index
    %swap3A_205 = tpu.vector_load %arg15[%swap3A_204] {strides = array<i32>} : memref<128xi32, #tpu.memory_space<vmem>>, vector<16xi32>,
    %swap3A_206 = vector.shape_cast %swap3A_205 : vector<16xi32> to vector<16xi32>
    %swap3A_207 = vector.shape_cast %add3A_203 : vector<16xi32> to vector<16xi32>
    tpu.vector_store %arg15[%swap3A_204], %swap3A_207 {strides = array<i32>} : memref<128xi32, #tpu.memory_space<vmem>>, vector<16xi32>,
    %add3A_208 = arith.constant 48 : i32
    %add3A_209 = arith.addi %add3A_149, %add3A_208 : i32
    %add3A_210 = vector.broadcast %add3A_209 : i32 to vector<16xi32>
    %add3A_211 = arith.addi %add3A_210, %iota3A : vector<16xi32>
    %and3A_212 = arith.constant 4095 : i32
    %and3A_213 = vector.broadcast %and3A_212 : i32 to vector<16xi32>
    %and3A_214 = arith.andi %add3A_211, %and3A_213 : vector<16xi32>
    %mul3A_215 = arith.constant 2 : i32
    %mul3A_216 = vector.broadcast %mul3A_215 : i32 to vector<16xi32>
    %mul3A_217 = arith.muli %mul3A_216, %and3A_214 : vector<16xi32>
    %shift_right_arithmetic3A_218 = arith.constant 12 : i32
    %shift_right_arithmetic3A_219 = vector.broadcast %shift_right_arithmetic3A_218 : i32 to vector<16xi32>
    %shift_right_arithmetic3A_220 = arith.shrsi %add3A_211, %shift_right_arithmetic3A_219 : vector<16xi32>
    %add3A_221 = arith.addi %mul3A_217, %shift_right_arithmetic3A_220 : vector<16xi32>
    %swap3A_222 = arith.constant 48 : index
    %swap3A_223 = tpu.vector_load %arg15[%swap3A_222] {strides = array<i32>} : memref<128xi32, #tpu.memory_space<vmem>>, vector<16xi32>,
    %swap3A_224 = vector.shape_cast %swap3A_223 : vector<16xi32> to vector<16xi32>
    %swap3A_225 = vector.shape_cast %add3A_221 : vector<16xi32> to vector<16xi32>
    tpu.vector_store %arg15[%swap3A_222], %swap3A_225 {strides = array<i32>} : memref<128xi32, #tpu.memory_space<vmem>>, vector<16xi32>,
    %add3A_226 = arith.constant 64 : i32
    %add3A_227 = arith.addi %add3A_149, %add3A_226 : i32
    %add3A_228 = vector.broadcast %add3A_227 : i32 to vector<16xi32>
    %add3A_229 = arith.addi %add3A_228, %iota3A : vector<16xi32>
    %and3A_230 = arith.constant 4095 : i32
    %and3A_231 = vector.broadcast %and3A_230 : i32 to vector<16xi32>
    %and3A_232 = arith.andi %add3A_229, %and3A_231 : vector<16xi32>
    %mul3A_233 = arith.constant 2 : i32
    %mul3A_234 = vector.broadcast %mul3A_233 : i32 to vector<16xi32>
    %mul3A_235 = arith.muli %mul3A_234, %and3A_232 : vector<16xi32>
    %shift_right_arithmetic3A_236 = arith.constant 12 : i32
    %shift_right_arithmetic3A_237 = vector.broadcast %shift_right_arithmetic3A_236 : i32 to vector<16xi32>
    %shift_right_arithmetic3A_238 = arith.shrsi %add3A_229, %shift_right_arithmetic3A_237 : vector<16xi32>
    %add3A_239 = arith.addi %mul3A_235, %shift_right_arithmetic3A_238 : vector<16xi32>
    %swap3A_240 = arith.constant 64 : index
    %swap3A_241 = tpu.vector_load %arg15[%swap3A_240] {strides = array<i32>} : memref<128xi32, #tpu.memory_space<vmem>>, vector<16xi32>,
    %swap3A_242 = vector.shape_cast %swap3A_241 : vector<16xi32> to vector<16xi32>
    %swap3A_243 = vector.shape_cast %add3A_239 : vector<16xi32> to vector<16xi32>
    tpu.vector_store %arg15[%swap3A_240], %swap3A_243 {strides = array<i32>} : memref<128xi32, #tpu.memory_space<vmem>>, vector<16xi32>,
    %add3A_244 = arith.constant 80 : i32
    %add3A_245 = arith.addi %add3A_149, %add3A_244 : i32
    %add3A_246 = vector.broadcast %add3A_245 : i32 to vector<16xi32>
    %add3A_247 = arith.addi %add3A_246, %iota3A : vector<16xi32>
    %and3A_248 = arith.constant 4095 : i32
    %and3A_249 = vector.broadcast %and3A_248 : i32 to vector<16xi32>
    %and3A_250 = arith.andi %add3A_247, %and3A_249 : vector<16xi32>
    %mul3A_251 = arith.constant 2 : i32
    %mul3A_252 = vector.broadcast %mul3A_251 : i32 to vector<16xi32>
    %mul3A_253 = arith.muli %mul3A_252, %and3A_250 : vector<16xi32>
    %shift_right_arithmetic3A_254 = arith.constant 12 : i32
    %shift_right_arithmetic3A_255 = vector.broadcast %shift_right_arithmetic3A_254 : i32 to vector<16xi32>
    %shift_right_arithmetic3A_256 = arith.shrsi %add3A_247, %shift_right_arithmetic3A_255 : vector<16xi32>
    %add3A_257 = arith.addi %mul3A_253, %shift_right_arithmetic3A_256 : vector<16xi32>
    %swap3A_258 = arith.constant 80 : index
    %swap3A_259 = tpu.vector_load %arg15[%swap3A_258] {strides = array<i32>} : memref<128xi32, #tpu.memory_space<vmem>>, vector<16xi32>,
    %swap3A_260 = vector.shape_cast %swap3A_259 : vector<16xi32> to vector<16xi32>
    %swap3A_261 = vector.shape_cast %add3A_257 : vector<16xi32> to vector<16xi32>
    tpu.vector_store %arg15[%swap3A_258], %swap3A_261 {strides = array<i32>} : memref<128xi32, #tpu.memory_space<vmem>>, vector<16xi32>,
    %add3A_262 = arith.constant 96 : i32
    %add3A_263 = arith.addi %add3A_149, %add3A_262 : i32
    %add3A_264 = vector.broadcast %add3A_263 : i32 to vector<16xi32>
    %add3A_265 = arith.addi %add3A_264, %iota3A : vector<16xi32>
    %and3A_266 = arith.constant 4095 : i32
    %and3A_267 = vector.broadcast %and3A_266 : i32 to vector<16xi32>
    %and3A_268 = arith.andi %add3A_265, %and3A_267 : vector<16xi32>
    %mul3A_269 = arith.constant 2 : i32
    %mul3A_270 = vector.broadcast %mul3A_269 : i32 to vector<16xi32>
    %mul3A_271 = arith.muli %mul3A_270, %and3A_268 : vector<16xi32>
    %shift_right_arithmetic3A_272 = arith.constant 12 : i32
    %shift_right_arithmetic3A_273 = vector.broadcast %shift_right_arithmetic3A_272 : i32 to vector<16xi32>
    %shift_right_arithmetic3A_274 = arith.shrsi %add3A_265, %shift_right_arithmetic3A_273 : vector<16xi32>
    %add3A_275 = arith.addi %mul3A_271, %shift_right_arithmetic3A_274 : vector<16xi32>
    %swap3A_276 = arith.constant 96 : index
    %swap3A_277 = tpu.vector_load %arg15[%swap3A_276] {strides = array<i32>} : memref<128xi32, #tpu.memory_space<vmem>>, vector<16xi32>,
    %swap3A_278 = vector.shape_cast %swap3A_277 : vector<16xi32> to vector<16xi32>
    %swap3A_279 = vector.shape_cast %add3A_275 : vector<16xi32> to vector<16xi32>
    tpu.vector_store %arg15[%swap3A_276], %swap3A_279 {strides = array<i32>} : memref<128xi32, #tpu.memory_space<vmem>>, vector<16xi32>,
    %add3A_280 = arith.constant 112 : i32
    %add3A_281 = arith.addi %add3A_149, %add3A_280 : i32
    %add3A_282 = vector.broadcast %add3A_281 : i32 to vector<16xi32>
    %add3A_283 = arith.addi %add3A_282, %iota3A : vector<16xi32>
    %and3A_284 = arith.constant 4095 : i32
    %and3A_285 = vector.broadcast %and3A_284 : i32 to vector<16xi32>
    %and3A_286 = arith.andi %add3A_283, %and3A_285 : vector<16xi32>
    %mul3A_287 = arith.constant 2 : i32
    %mul3A_288 = vector.broadcast %mul3A_287 : i32 to vector<16xi32>
    %mul3A_289 = arith.muli %mul3A_288, %and3A_286 : vector<16xi32>
    %shift_right_arithmetic3A_290 = arith.constant 12 : i32
    %shift_right_arithmetic3A_291 = vector.broadcast %shift_right_arithmetic3A_290 : i32 to vector<16xi32>
    %shift_right_arithmetic3A_292 = arith.shrsi %add3A_283, %shift_right_arithmetic3A_291 : vector<16xi32>
    %add3A_293 = arith.addi %mul3A_289, %shift_right_arithmetic3A_292 : vector<16xi32>
    %swap3A_294 = arith.constant 112 : index
    %swap3A_295 = tpu.vector_load %arg15[%swap3A_294] {strides = array<i32>} : memref<128xi32, #tpu.memory_space<vmem>>, vector<16xi32>,
    %swap3A_296 = vector.shape_cast %swap3A_295 : vector<16xi32> to vector<16xi32>
    %swap3A_297 = vector.shape_cast %add3A_293 : vector<16xi32> to vector<16xi32>
    tpu.vector_store %arg15[%swap3A_294], %swap3A_297 {strides = array<i32>} : memref<128xi32, #tpu.memory_space<vmem>>, vector<16xi32>,
    %mul3A_298 = arith.constant 512 : i32
    %mul3A_299 = arith.muli %arg1, %mul3A_298 : i32
    %add3A_300 = arith.constant 256 : i32
    %add3A_301 = arith.addi %mul3A_299, %add3A_300 : i32
    %dma_start3A_302 = tpu.memref_slice %arg2[%add3A_301] : memref<8192xi32, #tpu.memory_space<hbm>> -> memref<128xi32, #tpu.memory_space<hbm>>
    %dma_start3A_303 = tpu.memref_slice %arg2[%add3A_301] : memref<8192xi32, #tpu.memory_space<hbm>> -> memref<128xi32, #tpu.memory_space<hbm>>
    tpu.enqueue_dma source(%dma_start3A_303 : memref<128xi32, #tpu.memory_space<hbm>>) target(%arg8 : memref<128xi32, #tpu.memory_space<vmem>>) target_semaphore(%arg21 : memref<!tpu.dma_semaphore, #tpu.memory_space<semaphore_mem>>)
    %dma_start3A_304 = tpu.memref_slice %arg3[%add3A_301] : memref<8192xf32, #tpu.memory_space<hbm>> -> memref<128xf32, #tpu.memory_space<hbm>>
    %dma_start3A_305 = tpu.memref_slice %arg3[%add3A_301] : memref<8192xf32, #tpu.memory_space<hbm>> -> memref<128xf32, #tpu.memory_space<hbm>>
    tpu.enqueue_dma source(%dma_start3A_305 : memref<128xf32, #tpu.memory_space<hbm>>) target(%arg12 : memref<128xf32, #tpu.memory_space<vmem>>) target_semaphore(%arg21 : memref<!tpu.dma_semaphore, #tpu.memory_space<semaphore_mem>>)
    %add3A_306 = arith.constant 0 : i32
    %add3A_307 = arith.addi %add3A_301, %add3A_306 : i32
    %add3A_308 = vector.broadcast %add3A_307 : i32 to vector<16xi32>
    %add3A_309 = arith.addi %add3A_308, %iota3A : vector<16xi32>
    %and3A_310 = arith.constant 4095 : i32
    %and3A_311 = vector.broadcast %and3A_310 : i32 to vector<16xi32>
    %and3A_312 = arith.andi %add3A_309, %and3A_311 : vector<16xi32>
    %mul3A_313 = arith.constant 2 : i32
    %mul3A_314 = vector.broadcast %mul3A_313 : i32 to vector<16xi32>
    %mul3A_315 = arith.muli %mul3A_314, %and3A_312 : vector<16xi32>
    %shift_right_arithmetic3A_316 = arith.constant 12 : i32
    %shift_right_arithmetic3A_317 = vector.broadcast %shift_right_arithmetic3A_316 : i32 to vector<16xi32>
    %shift_right_arithmetic3A_318 = arith.shrsi %add3A_309, %shift_right_arithmetic3A_317 : vector<16xi32>
    %add3A_319 = arith.addi %mul3A_315, %shift_right_arithmetic3A_318 : vector<16xi32>
    %swap3A_320 = arith.constant 0 : index
    %swap3A_321 = tpu.vector_load %arg16[%swap3A_320] {strides = array<i32>} : memref<128xi32, #tpu.memory_space<vmem>>, vector<16xi32>,
    %swap3A_322 = vector.shape_cast %swap3A_321 : vector<16xi32> to vector<16xi32>
    %swap3A_323 = vector.shape_cast %add3A_319 : vector<16xi32> to vector<16xi32>
    tpu.vector_store %arg16[%swap3A_320], %swap3A_323 {strides = array<i32>} : memref<128xi32, #tpu.memory_space<vmem>>, vector<16xi32>,
    %add3A_324 = arith.constant 16 : i32
    %add3A_325 = arith.addi %add3A_301, %add3A_324 : i32
    %add3A_326 = vector.broadcast %add3A_325 : i32 to vector<16xi32>
    %add3A_327 = arith.addi %add3A_326, %iota3A : vector<16xi32>
    %and3A_328 = arith.constant 4095 : i32
    %and3A_329 = vector.broadcast %and3A_328 : i32 to vector<16xi32>
    %and3A_330 = arith.andi %add3A_327, %and3A_329 : vector<16xi32>
    %mul3A_331 = arith.constant 2 : i32
    %mul3A_332 = vector.broadcast %mul3A_331 : i32 to vector<16xi32>
    %mul3A_333 = arith.muli %mul3A_332, %and3A_330 : vector<16xi32>
    %shift_right_arithmetic3A_334 = arith.constant 12 : i32
    %shift_right_arithmetic3A_335 = vector.broadcast %shift_right_arithmetic3A_334 : i32 to vector<16xi32>
    %shift_right_arithmetic3A_336 = arith.shrsi %add3A_327, %shift_right_arithmetic3A_335 : vector<16xi32>
    %add3A_337 = arith.addi %mul3A_333, %shift_right_arithmetic3A_336 : vector<16xi32>
    %swap3A_338 = arith.constant 16 : index
    %swap3A_339 = tpu.vector_load %arg16[%swap3A_338] {strides = array<i32>} : memref<128xi32, #tpu.memory_space<vmem>>, vector<16xi32>,
    %swap3A_340 = vector.shape_cast %swap3A_339 : vector<16xi32> to vector<16xi32>
    %swap3A_341 = vector.shape_cast %add3A_337 : vector<16xi32> to vector<16xi32>
    tpu.vector_store %arg16[%swap3A_338], %swap3A_341 {strides = array<i32>} : memref<128xi32, #tpu.memory_space<vmem>>, vector<16xi32>,
    %add3A_342 = arith.constant 32 : i32
    %add3A_343 = arith.addi %add3A_301, %add3A_342 : i32
    %add3A_344 = vector.broadcast %add3A_343 : i32 to vector<16xi32>
    %add3A_345 = arith.addi %add3A_344, %iota3A : vector<16xi32>
    %and3A_346 = arith.constant 4095 : i32
    %and3A_347 = vector.broadcast %and3A_346 : i32 to vector<16xi32>
    %and3A_348 = arith.andi %add3A_345, %and3A_347 : vector<16xi32>
    %mul3A_349 = arith.constant 2 : i32
    %mul3A_350 = vector.broadcast %mul3A_349 : i32 to vector<16xi32>
    %mul3A_351 = arith.muli %mul3A_350, %and3A_348 : vector<16xi32>
    %shift_right_arithmetic3A_352 = arith.constant 12 : i32
    %shift_right_arithmetic3A_353 = vector.broadcast %shift_right_arithmetic3A_352 : i32 to vector<16xi32>
    %shift_right_arithmetic3A_354 = arith.shrsi %add3A_345, %shift_right_arithmetic3A_353 : vector<16xi32>
    %add3A_355 = arith.addi %mul3A_351, %shift_right_arithmetic3A_354 : vector<16xi32>
    %swap3A_356 = arith.constant 32 : index
    %swap3A_357 = tpu.vector_load %arg16[%swap3A_356] {strides = array<i32>} : memref<128xi32, #tpu.memory_space<vmem>>, vector<16xi32>,
    %swap3A_358 = vector.shape_cast %swap3A_357 : vector<16xi32> to vector<16xi32>
    %swap3A_359 = vector.shape_cast %add3A_355 : vector<16xi32> to vector<16xi32>
    tpu.vector_store %arg16[%swap3A_356], %swap3A_359 {strides = array<i32>} : memref<128xi32, #tpu.memory_space<vmem>>, vector<16xi32>,
    %add3A_360 = arith.constant 48 : i32
    %add3A_361 = arith.addi %add3A_301, %add3A_360 : i32
    %add3A_362 = vector.broadcast %add3A_361 : i32 to vector<16xi32>
    %add3A_363 = arith.addi %add3A_362, %iota3A : vector<16xi32>
    %and3A_364 = arith.constant 4095 : i32
    %and3A_365 = vector.broadcast %and3A_364 : i32 to vector<16xi32>
    %and3A_366 = arith.andi %add3A_363, %and3A_365 : vector<16xi32>
    %mul3A_367 = arith.constant 2 : i32
    %mul3A_368 = vector.broadcast %mul3A_367 : i32 to vector<16xi32>
    %mul3A_369 = arith.muli %mul3A_368, %and3A_366 : vector<16xi32>
    %shift_right_arithmetic3A_370 = arith.constant 12 : i32
    %shift_right_arithmetic3A_371 = vector.broadcast %shift_right_arithmetic3A_370 : i32 to vector<16xi32>
    %shift_right_arithmetic3A_372 = arith.shrsi %add3A_363, %shift_right_arithmetic3A_371 : vector<16xi32>
    %add3A_373 = arith.addi %mul3A_369, %shift_right_arithmetic3A_372 : vector<16xi32>
    %swap3A_374 = arith.constant 48 : index
    %swap3A_375 = tpu.vector_load %arg16[%swap3A_374] {strides = array<i32>} : memref<128xi32, #tpu.memory_space<vmem>>, vector<16xi32>,
    %swap3A_376 = vector.shape_cast %swap3A_375 : vector<16xi32> to vector<16xi32>
    %swap3A_377 = vector.shape_cast %add3A_373 : vector<16xi32> to vector<16xi32>
    tpu.vector_store %arg16[%swap3A_374], %swap3A_377 {strides = array<i32>} : memref<128xi32, #tpu.memory_space<vmem>>, vector<16xi32>,
    %add3A_378 = arith.constant 64 : i32
    %add3A_379 = arith.addi %add3A_301, %add3A_378 : i32
    %add3A_380 = vector.broadcast %add3A_379 : i32 to vector<16xi32>
    %add3A_381 = arith.addi %add3A_380, %iota3A : vector<16xi32>
    %and3A_382 = arith.constant 4095 : i32
    %and3A_383 = vector.broadcast %and3A_382 : i32 to vector<16xi32>
    %and3A_384 = arith.andi %add3A_381, %and3A_383 : vector<16xi32>
    %mul3A_385 = arith.constant 2 : i32
    %mul3A_386 = vector.broadcast %mul3A_385 : i32 to vector<16xi32>
    %mul3A_387 = arith.muli %mul3A_386, %and3A_384 : vector<16xi32>
    %shift_right_arithmetic3A_388 = arith.constant 12 : i32
    %shift_right_arithmetic3A_389 = vector.broadcast %shift_right_arithmetic3A_388 : i32 to vector<16xi32>
    %shift_right_arithmetic3A_390 = arith.shrsi %add3A_381, %shift_right_arithmetic3A_389 : vector<16xi32>
    %add3A_391 = arith.addi %mul3A_387, %shift_right_arithmetic3A_390 : vector<16xi32>
    %swap3A_392 = arith.constant 64 : index
    %swap3A_393 = tpu.vector_load %arg16[%swap3A_392] {strides = array<i32>} : memref<128xi32, #tpu.memory_space<vmem>>, vector<16xi32>,
    %swap3A_394 = vector.shape_cast %swap3A_393 : vector<16xi32> to vector<16xi32>
    %swap3A_395 = vector.shape_cast %add3A_391 : vector<16xi32> to vector<16xi32>
    tpu.vector_store %arg16[%swap3A_392], %swap3A_395 {strides = array<i32>} : memref<128xi32, #tpu.memory_space<vmem>>, vector<16xi32>,
    %add3A_396 = arith.constant 80 : i32
    %add3A_397 = arith.addi %add3A_301, %add3A_396 : i32
    %add3A_398 = vector.broadcast %add3A_397 : i32 to vector<16xi32>
    %add3A_399 = arith.addi %add3A_398, %iota3A : vector<16xi32>
    %and3A_400 = arith.constant 4095 : i32
    %and3A_401 = vector.broadcast %and3A_400 : i32 to vector<16xi32>
    %and3A_402 = arith.andi %add3A_399, %and3A_401 : vector<16xi32>
    %mul3A_403 = arith.constant 2 : i32
    %mul3A_404 = vector.broadcast %mul3A_403 : i32 to vector<16xi32>
    %mul3A_405 = arith.muli %mul3A_404, %and3A_402 : vector<16xi32>
    %shift_right_arithmetic3A_406 = arith.constant 12 : i32
    %shift_right_arithmetic3A_407 = vector.broadcast %shift_right_arithmetic3A_406 : i32 to vector<16xi32>
    %shift_right_arithmetic3A_408 = arith.shrsi %add3A_399, %shift_right_arithmetic3A_407 : vector<16xi32>
    %add3A_409 = arith.addi %mul3A_405, %shift_right_arithmetic3A_408 : vector<16xi32>
    %swap3A_410 = arith.constant 80 : index
    %swap3A_411 = tpu.vector_load %arg16[%swap3A_410] {strides = array<i32>} : memref<128xi32, #tpu.memory_space<vmem>>, vector<16xi32>,
    %swap3A_412 = vector.shape_cast %swap3A_411 : vector<16xi32> to vector<16xi32>
    %swap3A_413 = vector.shape_cast %add3A_409 : vector<16xi32> to vector<16xi32>
    tpu.vector_store %arg16[%swap3A_410], %swap3A_413 {strides = array<i32>} : memref<128xi32, #tpu.memory_space<vmem>>, vector<16xi32>,
    %add3A_414 = arith.constant 96 : i32
    %add3A_415 = arith.addi %add3A_301, %add3A_414 : i32
    %add3A_416 = vector.broadcast %add3A_415 : i32 to vector<16xi32>
    %add3A_417 = arith.addi %add3A_416, %iota3A : vector<16xi32>
    %and3A_418 = arith.constant 4095 : i32
    %and3A_419 = vector.broadcast %and3A_418 : i32 to vector<16xi32>
    %and3A_420 = arith.andi %add3A_417, %and3A_419 : vector<16xi32>
    %mul3A_421 = arith.constant 2 : i32
    %mul3A_422 = vector.broadcast %mul3A_421 : i32 to vector<16xi32>
    %mul3A_423 = arith.muli %mul3A_422, %and3A_420 : vector<16xi32>
    %shift_right_arithmetic3A_424 = arith.constant 12 : i32
    %shift_right_arithmetic3A_425 = vector.broadcast %shift_right_arithmetic3A_424 : i32 to vector<16xi32>
    %shift_right_arithmetic3A_426 = arith.shrsi %add3A_417, %shift_right_arithmetic3A_425 : vector<16xi32>
    %add3A_427 = arith.addi %mul3A_423, %shift_right_arithmetic3A_426 : vector<16xi32>
    %swap3A_428 = arith.constant 96 : index
    %swap3A_429 = tpu.vector_load %arg16[%swap3A_428] {strides = array<i32>} : memref<128xi32, #tpu.memory_space<vmem>>, vector<16xi32>,
    %swap3A_430 = vector.shape_cast %swap3A_429 : vector<16xi32> to vector<16xi32>
    %swap3A_431 = vector.shape_cast %add3A_427 : vector<16xi32> to vector<16xi32>
    tpu.vector_store %arg16[%swap3A_428], %swap3A_431 {strides = array<i32>} : memref<128xi32, #tpu.memory_space<vmem>>, vector<16xi32>,
    %add3A_432 = arith.constant 112 : i32
    %add3A_433 = arith.addi %add3A_301, %add3A_432 : i32
    %add3A_434 = vector.broadcast %add3A_433 : i32 to vector<16xi32>
    %add3A_435 = arith.addi %add3A_434, %iota3A : vector<16xi32>
    %and3A_436 = arith.constant 4095 : i32
    %and3A_437 = vector.broadcast %and3A_436 : i32 to vector<16xi32>
    %and3A_438 = arith.andi %add3A_435, %and3A_437 : vector<16xi32>
    %mul3A_439 = arith.constant 2 : i32
    %mul3A_440 = vector.broadcast %mul3A_439 : i32 to vector<16xi32>
    %mul3A_441 = arith.muli %mul3A_440, %and3A_438 : vector<16xi32>
    %shift_right_arithmetic3A_442 = arith.constant 12 : i32
    %shift_right_arithmetic3A_443 = vector.broadcast %shift_right_arithmetic3A_442 : i32 to vector<16xi32>
    %shift_right_arithmetic3A_444 = arith.shrsi %add3A_435, %shift_right_arithmetic3A_443 : vector<16xi32>
    %add3A_445 = arith.addi %mul3A_441, %shift_right_arithmetic3A_444 : vector<16xi32>
    %swap3A_446 = arith.constant 112 : index
    %swap3A_447 = tpu.vector_load %arg16[%swap3A_446] {strides = array<i32>} : memref<128xi32, #tpu.memory_space<vmem>>, vector<16xi32>,
    %swap3A_448 = vector.shape_cast %swap3A_447 : vector<16xi32> to vector<16xi32>
    %swap3A_449 = vector.shape_cast %add3A_445 : vector<16xi32> to vector<16xi32>
    tpu.vector_store %arg16[%swap3A_446], %swap3A_449 {strides = array<i32>} : memref<128xi32, #tpu.memory_space<vmem>>, vector<16xi32>,
    %mul3A_450 = arith.constant 512 : i32
    %mul3A_451 = arith.muli %arg1, %mul3A_450 : i32
    %add3A_452 = arith.constant 384 : i32
    %add3A_453 = arith.addi %mul3A_451, %add3A_452 : i32
    %dma_start3A_454 = tpu.memref_slice %arg2[%add3A_453] : memref<8192xi32, #tpu.memory_space<hbm>> -> memref<128xi32, #tpu.memory_space<hbm>>
    %dma_start3A_455 = tpu.memref_slice %arg2[%add3A_453] : memref<8192xi32, #tpu.memory_space<hbm>> -> memref<128xi32, #tpu.memory_space<hbm>>
    tpu.enqueue_dma source(%dma_start3A_455 : memref<128xi32, #tpu.memory_space<hbm>>) target(%arg9 : memref<128xi32, #tpu.memory_space<vmem>>) target_semaphore(%arg21 : memref<!tpu.dma_semaphore, #tpu.memory_space<semaphore_mem>>)
    %dma_start3A_456 = tpu.memref_slice %arg3[%add3A_453] : memref<8192xf32, #tpu.memory_space<hbm>> -> memref<128xf32, #tpu.memory_space<hbm>>
    %dma_start3A_457 = tpu.memref_slice %arg3[%add3A_453] : memref<8192xf32, #tpu.memory_space<hbm>> -> memref<128xf32, #tpu.memory_space<hbm>>
    tpu.enqueue_dma source(%dma_start3A_457 : memref<128xf32, #tpu.memory_space<hbm>>) target(%arg13 : memref<128xf32, #tpu.memory_space<vmem>>) target_semaphore(%arg21 : memref<!tpu.dma_semaphore, #tpu.memory_space<semaphore_mem>>)
    %add3A_458 = arith.constant 0 : i32
    %add3A_459 = arith.addi %add3A_453, %add3A_458 : i32
    %add3A_460 = vector.broadcast %add3A_459 : i32 to vector<16xi32>
    %add3A_461 = arith.addi %add3A_460, %iota3A : vector<16xi32>
    %and3A_462 = arith.constant 4095 : i32
    %and3A_463 = vector.broadcast %and3A_462 : i32 to vector<16xi32>
    %and3A_464 = arith.andi %add3A_461, %and3A_463 : vector<16xi32>
    %mul3A_465 = arith.constant 2 : i32
    %mul3A_466 = vector.broadcast %mul3A_465 : i32 to vector<16xi32>
    %mul3A_467 = arith.muli %mul3A_466, %and3A_464 : vector<16xi32>
    %shift_right_arithmetic3A_468 = arith.constant 12 : i32
    %shift_right_arithmetic3A_469 = vector.broadcast %shift_right_arithmetic3A_468 : i32 to vector<16xi32>
    %shift_right_arithmetic3A_470 = arith.shrsi %add3A_461, %shift_right_arithmetic3A_469 : vector<16xi32>
    %add3A_471 = arith.addi %mul3A_467, %shift_right_arithmetic3A_470 : vector<16xi32>
    %swap3A_472 = arith.constant 0 : index
    %swap3A_473 = tpu.vector_load %arg17[%swap3A_472] {strides = array<i32>} : memref<128xi32, #tpu.memory_space<vmem>>, vector<16xi32>,
    %swap3A_474 = vector.shape_cast %swap3A_473 : vector<16xi32> to vector<16xi32>
    %swap3A_475 = vector.shape_cast %add3A_471 : vector<16xi32> to vector<16xi32>
    tpu.vector_store %arg17[%swap3A_472], %swap3A_475 {strides = array<i32>} : memref<128xi32, #tpu.memory_space<vmem>>, vector<16xi32>,
    %add3A_476 = arith.constant 16 : i32
    %add3A_477 = arith.addi %add3A_453, %add3A_476 : i32
    %add3A_478 = vector.broadcast %add3A_477 : i32 to vector<16xi32>
    %add3A_479 = arith.addi %add3A_478, %iota3A : vector<16xi32>
    %and3A_480 = arith.constant 4095 : i32
    %and3A_481 = vector.broadcast %and3A_480 : i32 to vector<16xi32>
    %and3A_482 = arith.andi %add3A_479, %and3A_481 : vector<16xi32>
    %mul3A_483 = arith.constant 2 : i32
    %mul3A_484 = vector.broadcast %mul3A_483 : i32 to vector<16xi32>
    %mul3A_485 = arith.muli %mul3A_484, %and3A_482 : vector<16xi32>
    %shift_right_arithmetic3A_486 = arith.constant 12 : i32
    %shift_right_arithmetic3A_487 = vector.broadcast %shift_right_arithmetic3A_486 : i32 to vector<16xi32>
    %shift_right_arithmetic3A_488 = arith.shrsi %add3A_479, %shift_right_arithmetic3A_487 : vector<16xi32>
    %add3A_489 = arith.addi %mul3A_485, %shift_right_arithmetic3A_488 : vector<16xi32>
    %swap3A_490 = arith.constant 16 : index
    %swap3A_491 = tpu.vector_load %arg17[%swap3A_490] {strides = array<i32>} : memref<128xi32, #tpu.memory_space<vmem>>, vector<16xi32>,
    %swap3A_492 = vector.shape_cast %swap3A_491 : vector<16xi32> to vector<16xi32>
    %swap3A_493 = vector.shape_cast %add3A_489 : vector<16xi32> to vector<16xi32>
    tpu.vector_store %arg17[%swap3A_490], %swap3A_493 {strides = array<i32>} : memref<128xi32, #tpu.memory_space<vmem>>, vector<16xi32>,
    %add3A_494 = arith.constant 32 : i32
    %add3A_495 = arith.addi %add3A_453, %add3A_494 : i32
    %add3A_496 = vector.broadcast %add3A_495 : i32 to vector<16xi32>
    %add3A_497 = arith.addi %add3A_496, %iota3A : vector<16xi32>
    %and3A_498 = arith.constant 4095 : i32
    %and3A_499 = vector.broadcast %and3A_498 : i32 to vector<16xi32>
    %and3A_500 = arith.andi %add3A_497, %and3A_499 : vector<16xi32>
    %mul3A_501 = arith.constant 2 : i32
    %mul3A_502 = vector.broadcast %mul3A_501 : i32 to vector<16xi32>
    %mul3A_503 = arith.muli %mul3A_502, %and3A_500 : vector<16xi32>
    %shift_right_arithmetic3A_504 = arith.constant 12 : i32
    %shift_right_arithmetic3A_505 = vector.broadcast %shift_right_arithmetic3A_504 : i32 to vector<16xi32>
    %shift_right_arithmetic3A_506 = arith.shrsi %add3A_497, %shift_right_arithmetic3A_505 : vector<16xi32>
    %add3A_507 = arith.addi %mul3A_503, %shift_right_arithmetic3A_506 : vector<16xi32>
    %swap3A_508 = arith.constant 32 : index
    %swap3A_509 = tpu.vector_load %arg17[%swap3A_508] {strides = array<i32>} : memref<128xi32, #tpu.memory_space<vmem>>, vector<16xi32>,
    %swap3A_510 = vector.shape_cast %swap3A_509 : vector<16xi32> to vector<16xi32>
    %swap3A_511 = vector.shape_cast %add3A_507 : vector<16xi32> to vector<16xi32>
    tpu.vector_store %arg17[%swap3A_508], %swap3A_511 {strides = array<i32>} : memref<128xi32, #tpu.memory_space<vmem>>, vector<16xi32>,
    %add3A_512 = arith.constant 48 : i32
    %add3A_513 = arith.addi %add3A_453, %add3A_512 : i32
    %add3A_514 = vector.broadcast %add3A_513 : i32 to vector<16xi32>
    %add3A_515 = arith.addi %add3A_514, %iota3A : vector<16xi32>
    %and3A_516 = arith.constant 4095 : i32
    %and3A_517 = vector.broadcast %and3A_516 : i32 to vector<16xi32>
    %and3A_518 = arith.andi %add3A_515, %and3A_517 : vector<16xi32>
    %mul3A_519 = arith.constant 2 : i32
    %mul3A_520 = vector.broadcast %mul3A_519 : i32 to vector<16xi32>
    %mul3A_521 = arith.muli %mul3A_520, %and3A_518 : vector<16xi32>
    %shift_right_arithmetic3A_522 = arith.constant 12 : i32
    %shift_right_arithmetic3A_523 = vector.broadcast %shift_right_arithmetic3A_522 : i32 to vector<16xi32>
    %shift_right_arithmetic3A_524 = arith.shrsi %add3A_515, %shift_right_arithmetic3A_523 : vector<16xi32>
    %add3A_525 = arith.addi %mul3A_521, %shift_right_arithmetic3A_524 : vector<16xi32>
    %swap3A_526 = arith.constant 48 : index
    %swap3A_527 = tpu.vector_load %arg17[%swap3A_526] {strides = array<i32>} : memref<128xi32, #tpu.memory_space<vmem>>, vector<16xi32>,
    %swap3A_528 = vector.shape_cast %swap3A_527 : vector<16xi32> to vector<16xi32>
    %swap3A_529 = vector.shape_cast %add3A_525 : vector<16xi32> to vector<16xi32>
    tpu.vector_store %arg17[%swap3A_526], %swap3A_529 {strides = array<i32>} : memref<128xi32, #tpu.memory_space<vmem>>, vector<16xi32>,
    %add3A_530 = arith.constant 64 : i32
    %add3A_531 = arith.addi %add3A_453, %add3A_530 : i32
    %add3A_532 = vector.broadcast %add3A_531 : i32 to vector<16xi32>
    %add3A_533 = arith.addi %add3A_532, %iota3A : vector<16xi32>
    %and3A_534 = arith.constant 4095 : i32
    %and3A_535 = vector.broadcast %and3A_534 : i32 to vector<16xi32>
    %and3A_536 = arith.andi %add3A_533, %and3A_535 : vector<16xi32>
    %mul3A_537 = arith.constant 2 : i32
    %mul3A_538 = vector.broadcast %mul3A_537 : i32 to vector<16xi32>
    %mul3A_539 = arith.muli %mul3A_538, %and3A_536 : vector<16xi32>
    %shift_right_arithmetic3A_540 = arith.constant 12 : i32
    %shift_right_arithmetic3A_541 = vector.broadcast %shift_right_arithmetic3A_540 : i32 to vector<16xi32>
    %shift_right_arithmetic3A_542 = arith.shrsi %add3A_533, %shift_right_arithmetic3A_541 : vector<16xi32>
    %add3A_543 = arith.addi %mul3A_539, %shift_right_arithmetic3A_542 : vector<16xi32>
    %swap3A_544 = arith.constant 64 : index
    %swap3A_545 = tpu.vector_load %arg17[%swap3A_544] {strides = array<i32>} : memref<128xi32, #tpu.memory_space<vmem>>, vector<16xi32>,
    %swap3A_546 = vector.shape_cast %swap3A_545 : vector<16xi32> to vector<16xi32>
    %swap3A_547 = vector.shape_cast %add3A_543 : vector<16xi32> to vector<16xi32>
    tpu.vector_store %arg17[%swap3A_544], %swap3A_547 {strides = array<i32>} : memref<128xi32, #tpu.memory_space<vmem>>, vector<16xi32>,
    %add3A_548 = arith.constant 80 : i32
    %add3A_549 = arith.addi %add3A_453, %add3A_548 : i32
    %add3A_550 = vector.broadcast %add3A_549 : i32 to vector<16xi32>
    %add3A_551 = arith.addi %add3A_550, %iota3A : vector<16xi32>
    %and3A_552 = arith.constant 4095 : i32
    %and3A_553 = vector.broadcast %and3A_552 : i32 to vector<16xi32>
    %and3A_554 = arith.andi %add3A_551, %and3A_553 : vector<16xi32>
    %mul3A_555 = arith.constant 2 : i32
    %mul3A_556 = vector.broadcast %mul3A_555 : i32 to vector<16xi32>
    %mul3A_557 = arith.muli %mul3A_556, %and3A_554 : vector<16xi32>
    %shift_right_arithmetic3A_558 = arith.constant 12 : i32
    %shift_right_arithmetic3A_559 = vector.broadcast %shift_right_arithmetic3A_558 : i32 to vector<16xi32>
    %shift_right_arithmetic3A_560 = arith.shrsi %add3A_551, %shift_right_arithmetic3A_559 : vector<16xi32>
    %add3A_561 = arith.addi %mul3A_557, %shift_right_arithmetic3A_560 : vector<16xi32>
    %swap3A_562 = arith.constant 80 : index
    %swap3A_563 = tpu.vector_load %arg17[%swap3A_562] {strides = array<i32>} : memref<128xi32, #tpu.memory_space<vmem>>, vector<16xi32>,
    %swap3A_564 = vector.shape_cast %swap3A_563 : vector<16xi32> to vector<16xi32>
    %swap3A_565 = vector.shape_cast %add3A_561 : vector<16xi32> to vector<16xi32>
    tpu.vector_store %arg17[%swap3A_562], %swap3A_565 {strides = array<i32>} : memref<128xi32, #tpu.memory_space<vmem>>, vector<16xi32>,
    %add3A_566 = arith.constant 96 : i32
    %add3A_567 = arith.addi %add3A_453, %add3A_566 : i32
    %add3A_568 = vector.broadcast %add3A_567 : i32 to vector<16xi32>
    %add3A_569 = arith.addi %add3A_568, %iota3A : vector<16xi32>
    %and3A_570 = arith.constant 4095 : i32
    %and3A_571 = vector.broadcast %and3A_570 : i32 to vector<16xi32>
    %and3A_572 = arith.andi %add3A_569, %and3A_571 : vector<16xi32>
    %mul3A_573 = arith.constant 2 : i32
    %mul3A_574 = vector.broadcast %mul3A_573 : i32 to vector<16xi32>
    %mul3A_575 = arith.muli %mul3A_574, %and3A_572 : vector<16xi32>
    %shift_right_arithmetic3A_576 = arith.constant 12 : i32
    %shift_right_arithmetic3A_577 = vector.broadcast %shift_right_arithmetic3A_576 : i32 to vector<16xi32>
    %shift_right_arithmetic3A_578 = arith.shrsi %add3A_569, %shift_right_arithmetic3A_577 : vector<16xi32>
    %add3A_579 = arith.addi %mul3A_575, %shift_right_arithmetic3A_578 : vector<16xi32>
    %swap3A_580 = arith.constant 96 : index
    %swap3A_581 = tpu.vector_load %arg17[%swap3A_580] {strides = array<i32>} : memref<128xi32, #tpu.memory_space<vmem>>, vector<16xi32>,
    %swap3A_582 = vector.shape_cast %swap3A_581 : vector<16xi32> to vector<16xi32>
    %swap3A_583 = vector.shape_cast %add3A_579 : vector<16xi32> to vector<16xi32>
    tpu.vector_store %arg17[%swap3A_580], %swap3A_583 {strides = array<i32>} : memref<128xi32, #tpu.memory_space<vmem>>, vector<16xi32>,
    %add3A_584 = arith.constant 112 : i32
    %add3A_585 = arith.addi %add3A_453, %add3A_584 : i32
    %add3A_586 = vector.broadcast %add3A_585 : i32 to vector<16xi32>
    %add3A_587 = arith.addi %add3A_586, %iota3A : vector<16xi32>
    %and3A_588 = arith.constant 4095 : i32
    %and3A_589 = vector.broadcast %and3A_588 : i32 to vector<16xi32>
    %and3A_590 = arith.andi %add3A_587, %and3A_589 : vector<16xi32>
    %mul3A_591 = arith.constant 2 : i32
    %mul3A_592 = vector.broadcast %mul3A_591 : i32 to vector<16xi32>
    %mul3A_593 = arith.muli %mul3A_592, %and3A_590 : vector<16xi32>
    %shift_right_arithmetic3A_594 = arith.constant 12 : i32
    %shift_right_arithmetic3A_595 = vector.broadcast %shift_right_arithmetic3A_594 : i32 to vector<16xi32>
    %shift_right_arithmetic3A_596 = arith.shrsi %add3A_587, %shift_right_arithmetic3A_595 : vector<16xi32>
    %add3A_597 = arith.addi %mul3A_593, %shift_right_arithmetic3A_596 : vector<16xi32>
    %swap3A_598 = arith.constant 112 : index
    %swap3A_599 = tpu.vector_load %arg17[%swap3A_598] {strides = array<i32>} : memref<128xi32, #tpu.memory_space<vmem>>, vector<16xi32>,
    %swap3A_600 = vector.shape_cast %swap3A_599 : vector<16xi32> to vector<16xi32>
    %swap3A_601 = vector.shape_cast %add3A_597 : vector<16xi32> to vector<16xi32>
    tpu.vector_store %arg17[%swap3A_598], %swap3A_601 {strides = array<i32>} : memref<128xi32, #tpu.memory_space<vmem>>, vector<16xi32>,
    %broadcast_in_dim3A = arith.constant 8192 : i32
    %broadcast_in_dim3A_602 = vector.broadcast %broadcast_in_dim3A : i32 to vector<16xi32>
    %swap3A_603 = arith.constant 0 : index
    %swap3A_604 = tpu.vector_load %arg18[%swap3A_603] {strides = array<i32>} : memref<640xi32, #tpu.memory_space<vmem>>, vector<16xi32>,
    %swap3A_605 = vector.shape_cast %swap3A_604 : vector<16xi32> to vector<16xi32>
    %swap3A_606 = vector.shape_cast %broadcast_in_dim3A_602 : vector<16xi32> to vector<16xi32>
    tpu.vector_store %arg18[%swap3A_603], %swap3A_606 {strides = array<i32>} : memref<640xi32, #tpu.memory_space<vmem>>, vector<16xi32>,
    %broadcast_in_dim3A_607 = arith.constant 0.000000e+00 : f32
    %broadcast_in_dim3A_608 = vector.broadcast %broadcast_in_dim3A_607 : f32 to vector<16xf32>
    %swap3A_609 = arith.constant 0 : index
    %swap3A_610 = tpu.vector_load %arg19[%swap3A_609] {strides = array<i32>} : memref<640xf32, #tpu.memory_space<vmem>>, vector<16xf32>,
    %swap3A_611 = vector.shape_cast %swap3A_610 : vector<16xf32> to vector<16xf32>
    %swap3A_612 = vector.shape_cast %broadcast_in_dim3A_608 : vector<16xf32> to vector<16xf32>
    tpu.vector_store %arg19[%swap3A_609], %swap3A_612 {strides = array<i32>} : memref<640xf32, #tpu.memory_space<vmem>>, vector<16xf32>,
    %broadcast_in_dim3A_613 = arith.constant 8192 : i32
    %broadcast_in_dim3A_614 = vector.broadcast %broadcast_in_dim3A_613 : i32 to vector<16xi32>
    %swap3A_615 = arith.constant 16 : index
    %swap3A_616 = tpu.vector_load %arg18[%swap3A_615] {strides = array<i32>} : memref<640xi32, #tpu.memory_space<vmem>>, vector<16xi32>,
    %swap3A_617 = vector.shape_cast %swap3A_616 : vector<16xi32> to vector<16xi32>
    %swap3A_618 = vector.shape_cast %broadcast_in_dim3A_614 : vector<16xi32> to vector<16xi32>
    tpu.vector_store %arg18[%swap3A_615], %swap3A_618 {strides = array<i32>} : memref<640xi32, #tpu.memory_space<vmem>>, vector<16xi32>,
    %broadcast_in_dim3A_619 = arith.constant 0.000000e+00 : f32
    %broadcast_in_dim3A_620 = vector.broadcast %broadcast_in_dim3A_619 : f32 to vector<16xf32>
    %swap3A_621 = arith.constant 16 : index
    %swap3A_622 = tpu.vector_load %arg19[%swap3A_621] {strides = array<i32>} : memref<640xf32, #tpu.memory_space<vmem>>, vector<16xf32>,
    %swap3A_623 = vector.shape_cast %swap3A_622 : vector<16xf32> to vector<16xf32>
    %swap3A_624 = vector.shape_cast %broadcast_in_dim3A_620 : vector<16xf32> to vector<16xf32>
    tpu.vector_store %arg19[%swap3A_621], %swap3A_624 {strides = array<i32>} : memref<640xf32, #tpu.memory_space<vmem>>, vector<16xf32>,
    %broadcast_in_dim3A_625 = arith.constant 8192 : i32
    %broadcast_in_dim3A_626 = vector.broadcast %broadcast_in_dim3A_625 : i32 to vector<16xi32>
    %swap3A_627 = arith.constant 32 : index
    %swap3A_628 = tpu.vector_load %arg18[%swap3A_627] {strides = array<i32>} : memref<640xi32, #tpu.memory_space<vmem>>, vector<16xi32>,
    %swap3A_629 = vector.shape_cast %swap3A_628 : vector<16xi32> to vector<16xi32>
    %swap3A_630 = vector.shape_cast %broadcast_in_dim3A_626 : vector<16xi32> to vector<16xi32>
    tpu.vector_store %arg18[%swap3A_627], %swap3A_630 {strides = array<i32>} : memref<640xi32, #tpu.memory_space<vmem>>, vector<16xi32>,
    %broadcast_in_dim3A_631 = arith.constant 0.000000e+00 : f32
    %broadcast_in_dim3A_632 = vector.broadcast %broadcast_in_dim3A_631 : f32 to vector<16xf32>
    %swap3A_633 = arith.constant 32 : index
    %swap3A_634 = tpu.vector_load %arg19[%swap3A_633] {strides = array<i32>} : memref<640xf32, #tpu.memory_space<vmem>>, vector<16xf32>,
    %swap3A_635 = vector.shape_cast %swap3A_634 : vector<16xf32> to vector<16xf32>
    %swap3A_636 = vector.shape_cast %broadcast_in_dim3A_632 : vector<16xf32> to vector<16xf32>
    tpu.vector_store %arg19[%swap3A_633], %swap3A_636 {strides = array<i32>} : memref<640xf32, #tpu.memory_space<vmem>>, vector<16xf32>,
    %broadcast_in_dim3A_637 = arith.constant 8192 : i32
    %broadcast_in_dim3A_638 = vector.broadcast %broadcast_in_dim3A_637 : i32 to vector<16xi32>
    %swap3A_639 = arith.constant 48 : index
    %swap3A_640 = tpu.vector_load %arg18[%swap3A_639] {strides = array<i32>} : memref<640xi32, #tpu.memory_space<vmem>>, vector<16xi32>,
    %swap3A_641 = vector.shape_cast %swap3A_640 : vector<16xi32> to vector<16xi32>
    %swap3A_642 = vector.shape_cast %broadcast_in_dim3A_638 : vector<16xi32> to vector<16xi32>
    tpu.vector_store %arg18[%swap3A_639], %swap3A_642 {strides = array<i32>} : memref<640xi32, #tpu.memory_space<vmem>>, vector<16xi32>,
    %broadcast_in_dim3A_643 = arith.constant 0.000000e+00 : f32
    %broadcast_in_dim3A_644 = vector.broadcast %broadcast_in_dim3A_643 : f32 to vector<16xf32>
    %swap3A_645 = arith.constant 48 : index
    %swap3A_646 = tpu.vector_load %arg19[%swap3A_645] {strides = array<i32>} : memref<640xf32, #tpu.memory_space<vmem>>, vector<16xf32>,
    %swap3A_647 = vector.shape_cast %swap3A_646 : vector<16xf32> to vector<16xf32>
    %swap3A_648 = vector.shape_cast %broadcast_in_dim3A_644 : vector<16xf32> to vector<16xf32>
    tpu.vector_store %arg19[%swap3A_645], %swap3A_648 {strides = array<i32>} : memref<640xf32, #tpu.memory_space<vmem>>, vector<16xf32>,
    %broadcast_in_dim3A_649 = arith.constant 8192 : i32
    %broadcast_in_dim3A_650 = vector.broadcast %broadcast_in_dim3A_649 : i32 to vector<16xi32>
    %swap3A_651 = arith.constant 64 : index
    %swap3A_652 = tpu.vector_load %arg18[%swap3A_651] {strides = array<i32>} : memref<640xi32, #tpu.memory_space<vmem>>, vector<16xi32>,
    %swap3A_653 = vector.shape_cast %swap3A_652 : vector<16xi32> to vector<16xi32>
    %swap3A_654 = vector.shape_cast %broadcast_in_dim3A_650 : vector<16xi32> to vector<16xi32>
    tpu.vector_store %arg18[%swap3A_651], %swap3A_654 {strides = array<i32>} : memref<640xi32, #tpu.memory_space<vmem>>, vector<16xi32>,
    %broadcast_in_dim3A_655 = arith.constant 0.000000e+00 : f32
    %broadcast_in_dim3A_656 = vector.broadcast %broadcast_in_dim3A_655 : f32 to vector<16xf32>
    %swap3A_657 = arith.constant 64 : index
    %swap3A_658 = tpu.vector_load %arg19[%swap3A_657] {strides = array<i32>} : memref<640xf32, #tpu.memory_space<vmem>>, vector<16xf32>,
    %swap3A_659 = vector.shape_cast %swap3A_658 : vector<16xf32> to vector<16xf32>
    %swap3A_660 = vector.shape_cast %broadcast_in_dim3A_656 : vector<16xf32> to vector<16xf32>
    tpu.vector_store %arg19[%swap3A_657], %swap3A_660 {strides = array<i32>} : memref<640xf32, #tpu.memory_space<vmem>>, vector<16xf32>,
    %broadcast_in_dim3A_661 = arith.constant 8192 : i32
    %broadcast_in_dim3A_662 = vector.broadcast %broadcast_in_dim3A_661 : i32 to vector<16xi32>
    %swap3A_663 = arith.constant 80 : index
    %swap3A_664 = tpu.vector_load %arg18[%swap3A_663] {strides = array<i32>} : memref<640xi32, #tpu.memory_space<vmem>>, vector<16xi32>,
    %swap3A_665 = vector.shape_cast %swap3A_664 : vector<16xi32> to vector<16xi32>
    %swap3A_666 = vector.shape_cast %broadcast_in_dim3A_662 : vector<16xi32> to vector<16xi32>
    tpu.vector_store %arg18[%swap3A_663], %swap3A_666 {strides = array<i32>} : memref<640xi32, #tpu.memory_space<vmem>>, vector<16xi32>,
    %broadcast_in_dim3A_667 = arith.constant 0.000000e+00 : f32
    %broadcast_in_dim3A_668 = vector.broadcast %broadcast_in_dim3A_667 : f32 to vector<16xf32>
    %swap3A_669 = arith.constant 80 : index
    %swap3A_670 = tpu.vector_load %arg19[%swap3A_669] {strides = array<i32>} : memref<640xf32, #tpu.memory_space<vmem>>, vector<16xf32>,
    %swap3A_671 = vector.shape_cast %swap3A_670 : vector<16xf32> to vector<16xf32>
    %swap3A_672 = vector.shape_cast %broadcast_in_dim3A_668 : vector<16xf32> to vector<16xf32>
    tpu.vector_store %arg19[%swap3A_669], %swap3A_672 {strides = array<i32>} : memref<640xf32, #tpu.memory_space<vmem>>, vector<16xf32>,
    %broadcast_in_dim3A_673 = arith.constant 8192 : i32
    %broadcast_in_dim3A_674 = vector.broadcast %broadcast_in_dim3A_673 : i32 to vector<16xi32>
    %swap3A_675 = arith.constant 96 : index
    %swap3A_676 = tpu.vector_load %arg18[%swap3A_675] {strides = array<i32>} : memref<640xi32, #tpu.memory_space<vmem>>, vector<16xi32>,
    %swap3A_677 = vector.shape_cast %swap3A_676 : vector<16xi32> to vector<16xi32>
    %swap3A_678 = vector.shape_cast %broadcast_in_dim3A_674 : vector<16xi32> to vector<16xi32>
    tpu.vector_store %arg18[%swap3A_675], %swap3A_678 {strides = array<i32>} : memref<640xi32, #tpu.memory_space<vmem>>, vector<16xi32>,
    %broadcast_in_dim3A_679 = arith.constant 0.000000e+00 : f32
    %broadcast_in_dim3A_680 = vector.broadcast %broadcast_in_dim3A_679 : f32 to vector<16xf32>
    %swap3A_681 = arith.constant 96 : index
    %swap3A_682 = tpu.vector_load %arg19[%swap3A_681] {strides = array<i32>} : memref<640xf32, #tpu.memory_space<vmem>>, vector<16xf32>,
    %swap3A_683 = vector.shape_cast %swap3A_682 : vector<16xf32> to vector<16xf32>
    %swap3A_684 = vector.shape_cast %broadcast_in_dim3A_680 : vector<16xf32> to vector<16xf32>
    tpu.vector_store %arg19[%swap3A_681], %swap3A_684 {strides = array<i32>} : memref<640xf32, #tpu.memory_space<vmem>>, vector<16xf32>,
    %broadcast_in_dim3A_685 = arith.constant 8192 : i32
    %broadcast_in_dim3A_686 = vector.broadcast %broadcast_in_dim3A_685 : i32 to vector<16xi32>
    %swap3A_687 = arith.constant 112 : index
    %swap3A_688 = tpu.vector_load %arg18[%swap3A_687] {strides = array<i32>} : memref<640xi32, #tpu.memory_space<vmem>>, vector<16xi32>,
    %swap3A_689 = vector.shape_cast %swap3A_688 : vector<16xi32> to vector<16xi32>
    %swap3A_690 = vector.shape_cast %broadcast_in_dim3A_686 : vector<16xi32> to vector<16xi32>
    tpu.vector_store %arg18[%swap3A_687], %swap3A_690 {strides = array<i32>} : memref<640xi32, #tpu.memory_space<vmem>>, vector<16xi32>,
    %broadcast_in_dim3A_691 = arith.constant 0.000000e+00 : f32
    %broadcast_in_dim3A_692 = vector.broadcast %broadcast_in_dim3A_691 : f32 to vector<16xf32>
    %swap3A_693 = arith.constant 112 : index
    %swap3A_694 = tpu.vector_load %arg19[%swap3A_693] {strides = array<i32>} : memref<640xf32, #tpu.memory_space<vmem>>, vector<16xf32>,
    %swap3A_695 = vector.shape_cast %swap3A_694 : vector<16xf32> to vector<16xf32>
    %swap3A_696 = vector.shape_cast %broadcast_in_dim3A_692 : vector<16xf32> to vector<16xf32>
    tpu.vector_store %arg19[%swap3A_693], %swap3A_696 {strides = array<i32>} : memref<640xf32, #tpu.memory_space<vmem>>, vector<16xf32>,
    %broadcast_in_dim3A_697 = arith.constant 8192 : i32
    %broadcast_in_dim3A_698 = vector.broadcast %broadcast_in_dim3A_697 : i32 to vector<16xi32>
    %swap3A_699 = arith.constant 128 : index
    %swap3A_700 = tpu.vector_load %arg18[%swap3A_699] {strides = array<i32>} : memref<640xi32, #tpu.memory_space<vmem>>, vector<16xi32>,
    %swap3A_701 = vector.shape_cast %swap3A_700 : vector<16xi32> to vector<16xi32>
    %swap3A_702 = vector.shape_cast %broadcast_in_dim3A_698 : vector<16xi32> to vector<16xi32>
    tpu.vector_store %arg18[%swap3A_699], %swap3A_702 {strides = array<i32>} : memref<640xi32, #tpu.memory_space<vmem>>, vector<16xi32>,
    %broadcast_in_dim3A_703 = arith.constant 0.000000e+00 : f32
    %broadcast_in_dim3A_704 = vector.broadcast %broadcast_in_dim3A_703 : f32 to vector<16xf32>
    %swap3A_705 = arith.constant 128 : index
    %swap3A_706 = tpu.vector_load %arg19[%swap3A_705] {strides = array<i32>} : memref<640xf32, #tpu.memory_space<vmem>>, vector<16xf32>,
    %swap3A_707 = vector.shape_cast %swap3A_706 : vector<16xf32> to vector<16xf32>
    %swap3A_708 = vector.shape_cast %broadcast_in_dim3A_704 : vector<16xf32> to vector<16xf32>
    tpu.vector_store %arg19[%swap3A_705], %swap3A_708 {strides = array<i32>} : memref<640xf32, #tpu.memory_space<vmem>>, vector<16xf32>,
    %broadcast_in_dim3A_709 = arith.constant 8192 : i32
    %broadcast_in_dim3A_710 = vector.broadcast %broadcast_in_dim3A_709 : i32 to vector<16xi32>
    %swap3A_711 = arith.constant 144 : index
    %swap3A_712 = tpu.vector_load %arg18[%swap3A_711] {strides = array<i32>} : memref<640xi32, #tpu.memory_space<vmem>>, vector<16xi32>,
    %swap3A_713 = vector.shape_cast %swap3A_712 : vector<16xi32> to vector<16xi32>
    %swap3A_714 = vector.shape_cast %broadcast_in_dim3A_710 : vector<16xi32> to vector<16xi32>
    tpu.vector_store %arg18[%swap3A_711], %swap3A_714 {strides = array<i32>} : memref<640xi32, #tpu.memory_space<vmem>>, vector<16xi32>,
    %broadcast_in_dim3A_715 = arith.constant 0.000000e+00 : f32
    %broadcast_in_dim3A_716 = vector.broadcast %broadcast_in_dim3A_715 : f32 to vector<16xf32>
    %swap3A_717 = arith.constant 144 : index
    %swap3A_718 = tpu.vector_load %arg19[%swap3A_717] {strides = array<i32>} : memref<640xf32, #tpu.memory_space<vmem>>, vector<16xf32>,
    %swap3A_719 = vector.shape_cast %swap3A_718 : vector<16xf32> to vector<16xf32>
    %swap3A_720 = vector.shape_cast %broadcast_in_dim3A_716 : vector<16xf32> to vector<16xf32>
    tpu.vector_store %arg19[%swap3A_717], %swap3A_720 {strides = array<i32>} : memref<640xf32, #tpu.memory_space<vmem>>, vector<16xf32>,
    %broadcast_in_dim3A_721 = arith.constant 8192 : i32
    %broadcast_in_dim3A_722 = vector.broadcast %broadcast_in_dim3A_721 : i32 to vector<16xi32>
    %swap3A_723 = arith.constant 160 : index
    %swap3A_724 = tpu.vector_load %arg18[%swap3A_723] {strides = array<i32>} : memref<640xi32, #tpu.memory_space<vmem>>, vector<16xi32>,
    %swap3A_725 = vector.shape_cast %swap3A_724 : vector<16xi32> to vector<16xi32>
    %swap3A_726 = vector.shape_cast %broadcast_in_dim3A_722 : vector<16xi32> to vector<16xi32>
    tpu.vector_store %arg18[%swap3A_723], %swap3A_726 {strides = array<i32>} : memref<640xi32, #tpu.memory_space<vmem>>, vector<16xi32>,
    %broadcast_in_dim3A_727 = arith.constant 0.000000e+00 : f32
    %broadcast_in_dim3A_728 = vector.broadcast %broadcast_in_dim3A_727 : f32 to vector<16xf32>
    %swap3A_729 = arith.constant 160 : index
    %swap3A_730 = tpu.vector_load %arg19[%swap3A_729] {strides = array<i32>} : memref<640xf32, #tpu.memory_space<vmem>>, vector<16xf32>,
    %swap3A_731 = vector.shape_cast %swap3A_730 : vector<16xf32> to vector<16xf32>
    %swap3A_732 = vector.shape_cast %broadcast_in_dim3A_728 : vector<16xf32> to vector<16xf32>
    tpu.vector_store %arg19[%swap3A_729], %swap3A_732 {strides = array<i32>} : memref<640xf32, #tpu.memory_space<vmem>>, vector<16xf32>,
    %broadcast_in_dim3A_733 = arith.constant 8192 : i32
    %broadcast_in_dim3A_734 = vector.broadcast %broadcast_in_dim3A_733 : i32 to vector<16xi32>
    %swap3A_735 = arith.constant 176 : index
    %swap3A_736 = tpu.vector_load %arg18[%swap3A_735] {strides = array<i32>} : memref<640xi32, #tpu.memory_space<vmem>>, vector<16xi32>,
    %swap3A_737 = vector.shape_cast %swap3A_736 : vector<16xi32> to vector<16xi32>
    %swap3A_738 = vector.shape_cast %broadcast_in_dim3A_734 : vector<16xi32> to vector<16xi32>
    tpu.vector_store %arg18[%swap3A_735], %swap3A_738 {strides = array<i32>} : memref<640xi32, #tpu.memory_space<vmem>>, vector<16xi32>,
    %broadcast_in_dim3A_739 = arith.constant 0.000000e+00 : f32
    %broadcast_in_dim3A_740 = vector.broadcast %broadcast_in_dim3A_739 : f32 to vector<16xf32>
    %swap3A_741 = arith.constant 176 : index
    %swap3A_742 = tpu.vector_load %arg19[%swap3A_741] {strides = array<i32>} : memref<640xf32, #tpu.memory_space<vmem>>, vector<16xf32>,
    %swap3A_743 = vector.shape_cast %swap3A_742 : vector<16xf32> to vector<16xf32>
    %swap3A_744 = vector.shape_cast %broadcast_in_dim3A_740 : vector<16xf32> to vector<16xf32>
    tpu.vector_store %arg19[%swap3A_741], %swap3A_744 {strides = array<i32>} : memref<640xf32, #tpu.memory_space<vmem>>, vector<16xf32>,
    %broadcast_in_dim3A_745 = arith.constant 8192 : i32
    %broadcast_in_dim3A_746 = vector.broadcast %broadcast_in_dim3A_745 : i32 to vector<16xi32>
    %swap3A_747 = arith.constant 192 : index
    %swap3A_748 = tpu.vector_load %arg18[%swap3A_747] {strides = array<i32>} : memref<640xi32, #tpu.memory_space<vmem>>, vector<16xi32>,
    %swap3A_749 = vector.shape_cast %swap3A_748 : vector<16xi32> to vector<16xi32>
    %swap3A_750 = vector.shape_cast %broadcast_in_dim3A_746 : vector<16xi32> to vector<16xi32>
    tpu.vector_store %arg18[%swap3A_747], %swap3A_750 {strides = array<i32>} : memref<640xi32, #tpu.memory_space<vmem>>, vector<16xi32>,
    %broadcast_in_dim3A_751 = arith.constant 0.000000e+00 : f32
    %broadcast_in_dim3A_752 = vector.broadcast %broadcast_in_dim3A_751 : f32 to vector<16xf32>
    %swap3A_753 = arith.constant 192 : index
    %swap3A_754 = tpu.vector_load %arg19[%swap3A_753] {strides = array<i32>} : memref<640xf32, #tpu.memory_space<vmem>>, vector<16xf32>,
    %swap3A_755 = vector.shape_cast %swap3A_754 : vector<16xf32> to vector<16xf32>
    %swap3A_756 = vector.shape_cast %broadcast_in_dim3A_752 : vector<16xf32> to vector<16xf32>
    tpu.vector_store %arg19[%swap3A_753], %swap3A_756 {strides = array<i32>} : memref<640xf32, #tpu.memory_space<vmem>>, vector<16xf32>,
    %broadcast_in_dim3A_757 = arith.constant 8192 : i32
    %broadcast_in_dim3A_758 = vector.broadcast %broadcast_in_dim3A_757 : i32 to vector<16xi32>
    %swap3A_759 = arith.constant 208 : index
    %swap3A_760 = tpu.vector_load %arg18[%swap3A_759] {strides = array<i32>} : memref<640xi32, #tpu.memory_space<vmem>>, vector<16xi32>,
    %swap3A_761 = vector.shape_cast %swap3A_760 : vector<16xi32> to vector<16xi32>
    %swap3A_762 = vector.shape_cast %broadcast_in_dim3A_758 : vector<16xi32> to vector<16xi32>
    tpu.vector_store %arg18[%swap3A_759], %swap3A_762 {strides = array<i32>} : memref<640xi32, #tpu.memory_space<vmem>>, vector<16xi32>,
    %broadcast_in_dim3A_763 = arith.constant 0.000000e+00 : f32
    %broadcast_in_dim3A_764 = vector.broadcast %broadcast_in_dim3A_763 : f32 to vector<16xf32>
    %swap3A_765 = arith.constant 208 : index
    %swap3A_766 = tpu.vector_load %arg19[%swap3A_765] {strides = array<i32>} : memref<640xf32, #tpu.memory_space<vmem>>, vector<16xf32>,
    %swap3A_767 = vector.shape_cast %swap3A_766 : vector<16xf32> to vector<16xf32>
    %swap3A_768 = vector.shape_cast %broadcast_in_dim3A_764 : vector<16xf32> to vector<16xf32>
    tpu.vector_store %arg19[%swap3A_765], %swap3A_768 {strides = array<i32>} : memref<640xf32, #tpu.memory_space<vmem>>, vector<16xf32>,
    %broadcast_in_dim3A_769 = arith.constant 8192 : i32
    %broadcast_in_dim3A_770 = vector.broadcast %broadcast_in_dim3A_769 : i32 to vector<16xi32>
    %swap3A_771 = arith.constant 224 : index
    %swap3A_772 = tpu.vector_load %arg18[%swap3A_771] {strides = array<i32>} : memref<640xi32, #tpu.memory_space<vmem>>, vector<16xi32>,
    %swap3A_773 = vector.shape_cast %swap3A_772 : vector<16xi32> to vector<16xi32>
    %swap3A_774 = vector.shape_cast %broadcast_in_dim3A_770 : vector<16xi32> to vector<16xi32>
    tpu.vector_store %arg18[%swap3A_771], %swap3A_774 {strides = array<i32>} : memref<640xi32, #tpu.memory_space<vmem>>, vector<16xi32>,
    %broadcast_in_dim3A_775 = arith.constant 0.000000e+00 : f32
    %broadcast_in_dim3A_776 = vector.broadcast %broadcast_in_dim3A_775 : f32 to vector<16xf32>
    %swap3A_777 = arith.constant 224 : index
    %swap3A_778 = tpu.vector_load %arg19[%swap3A_777] {strides = array<i32>} : memref<640xf32, #tpu.memory_space<vmem>>, vector<16xf32>,
    %swap3A_779 = vector.shape_cast %swap3A_778 : vector<16xf32> to vector<16xf32>
    %swap3A_780 = vector.shape_cast %broadcast_in_dim3A_776 : vector<16xf32> to vector<16xf32>
    tpu.vector_store %arg19[%swap3A_777], %swap3A_780 {strides = array<i32>} : memref<640xf32, #tpu.memory_space<vmem>>, vector<16xf32>,
    %broadcast_in_dim3A_781 = arith.constant 8192 : i32
    %broadcast_in_dim3A_782 = vector.broadcast %broadcast_in_dim3A_781 : i32 to vector<16xi32>
    %swap3A_783 = arith.constant 240 : index
    %swap3A_784 = tpu.vector_load %arg18[%swap3A_783] {strides = array<i32>} : memref<640xi32, #tpu.memory_space<vmem>>, vector<16xi32>,
    %swap3A_785 = vector.shape_cast %swap3A_784 : vector<16xi32> to vector<16xi32>
    %swap3A_786 = vector.shape_cast %broadcast_in_dim3A_782 : vector<16xi32> to vector<16xi32>
    tpu.vector_store %arg18[%swap3A_783], %swap3A_786 {strides = array<i32>} : memref<640xi32, #tpu.memory_space<vmem>>, vector<16xi32>,
    %broadcast_in_dim3A_787 = arith.constant 0.000000e+00 : f32
    %broadcast_in_dim3A_788 = vector.broadcast %broadcast_in_dim3A_787 : f32 to vector<16xf32>
    %swap3A_789 = arith.constant 240 : index
    %swap3A_790 = tpu.vector_load %arg19[%swap3A_789] {strides = array<i32>} : memref<640xf32, #tpu.memory_space<vmem>>, vector<16xf32>,
    %swap3A_791 = vector.shape_cast %swap3A_790 : vector<16xf32> to vector<16xf32>
    %swap3A_792 = vector.shape_cast %broadcast_in_dim3A_788 : vector<16xf32> to vector<16xf32>
    tpu.vector_store %arg19[%swap3A_789], %swap3A_792 {strides = array<i32>} : memref<640xf32, #tpu.memory_space<vmem>>, vector<16xf32>,
    %broadcast_in_dim3A_793 = arith.constant 8192 : i32
    %broadcast_in_dim3A_794 = vector.broadcast %broadcast_in_dim3A_793 : i32 to vector<16xi32>
    %swap3A_795 = arith.constant 256 : index
    %swap3A_796 = tpu.vector_load %arg18[%swap3A_795] {strides = array<i32>} : memref<640xi32, #tpu.memory_space<vmem>>, vector<16xi32>,
    %swap3A_797 = vector.shape_cast %swap3A_796 : vector<16xi32> to vector<16xi32>
    %swap3A_798 = vector.shape_cast %broadcast_in_dim3A_794 : vector<16xi32> to vector<16xi32>
    tpu.vector_store %arg18[%swap3A_795], %swap3A_798 {strides = array<i32>} : memref<640xi32, #tpu.memory_space<vmem>>, vector<16xi32>,
    %broadcast_in_dim3A_799 = arith.constant 0.000000e+00 : f32
    %broadcast_in_dim3A_800 = vector.broadcast %broadcast_in_dim3A_799 : f32 to vector<16xf32>
    %swap3A_801 = arith.constant 256 : index
    %swap3A_802 = tpu.vector_load %arg19[%swap3A_801] {strides = array<i32>} : memref<640xf32, #tpu.memory_space<vmem>>, vector<16xf32>,
    %swap3A_803 = vector.shape_cast %swap3A_802 : vector<16xf32> to vector<16xf32>
    %swap3A_804 = vector.shape_cast %broadcast_in_dim3A_800 : vector<16xf32> to vector<16xf32>
    tpu.vector_store %arg19[%swap3A_801], %swap3A_804 {strides = array<i32>} : memref<640xf32, #tpu.memory_space<vmem>>, vector<16xf32>,
    %broadcast_in_dim3A_805 = arith.constant 8192 : i32
    %broadcast_in_dim3A_806 = vector.broadcast %broadcast_in_dim3A_805 : i32 to vector<16xi32>
    %swap3A_807 = arith.constant 272 : index
    %swap3A_808 = tpu.vector_load %arg18[%swap3A_807] {strides = array<i32>} : memref<640xi32, #tpu.memory_space<vmem>>, vector<16xi32>,
    %swap3A_809 = vector.shape_cast %swap3A_808 : vector<16xi32> to vector<16xi32>
    %swap3A_810 = vector.shape_cast %broadcast_in_dim3A_806 : vector<16xi32> to vector<16xi32>
    tpu.vector_store %arg18[%swap3A_807], %swap3A_810 {strides = array<i32>} : memref<640xi32, #tpu.memory_space<vmem>>, vector<16xi32>,
    %broadcast_in_dim3A_811 = arith.constant 0.000000e+00 : f32
    %broadcast_in_dim3A_812 = vector.broadcast %broadcast_in_dim3A_811 : f32 to vector<16xf32>
    %swap3A_813 = arith.constant 272 : index
    %swap3A_814 = tpu.vector_load %arg19[%swap3A_813] {strides = array<i32>} : memref<640xf32, #tpu.memory_space<vmem>>, vector<16xf32>,
    %swap3A_815 = vector.shape_cast %swap3A_814 : vector<16xf32> to vector<16xf32>
    %swap3A_816 = vector.shape_cast %broadcast_in_dim3A_812 : vector<16xf32> to vector<16xf32>
    tpu.vector_store %arg19[%swap3A_813], %swap3A_816 {strides = array<i32>} : memref<640xf32, #tpu.memory_space<vmem>>, vector<16xf32>,
    %broadcast_in_dim3A_817 = arith.constant 8192 : i32
    %broadcast_in_dim3A_818 = vector.broadcast %broadcast_in_dim3A_817 : i32 to vector<16xi32>
    %swap3A_819 = arith.constant 288 : index
    %swap3A_820 = tpu.vector_load %arg18[%swap3A_819] {strides = array<i32>} : memref<640xi32, #tpu.memory_space<vmem>>, vector<16xi32>,
    %swap3A_821 = vector.shape_cast %swap3A_820 : vector<16xi32> to vector<16xi32>
    %swap3A_822 = vector.shape_cast %broadcast_in_dim3A_818 : vector<16xi32> to vector<16xi32>
    tpu.vector_store %arg18[%swap3A_819], %swap3A_822 {strides = array<i32>} : memref<640xi32, #tpu.memory_space<vmem>>, vector<16xi32>,
    %broadcast_in_dim3A_823 = arith.constant 0.000000e+00 : f32
    %broadcast_in_dim3A_824 = vector.broadcast %broadcast_in_dim3A_823 : f32 to vector<16xf32>
    %swap3A_825 = arith.constant 288 : index
    %swap3A_826 = tpu.vector_load %arg19[%swap3A_825] {strides = array<i32>} : memref<640xf32, #tpu.memory_space<vmem>>, vector<16xf32>,
    %swap3A_827 = vector.shape_cast %swap3A_826 : vector<16xf32> to vector<16xf32>
    %swap3A_828 = vector.shape_cast %broadcast_in_dim3A_824 : vector<16xf32> to vector<16xf32>
    tpu.vector_store %arg19[%swap3A_825], %swap3A_828 {strides = array<i32>} : memref<640xf32, #tpu.memory_space<vmem>>, vector<16xf32>,
    %broadcast_in_dim3A_829 = arith.constant 8192 : i32
    %broadcast_in_dim3A_830 = vector.broadcast %broadcast_in_dim3A_829 : i32 to vector<16xi32>
    %swap3A_831 = arith.constant 304 : index
    %swap3A_832 = tpu.vector_load %arg18[%swap3A_831] {strides = array<i32>} : memref<640xi32, #tpu.memory_space<vmem>>, vector<16xi32>,
    %swap3A_833 = vector.shape_cast %swap3A_832 : vector<16xi32> to vector<16xi32>
    %swap3A_834 = vector.shape_cast %broadcast_in_dim3A_830 : vector<16xi32> to vector<16xi32>
    tpu.vector_store %arg18[%swap3A_831], %swap3A_834 {strides = array<i32>} : memref<640xi32, #tpu.memory_space<vmem>>, vector<16xi32>,
    %broadcast_in_dim3A_835 = arith.constant 0.000000e+00 : f32
    %broadcast_in_dim3A_836 = vector.broadcast %broadcast_in_dim3A_835 : f32 to vector<16xf32>
    %swap3A_837 = arith.constant 304 : index
    %swap3A_838 = tpu.vector_load %arg19[%swap3A_837] {strides = array<i32>} : memref<640xf32, #tpu.memory_space<vmem>>, vector<16xf32>,
    %swap3A_839 = vector.shape_cast %swap3A_838 : vector<16xf32> to vector<16xf32>
    %swap3A_840 = vector.shape_cast %broadcast_in_dim3A_836 : vector<16xf32> to vector<16xf32>
    tpu.vector_store %arg19[%swap3A_837], %swap3A_840 {strides = array<i32>} : memref<640xf32, #tpu.memory_space<vmem>>, vector<16xf32>,
    %broadcast_in_dim3A_841 = arith.constant 8192 : i32
    %broadcast_in_dim3A_842 = vector.broadcast %broadcast_in_dim3A_841 : i32 to vector<16xi32>
    %swap3A_843 = arith.constant 320 : index
    %swap3A_844 = tpu.vector_load %arg18[%swap3A_843] {strides = array<i32>} : memref<640xi32, #tpu.memory_space<vmem>>, vector<16xi32>,
    %swap3A_845 = vector.shape_cast %swap3A_844 : vector<16xi32> to vector<16xi32>
    %swap3A_846 = vector.shape_cast %broadcast_in_dim3A_842 : vector<16xi32> to vector<16xi32>
    tpu.vector_store %arg18[%swap3A_843], %swap3A_846 {strides = array<i32>} : memref<640xi32, #tpu.memory_space<vmem>>, vector<16xi32>,
    %broadcast_in_dim3A_847 = arith.constant 0.000000e+00 : f32
    %broadcast_in_dim3A_848 = vector.broadcast %broadcast_in_dim3A_847 : f32 to vector<16xf32>
    %swap3A_849 = arith.constant 320 : index
    %swap3A_850 = tpu.vector_load %arg19[%swap3A_849] {strides = array<i32>} : memref<640xf32, #tpu.memory_space<vmem>>, vector<16xf32>,
    %swap3A_851 = vector.shape_cast %swap3A_850 : vector<16xf32> to vector<16xf32>
    %swap3A_852 = vector.shape_cast %broadcast_in_dim3A_848 : vector<16xf32> to vector<16xf32>
    tpu.vector_store %arg19[%swap3A_849], %swap3A_852 {strides = array<i32>} : memref<640xf32, #tpu.memory_space<vmem>>, vector<16xf32>,
    %broadcast_in_dim3A_853 = arith.constant 8192 : i32
    %broadcast_in_dim3A_854 = vector.broadcast %broadcast_in_dim3A_853 : i32 to vector<16xi32>
    %swap3A_855 = arith.constant 336 : index
    %swap3A_856 = tpu.vector_load %arg18[%swap3A_855] {strides = array<i32>} : memref<640xi32, #tpu.memory_space<vmem>>, vector<16xi32>,
    %swap3A_857 = vector.shape_cast %swap3A_856 : vector<16xi32> to vector<16xi32>
    %swap3A_858 = vector.shape_cast %broadcast_in_dim3A_854 : vector<16xi32> to vector<16xi32>
    tpu.vector_store %arg18[%swap3A_855], %swap3A_858 {strides = array<i32>} : memref<640xi32, #tpu.memory_space<vmem>>, vector<16xi32>,
    %broadcast_in_dim3A_859 = arith.constant 0.000000e+00 : f32
    %broadcast_in_dim3A_860 = vector.broadcast %broadcast_in_dim3A_859 : f32 to vector<16xf32>
    %swap3A_861 = arith.constant 336 : index
    %swap3A_862 = tpu.vector_load %arg19[%swap3A_861] {strides = array<i32>} : memref<640xf32, #tpu.memory_space<vmem>>, vector<16xf32>,
    %swap3A_863 = vector.shape_cast %swap3A_862 : vector<16xf32> to vector<16xf32>
    %swap3A_864 = vector.shape_cast %broadcast_in_dim3A_860 : vector<16xf32> to vector<16xf32>
    tpu.vector_store %arg19[%swap3A_861], %swap3A_864 {strides = array<i32>} : memref<640xf32, #tpu.memory_space<vmem>>, vector<16xf32>,
    %broadcast_in_dim3A_865 = arith.constant 8192 : i32
    %broadcast_in_dim3A_866 = vector.broadcast %broadcast_in_dim3A_865 : i32 to vector<16xi32>
    %swap3A_867 = arith.constant 352 : index
    %swap3A_868 = tpu.vector_load %arg18[%swap3A_867] {strides = array<i32>} : memref<640xi32, #tpu.memory_space<vmem>>, vector<16xi32>,
    %swap3A_869 = vector.shape_cast %swap3A_868 : vector<16xi32> to vector<16xi32>
    %swap3A_870 = vector.shape_cast %broadcast_in_dim3A_866 : vector<16xi32> to vector<16xi32>
    tpu.vector_store %arg18[%swap3A_867], %swap3A_870 {strides = array<i32>} : memref<640xi32, #tpu.memory_space<vmem>>, vector<16xi32>,
    %broadcast_in_dim3A_871 = arith.constant 0.000000e+00 : f32
    %broadcast_in_dim3A_872 = vector.broadcast %broadcast_in_dim3A_871 : f32 to vector<16xf32>
    %swap3A_873 = arith.constant 352 : index
    %swap3A_874 = tpu.vector_load %arg19[%swap3A_873] {strides = array<i32>} : memref<640xf32, #tpu.memory_space<vmem>>, vector<16xf32>,
    %swap3A_875 = vector.shape_cast %swap3A_874 : vector<16xf32> to vector<16xf32>
    %swap3A_876 = vector.shape_cast %broadcast_in_dim3A_872 : vector<16xf32> to vector<16xf32>
    tpu.vector_store %arg19[%swap3A_873], %swap3A_876 {strides = array<i32>} : memref<640xf32, #tpu.memory_space<vmem>>, vector<16xf32>,
    %broadcast_in_dim3A_877 = arith.constant 8192 : i32
    %broadcast_in_dim3A_878 = vector.broadcast %broadcast_in_dim3A_877 : i32 to vector<16xi32>
    %swap3A_879 = arith.constant 368 : index
    %swap3A_880 = tpu.vector_load %arg18[%swap3A_879] {strides = array<i32>} : memref<640xi32, #tpu.memory_space<vmem>>, vector<16xi32>,
    %swap3A_881 = vector.shape_cast %swap3A_880 : vector<16xi32> to vector<16xi32>
    %swap3A_882 = vector.shape_cast %broadcast_in_dim3A_878 : vector<16xi32> to vector<16xi32>
    tpu.vector_store %arg18[%swap3A_879], %swap3A_882 {strides = array<i32>} : memref<640xi32, #tpu.memory_space<vmem>>, vector<16xi32>,
    %broadcast_in_dim3A_883 = arith.constant 0.000000e+00 : f32
    %broadcast_in_dim3A_884 = vector.broadcast %broadcast_in_dim3A_883 : f32 to vector<16xf32>
    %swap3A_885 = arith.constant 368 : index
    %swap3A_886 = tpu.vector_load %arg19[%swap3A_885] {strides = array<i32>} : memref<640xf32, #tpu.memory_space<vmem>>, vector<16xf32>,
    %swap3A_887 = vector.shape_cast %swap3A_886 : vector<16xf32> to vector<16xf32>
    %swap3A_888 = vector.shape_cast %broadcast_in_dim3A_884 : vector<16xf32> to vector<16xf32>
    tpu.vector_store %arg19[%swap3A_885], %swap3A_888 {strides = array<i32>} : memref<640xf32, #tpu.memory_space<vmem>>, vector<16xf32>,
    %broadcast_in_dim3A_889 = arith.constant 8192 : i32
    %broadcast_in_dim3A_890 = vector.broadcast %broadcast_in_dim3A_889 : i32 to vector<16xi32>
    %swap3A_891 = arith.constant 384 : index
    %swap3A_892 = tpu.vector_load %arg18[%swap3A_891] {strides = array<i32>} : memref<640xi32, #tpu.memory_space<vmem>>, vector<16xi32>,
    %swap3A_893 = vector.shape_cast %swap3A_892 : vector<16xi32> to vector<16xi32>
    %swap3A_894 = vector.shape_cast %broadcast_in_dim3A_890 : vector<16xi32> to vector<16xi32>
    tpu.vector_store %arg18[%swap3A_891], %swap3A_894 {strides = array<i32>} : memref<640xi32, #tpu.memory_space<vmem>>, vector<16xi32>,
    %broadcast_in_dim3A_895 = arith.constant 0.000000e+00 : f32
    %broadcast_in_dim3A_896 = vector.broadcast %broadcast_in_dim3A_895 : f32 to vector<16xf32>
    %swap3A_897 = arith.constant 384 : index
    %swap3A_898 = tpu.vector_load %arg19[%swap3A_897] {strides = array<i32>} : memref<640xf32, #tpu.memory_space<vmem>>, vector<16xf32>,
    %swap3A_899 = vector.shape_cast %swap3A_898 : vector<16xf32> to vector<16xf32>
    %swap3A_900 = vector.shape_cast %broadcast_in_dim3A_896 : vector<16xf32> to vector<16xf32>
    tpu.vector_store %arg19[%swap3A_897], %swap3A_900 {strides = array<i32>} : memref<640xf32, #tpu.memory_space<vmem>>, vector<16xf32>,
    %broadcast_in_dim3A_901 = arith.constant 8192 : i32
    %broadcast_in_dim3A_902 = vector.broadcast %broadcast_in_dim3A_901 : i32 to vector<16xi32>
    %swap3A_903 = arith.constant 400 : index
    %swap3A_904 = tpu.vector_load %arg18[%swap3A_903] {strides = array<i32>} : memref<640xi32, #tpu.memory_space<vmem>>, vector<16xi32>,
    %swap3A_905 = vector.shape_cast %swap3A_904 : vector<16xi32> to vector<16xi32>
    %swap3A_906 = vector.shape_cast %broadcast_in_dim3A_902 : vector<16xi32> to vector<16xi32>
    tpu.vector_store %arg18[%swap3A_903], %swap3A_906 {strides = array<i32>} : memref<640xi32, #tpu.memory_space<vmem>>, vector<16xi32>,
    %broadcast_in_dim3A_907 = arith.constant 0.000000e+00 : f32
    %broadcast_in_dim3A_908 = vector.broadcast %broadcast_in_dim3A_907 : f32 to vector<16xf32>
    %swap3A_909 = arith.constant 400 : index
    %swap3A_910 = tpu.vector_load %arg19[%swap3A_909] {strides = array<i32>} : memref<640xf32, #tpu.memory_space<vmem>>, vector<16xf32>,
    %swap3A_911 = vector.shape_cast %swap3A_910 : vector<16xf32> to vector<16xf32>
    %swap3A_912 = vector.shape_cast %broadcast_in_dim3A_908 : vector<16xf32> to vector<16xf32>
    tpu.vector_store %arg19[%swap3A_909], %swap3A_912 {strides = array<i32>} : memref<640xf32, #tpu.memory_space<vmem>>, vector<16xf32>,
    %broadcast_in_dim3A_913 = arith.constant 8192 : i32
    %broadcast_in_dim3A_914 = vector.broadcast %broadcast_in_dim3A_913 : i32 to vector<16xi32>
    %swap3A_915 = arith.constant 416 : index
    %swap3A_916 = tpu.vector_load %arg18[%swap3A_915] {strides = array<i32>} : memref<640xi32, #tpu.memory_space<vmem>>, vector<16xi32>,
    %swap3A_917 = vector.shape_cast %swap3A_916 : vector<16xi32> to vector<16xi32>
    %swap3A_918 = vector.shape_cast %broadcast_in_dim3A_914 : vector<16xi32> to vector<16xi32>
    tpu.vector_store %arg18[%swap3A_915], %swap3A_918 {strides = array<i32>} : memref<640xi32, #tpu.memory_space<vmem>>, vector<16xi32>,
    %broadcast_in_dim3A_919 = arith.constant 0.000000e+00 : f32
    %broadcast_in_dim3A_920 = vector.broadcast %broadcast_in_dim3A_919 : f32 to vector<16xf32>
    %swap3A_921 = arith.constant 416 : index
    %swap3A_922 = tpu.vector_load %arg19[%swap3A_921] {strides = array<i32>} : memref<640xf32, #tpu.memory_space<vmem>>, vector<16xf32>,
    %swap3A_923 = vector.shape_cast %swap3A_922 : vector<16xf32> to vector<16xf32>
    %swap3A_924 = vector.shape_cast %broadcast_in_dim3A_920 : vector<16xf32> to vector<16xf32>
    tpu.vector_store %arg19[%swap3A_921], %swap3A_924 {strides = array<i32>} : memref<640xf32, #tpu.memory_space<vmem>>, vector<16xf32>,
    %broadcast_in_dim3A_925 = arith.constant 8192 : i32
    %broadcast_in_dim3A_926 = vector.broadcast %broadcast_in_dim3A_925 : i32 to vector<16xi32>
    %swap3A_927 = arith.constant 432 : index
    %swap3A_928 = tpu.vector_load %arg18[%swap3A_927] {strides = array<i32>} : memref<640xi32, #tpu.memory_space<vmem>>, vector<16xi32>,
    %swap3A_929 = vector.shape_cast %swap3A_928 : vector<16xi32> to vector<16xi32>
    %swap3A_930 = vector.shape_cast %broadcast_in_dim3A_926 : vector<16xi32> to vector<16xi32>
    tpu.vector_store %arg18[%swap3A_927], %swap3A_930 {strides = array<i32>} : memref<640xi32, #tpu.memory_space<vmem>>, vector<16xi32>,
    %broadcast_in_dim3A_931 = arith.constant 0.000000e+00 : f32
    %broadcast_in_dim3A_932 = vector.broadcast %broadcast_in_dim3A_931 : f32 to vector<16xf32>
    %swap3A_933 = arith.constant 432 : index
    %swap3A_934 = tpu.vector_load %arg19[%swap3A_933] {strides = array<i32>} : memref<640xf32, #tpu.memory_space<vmem>>, vector<16xf32>,
    %swap3A_935 = vector.shape_cast %swap3A_934 : vector<16xf32> to vector<16xf32>
    %swap3A_936 = vector.shape_cast %broadcast_in_dim3A_932 : vector<16xf32> to vector<16xf32>
    tpu.vector_store %arg19[%swap3A_933], %swap3A_936 {strides = array<i32>} : memref<640xf32, #tpu.memory_space<vmem>>, vector<16xf32>,
    %broadcast_in_dim3A_937 = arith.constant 8192 : i32
    %broadcast_in_dim3A_938 = vector.broadcast %broadcast_in_dim3A_937 : i32 to vector<16xi32>
    %swap3A_939 = arith.constant 448 : index
    %swap3A_940 = tpu.vector_load %arg18[%swap3A_939] {strides = array<i32>} : memref<640xi32, #tpu.memory_space<vmem>>, vector<16xi32>,
    %swap3A_941 = vector.shape_cast %swap3A_940 : vector<16xi32> to vector<16xi32>
    %swap3A_942 = vector.shape_cast %broadcast_in_dim3A_938 : vector<16xi32> to vector<16xi32>
    tpu.vector_store %arg18[%swap3A_939], %swap3A_942 {strides = array<i32>} : memref<640xi32, #tpu.memory_space<vmem>>, vector<16xi32>,
    %broadcast_in_dim3A_943 = arith.constant 0.000000e+00 : f32
    %broadcast_in_dim3A_944 = vector.broadcast %broadcast_in_dim3A_943 : f32 to vector<16xf32>
    %swap3A_945 = arith.constant 448 : index
    %swap3A_946 = tpu.vector_load %arg19[%swap3A_945] {strides = array<i32>} : memref<640xf32, #tpu.memory_space<vmem>>, vector<16xf32>,
    %swap3A_947 = vector.shape_cast %swap3A_946 : vector<16xf32> to vector<16xf32>
    %swap3A_948 = vector.shape_cast %broadcast_in_dim3A_944 : vector<16xf32> to vector<16xf32>
    tpu.vector_store %arg19[%swap3A_945], %swap3A_948 {strides = array<i32>} : memref<640xf32, #tpu.memory_space<vmem>>, vector<16xf32>,
    %broadcast_in_dim3A_949 = arith.constant 8192 : i32
    %broadcast_in_dim3A_950 = vector.broadcast %broadcast_in_dim3A_949 : i32 to vector<16xi32>
    %swap3A_951 = arith.constant 464 : index
    %swap3A_952 = tpu.vector_load %arg18[%swap3A_951] {strides = array<i32>} : memref<640xi32, #tpu.memory_space<vmem>>, vector<16xi32>,
    %swap3A_953 = vector.shape_cast %swap3A_952 : vector<16xi32> to vector<16xi32>
    %swap3A_954 = vector.shape_cast %broadcast_in_dim3A_950 : vector<16xi32> to vector<16xi32>
    tpu.vector_store %arg18[%swap3A_951], %swap3A_954 {strides = array<i32>} : memref<640xi32, #tpu.memory_space<vmem>>, vector<16xi32>,
    %broadcast_in_dim3A_955 = arith.constant 0.000000e+00 : f32
    %broadcast_in_dim3A_956 = vector.broadcast %broadcast_in_dim3A_955 : f32 to vector<16xf32>
    %swap3A_957 = arith.constant 464 : index
    %swap3A_958 = tpu.vector_load %arg19[%swap3A_957] {strides = array<i32>} : memref<640xf32, #tpu.memory_space<vmem>>, vector<16xf32>,
    %swap3A_959 = vector.shape_cast %swap3A_958 : vector<16xf32> to vector<16xf32>
    %swap3A_960 = vector.shape_cast %broadcast_in_dim3A_956 : vector<16xf32> to vector<16xf32>
    tpu.vector_store %arg19[%swap3A_957], %swap3A_960 {strides = array<i32>} : memref<640xf32, #tpu.memory_space<vmem>>, vector<16xf32>,
    %broadcast_in_dim3A_961 = arith.constant 8192 : i32
    %broadcast_in_dim3A_962 = vector.broadcast %broadcast_in_dim3A_961 : i32 to vector<16xi32>
    %swap3A_963 = arith.constant 480 : index
    %swap3A_964 = tpu.vector_load %arg18[%swap3A_963] {strides = array<i32>} : memref<640xi32, #tpu.memory_space<vmem>>, vector<16xi32>,
    %swap3A_965 = vector.shape_cast %swap3A_964 : vector<16xi32> to vector<16xi32>
    %swap3A_966 = vector.shape_cast %broadcast_in_dim3A_962 : vector<16xi32> to vector<16xi32>
    tpu.vector_store %arg18[%swap3A_963], %swap3A_966 {strides = array<i32>} : memref<640xi32, #tpu.memory_space<vmem>>, vector<16xi32>,
    %broadcast_in_dim3A_967 = arith.constant 0.000000e+00 : f32
    %broadcast_in_dim3A_968 = vector.broadcast %broadcast_in_dim3A_967 : f32 to vector<16xf32>
    %swap3A_969 = arith.constant 480 : index
    %swap3A_970 = tpu.vector_load %arg19[%swap3A_969] {strides = array<i32>} : memref<640xf32, #tpu.memory_space<vmem>>, vector<16xf32>,
    %swap3A_971 = vector.shape_cast %swap3A_970 : vector<16xf32> to vector<16xf32>
    %swap3A_972 = vector.shape_cast %broadcast_in_dim3A_968 : vector<16xf32> to vector<16xf32>
    tpu.vector_store %arg19[%swap3A_969], %swap3A_972 {strides = array<i32>} : memref<640xf32, #tpu.memory_space<vmem>>, vector<16xf32>,
    %broadcast_in_dim3A_973 = arith.constant 8192 : i32
    %broadcast_in_dim3A_974 = vector.broadcast %broadcast_in_dim3A_973 : i32 to vector<16xi32>
    %swap3A_975 = arith.constant 496 : index
    %swap3A_976 = tpu.vector_load %arg18[%swap3A_975] {strides = array<i32>} : memref<640xi32, #tpu.memory_space<vmem>>, vector<16xi32>,
    %swap3A_977 = vector.shape_cast %swap3A_976 : vector<16xi32> to vector<16xi32>
    %swap3A_978 = vector.shape_cast %broadcast_in_dim3A_974 : vector<16xi32> to vector<16xi32>
    tpu.vector_store %arg18[%swap3A_975], %swap3A_978 {strides = array<i32>} : memref<640xi32, #tpu.memory_space<vmem>>, vector<16xi32>,
    %broadcast_in_dim3A_979 = arith.constant 0.000000e+00 : f32
    %broadcast_in_dim3A_980 = vector.broadcast %broadcast_in_dim3A_979 : f32 to vector<16xf32>
    %swap3A_981 = arith.constant 496 : index
    %swap3A_982 = tpu.vector_load %arg19[%swap3A_981] {strides = array<i32>} : memref<640xf32, #tpu.memory_space<vmem>>, vector<16xf32>,
    %swap3A_983 = vector.shape_cast %swap3A_982 : vector<16xf32> to vector<16xf32>
    %swap3A_984 = vector.shape_cast %broadcast_in_dim3A_980 : vector<16xf32> to vector<16xf32>
    tpu.vector_store %arg19[%swap3A_981], %swap3A_984 {strides = array<i32>} : memref<640xf32, #tpu.memory_space<vmem>>, vector<16xf32>,
    %broadcast_in_dim3A_985 = arith.constant 8192 : i32
    %broadcast_in_dim3A_986 = vector.broadcast %broadcast_in_dim3A_985 : i32 to vector<16xi32>
    %swap3A_987 = arith.constant 512 : index
    %swap3A_988 = tpu.vector_load %arg18[%swap3A_987] {strides = array<i32>} : memref<640xi32, #tpu.memory_space<vmem>>, vector<16xi32>,
    %swap3A_989 = vector.shape_cast %swap3A_988 : vector<16xi32> to vector<16xi32>
    %swap3A_990 = vector.shape_cast %broadcast_in_dim3A_986 : vector<16xi32> to vector<16xi32>
    tpu.vector_store %arg18[%swap3A_987], %swap3A_990 {strides = array<i32>} : memref<640xi32, #tpu.memory_space<vmem>>, vector<16xi32>,
    %broadcast_in_dim3A_991 = arith.constant 0.000000e+00 : f32
    %broadcast_in_dim3A_992 = vector.broadcast %broadcast_in_dim3A_991 : f32 to vector<16xf32>
    %swap3A_993 = arith.constant 512 : index
    %swap3A_994 = tpu.vector_load %arg19[%swap3A_993] {strides = array<i32>} : memref<640xf32, #tpu.memory_space<vmem>>, vector<16xf32>,
    %swap3A_995 = vector.shape_cast %swap3A_994 : vector<16xf32> to vector<16xf32>
    %swap3A_996 = vector.shape_cast %broadcast_in_dim3A_992 : vector<16xf32> to vector<16xf32>
    tpu.vector_store %arg19[%swap3A_993], %swap3A_996 {strides = array<i32>} : memref<640xf32, #tpu.memory_space<vmem>>, vector<16xf32>,
    %broadcast_in_dim3A_997 = arith.constant 8192 : i32
    %broadcast_in_dim3A_998 = vector.broadcast %broadcast_in_dim3A_997 : i32 to vector<16xi32>
    %swap3A_999 = arith.constant 528 : index
    %swap3A_1000 = tpu.vector_load %arg18[%swap3A_999] {strides = array<i32>} : memref<640xi32, #tpu.memory_space<vmem>>, vector<16xi32>,
    %swap3A_1001 = vector.shape_cast %swap3A_1000 : vector<16xi32> to vector<16xi32>
    %swap3A_1002 = vector.shape_cast %broadcast_in_dim3A_998 : vector<16xi32> to vector<16xi32>
    tpu.vector_store %arg18[%swap3A_999], %swap3A_1002 {strides = array<i32>} : memref<640xi32, #tpu.memory_space<vmem>>, vector<16xi32>,
    %broadcast_in_dim3A_1003 = arith.constant 0.000000e+00 : f32
    %broadcast_in_dim3A_1004 = vector.broadcast %broadcast_in_dim3A_1003 : f32 to vector<16xf32>
    %swap3A_1005 = arith.constant 528 : index
    %swap3A_1006 = tpu.vector_load %arg19[%swap3A_1005] {strides = array<i32>} : memref<640xf32, #tpu.memory_space<vmem>>, vector<16xf32>,
    %swap3A_1007 = vector.shape_cast %swap3A_1006 : vector<16xf32> to vector<16xf32>
    %swap3A_1008 = vector.shape_cast %broadcast_in_dim3A_1004 : vector<16xf32> to vector<16xf32>
    tpu.vector_store %arg19[%swap3A_1005], %swap3A_1008 {strides = array<i32>} : memref<640xf32, #tpu.memory_space<vmem>>, vector<16xf32>,
    %broadcast_in_dim3A_1009 = arith.constant 8192 : i32
    %broadcast_in_dim3A_1010 = vector.broadcast %broadcast_in_dim3A_1009 : i32 to vector<16xi32>
    %swap3A_1011 = arith.constant 544 : index
    %swap3A_1012 = tpu.vector_load %arg18[%swap3A_1011] {strides = array<i32>} : memref<640xi32, #tpu.memory_space<vmem>>, vector<16xi32>,
    %swap3A_1013 = vector.shape_cast %swap3A_1012 : vector<16xi32> to vector<16xi32>
    %swap3A_1014 = vector.shape_cast %broadcast_in_dim3A_1010 : vector<16xi32> to vector<16xi32>
    tpu.vector_store %arg18[%swap3A_1011], %swap3A_1014 {strides = array<i32>} : memref<640xi32, #tpu.memory_space<vmem>>, vector<16xi32>,
    %broadcast_in_dim3A_1015 = arith.constant 0.000000e+00 : f32
    %broadcast_in_dim3A_1016 = vector.broadcast %broadcast_in_dim3A_1015 : f32 to vector<16xf32>
    %swap3A_1017 = arith.constant 544 : index
    %swap3A_1018 = tpu.vector_load %arg19[%swap3A_1017] {strides = array<i32>} : memref<640xf32, #tpu.memory_space<vmem>>, vector<16xf32>,
    %swap3A_1019 = vector.shape_cast %swap3A_1018 : vector<16xf32> to vector<16xf32>
    %swap3A_1020 = vector.shape_cast %broadcast_in_dim3A_1016 : vector<16xf32> to vector<16xf32>
    tpu.vector_store %arg19[%swap3A_1017], %swap3A_1020 {strides = array<i32>} : memref<640xf32, #tpu.memory_space<vmem>>, vector<16xf32>,
    %broadcast_in_dim3A_1021 = arith.constant 8192 : i32
    %broadcast_in_dim3A_1022 = vector.broadcast %broadcast_in_dim3A_1021 : i32 to vector<16xi32>
    %swap3A_1023 = arith.constant 560 : index
    %swap3A_1024 = tpu.vector_load %arg18[%swap3A_1023] {strides = array<i32>} : memref<640xi32, #tpu.memory_space<vmem>>, vector<16xi32>,
    %swap3A_1025 = vector.shape_cast %swap3A_1024 : vector<16xi32> to vector<16xi32>
    %swap3A_1026 = vector.shape_cast %broadcast_in_dim3A_1022 : vector<16xi32> to vector<16xi32>
    tpu.vector_store %arg18[%swap3A_1023], %swap3A_1026 {strides = array<i32>} : memref<640xi32, #tpu.memory_space<vmem>>, vector<16xi32>,
    %broadcast_in_dim3A_1027 = arith.constant 0.000000e+00 : f32
    %broadcast_in_dim3A_1028 = vector.broadcast %broadcast_in_dim3A_1027 : f32 to vector<16xf32>
    %swap3A_1029 = arith.constant 560 : index
    %swap3A_1030 = tpu.vector_load %arg19[%swap3A_1029] {strides = array<i32>} : memref<640xf32, #tpu.memory_space<vmem>>, vector<16xf32>,
    %swap3A_1031 = vector.shape_cast %swap3A_1030 : vector<16xf32> to vector<16xf32>
    %swap3A_1032 = vector.shape_cast %broadcast_in_dim3A_1028 : vector<16xf32> to vector<16xf32>
    tpu.vector_store %arg19[%swap3A_1029], %swap3A_1032 {strides = array<i32>} : memref<640xf32, #tpu.memory_space<vmem>>, vector<16xf32>,
    %broadcast_in_dim3A_1033 = arith.constant 8192 : i32
    %broadcast_in_dim3A_1034 = vector.broadcast %broadcast_in_dim3A_1033 : i32 to vector<16xi32>
    %swap3A_1035 = arith.constant 576 : index
    %swap3A_1036 = tpu.vector_load %arg18[%swap3A_1035] {strides = array<i32>} : memref<640xi32, #tpu.memory_space<vmem>>, vector<16xi32>,
    %swap3A_1037 = vector.shape_cast %swap3A_1036 : vector<16xi32> to vector<16xi32>
    %swap3A_1038 = vector.shape_cast %broadcast_in_dim3A_1034 : vector<16xi32> to vector<16xi32>
    tpu.vector_store %arg18[%swap3A_1035], %swap3A_1038 {strides = array<i32>} : memref<640xi32, #tpu.memory_space<vmem>>, vector<16xi32>,
    %broadcast_in_dim3A_1039 = arith.constant 0.000000e+00 : f32
    %broadcast_in_dim3A_1040 = vector.broadcast %broadcast_in_dim3A_1039 : f32 to vector<16xf32>
    %swap3A_1041 = arith.constant 576 : index
    %swap3A_1042 = tpu.vector_load %arg19[%swap3A_1041] {strides = array<i32>} : memref<640xf32, #tpu.memory_space<vmem>>, vector<16xf32>,
    %swap3A_1043 = vector.shape_cast %swap3A_1042 : vector<16xf32> to vector<16xf32>
    %swap3A_1044 = vector.shape_cast %broadcast_in_dim3A_1040 : vector<16xf32> to vector<16xf32>
    tpu.vector_store %arg19[%swap3A_1041], %swap3A_1044 {strides = array<i32>} : memref<640xf32, #tpu.memory_space<vmem>>, vector<16xf32>,
    %broadcast_in_dim3A_1045 = arith.constant 8192 : i32
    %broadcast_in_dim3A_1046 = vector.broadcast %broadcast_in_dim3A_1045 : i32 to vector<16xi32>
    %swap3A_1047 = arith.constant 592 : index
    %swap3A_1048 = tpu.vector_load %arg18[%swap3A_1047] {strides = array<i32>} : memref<640xi32, #tpu.memory_space<vmem>>, vector<16xi32>,
    %swap3A_1049 = vector.shape_cast %swap3A_1048 : vector<16xi32> to vector<16xi32>
    %swap3A_1050 = vector.shape_cast %broadcast_in_dim3A_1046 : vector<16xi32> to vector<16xi32>
    tpu.vector_store %arg18[%swap3A_1047], %swap3A_1050 {strides = array<i32>} : memref<640xi32, #tpu.memory_space<vmem>>, vector<16xi32>,
    %broadcast_in_dim3A_1051 = arith.constant 0.000000e+00 : f32
    %broadcast_in_dim3A_1052 = vector.broadcast %broadcast_in_dim3A_1051 : f32 to vector<16xf32>
    %swap3A_1053 = arith.constant 592 : index
    %swap3A_1054 = tpu.vector_load %arg19[%swap3A_1053] {strides = array<i32>} : memref<640xf32, #tpu.memory_space<vmem>>, vector<16xf32>,
    %swap3A_1055 = vector.shape_cast %swap3A_1054 : vector<16xf32> to vector<16xf32>
    %swap3A_1056 = vector.shape_cast %broadcast_in_dim3A_1052 : vector<16xf32> to vector<16xf32>
    tpu.vector_store %arg19[%swap3A_1053], %swap3A_1056 {strides = array<i32>} : memref<640xf32, #tpu.memory_space<vmem>>, vector<16xf32>,
    %broadcast_in_dim3A_1057 = arith.constant 8192 : i32
    %broadcast_in_dim3A_1058 = vector.broadcast %broadcast_in_dim3A_1057 : i32 to vector<16xi32>
    %swap3A_1059 = arith.constant 608 : index
    %swap3A_1060 = tpu.vector_load %arg18[%swap3A_1059] {strides = array<i32>} : memref<640xi32, #tpu.memory_space<vmem>>, vector<16xi32>,
    %swap3A_1061 = vector.shape_cast %swap3A_1060 : vector<16xi32> to vector<16xi32>
    %swap3A_1062 = vector.shape_cast %broadcast_in_dim3A_1058 : vector<16xi32> to vector<16xi32>
    tpu.vector_store %arg18[%swap3A_1059], %swap3A_1062 {strides = array<i32>} : memref<640xi32, #tpu.memory_space<vmem>>, vector<16xi32>,
    %broadcast_in_dim3A_1063 = arith.constant 0.000000e+00 : f32
    %broadcast_in_dim3A_1064 = vector.broadcast %broadcast_in_dim3A_1063 : f32 to vector<16xf32>
    %swap3A_1065 = arith.constant 608 : index
    %swap3A_1066 = tpu.vector_load %arg19[%swap3A_1065] {strides = array<i32>} : memref<640xf32, #tpu.memory_space<vmem>>, vector<16xf32>,
    %swap3A_1067 = vector.shape_cast %swap3A_1066 : vector<16xf32> to vector<16xf32>
    %swap3A_1068 = vector.shape_cast %broadcast_in_dim3A_1064 : vector<16xf32> to vector<16xf32>
    tpu.vector_store %arg19[%swap3A_1065], %swap3A_1068 {strides = array<i32>} : memref<640xf32, #tpu.memory_space<vmem>>, vector<16xf32>,
    %broadcast_in_dim3A_1069 = arith.constant 8192 : i32
    %broadcast_in_dim3A_1070 = vector.broadcast %broadcast_in_dim3A_1069 : i32 to vector<16xi32>
    %swap3A_1071 = arith.constant 624 : index
    %swap3A_1072 = tpu.vector_load %arg18[%swap3A_1071] {strides = array<i32>} : memref<640xi32, #tpu.memory_space<vmem>>, vector<16xi32>,
    %swap3A_1073 = vector.shape_cast %swap3A_1072 : vector<16xi32> to vector<16xi32>
    %swap3A_1074 = vector.shape_cast %broadcast_in_dim3A_1070 : vector<16xi32> to vector<16xi32>
    tpu.vector_store %arg18[%swap3A_1071], %swap3A_1074 {strides = array<i32>} : memref<640xi32, #tpu.memory_space<vmem>>, vector<16xi32>,
    %broadcast_in_dim3A_1075 = arith.constant 0.000000e+00 : f32
    %broadcast_in_dim3A_1076 = vector.broadcast %broadcast_in_dim3A_1075 : f32 to vector<16xf32>
    %swap3A_1077 = arith.constant 624 : index
    %swap3A_1078 = tpu.vector_load %arg19[%swap3A_1077] {strides = array<i32>} : memref<640xf32, #tpu.memory_space<vmem>>, vector<16xf32>,
    %swap3A_1079 = vector.shape_cast %swap3A_1078 : vector<16xf32> to vector<16xf32>
    %swap3A_1080 = vector.shape_cast %broadcast_in_dim3A_1076 : vector<16xf32> to vector<16xf32>
    tpu.vector_store %arg19[%swap3A_1077], %swap3A_1080 {strides = array<i32>} : memref<640xf32, #tpu.memory_space<vmem>>, vector<16xf32>,
    %mul3A_1081 = arith.constant 640 : i32
    %mul3A_1082 = arith.muli %arg1, %mul3A_1081 : i32
    "tpu.region"() ({
      %run_scoped3A = tpu.sem_alloc : memref<!tpu.dma_semaphore, #tpu.memory_space<semaphore_mem>>
      %dma_start3A_1130 = tpu.memref_slice %arg4[%mul3A_1082] : memref<10240xi32, #tpu.memory_space<hbm>> -> memref<640xi32, #tpu.memory_space<hbm>>
      %dma_start3A_1131 = tpu.memref_slice %arg4[%mul3A_1082] : memref<10240xi32, #tpu.memory_space<hbm>> -> memref<640xi32, #tpu.memory_space<hbm>>
      tpu.enqueue_dma source(%arg18 : memref<640xi32, #tpu.memory_space<vmem>>) target(%dma_start3A_1131 : memref<640xi32, #tpu.memory_space<hbm>>) target_semaphore(%run_scoped3A : memref<!tpu.dma_semaphore, #tpu.memory_space<semaphore_mem>>)
      %dma_wait3A_1132 = tpu.memref_slice %arg4[%mul3A_1082] : memref<10240xi32, #tpu.memory_space<hbm>> -> memref<640xi32, #tpu.memory_space<hbm>>
      %dma_wait3A_1133 = tpu.memref_slice %arg4[%mul3A_1082] : memref<10240xi32, #tpu.memory_space<hbm>> -> memref<640xi32, #tpu.memory_space<hbm>>
      tpu.wait_dma2 semaphore(%run_scoped3A : memref<!tpu.dma_semaphore, #tpu.memory_space<semaphore_mem>>) src(%arg18 : memref<640xi32, #tpu.memory_space<vmem>>) dst(%dma_wait3A_1133 : memref<640xi32, #tpu.memory_space<hbm>>)
      tpu.yield
    }) : () -> ()
    "tpu.region"() ({
      %run_scoped3A = tpu.sem_alloc : memref<!tpu.dma_semaphore, #tpu.memory_space<semaphore_mem>>
      %dma_start3A_1130 = tpu.memref_slice %arg5[%mul3A_1082] : memref<10240xf32, #tpu.memory_space<hbm>> -> memref<640xf32, #tpu.memory_space<hbm>>
      %dma_start3A_1131 = tpu.memref_slice %arg5[%mul3A_1082] : memref<10240xf32, #tpu.memory_space<hbm>> -> memref<640xf32, #tpu.memory_space<hbm>>
      tpu.enqueue_dma source(%arg19 : memref<640xf32, #tpu.memory_space<vmem>>) target(%dma_start3A_1131 : memref<640xf32, #tpu.memory_space<hbm>>) target_semaphore(%run_scoped3A : memref<!tpu.dma_semaphore, #tpu.memory_space<semaphore_mem>>)
      %dma_wait3A_1132 = tpu.memref_slice %arg5[%mul3A_1082] : memref<10240xf32, #tpu.memory_space<hbm>> -> memref<640xf32, #tpu.memory_space<hbm>>
      %dma_wait3A_1133 = tpu.memref_slice %arg5[%mul3A_1082] : memref<10240xf32, #tpu.memory_space<hbm>> -> memref<640xf32, #tpu.memory_space<hbm>>
      tpu.wait_dma2 semaphore(%run_scoped3A : memref<!tpu.dma_semaphore, #tpu.memory_space<semaphore_mem>>) src(%arg19 : memref<640xf32, #tpu.memory_space<vmem>>) dst(%dma_wait3A_1133 : memref<640xf32, #tpu.memory_space<hbm>>)
      tpu.yield
    }) : () -> ()
    %dma_wait3A = tpu.memref_slice %arg2[%add3A_1] : memref<8192xi32, #tpu.memory_space<hbm>> -> memref<128xi32, #tpu.memory_space<hbm>>
    %dma_wait3A_1083 = tpu.memref_slice %arg2[%add3A_1] : memref<8192xi32, #tpu.memory_space<hbm>> -> memref<128xi32, #tpu.memory_space<hbm>>
    tpu.wait_dma2 semaphore(%arg21 : memref<!tpu.dma_semaphore, #tpu.memory_space<semaphore_mem>>) src(%dma_wait3A_1083 : memref<128xi32, #tpu.memory_space<hbm>>) dst(%arg6 : memref<128xi32, #tpu.memory_space<vmem>>)
    %dma_wait3A_1084 = tpu.memref_slice %arg3[%add3A_1] : memref<8192xf32, #tpu.memory_space<hbm>> -> memref<128xf32, #tpu.memory_space<hbm>>
    %dma_wait3A_1085 = tpu.memref_slice %arg3[%add3A_1] : memref<8192xf32, #tpu.memory_space<hbm>> -> memref<128xf32, #tpu.memory_space<hbm>>
    tpu.wait_dma2 semaphore(%arg21 : memref<!tpu.dma_semaphore, #tpu.memory_space<semaphore_mem>>) src(%dma_wait3A_1085 : memref<128xf32, #tpu.memory_space<hbm>>) dst(%arg10 : memref<128xf32, #tpu.memory_space<vmem>>)
    %dma_wait3A_1086 = tpu.memref_slice %arg2[%add3A_149] : memref<8192xi32, #tpu.memory_space<hbm>> -> memref<128xi32, #tpu.memory_space<hbm>>
    %dma_wait3A_1087 = tpu.memref_slice %arg2[%add3A_149] : memref<8192xi32, #tpu.memory_space<hbm>> -> memref<128xi32, #tpu.memory_space<hbm>>
    tpu.wait_dma2 semaphore(%arg21 : memref<!tpu.dma_semaphore, #tpu.memory_space<semaphore_mem>>) src(%dma_wait3A_1087 : memref<128xi32, #tpu.memory_space<hbm>>) dst(%arg7 : memref<128xi32, #tpu.memory_space<vmem>>)
    %dma_wait3A_1088 = tpu.memref_slice %arg3[%add3A_149] : memref<8192xf32, #tpu.memory_space<hbm>> -> memref<128xf32, #tpu.memory_space<hbm>>
    %dma_wait3A_1089 = tpu.memref_slice %arg3[%add3A_149] : memref<8192xf32, #tpu.memory_space<hbm>> -> memref<128xf32, #tpu.memory_space<hbm>>
    tpu.wait_dma2 semaphore(%arg21 : memref<!tpu.dma_semaphore, #tpu.memory_space<semaphore_mem>>) src(%dma_wait3A_1089 : memref<128xf32, #tpu.memory_space<hbm>>) dst(%arg11 : memref<128xf32, #tpu.memory_space<vmem>>)
    %dma_wait3A_1090 = tpu.memref_slice %arg2[%add3A_301] : memref<8192xi32, #tpu.memory_space<hbm>> -> memref<128xi32, #tpu.memory_space<hbm>>
    %dma_wait3A_1091 = tpu.memref_slice %arg2[%add3A_301] : memref<8192xi32, #tpu.memory_space<hbm>> -> memref<128xi32, #tpu.memory_space<hbm>>
    tpu.wait_dma2 semaphore(%arg21 : memref<!tpu.dma_semaphore, #tpu.memory_space<semaphore_mem>>) src(%dma_wait3A_1091 : memref<128xi32, #tpu.memory_space<hbm>>) dst(%arg8 : memref<128xi32, #tpu.memory_space<vmem>>)
    %dma_wait3A_1092 = tpu.memref_slice %arg3[%add3A_301] : memref<8192xf32, #tpu.memory_space<hbm>> -> memref<128xf32, #tpu.memory_space<hbm>>
    %dma_wait3A_1093 = tpu.memref_slice %arg3[%add3A_301] : memref<8192xf32, #tpu.memory_space<hbm>> -> memref<128xf32, #tpu.memory_space<hbm>>
    tpu.wait_dma2 semaphore(%arg21 : memref<!tpu.dma_semaphore, #tpu.memory_space<semaphore_mem>>) src(%dma_wait3A_1093 : memref<128xf32, #tpu.memory_space<hbm>>) dst(%arg12 : memref<128xf32, #tpu.memory_space<vmem>>)
    %dma_wait3A_1094 = tpu.memref_slice %arg2[%add3A_453] : memref<8192xi32, #tpu.memory_space<hbm>> -> memref<128xi32, #tpu.memory_space<hbm>>
    %dma_wait3A_1095 = tpu.memref_slice %arg2[%add3A_453] : memref<8192xi32, #tpu.memory_space<hbm>> -> memref<128xi32, #tpu.memory_space<hbm>>
    tpu.wait_dma2 semaphore(%arg21 : memref<!tpu.dma_semaphore, #tpu.memory_space<semaphore_mem>>) src(%dma_wait3A_1095 : memref<128xi32, #tpu.memory_space<hbm>>) dst(%arg9 : memref<128xi32, #tpu.memory_space<vmem>>)
    %dma_wait3A_1096 = tpu.memref_slice %arg3[%add3A_453] : memref<8192xf32, #tpu.memory_space<hbm>> -> memref<128xf32, #tpu.memory_space<hbm>>
    %dma_wait3A_1097 = tpu.memref_slice %arg3[%add3A_453] : memref<8192xf32, #tpu.memory_space<hbm>> -> memref<128xf32, #tpu.memory_space<hbm>>
    tpu.wait_dma2 semaphore(%arg21 : memref<!tpu.dma_semaphore, #tpu.memory_space<semaphore_mem>>) src(%dma_wait3A_1097 : memref<128xf32, #tpu.memory_space<hbm>>) dst(%arg13 : memref<128xf32, #tpu.memory_space<vmem>>)
    %barrier3A = arith.constant 0 : index
    tpu.barrier barrier_id(%barrier3A)
    %dma_start3A_1098 = arith.constant 0 : i32
    %dma_start3A_1099 = tpu.memref_slice %arg4[%dma_start3A_1098] : memref<10240xi32, #tpu.memory_space<hbm>> -> memref<10240xi32, #tpu.memory_space<hbm>>
    tpu.enqueue_indirect_dma source(%arg14 : memref<128xi32, #tpu.memory_space<vmem>>) target(%dma_start3A_1099 : memref<10240xi32, #tpu.memory_space<hbm>>) offsets(%arg6 : memref<128xi32, #tpu.memory_space<vmem>>) semaphore(%arg20 : memref<!tpu.dma_semaphore, #tpu.memory_space<semaphore_mem>>)
    %dma_start3A_1100 = arith.constant 0 : i32
    %dma_start3A_1101 = tpu.memref_slice %arg5[%dma_start3A_1100] : memref<10240xf32, #tpu.memory_space<hbm>> -> memref<10240xf32, #tpu.memory_space<hbm>>
    tpu.enqueue_indirect_dma source(%arg10 : memref<128xf32, #tpu.memory_space<vmem>>) target(%dma_start3A_1101 : memref<10240xf32, #tpu.memory_space<hbm>>) offsets(%arg6 : memref<128xi32, #tpu.memory_space<vmem>>) semaphore(%arg20 : memref<!tpu.dma_semaphore, #tpu.memory_space<semaphore_mem>>)
    %dma_start3A_1102 = arith.constant 0 : i32
    %dma_start3A_1103 = tpu.memref_slice %arg4[%dma_start3A_1102] : memref<10240xi32, #tpu.memory_space<hbm>> -> memref<10240xi32, #tpu.memory_space<hbm>>
    tpu.enqueue_indirect_dma source(%arg15 : memref<128xi32, #tpu.memory_space<vmem>>) target(%dma_start3A_1103 : memref<10240xi32, #tpu.memory_space<hbm>>) offsets(%arg7 : memref<128xi32, #tpu.memory_space<vmem>>) semaphore(%arg20 : memref<!tpu.dma_semaphore, #tpu.memory_space<semaphore_mem>>)
    %dma_start3A_1104 = arith.constant 0 : i32
    %dma_start3A_1105 = tpu.memref_slice %arg5[%dma_start3A_1104] : memref<10240xf32, #tpu.memory_space<hbm>> -> memref<10240xf32, #tpu.memory_space<hbm>>
    tpu.enqueue_indirect_dma source(%arg11 : memref<128xf32, #tpu.memory_space<vmem>>) target(%dma_start3A_1105 : memref<10240xf32, #tpu.memory_space<hbm>>) offsets(%arg7 : memref<128xi32, #tpu.memory_space<vmem>>) semaphore(%arg20 : memref<!tpu.dma_semaphore, #tpu.memory_space<semaphore_mem>>)
    %dma_start3A_1106 = arith.constant 0 : i32
    %dma_start3A_1107 = tpu.memref_slice %arg4[%dma_start3A_1106] : memref<10240xi32, #tpu.memory_space<hbm>> -> memref<10240xi32, #tpu.memory_space<hbm>>
    tpu.enqueue_indirect_dma source(%arg16 : memref<128xi32, #tpu.memory_space<vmem>>) target(%dma_start3A_1107 : memref<10240xi32, #tpu.memory_space<hbm>>) offsets(%arg8 : memref<128xi32, #tpu.memory_space<vmem>>) semaphore(%arg20 : memref<!tpu.dma_semaphore, #tpu.memory_space<semaphore_mem>>)
    %dma_start3A_1108 = arith.constant 0 : i32
    %dma_start3A_1109 = tpu.memref_slice %arg5[%dma_start3A_1108] : memref<10240xf32, #tpu.memory_space<hbm>> -> memref<10240xf32, #tpu.memory_space<hbm>>
    tpu.enqueue_indirect_dma source(%arg12 : memref<128xf32, #tpu.memory_space<vmem>>) target(%dma_start3A_1109 : memref<10240xf32, #tpu.memory_space<hbm>>) offsets(%arg8 : memref<128xi32, #tpu.memory_space<vmem>>) semaphore(%arg20 : memref<!tpu.dma_semaphore, #tpu.memory_space<semaphore_mem>>)
    %dma_start3A_1110 = arith.constant 0 : i32
    %dma_start3A_1111 = tpu.memref_slice %arg4[%dma_start3A_1110] : memref<10240xi32, #tpu.memory_space<hbm>> -> memref<10240xi32, #tpu.memory_space<hbm>>
    tpu.enqueue_indirect_dma source(%arg17 : memref<128xi32, #tpu.memory_space<vmem>>) target(%dma_start3A_1111 : memref<10240xi32, #tpu.memory_space<hbm>>) offsets(%arg9 : memref<128xi32, #tpu.memory_space<vmem>>) semaphore(%arg20 : memref<!tpu.dma_semaphore, #tpu.memory_space<semaphore_mem>>)
    %dma_start3A_1112 = arith.constant 0 : i32
    %dma_start3A_1113 = tpu.memref_slice %arg5[%dma_start3A_1112] : memref<10240xf32, #tpu.memory_space<hbm>> -> memref<10240xf32, #tpu.memory_space<hbm>>
    tpu.enqueue_indirect_dma source(%arg13 : memref<128xf32, #tpu.memory_space<vmem>>) target(%dma_start3A_1113 : memref<10240xf32, #tpu.memory_space<hbm>>) offsets(%arg9 : memref<128xi32, #tpu.memory_space<vmem>>) semaphore(%arg20 : memref<!tpu.dma_semaphore, #tpu.memory_space<semaphore_mem>>)
    %dma_wait3A_1114 = arith.constant 0 : i32
    %dma_wait3A_1115 = tpu.memref_slice %arg4[%dma_wait3A_1114] : memref<10240xi32, #tpu.memory_space<hbm>> -> memref<10240xi32, #tpu.memory_space<hbm>>
    tpu.wait_indirect_dma semaphore(%arg20 : memref<!tpu.dma_semaphore, #tpu.memory_space<semaphore_mem>>) src(%arg14 : memref<128xi32, #tpu.memory_space<vmem>>) dst(%dma_wait3A_1115 : memref<10240xi32, #tpu.memory_space<hbm>>)
    %dma_wait3A_1116 = arith.constant 0 : i32
    %dma_wait3A_1117 = tpu.memref_slice %arg5[%dma_wait3A_1116] : memref<10240xf32, #tpu.memory_space<hbm>> -> memref<10240xf32, #tpu.memory_space<hbm>>
    tpu.wait_indirect_dma semaphore(%arg20 : memref<!tpu.dma_semaphore, #tpu.memory_space<semaphore_mem>>) src(%arg10 : memref<128xf32, #tpu.memory_space<vmem>>) dst(%dma_wait3A_1117 : memref<10240xf32, #tpu.memory_space<hbm>>)
    %dma_wait3A_1118 = arith.constant 0 : i32
    %dma_wait3A_1119 = tpu.memref_slice %arg4[%dma_wait3A_1118] : memref<10240xi32, #tpu.memory_space<hbm>> -> memref<10240xi32, #tpu.memory_space<hbm>>
    tpu.wait_indirect_dma semaphore(%arg20 : memref<!tpu.dma_semaphore, #tpu.memory_space<semaphore_mem>>) src(%arg15 : memref<128xi32, #tpu.memory_space<vmem>>) dst(%dma_wait3A_1119 : memref<10240xi32, #tpu.memory_space<hbm>>)
    %dma_wait3A_1120 = arith.constant 0 : i32
    %dma_wait3A_1121 = tpu.memref_slice %arg5[%dma_wait3A_1120] : memref<10240xf32, #tpu.memory_space<hbm>> -> memref<10240xf32, #tpu.memory_space<hbm>>
    tpu.wait_indirect_dma semaphore(%arg20 : memref<!tpu.dma_semaphore, #tpu.memory_space<semaphore_mem>>) src(%arg11 : memref<128xf32, #tpu.memory_space<vmem>>) dst(%dma_wait3A_1121 : memref<10240xf32, #tpu.memory_space<hbm>>)
    %dma_wait3A_1122 = arith.constant 0 : i32
    %dma_wait3A_1123 = tpu.memref_slice %arg4[%dma_wait3A_1122] : memref<10240xi32, #tpu.memory_space<hbm>> -> memref<10240xi32, #tpu.memory_space<hbm>>
    tpu.wait_indirect_dma semaphore(%arg20 : memref<!tpu.dma_semaphore, #tpu.memory_space<semaphore_mem>>) src(%arg16 : memref<128xi32, #tpu.memory_space<vmem>>) dst(%dma_wait3A_1123 : memref<10240xi32, #tpu.memory_space<hbm>>)
    %dma_wait3A_1124 = arith.constant 0 : i32
    %dma_wait3A_1125 = tpu.memref_slice %arg5[%dma_wait3A_1124] : memref<10240xf32, #tpu.memory_space<hbm>> -> memref<10240xf32, #tpu.memory_space<hbm>>
    tpu.wait_indirect_dma semaphore(%arg20 : memref<!tpu.dma_semaphore, #tpu.memory_space<semaphore_mem>>) src(%arg12 : memref<128xf32, #tpu.memory_space<vmem>>) dst(%dma_wait3A_1125 : memref<10240xf32, #tpu.memory_space<hbm>>)
    %dma_wait3A_1126 = arith.constant 0 : i32
    %dma_wait3A_1127 = tpu.memref_slice %arg4[%dma_wait3A_1126] : memref<10240xi32, #tpu.memory_space<hbm>> -> memref<10240xi32, #tpu.memory_space<hbm>>
    tpu.wait_indirect_dma semaphore(%arg20 : memref<!tpu.dma_semaphore, #tpu.memory_space<semaphore_mem>>) src(%arg17 : memref<128xi32, #tpu.memory_space<vmem>>) dst(%dma_wait3A_1127 : memref<10240xi32, #tpu.memory_space<hbm>>)
    %dma_wait3A_1128 = arith.constant 0 : i32
    %dma_wait3A_1129 = tpu.memref_slice %arg5[%dma_wait3A_1128] : memref<10240xf32, #tpu.memory_space<hbm>> -> memref<10240xf32, #tpu.memory_space<hbm>>
    tpu.wait_indirect_dma semaphore(%arg20 : memref<!tpu.dma_semaphore, #tpu.memory_space<semaphore_mem>>) src(%arg13 : memref<128xf32, #tpu.memory_space<vmem>>) dst(%dma_wait3A_1129 : memref<10240xf32, #tpu.memory_space<hbm>>)
    return
  }
}

module attributes {stable_mosaic.version = 14 : i64} {
  func.func @_a1_body(%arg0: i32, %arg1: memref<1024x1024xf32, #tpu.memory_space<vmem>>, %arg2: memref<1024x8xbf16, #tpu.memory_space<vmem>>, %arg3: memref<1024x1024xbf16, #tpu.memory_space<vmem>>, %arg4: memref<1024x8x128xf32, #tpu.memory_space<vmem>>, %arg5: memref<1024x2xi32, #tpu.memory_space<vmem>>, %arg6: memref<1024x2xf32, #tpu.memory_space<vmem>>) attributes {dimension_semantics = [#tpu.dimension_semantics<arbitrary>], iteration_bounds = array<i64: 4>, scalar_prefetch = 0 : i64, scratch_operands = 0 : i64, tpu.core_type = #tpu.core_type<tc>, window_params = [{transform_indices = @transform_0, window_bounds = array<i64: 1024, 1024>}, {pipeline_mode = #tpu.pipeline_mode<synchronous>, transform_indices = @transform_1, window_bounds = array<i64: 1024, 8>}, {transform_indices = @transform_2, window_bounds = array<i64: 1024, 1024>}, {transform_indices = @transform_3, window_bounds = array<i64: 1024, 8, 128>}, {transform_indices = @transform_4, window_bounds = array<i64: 1024, 2>}, {transform_indices = @transform_5, window_bounds = array<i64: 1024, 2>}]} {
    %get3A = arith.constant 0 : index
    %get3A_0 = arith.constant 0 : index
    %get3A_1 = vector.load %arg1[%get3A, %get3A_0] : memref<1024x1024xf32, #tpu.memory_space<vmem>>, vector<1024x1024xf32>
    %reshape3A = vector.shape_cast %get3A_1 : vector<1024x1024xf32> to vector<1024x8x128xf32>
    %swap3A = arith.constant 0 : index
    %swap3A_2 = arith.constant 0 : index
    %swap3A_3 = arith.constant 0 : index
    %swap3A_4 = vector.load %arg4[%swap3A, %swap3A_2, %swap3A_3] : memref<1024x8x128xf32, #tpu.memory_space<vmem>>, vector<1024x8x128xf32>
    tpu.vector_store %arg4[%swap3A, %swap3A_2, %swap3A_3], %reshape3A {strides = array<i32>} : memref<1024x8x128xf32, #tpu.memory_space<vmem>>, vector<1024x8x128xf32>,
    %convert_element_type3A = arith.truncf %get3A_1 : vector<1024x1024xf32> to vector<1024x1024xbf16>
    %swap3A_5 = arith.constant 0 : index
    %swap3A_6 = arith.constant 0 : index
    %swap3A_7 = vector.load %arg3[%swap3A_5, %swap3A_6] : memref<1024x1024xbf16, #tpu.memory_space<vmem>>, vector<1024x1024xbf16>
    tpu.vector_store %arg3[%swap3A_5, %swap3A_6], %convert_element_type3A {strides = array<i32>} : memref<1024x1024xbf16, #tpu.memory_space<vmem>>, vector<1024x1024xbf16>,
    %get3A_8 = arith.constant 0 : index
    %get3A_9 = arith.constant 0 : index
    %get3A_10 = vector.load %arg2[%get3A_8, %get3A_9] : memref<1024x8xbf16, #tpu.memory_space<vmem>>, vector<1024x8xbf16>
    %dot_general3A = arith.constant dense<0.000000e+00> : vector<1024x8xf32>
    %dot_general3A_11 = tpu.matmul %convert_element_type3A, %get3A_10, %dot_general3A {dimension_numbers = #tpu.dot_dimension_numbers<[1], [0], [0], [1], [0, 0, 1, 1], [], []>, transpose_lhs_hint = false} : vector<1024x1024xbf16>, vector<1024x8xbf16>, vector<1024x8xf32> -> vector<1024x8xf32>
    %reduce_max3A = arith.constant dense<0xFF800000> : vector<1024xf32>
    %reduce_max3A_12 = vector.multi_reduction <maximumf>, %dot_general3A_11, %reduce_max3A [1] : vector<1024x8xf32> to vector<1024xf32>
    %broadcast_in_dim3A = vector.shape_cast %reduce_max3A_12 : vector<1024xf32> to vector<1024x1xf32>
    %sub3A = vector.broadcast %broadcast_in_dim3A : vector<1024x1xf32> to vector<1024x8xf32>
    %sub3A_13 = arith.subf %dot_general3A_11, %sub3A : vector<1024x8xf32>
    %exp3A = math.exp %sub3A_13 : vector<1024x8xf32>
    %reduce_sum3A = arith.constant dense<0.000000e+00> : vector<1024xf32>
    %reduce_sum3A_14 = vector.multi_reduction <add>, %exp3A, %reduce_sum3A [1] : vector<1024x8xf32> to vector<1024xf32>
    %broadcast_in_dim3A_15 = vector.shape_cast %reduce_sum3A_14 : vector<1024xf32> to vector<1024x1xf32>
    %div3A = vector.broadcast %broadcast_in_dim3A_15 : vector<1024x1xf32> to vector<1024x8xf32>
    %div3A_16 = arith.divf %exp3A, %div3A : vector<1024x8xf32>
    %iota3A = tpu.iota {dimensions = array<i32: 1>} : vector<1024x8xi32>
    %reduce_max3A_17 = arith.constant dense<0xFF800000> : vector<1024xf32>
    %reduce_max3A_18 = vector.multi_reduction <maximumf>, %div3A_16, %reduce_max3A_17 [1] : vector<1024x8xf32> to vector<1024xf32>
    %broadcast_in_dim3A_19 = vector.shape_cast %reduce_max3A_18 : vector<1024xf32> to vector<1024x1xf32>
    %eq3A = vector.broadcast %broadcast_in_dim3A_19 : vector<1024x1xf32> to vector<1024x8xf32>
    %eq3A_20 = arith.cmpf oeq, %div3A_16, %eq3A : vector<1024x8xf32>
    %jit3A = arith.constant 8 : i32
    %broadcast_in_dim3A_21 = vector.broadcast %jit3A : i32 to vector<1024x8xi32>
    %select_n3A = arith.select %eq3A_20, %iota3A, %broadcast_in_dim3A_21 : vector<1024x8xi1>, vector<1024x8xi32>
    %reduce_min3A = arith.constant dense<2147483647> : vector<1024xi32>
    %reduce_min3A_22 = vector.multi_reduction <minsi>, %select_n3A, %reduce_min3A [1] : vector<1024x8xi32> to vector<1024xi32>
    %broadcast_in_dim3A_23 = vector.shape_cast %reduce_min3A_22 : vector<1024xi32> to vector<1024x1xi32>
    %eq3A_24 = vector.broadcast %broadcast_in_dim3A_23 : vector<1024x1xi32> to vector<1024x8xi32>
    %eq3A_25 = arith.cmpi eq, %iota3A, %eq3A_24 : vector<1024x8xi32>
    %jit3A_26 = arith.constant 0xFF800000 : f32
    %broadcast_in_dim3A_27 = vector.broadcast %jit3A_26 : f32 to vector<1024x8xf32>
    %select_n3A_28 = arith.select %eq3A_25, %broadcast_in_dim3A_27, %div3A_16 : vector<1024x8xi1>, vector<1024x8xf32>
    %reduce_max3A_29 = arith.constant dense<0xFF800000> : vector<1024xf32>
    %reduce_max3A_30 = vector.multi_reduction <maximumf>, %select_n3A_28, %reduce_max3A_29 [1] : vector<1024x8xf32> to vector<1024xf32>
    %broadcast_in_dim3A_31 = vector.shape_cast %reduce_max3A_30 : vector<1024xf32> to vector<1024x1xf32>
    %eq3A_32 = vector.broadcast %broadcast_in_dim3A_31 : vector<1024x1xf32> to vector<1024x8xf32>
    %eq3A_33 = arith.cmpf oeq, %select_n3A_28, %eq3A_32 : vector<1024x8xf32>
    %jit3A_34 = arith.constant 8 : i32
    %broadcast_in_dim3A_35 = vector.broadcast %jit3A_34 : i32 to vector<1024x8xi32>
    %select_n3A_36 = arith.select %eq3A_33, %iota3A, %broadcast_in_dim3A_35 : vector<1024x8xi1>, vector<1024x8xi32>
    %reduce_min3A_37 = arith.constant dense<2147483647> : vector<1024xi32>
    %reduce_min3A_38 = vector.multi_reduction <minsi>, %select_n3A_36, %reduce_min3A_37 [1] : vector<1024x8xi32> to vector<1024xi32>
    %broadcast_in_dim3A_39 = vector.shape_cast %reduce_min3A_38 : vector<1024xi32> to vector<1024x1xi32>
    %add3A = arith.addf %broadcast_in_dim3A_19, %broadcast_in_dim3A_31 : vector<1024x1xf32>
    %add3A_40 = arith.constant 9.99999968E-21 : f32
    %add3A_41 = vector.broadcast %add3A_40 : f32 to vector<1024x1xf32>
    %add3A_42 = arith.addf %add3A, %add3A_41 : vector<1024x1xf32>
    %concatenate3A = tpu.concatenate %broadcast_in_dim3A_23, %broadcast_in_dim3A_39 in 1 : vector<1024x1xi32>, vector<1024x1xi32> -> vector<1024x2xi32>
    %swap3A_43 = arith.constant 0 : index
    %swap3A_44 = arith.constant 0 : index
    %swap3A_45 = vector.load %arg5[%swap3A_43, %swap3A_44] : memref<1024x2xi32, #tpu.memory_space<vmem>>, vector<1024x2xi32>
    tpu.vector_store %arg5[%swap3A_43, %swap3A_44], %concatenate3A {strides = array<i32>} : memref<1024x2xi32, #tpu.memory_space<vmem>>, vector<1024x2xi32>,
    %div3A_46 = arith.divf %broadcast_in_dim3A_19, %add3A_42 : vector<1024x1xf32>
    %div3A_47 = arith.divf %broadcast_in_dim3A_31, %add3A_42 : vector<1024x1xf32>
    %concatenate3A_48 = tpu.concatenate %div3A_46, %div3A_47 in 1 : vector<1024x1xf32>, vector<1024x1xf32> -> vector<1024x2xf32>
    %swap3A_49 = arith.constant 0 : index
    %swap3A_50 = arith.constant 0 : index
    %swap3A_51 = vector.load %arg6[%swap3A_49, %swap3A_50] : memref<1024x2xf32, #tpu.memory_space<vmem>>, vector<1024x2xf32>
    tpu.vector_store %arg6[%swap3A_49, %swap3A_50], %concatenate3A_48 {strides = array<i32>} : memref<1024x2xf32, #tpu.memory_space<vmem>>, vector<1024x2xf32>,
    return
  }
  func.func @transform_0(%arg0: i32) -> (i32, i32) {
    %c0_i32 = arith.constant 0 : i32
    %c0_i32_0 = arith.constant 0 : i32
    return %arg0, %c0_i32 : i32, i32
  }
  func.func @transform_1(%arg0: i32) -> (i32, i32) {
    %c0_i32 = arith.constant 0 : i32
    %c0_i32_0 = arith.constant 0 : i32
    %c0_i32_1 = arith.constant 0 : i32
    return %c0_i32, %c0_i32_0 : i32, i32
  }
  func.func @transform_2(%arg0: i32) -> (i32, i32) {
    %c0_i32 = arith.constant 0 : i32
    %c0_i32_0 = arith.constant 0 : i32
    return %arg0, %c0_i32 : i32, i32
  }
  func.func @transform_3(%arg0: i32) -> (i32, i32, i32) {
    %c0_i32 = arith.constant 0 : i32
    %c0_i32_0 = arith.constant 0 : i32
    %c0_i32_1 = arith.constant 0 : i32
    return %arg0, %c0_i32, %c0_i32_0 : i32, i32, i32
  }
  func.func @transform_4(%arg0: i32) -> (i32, i32) {
    %c0_i32 = arith.constant 0 : i32
    %c0_i32_0 = arith.constant 0 : i32
    return %arg0, %c0_i32 : i32, i32
  }
  func.func @transform_5(%arg0: i32) -> (i32, i32) {
    %c0_i32 = arith.constant 0 : i32
    %c0_i32_0 = arith.constant 0 : i32
    return %arg0, %c0_i32 : i32, i32
  }
}

module attributes {stable_mosaic.version = 14 : i64} {
  func.func @_r_body(%arg0: i32, %arg1: memref<64x128xi32, #tpu.memory_space<vmem>>, %arg2: memref<64x128xi32, #tpu.memory_space<vmem>>, %arg3: memref<8x48xi32, #tpu.memory_space<vmem>>, %arg4: memref<8x48xi32, #tpu.memory_space<vmem>>) attributes {dimension_semantics = [#tpu.dimension_semantics<arbitrary>], iteration_bounds = array<i64: 1>, scalar_prefetch = 0 : i64, scratch_operands = 0 : i64, tpu.core_type = #tpu.core_type<tc>, window_params = [{pipeline_mode = #tpu.pipeline_mode<synchronous>, transform_indices = @transform_0, window_bounds = array<i64: 64, 128>}, {pipeline_mode = #tpu.pipeline_mode<synchronous>, transform_indices = @transform_1, window_bounds = array<i64: 64, 128>}, {pipeline_mode = #tpu.pipeline_mode<synchronous>, transform_indices = @transform_2, window_bounds = array<i64: 8, 48>}, {pipeline_mode = #tpu.pipeline_mode<synchronous>, transform_indices = @transform_3, window_bounds = array<i64: 8, 48>}]} {
    %get3A = arith.constant 0 : index
    %get3A_0 = arith.constant 0 : index
    %get3A_1 = vector.load %arg1[%get3A, %get3A_0] : memref<64x128xi32, #tpu.memory_space<vmem>>, vector<64x128xi32>
    %iota3A = tpu.iota {dimensions = array<i32: 0>} : vector<128x128xi32>
    %iota3A_2 = tpu.iota {dimensions = array<i32: 1>} : vector<128x128xi32>
    %le3A = arith.cmpi sle, %iota3A, %iota3A_2 : vector<128x128xi32>
    %convert_element_type3A = arith.extui %le3A : vector<128x128xi1> to vector<128x128xi32>
    %convert_element_type3A_3 = arith.sitofp %convert_element_type3A : vector<128x128xi32> to vector<128x128xf32>
    %convert_element_type3A_4 = arith.truncf %convert_element_type3A_3 : vector<128x128xf32> to vector<128x128xbf16>
    %iota3A_5 = tpu.iota {dimensions = array<i32: 0>} : vector<64x64xi32>
    %iota3A_6 = tpu.iota {dimensions = array<i32: 1>} : vector<64x64xi32>
    %lt3A = arith.cmpi slt, %iota3A_6, %iota3A_5 : vector<64x64xi32>
    %convert_element_type3A_7 = arith.extui %lt3A : vector<64x64xi1> to vector<64x64xi32>
    %convert_element_type3A_8 = arith.sitofp %convert_element_type3A_7 : vector<64x64xi32> to vector<64x64xf32>
    %convert_element_type3A_9 = arith.truncf %convert_element_type3A_8 : vector<64x64xf32> to vector<64x64xbf16>
    %broadcast_in_dim3A = arith.constant 0.000000e+00 : f32
    %broadcast_in_dim3A_10 = vector.broadcast %broadcast_in_dim3A : f32 to vector<64x128xf32>
    %eq3A = arith.constant 0 : i32
    %eq3A_11 = vector.broadcast %eq3A : i32 to vector<64x128xi32>
    %eq3A_12 = arith.cmpi eq, %get3A_1, %eq3A_11 : vector<64x128xi32>
    %convert_element_type3A_13 = arith.extui %eq3A_12 : vector<64x128xi1> to vector<64x128xi32>
    %convert_element_type3A_14 = arith.sitofp %convert_element_type3A_13 : vector<64x128xi32> to vector<64x128xf32>
    %convert_element_type3A_15 = arith.truncf %convert_element_type3A_14 : vector<64x128xf32> to vector<64x128xbf16>
    %dot_general3A = arith.constant dense<0.000000e+00> : vector<64x128xf32>
    %dot_general3A_16 = tpu.matmul %convert_element_type3A_15, %convert_element_type3A_4, %dot_general3A {dimension_numbers = #tpu.dot_dimension_numbers<[1], [0], [0], [1], [0, 0, 1, 1], [], []>, transpose_lhs_hint = false} : vector<64x128xbf16>, vector<128x128xbf16>, vector<64x128xf32> -> vector<64x128xf32>
    %slice3A = vector.extract_strided_slice %dot_general3A_16 {offsets = [0, 127], sizes = [64, 1], strides = [1, 1]} : vector<64x128xf32> to vector<64x1xf32>
    %convert_element_type3A_17 = arith.truncf %slice3A : vector<64x1xf32> to vector<64x1xbf16>
    %dot_general3A_18 = arith.constant dense<0.000000e+00> : vector<64x1xf32>
    %dot_general3A_19 = tpu.matmul %convert_element_type3A_9, %convert_element_type3A_17, %dot_general3A_18 {dimension_numbers = #tpu.dot_dimension_numbers<[1], [0], [0], [1], [0, 0, 1, 1], [], []>, transpose_lhs_hint = false} : vector<64x64xbf16>, vector<64x1xbf16>, vector<64x1xf32> -> vector<64x1xf32>
    %add3A = vector.broadcast %dot_general3A_19 : vector<64x1xf32> to vector<64x128xf32>
    %add3A_20 = arith.addf %add3A, %dot_general3A_16 : vector<64x128xf32>
    %convert_element_type3A_21 = arith.extf %convert_element_type3A_15 : vector<64x128xbf16> to vector<64x128xf32>
    %sub3A = arith.subf %add3A_20, %convert_element_type3A_21 : vector<64x128xf32>
    %eq3A_22 = arith.constant 0 : i32
    %eq3A_23 = vector.broadcast %eq3A_22 : i32 to vector<64x128xi32>
    %eq3A_24 = arith.cmpi eq, %get3A_1, %eq3A_23 : vector<64x128xi32>
    %select_n3A = arith.select %eq3A_24, %sub3A, %broadcast_in_dim3A_10 : vector<64x128xi1>, vector<64x128xf32>
    %convert_element_type3A_25 = arith.extf %convert_element_type3A_15 : vector<64x128xbf16> to vector<64x128xf32>
    %reduce_sum3A = vector.shape_cast %convert_element_type3A_25 : vector<64x128xf32> to vector<1x64x128xf32>
    %reduce_sum3A_26 = arith.constant dense<0.000000e+00> : vector<1xf32>
    %reduce_sum3A_27 = vector.multi_reduction <add>, %reduce_sum3A, %reduce_sum3A_26 [1, 2] : vector<1x64x128xf32> to vector<1xf32>
    %reduce_sum3A_28 = vector.shape_cast %reduce_sum3A_27 : vector<1xf32> to vector<1x1x1xf32>
    %reduce_sum3A_29 = vector.extract %reduce_sum3A_28[0, 0, 0] : f32 from vector<1x1x1xf32>
    %convert_element_type3A_30 = arith.fptosi %reduce_sum3A_29 : f32 to i32
    %eq3A_31 = arith.constant 1 : i32
    %eq3A_32 = vector.broadcast %eq3A_31 : i32 to vector<64x128xi32>
    %eq3A_33 = arith.cmpi eq, %get3A_1, %eq3A_32 : vector<64x128xi32>
    %convert_element_type3A_34 = arith.extui %eq3A_33 : vector<64x128xi1> to vector<64x128xi32>
    %convert_element_type3A_35 = arith.sitofp %convert_element_type3A_34 : vector<64x128xi32> to vector<64x128xf32>
    %convert_element_type3A_36 = arith.truncf %convert_element_type3A_35 : vector<64x128xf32> to vector<64x128xbf16>
    %dot_general3A_37 = arith.constant dense<0.000000e+00> : vector<64x128xf32>
    %dot_general3A_38 = tpu.matmul %convert_element_type3A_36, %convert_element_type3A_4, %dot_general3A_37 {dimension_numbers = #tpu.dot_dimension_numbers<[1], [0], [0], [1], [0, 0, 1, 1], [], []>, transpose_lhs_hint = false} : vector<64x128xbf16>, vector<128x128xbf16>, vector<64x128xf32> -> vector<64x128xf32>
    %slice3A_39 = vector.extract_strided_slice %dot_general3A_38 {offsets = [0, 127], sizes = [64, 1], strides = [1, 1]} : vector<64x128xf32> to vector<64x1xf32>
    %convert_element_type3A_40 = arith.truncf %slice3A_39 : vector<64x1xf32> to vector<64x1xbf16>
    %dot_general3A_41 = arith.constant dense<0.000000e+00> : vector<64x1xf32>
    %dot_general3A_42 = tpu.matmul %convert_element_type3A_9, %convert_element_type3A_40, %dot_general3A_41 {dimension_numbers = #tpu.dot_dimension_numbers<[1], [0], [0], [1], [0, 0, 1, 1], [], []>, transpose_lhs_hint = false} : vector<64x64xbf16>, vector<64x1xbf16>, vector<64x1xf32> -> vector<64x1xf32>
    %add3A_43 = vector.broadcast %dot_general3A_42 : vector<64x1xf32> to vector<64x128xf32>
    %add3A_44 = arith.addf %add3A_43, %dot_general3A_38 : vector<64x128xf32>
    %convert_element_type3A_45 = arith.extf %convert_element_type3A_36 : vector<64x128xbf16> to vector<64x128xf32>
    %sub3A_46 = arith.subf %add3A_44, %convert_element_type3A_45 : vector<64x128xf32>
    %eq3A_47 = arith.constant 1 : i32
    %eq3A_48 = vector.broadcast %eq3A_47 : i32 to vector<64x128xi32>
    %eq3A_49 = arith.cmpi eq, %get3A_1, %eq3A_48 : vector<64x128xi32>
    %select_n3A_50 = arith.select %eq3A_49, %sub3A_46, %select_n3A : vector<64x128xi1>, vector<64x128xf32>
    %convert_element_type3A_51 = arith.extf %convert_element_type3A_36 : vector<64x128xbf16> to vector<64x128xf32>
    %reduce_sum3A_52 = vector.shape_cast %convert_element_type3A_51 : vector<64x128xf32> to vector<1x64x128xf32>
    %reduce_sum3A_53 = arith.constant dense<0.000000e+00> : vector<1xf32>
    %reduce_sum3A_54 = vector.multi_reduction <add>, %reduce_sum3A_52, %reduce_sum3A_53 [1, 2] : vector<1x64x128xf32> to vector<1xf32>
    %reduce_sum3A_55 = vector.shape_cast %reduce_sum3A_54 : vector<1xf32> to vector<1x1x1xf32>
    %reduce_sum3A_56 = vector.extract %reduce_sum3A_55[0, 0, 0] : f32 from vector<1x1x1xf32>
    %convert_element_type3A_57 = arith.fptosi %reduce_sum3A_56 : f32 to i32
    %eq3A_58 = arith.constant 2 : i32
    %eq3A_59 = vector.broadcast %eq3A_58 : i32 to vector<64x128xi32>
    %eq3A_60 = arith.cmpi eq, %get3A_1, %eq3A_59 : vector<64x128xi32>
    %convert_element_type3A_61 = arith.extui %eq3A_60 : vector<64x128xi1> to vector<64x128xi32>
    %convert_element_type3A_62 = arith.sitofp %convert_element_type3A_61 : vector<64x128xi32> to vector<64x128xf32>
    %convert_element_type3A_63 = arith.truncf %convert_element_type3A_62 : vector<64x128xf32> to vector<64x128xbf16>
    %dot_general3A_64 = arith.constant dense<0.000000e+00> : vector<64x128xf32>
    %dot_general3A_65 = tpu.matmul %convert_element_type3A_63, %convert_element_type3A_4, %dot_general3A_64 {dimension_numbers = #tpu.dot_dimension_numbers<[1], [0], [0], [1], [0, 0, 1, 1], [], []>, transpose_lhs_hint = false} : vector<64x128xbf16>, vector<128x128xbf16>, vector<64x128xf32> -> vector<64x128xf32>
    %slice3A_66 = vector.extract_strided_slice %dot_general3A_65 {offsets = [0, 127], sizes = [64, 1], strides = [1, 1]} : vector<64x128xf32> to vector<64x1xf32>
    %convert_element_type3A_67 = arith.truncf %slice3A_66 : vector<64x1xf32> to vector<64x1xbf16>
    %dot_general3A_68 = arith.constant dense<0.000000e+00> : vector<64x1xf32>
    %dot_general3A_69 = tpu.matmul %convert_element_type3A_9, %convert_element_type3A_67, %dot_general3A_68 {dimension_numbers = #tpu.dot_dimension_numbers<[1], [0], [0], [1], [0, 0, 1, 1], [], []>, transpose_lhs_hint = false} : vector<64x64xbf16>, vector<64x1xbf16>, vector<64x1xf32> -> vector<64x1xf32>
    %add3A_70 = vector.broadcast %dot_general3A_69 : vector<64x1xf32> to vector<64x128xf32>
    %add3A_71 = arith.addf %add3A_70, %dot_general3A_65 : vector<64x128xf32>
    %convert_element_type3A_72 = arith.extf %convert_element_type3A_63 : vector<64x128xbf16> to vector<64x128xf32>
    %sub3A_73 = arith.subf %add3A_71, %convert_element_type3A_72 : vector<64x128xf32>
    %eq3A_74 = arith.constant 2 : i32
    %eq3A_75 = vector.broadcast %eq3A_74 : i32 to vector<64x128xi32>
    %eq3A_76 = arith.cmpi eq, %get3A_1, %eq3A_75 : vector<64x128xi32>
    %select_n3A_77 = arith.select %eq3A_76, %sub3A_73, %select_n3A_50 : vector<64x128xi1>, vector<64x128xf32>
    %convert_element_type3A_78 = arith.extf %convert_element_type3A_63 : vector<64x128xbf16> to vector<64x128xf32>
    %reduce_sum3A_79 = vector.shape_cast %convert_element_type3A_78 : vector<64x128xf32> to vector<1x64x128xf32>
    %reduce_sum3A_80 = arith.constant dense<0.000000e+00> : vector<1xf32>
    %reduce_sum3A_81 = vector.multi_reduction <add>, %reduce_sum3A_79, %reduce_sum3A_80 [1, 2] : vector<1x64x128xf32> to vector<1xf32>
    %reduce_sum3A_82 = vector.shape_cast %reduce_sum3A_81 : vector<1xf32> to vector<1x1x1xf32>
    %reduce_sum3A_83 = vector.extract %reduce_sum3A_82[0, 0, 0] : f32 from vector<1x1x1xf32>
    %convert_element_type3A_84 = arith.fptosi %reduce_sum3A_83 : f32 to i32
    %eq3A_85 = arith.constant 3 : i32
    %eq3A_86 = vector.broadcast %eq3A_85 : i32 to vector<64x128xi32>
    %eq3A_87 = arith.cmpi eq, %get3A_1, %eq3A_86 : vector<64x128xi32>
    %convert_element_type3A_88 = arith.extui %eq3A_87 : vector<64x128xi1> to vector<64x128xi32>
    %convert_element_type3A_89 = arith.sitofp %convert_element_type3A_88 : vector<64x128xi32> to vector<64x128xf32>
    %convert_element_type3A_90 = arith.truncf %convert_element_type3A_89 : vector<64x128xf32> to vector<64x128xbf16>
    %dot_general3A_91 = arith.constant dense<0.000000e+00> : vector<64x128xf32>
    %dot_general3A_92 = tpu.matmul %convert_element_type3A_90, %convert_element_type3A_4, %dot_general3A_91 {dimension_numbers = #tpu.dot_dimension_numbers<[1], [0], [0], [1], [0, 0, 1, 1], [], []>, transpose_lhs_hint = false} : vector<64x128xbf16>, vector<128x128xbf16>, vector<64x128xf32> -> vector<64x128xf32>
    %slice3A_93 = vector.extract_strided_slice %dot_general3A_92 {offsets = [0, 127], sizes = [64, 1], strides = [1, 1]} : vector<64x128xf32> to vector<64x1xf32>
    %convert_element_type3A_94 = arith.truncf %slice3A_93 : vector<64x1xf32> to vector<64x1xbf16>
    %dot_general3A_95 = arith.constant dense<0.000000e+00> : vector<64x1xf32>
    %dot_general3A_96 = tpu.matmul %convert_element_type3A_9, %convert_element_type3A_94, %dot_general3A_95 {dimension_numbers = #tpu.dot_dimension_numbers<[1], [0], [0], [1], [0, 0, 1, 1], [], []>, transpose_lhs_hint = false} : vector<64x64xbf16>, vector<64x1xbf16>, vector<64x1xf32> -> vector<64x1xf32>
    %add3A_97 = vector.broadcast %dot_general3A_96 : vector<64x1xf32> to vector<64x128xf32>
    %add3A_98 = arith.addf %add3A_97, %dot_general3A_92 : vector<64x128xf32>
    %convert_element_type3A_99 = arith.extf %convert_element_type3A_90 : vector<64x128xbf16> to vector<64x128xf32>
    %sub3A_100 = arith.subf %add3A_98, %convert_element_type3A_99 : vector<64x128xf32>
    %eq3A_101 = arith.constant 3 : i32
    %eq3A_102 = vector.broadcast %eq3A_101 : i32 to vector<64x128xi32>
    %eq3A_103 = arith.cmpi eq, %get3A_1, %eq3A_102 : vector<64x128xi32>
    %select_n3A_104 = arith.select %eq3A_103, %sub3A_100, %select_n3A_77 : vector<64x128xi1>, vector<64x128xf32>
    %convert_element_type3A_105 = arith.extf %convert_element_type3A_90 : vector<64x128xbf16> to vector<64x128xf32>
    %reduce_sum3A_106 = vector.shape_cast %convert_element_type3A_105 : vector<64x128xf32> to vector<1x64x128xf32>
    %reduce_sum3A_107 = arith.constant dense<0.000000e+00> : vector<1xf32>
    %reduce_sum3A_108 = vector.multi_reduction <add>, %reduce_sum3A_106, %reduce_sum3A_107 [1, 2] : vector<1x64x128xf32> to vector<1xf32>
    %reduce_sum3A_109 = vector.shape_cast %reduce_sum3A_108 : vector<1xf32> to vector<1x1x1xf32>
    %reduce_sum3A_110 = vector.extract %reduce_sum3A_109[0, 0, 0] : f32 from vector<1x1x1xf32>
    %convert_element_type3A_111 = arith.fptosi %reduce_sum3A_110 : f32 to i32
    %eq3A_112 = arith.constant 4 : i32
    %eq3A_113 = vector.broadcast %eq3A_112 : i32 to vector<64x128xi32>
    %eq3A_114 = arith.cmpi eq, %get3A_1, %eq3A_113 : vector<64x128xi32>
    %convert_element_type3A_115 = arith.extui %eq3A_114 : vector<64x128xi1> to vector<64x128xi32>
    %convert_element_type3A_116 = arith.sitofp %convert_element_type3A_115 : vector<64x128xi32> to vector<64x128xf32>
    %convert_element_type3A_117 = arith.truncf %convert_element_type3A_116 : vector<64x128xf32> to vector<64x128xbf16>
    %dot_general3A_118 = arith.constant dense<0.000000e+00> : vector<64x128xf32>
    %dot_general3A_119 = tpu.matmul %convert_element_type3A_117, %convert_element_type3A_4, %dot_general3A_118 {dimension_numbers = #tpu.dot_dimension_numbers<[1], [0], [0], [1], [0, 0, 1, 1], [], []>, transpose_lhs_hint = false} : vector<64x128xbf16>, vector<128x128xbf16>, vector<64x128xf32> -> vector<64x128xf32>
    %slice3A_120 = vector.extract_strided_slice %dot_general3A_119 {offsets = [0, 127], sizes = [64, 1], strides = [1, 1]} : vector<64x128xf32> to vector<64x1xf32>
    %convert_element_type3A_121 = arith.truncf %slice3A_120 : vector<64x1xf32> to vector<64x1xbf16>
    %dot_general3A_122 = arith.constant dense<0.000000e+00> : vector<64x1xf32>
    %dot_general3A_123 = tpu.matmul %convert_element_type3A_9, %convert_element_type3A_121, %dot_general3A_122 {dimension_numbers = #tpu.dot_dimension_numbers<[1], [0], [0], [1], [0, 0, 1, 1], [], []>, transpose_lhs_hint = false} : vector<64x64xbf16>, vector<64x1xbf16>, vector<64x1xf32> -> vector<64x1xf32>
    %add3A_124 = vector.broadcast %dot_general3A_123 : vector<64x1xf32> to vector<64x128xf32>
    %add3A_125 = arith.addf %add3A_124, %dot_general3A_119 : vector<64x128xf32>
    %convert_element_type3A_126 = arith.extf %convert_element_type3A_117 : vector<64x128xbf16> to vector<64x128xf32>
    %sub3A_127 = arith.subf %add3A_125, %convert_element_type3A_126 : vector<64x128xf32>
    %eq3A_128 = arith.constant 4 : i32
    %eq3A_129 = vector.broadcast %eq3A_128 : i32 to vector<64x128xi32>
    %eq3A_130 = arith.cmpi eq, %get3A_1, %eq3A_129 : vector<64x128xi32>
    %select_n3A_131 = arith.select %eq3A_130, %sub3A_127, %select_n3A_104 : vector<64x128xi1>, vector<64x128xf32>
    %convert_element_type3A_132 = arith.extf %convert_element_type3A_117 : vector<64x128xbf16> to vector<64x128xf32>
    %reduce_sum3A_133 = vector.shape_cast %convert_element_type3A_132 : vector<64x128xf32> to vector<1x64x128xf32>
    %reduce_sum3A_134 = arith.constant dense<0.000000e+00> : vector<1xf32>
    %reduce_sum3A_135 = vector.multi_reduction <add>, %reduce_sum3A_133, %reduce_sum3A_134 [1, 2] : vector<1x64x128xf32> to vector<1xf32>
    %reduce_sum3A_136 = vector.shape_cast %reduce_sum3A_135 : vector<1xf32> to vector<1x1x1xf32>
    %reduce_sum3A_137 = vector.extract %reduce_sum3A_136[0, 0, 0] : f32 from vector<1x1x1xf32>
    %convert_element_type3A_138 = arith.fptosi %reduce_sum3A_137 : f32 to i32
    %eq3A_139 = arith.constant 5 : i32
    %eq3A_140 = vector.broadcast %eq3A_139 : i32 to vector<64x128xi32>
    %eq3A_141 = arith.cmpi eq, %get3A_1, %eq3A_140 : vector<64x128xi32>
    %convert_element_type3A_142 = arith.extui %eq3A_141 : vector<64x128xi1> to vector<64x128xi32>
    %convert_element_type3A_143 = arith.sitofp %convert_element_type3A_142 : vector<64x128xi32> to vector<64x128xf32>
    %convert_element_type3A_144 = arith.truncf %convert_element_type3A_143 : vector<64x128xf32> to vector<64x128xbf16>
    %dot_general3A_145 = arith.constant dense<0.000000e+00> : vector<64x128xf32>
    %dot_general3A_146 = tpu.matmul %convert_element_type3A_144, %convert_element_type3A_4, %dot_general3A_145 {dimension_numbers = #tpu.dot_dimension_numbers<[1], [0], [0], [1], [0, 0, 1, 1], [], []>, transpose_lhs_hint = false} : vector<64x128xbf16>, vector<128x128xbf16>, vector<64x128xf32> -> vector<64x128xf32>
    %slice3A_147 = vector.extract_strided_slice %dot_general3A_146 {offsets = [0, 127], sizes = [64, 1], strides = [1, 1]} : vector<64x128xf32> to vector<64x1xf32>
    %convert_element_type3A_148 = arith.truncf %slice3A_147 : vector<64x1xf32> to vector<64x1xbf16>
    %dot_general3A_149 = arith.constant dense<0.000000e+00> : vector<64x1xf32>
    %dot_general3A_150 = tpu.matmul %convert_element_type3A_9, %convert_element_type3A_148, %dot_general3A_149 {dimension_numbers = #tpu.dot_dimension_numbers<[1], [0], [0], [1], [0, 0, 1, 1], [], []>, transpose_lhs_hint = false} : vector<64x64xbf16>, vector<64x1xbf16>, vector<64x1xf32> -> vector<64x1xf32>
    %add3A_151 = vector.broadcast %dot_general3A_150 : vector<64x1xf32> to vector<64x128xf32>
    %add3A_152 = arith.addf %add3A_151, %dot_general3A_146 : vector<64x128xf32>
    %convert_element_type3A_153 = arith.extf %convert_element_type3A_144 : vector<64x128xbf16> to vector<64x128xf32>
    %sub3A_154 = arith.subf %add3A_152, %convert_element_type3A_153 : vector<64x128xf32>
    %eq3A_155 = arith.constant 5 : i32
    %eq3A_156 = vector.broadcast %eq3A_155 : i32 to vector<64x128xi32>
    %eq3A_157 = arith.cmpi eq, %get3A_1, %eq3A_156 : vector<64x128xi32>
    %select_n3A_158 = arith.select %eq3A_157, %sub3A_154, %select_n3A_131 : vector<64x128xi1>, vector<64x128xf32>
    %convert_element_type3A_159 = arith.extf %convert_element_type3A_144 : vector<64x128xbf16> to vector<64x128xf32>
    %reduce_sum3A_160 = vector.shape_cast %convert_element_type3A_159 : vector<64x128xf32> to vector<1x64x128xf32>
    %reduce_sum3A_161 = arith.constant dense<0.000000e+00> : vector<1xf32>
    %reduce_sum3A_162 = vector.multi_reduction <add>, %reduce_sum3A_160, %reduce_sum3A_161 [1, 2] : vector<1x64x128xf32> to vector<1xf32>
    %reduce_sum3A_163 = vector.shape_cast %reduce_sum3A_162 : vector<1xf32> to vector<1x1x1xf32>
    %reduce_sum3A_164 = vector.extract %reduce_sum3A_163[0, 0, 0] : f32 from vector<1x1x1xf32>
    %convert_element_type3A_165 = arith.fptosi %reduce_sum3A_164 : f32 to i32
    %eq3A_166 = arith.constant 6 : i32
    %eq3A_167 = vector.broadcast %eq3A_166 : i32 to vector<64x128xi32>
    %eq3A_168 = arith.cmpi eq, %get3A_1, %eq3A_167 : vector<64x128xi32>
    %convert_element_type3A_169 = arith.extui %eq3A_168 : vector<64x128xi1> to vector<64x128xi32>
    %convert_element_type3A_170 = arith.sitofp %convert_element_type3A_169 : vector<64x128xi32> to vector<64x128xf32>
    %convert_element_type3A_171 = arith.truncf %convert_element_type3A_170 : vector<64x128xf32> to vector<64x128xbf16>
    %dot_general3A_172 = arith.constant dense<0.000000e+00> : vector<64x128xf32>
    %dot_general3A_173 = tpu.matmul %convert_element_type3A_171, %convert_element_type3A_4, %dot_general3A_172 {dimension_numbers = #tpu.dot_dimension_numbers<[1], [0], [0], [1], [0, 0, 1, 1], [], []>, transpose_lhs_hint = false} : vector<64x128xbf16>, vector<128x128xbf16>, vector<64x128xf32> -> vector<64x128xf32>
    %slice3A_174 = vector.extract_strided_slice %dot_general3A_173 {offsets = [0, 127], sizes = [64, 1], strides = [1, 1]} : vector<64x128xf32> to vector<64x1xf32>
    %convert_element_type3A_175 = arith.truncf %slice3A_174 : vector<64x1xf32> to vector<64x1xbf16>
    %dot_general3A_176 = arith.constant dense<0.000000e+00> : vector<64x1xf32>
    %dot_general3A_177 = tpu.matmul %convert_element_type3A_9, %convert_element_type3A_175, %dot_general3A_176 {dimension_numbers = #tpu.dot_dimension_numbers<[1], [0], [0], [1], [0, 0, 1, 1], [], []>, transpose_lhs_hint = false} : vector<64x64xbf16>, vector<64x1xbf16>, vector<64x1xf32> -> vector<64x1xf32>
    %add3A_178 = vector.broadcast %dot_general3A_177 : vector<64x1xf32> to vector<64x128xf32>
    %add3A_179 = arith.addf %add3A_178, %dot_general3A_173 : vector<64x128xf32>
    %convert_element_type3A_180 = arith.extf %convert_element_type3A_171 : vector<64x128xbf16> to vector<64x128xf32>
    %sub3A_181 = arith.subf %add3A_179, %convert_element_type3A_180 : vector<64x128xf32>
    %eq3A_182 = arith.constant 6 : i32
    %eq3A_183 = vector.broadcast %eq3A_182 : i32 to vector<64x128xi32>
    %eq3A_184 = arith.cmpi eq, %get3A_1, %eq3A_183 : vector<64x128xi32>
    %select_n3A_185 = arith.select %eq3A_184, %sub3A_181, %select_n3A_158 : vector<64x128xi1>, vector<64x128xf32>
    %convert_element_type3A_186 = arith.extf %convert_element_type3A_171 : vector<64x128xbf16> to vector<64x128xf32>
    %reduce_sum3A_187 = vector.shape_cast %convert_element_type3A_186 : vector<64x128xf32> to vector<1x64x128xf32>
    %reduce_sum3A_188 = arith.constant dense<0.000000e+00> : vector<1xf32>
    %reduce_sum3A_189 = vector.multi_reduction <add>, %reduce_sum3A_187, %reduce_sum3A_188 [1, 2] : vector<1x64x128xf32> to vector<1xf32>
    %reduce_sum3A_190 = vector.shape_cast %reduce_sum3A_189 : vector<1xf32> to vector<1x1x1xf32>
    %reduce_sum3A_191 = vector.extract %reduce_sum3A_190[0, 0, 0] : f32 from vector<1x1x1xf32>
    %convert_element_type3A_192 = arith.fptosi %reduce_sum3A_191 : f32 to i32
    %eq3A_193 = arith.constant 7 : i32
    %eq3A_194 = vector.broadcast %eq3A_193 : i32 to vector<64x128xi32>
    %eq3A_195 = arith.cmpi eq, %get3A_1, %eq3A_194 : vector<64x128xi32>
    %convert_element_type3A_196 = arith.extui %eq3A_195 : vector<64x128xi1> to vector<64x128xi32>
    %convert_element_type3A_197 = arith.sitofp %convert_element_type3A_196 : vector<64x128xi32> to vector<64x128xf32>
    %convert_element_type3A_198 = arith.truncf %convert_element_type3A_197 : vector<64x128xf32> to vector<64x128xbf16>
    %dot_general3A_199 = arith.constant dense<0.000000e+00> : vector<64x128xf32>
    %dot_general3A_200 = tpu.matmul %convert_element_type3A_198, %convert_element_type3A_4, %dot_general3A_199 {dimension_numbers = #tpu.dot_dimension_numbers<[1], [0], [0], [1], [0, 0, 1, 1], [], []>, transpose_lhs_hint = false} : vector<64x128xbf16>, vector<128x128xbf16>, vector<64x128xf32> -> vector<64x128xf32>
    %slice3A_201 = vector.extract_strided_slice %dot_general3A_200 {offsets = [0, 127], sizes = [64, 1], strides = [1, 1]} : vector<64x128xf32> to vector<64x1xf32>
    %convert_element_type3A_202 = arith.truncf %slice3A_201 : vector<64x1xf32> to vector<64x1xbf16>
    %dot_general3A_203 = arith.constant dense<0.000000e+00> : vector<64x1xf32>
    %dot_general3A_204 = tpu.matmul %convert_element_type3A_9, %convert_element_type3A_202, %dot_general3A_203 {dimension_numbers = #tpu.dot_dimension_numbers<[1], [0], [0], [1], [0, 0, 1, 1], [], []>, transpose_lhs_hint = false} : vector<64x64xbf16>, vector<64x1xbf16>, vector<64x1xf32> -> vector<64x1xf32>
    %add3A_205 = vector.broadcast %dot_general3A_204 : vector<64x1xf32> to vector<64x128xf32>
    %add3A_206 = arith.addf %add3A_205, %dot_general3A_200 : vector<64x128xf32>
    %convert_element_type3A_207 = arith.extf %convert_element_type3A_198 : vector<64x128xbf16> to vector<64x128xf32>
    %sub3A_208 = arith.subf %add3A_206, %convert_element_type3A_207 : vector<64x128xf32>
    %eq3A_209 = arith.constant 7 : i32
    %eq3A_210 = vector.broadcast %eq3A_209 : i32 to vector<64x128xi32>
    %eq3A_211 = arith.cmpi eq, %get3A_1, %eq3A_210 : vector<64x128xi32>
    %select_n3A_212 = arith.select %eq3A_211, %sub3A_208, %select_n3A_185 : vector<64x128xi1>, vector<64x128xf32>
    %convert_element_type3A_213 = arith.extf %convert_element_type3A_198 : vector<64x128xbf16> to vector<64x128xf32>
    %reduce_sum3A_214 = vector.shape_cast %convert_element_type3A_213 : vector<64x128xf32> to vector<1x64x128xf32>
    %reduce_sum3A_215 = arith.constant dense<0.000000e+00> : vector<1xf32>
    %reduce_sum3A_216 = vector.multi_reduction <add>, %reduce_sum3A_214, %reduce_sum3A_215 [1, 2] : vector<1x64x128xf32> to vector<1xf32>
    %reduce_sum3A_217 = vector.shape_cast %reduce_sum3A_216 : vector<1xf32> to vector<1x1x1xf32>
    %reduce_sum3A_218 = vector.extract %reduce_sum3A_217[0, 0, 0] : f32 from vector<1x1x1xf32>
    %convert_element_type3A_219 = arith.fptosi %reduce_sum3A_218 : f32 to i32
    %add3A_220 = arith.constant 255 : i32
    %add3A_221 = arith.addi %convert_element_type3A_30, %add3A_220 : i32
    %shift_right_arithmetic3A = arith.constant 8 : i32
    %shift_right_arithmetic3A_222 = arith.shrsi %add3A_221, %shift_right_arithmetic3A : i32
    %add3A_223 = arith.constant 0 : i32
    %add3A_224 = arith.addi %add3A_223, %shift_right_arithmetic3A_222 : i32
    %add3A_225 = arith.constant 255 : i32
    %add3A_226 = arith.addi %convert_element_type3A_57, %add3A_225 : i32
    %shift_right_arithmetic3A_227 = arith.constant 8 : i32
    %shift_right_arithmetic3A_228 = arith.shrsi %add3A_226, %shift_right_arithmetic3A_227 : i32
    %add3A_229 = arith.addi %add3A_224, %shift_right_arithmetic3A_228 : i32
    %add3A_230 = arith.constant 255 : i32
    %add3A_231 = arith.addi %convert_element_type3A_84, %add3A_230 : i32
    %shift_right_arithmetic3A_232 = arith.constant 8 : i32
    %shift_right_arithmetic3A_233 = arith.shrsi %add3A_231, %shift_right_arithmetic3A_232 : i32
    %add3A_234 = arith.addi %add3A_229, %shift_right_arithmetic3A_233 : i32
    %add3A_235 = arith.constant 255 : i32
    %add3A_236 = arith.addi %convert_element_type3A_111, %add3A_235 : i32
    %shift_right_arithmetic3A_237 = arith.constant 8 : i32
    %shift_right_arithmetic3A_238 = arith.shrsi %add3A_236, %shift_right_arithmetic3A_237 : i32
    %add3A_239 = arith.addi %add3A_234, %shift_right_arithmetic3A_238 : i32
    %add3A_240 = arith.constant 255 : i32
    %add3A_241 = arith.addi %convert_element_type3A_138, %add3A_240 : i32
    %shift_right_arithmetic3A_242 = arith.constant 8 : i32
    %shift_right_arithmetic3A_243 = arith.shrsi %add3A_241, %shift_right_arithmetic3A_242 : i32
    %add3A_244 = arith.addi %add3A_239, %shift_right_arithmetic3A_243 : i32
    %add3A_245 = arith.constant 255 : i32
    %add3A_246 = arith.addi %convert_element_type3A_165, %add3A_245 : i32
    %shift_right_arithmetic3A_247 = arith.constant 8 : i32
    %shift_right_arithmetic3A_248 = arith.shrsi %add3A_246, %shift_right_arithmetic3A_247 : i32
    %add3A_249 = arith.addi %add3A_244, %shift_right_arithmetic3A_248 : i32
    %add3A_250 = arith.constant 255 : i32
    %add3A_251 = arith.addi %convert_element_type3A_192, %add3A_250 : i32
    %shift_right_arithmetic3A_252 = arith.constant 8 : i32
    %shift_right_arithmetic3A_253 = arith.shrsi %add3A_251, %shift_right_arithmetic3A_252 : i32
    %add3A_254 = arith.addi %add3A_249, %shift_right_arithmetic3A_253 : i32
    %add3A_255 = arith.constant 255 : i32
    %add3A_256 = arith.addi %convert_element_type3A_219, %add3A_255 : i32
    %shift_right_arithmetic3A_257 = arith.constant 8 : i32
    %shift_right_arithmetic3A_258 = arith.shrsi %add3A_256, %shift_right_arithmetic3A_257 : i32
    %broadcast_in_dim3A_259 = arith.constant 0.000000e+00 : f32
    %broadcast_in_dim3A_260 = vector.broadcast %broadcast_in_dim3A_259 : f32 to vector<64x128xf32>
    %eq3A_261 = arith.constant 0 : i32
    %eq3A_262 = vector.broadcast %eq3A_261 : i32 to vector<64x128xi32>
    %eq3A_263 = arith.cmpi eq, %get3A_1, %eq3A_262 : vector<64x128xi32>
    %mul3A = arith.constant 0 : i32
    %mul3A_264 = arith.constant 256 : i32
    %mul3A_265 = arith.muli %mul3A, %mul3A_264 : i32
    %convert_element_type3A_266 = arith.sitofp %mul3A_265 : i32 to f32
    %broadcast_in_dim3A_267 = vector.broadcast %convert_element_type3A_266 : f32 to vector<64x128xf32>
    %select_n3A_268 = arith.select %eq3A_263, %broadcast_in_dim3A_267, %broadcast_in_dim3A_260 : vector<64x128xi1>, vector<64x128xf32>
    %eq3A_269 = arith.constant 1 : i32
    %eq3A_270 = vector.broadcast %eq3A_269 : i32 to vector<64x128xi32>
    %eq3A_271 = arith.cmpi eq, %get3A_1, %eq3A_270 : vector<64x128xi32>
    %mul3A_272 = arith.constant 256 : i32
    %mul3A_273 = arith.muli %add3A_224, %mul3A_272 : i32
    %convert_element_type3A_274 = arith.sitofp %mul3A_273 : i32 to f32
    %broadcast_in_dim3A_275 = vector.broadcast %convert_element_type3A_274 : f32 to vector<64x128xf32>
    %select_n3A_276 = arith.select %eq3A_271, %broadcast_in_dim3A_275, %select_n3A_268 : vector<64x128xi1>, vector<64x128xf32>
    %eq3A_277 = arith.constant 2 : i32
    %eq3A_278 = vector.broadcast %eq3A_277 : i32 to vector<64x128xi32>
    %eq3A_279 = arith.cmpi eq, %get3A_1, %eq3A_278 : vector<64x128xi32>
    %mul3A_280 = arith.constant 256 : i32
    %mul3A_281 = arith.muli %add3A_229, %mul3A_280 : i32
    %convert_element_type3A_282 = arith.sitofp %mul3A_281 : i32 to f32
    %broadcast_in_dim3A_283 = vector.broadcast %convert_element_type3A_282 : f32 to vector<64x128xf32>
    %select_n3A_284 = arith.select %eq3A_279, %broadcast_in_dim3A_283, %select_n3A_276 : vector<64x128xi1>, vector<64x128xf32>
    %eq3A_285 = arith.constant 3 : i32
    %eq3A_286 = vector.broadcast %eq3A_285 : i32 to vector<64x128xi32>
    %eq3A_287 = arith.cmpi eq, %get3A_1, %eq3A_286 : vector<64x128xi32>
    %mul3A_288 = arith.constant 256 : i32
    %mul3A_289 = arith.muli %add3A_234, %mul3A_288 : i32
    %convert_element_type3A_290 = arith.sitofp %mul3A_289 : i32 to f32
    %broadcast_in_dim3A_291 = vector.broadcast %convert_element_type3A_290 : f32 to vector<64x128xf32>
    %select_n3A_292 = arith.select %eq3A_287, %broadcast_in_dim3A_291, %select_n3A_284 : vector<64x128xi1>, vector<64x128xf32>
    %eq3A_293 = arith.constant 4 : i32
    %eq3A_294 = vector.broadcast %eq3A_293 : i32 to vector<64x128xi32>
    %eq3A_295 = arith.cmpi eq, %get3A_1, %eq3A_294 : vector<64x128xi32>
    %mul3A_296 = arith.constant 256 : i32
    %mul3A_297 = arith.muli %add3A_239, %mul3A_296 : i32
    %convert_element_type3A_298 = arith.sitofp %mul3A_297 : i32 to f32
    %broadcast_in_dim3A_299 = vector.broadcast %convert_element_type3A_298 : f32 to vector<64x128xf32>
    %select_n3A_300 = arith.select %eq3A_295, %broadcast_in_dim3A_299, %select_n3A_292 : vector<64x128xi1>, vector<64x128xf32>
    %eq3A_301 = arith.constant 5 : i32
    %eq3A_302 = vector.broadcast %eq3A_301 : i32 to vector<64x128xi32>
    %eq3A_303 = arith.cmpi eq, %get3A_1, %eq3A_302 : vector<64x128xi32>
    %mul3A_304 = arith.constant 256 : i32
    %mul3A_305 = arith.muli %add3A_244, %mul3A_304 : i32
    %convert_element_type3A_306 = arith.sitofp %mul3A_305 : i32 to f32
    %broadcast_in_dim3A_307 = vector.broadcast %convert_element_type3A_306 : f32 to vector<64x128xf32>
    %select_n3A_308 = arith.select %eq3A_303, %broadcast_in_dim3A_307, %select_n3A_300 : vector<64x128xi1>, vector<64x128xf32>
    %eq3A_309 = arith.constant 6 : i32
    %eq3A_310 = vector.broadcast %eq3A_309 : i32 to vector<64x128xi32>
    %eq3A_311 = arith.cmpi eq, %get3A_1, %eq3A_310 : vector<64x128xi32>
    %mul3A_312 = arith.constant 256 : i32
    %mul3A_313 = arith.muli %add3A_249, %mul3A_312 : i32
    %convert_element_type3A_314 = arith.sitofp %mul3A_313 : i32 to f32
    %broadcast_in_dim3A_315 = vector.broadcast %convert_element_type3A_314 : f32 to vector<64x128xf32>
    %select_n3A_316 = arith.select %eq3A_311, %broadcast_in_dim3A_315, %select_n3A_308 : vector<64x128xi1>, vector<64x128xf32>
    %eq3A_317 = arith.constant 7 : i32
    %eq3A_318 = vector.broadcast %eq3A_317 : i32 to vector<64x128xi32>
    %eq3A_319 = arith.cmpi eq, %get3A_1, %eq3A_318 : vector<64x128xi32>
    %mul3A_320 = arith.constant 256 : i32
    %mul3A_321 = arith.muli %add3A_254, %mul3A_320 : i32
    %convert_element_type3A_322 = arith.sitofp %mul3A_321 : i32 to f32
    %broadcast_in_dim3A_323 = vector.broadcast %convert_element_type3A_322 : f32 to vector<64x128xf32>
    %select_n3A_324 = arith.select %eq3A_319, %broadcast_in_dim3A_323, %select_n3A_316 : vector<64x128xi1>, vector<64x128xf32>
    %add3A_325 = arith.addf %select_n3A_324, %select_n3A_212 : vector<64x128xf32>
    %convert_element_type3A_326 = arith.fptosi %add3A_325 : vector<64x128xf32> to vector<64x128xi32>
    %swap3A = arith.constant 0 : index
    %swap3A_327 = arith.constant 0 : index
    %swap3A_328 = vector.load %arg2[%swap3A, %swap3A_327] : memref<64x128xi32, #tpu.memory_space<vmem>>, vector<64x128xi32>
    tpu.vector_store %arg2[%swap3A, %swap3A_327], %convert_element_type3A_326 {strides = array<i32>} : memref<64x128xi32, #tpu.memory_space<vmem>>, vector<64x128xi32>,
    %iota3A_329 = tpu.iota {dimensions = array<i32: 1>} : vector<8x48xi32>
    %broadcast_in_dim3A_330 = arith.constant 0 : i32
    %broadcast_in_dim3A_331 = vector.broadcast %broadcast_in_dim3A_330 : i32 to vector<8x48xi32>
    %broadcast_in_dim3A_332 = arith.constant 0 : i32
    %broadcast_in_dim3A_333 = vector.broadcast %broadcast_in_dim3A_332 : i32 to vector<8x48xi32>
    %ge3A = arith.constant 0 : i32
    %ge3A_334 = vector.broadcast %ge3A : i32 to vector<8x48xi32>
    %ge3A_335 = arith.cmpi sge, %iota3A_329, %ge3A_334 : vector<8x48xi32>
    %add3A_336 = arith.constant 0 : i32
    %add3A_337 = arith.addi %add3A_336, %shift_right_arithmetic3A_222 : i32
    %lt3A_338 = vector.broadcast %add3A_337 : i32 to vector<8x48xi32>
    %lt3A_339 = arith.cmpi slt, %iota3A_329, %lt3A_338 : vector<8x48xi32>
    %and3A = arith.andi %ge3A_335, %lt3A_339 : vector<8x48xi1>
    %jit3A = arith.constant 0 : i32
    %broadcast_in_dim3A_340 = vector.broadcast %jit3A : i32 to vector<8x48xi32>
    %select_n3A_341 = arith.select %and3A, %broadcast_in_dim3A_340, %broadcast_in_dim3A_331 : vector<8x48xi1>, vector<8x48xi32>
    %jit3A_342 = arith.constant 1 : i32
    %broadcast_in_dim3A_343 = vector.broadcast %jit3A_342 : i32 to vector<8x48xi32>
    %select_n3A_344 = arith.select %and3A, %broadcast_in_dim3A_343, %broadcast_in_dim3A_333 : vector<8x48xi1>, vector<8x48xi32>
    %ge3A_345 = vector.broadcast %add3A_224 : i32 to vector<8x48xi32>
    %ge3A_346 = arith.cmpi sge, %iota3A_329, %ge3A_345 : vector<8x48xi32>
    %add3A_347 = arith.addi %add3A_224, %shift_right_arithmetic3A_228 : i32
    %lt3A_348 = vector.broadcast %add3A_347 : i32 to vector<8x48xi32>
    %lt3A_349 = arith.cmpi slt, %iota3A_329, %lt3A_348 : vector<8x48xi32>
    %and3A_350 = arith.andi %ge3A_346, %lt3A_349 : vector<8x48xi1>
    %jit3A_351 = arith.constant 1 : i32
    %broadcast_in_dim3A_352 = vector.broadcast %jit3A_351 : i32 to vector<8x48xi32>
    %select_n3A_353 = arith.select %and3A_350, %broadcast_in_dim3A_352, %select_n3A_341 : vector<8x48xi1>, vector<8x48xi32>
    %jit3A_354 = arith.constant 1 : i32
    %broadcast_in_dim3A_355 = vector.broadcast %jit3A_354 : i32 to vector<8x48xi32>
    %select_n3A_356 = arith.select %and3A_350, %broadcast_in_dim3A_355, %select_n3A_344 : vector<8x48xi1>, vector<8x48xi32>
    %ge3A_357 = vector.broadcast %add3A_229 : i32 to vector<8x48xi32>
    %ge3A_358 = arith.cmpi sge, %iota3A_329, %ge3A_357 : vector<8x48xi32>
    %add3A_359 = arith.addi %add3A_229, %shift_right_arithmetic3A_233 : i32
    %lt3A_360 = vector.broadcast %add3A_359 : i32 to vector<8x48xi32>
    %lt3A_361 = arith.cmpi slt, %iota3A_329, %lt3A_360 : vector<8x48xi32>
    %and3A_362 = arith.andi %ge3A_358, %lt3A_361 : vector<8x48xi1>
    %jit3A_363 = arith.constant 2 : i32
    %broadcast_in_dim3A_364 = vector.broadcast %jit3A_363 : i32 to vector<8x48xi32>
    %select_n3A_365 = arith.select %and3A_362, %broadcast_in_dim3A_364, %select_n3A_353 : vector<8x48xi1>, vector<8x48xi32>
    %jit3A_366 = arith.constant 1 : i32
    %broadcast_in_dim3A_367 = vector.broadcast %jit3A_366 : i32 to vector<8x48xi32>
    %select_n3A_368 = arith.select %and3A_362, %broadcast_in_dim3A_367, %select_n3A_356 : vector<8x48xi1>, vector<8x48xi32>
    %ge3A_369 = vector.broadcast %add3A_234 : i32 to vector<8x48xi32>
    %ge3A_370 = arith.cmpi sge, %iota3A_329, %ge3A_369 : vector<8x48xi32>
    %add3A_371 = arith.addi %add3A_234, %shift_right_arithmetic3A_238 : i32
    %lt3A_372 = vector.broadcast %add3A_371 : i32 to vector<8x48xi32>
    %lt3A_373 = arith.cmpi slt, %iota3A_329, %lt3A_372 : vector<8x48xi32>
    %and3A_374 = arith.andi %ge3A_370, %lt3A_373 : vector<8x48xi1>
    %jit3A_375 = arith.constant 3 : i32
    %broadcast_in_dim3A_376 = vector.broadcast %jit3A_375 : i32 to vector<8x48xi32>
    %select_n3A_377 = arith.select %and3A_374, %broadcast_in_dim3A_376, %select_n3A_365 : vector<8x48xi1>, vector<8x48xi32>
    %jit3A_378 = arith.constant 1 : i32
    %broadcast_in_dim3A_379 = vector.broadcast %jit3A_378 : i32 to vector<8x48xi32>
    %select_n3A_380 = arith.select %and3A_374, %broadcast_in_dim3A_379, %select_n3A_368 : vector<8x48xi1>, vector<8x48xi32>
    %ge3A_381 = vector.broadcast %add3A_239 : i32 to vector<8x48xi32>
    %ge3A_382 = arith.cmpi sge, %iota3A_329, %ge3A_381 : vector<8x48xi32>
    %add3A_383 = arith.addi %add3A_239, %shift_right_arithmetic3A_243 : i32
    %lt3A_384 = vector.broadcast %add3A_383 : i32 to vector<8x48xi32>
    %lt3A_385 = arith.cmpi slt, %iota3A_329, %lt3A_384 : vector<8x48xi32>
    %and3A_386 = arith.andi %ge3A_382, %lt3A_385 : vector<8x48xi1>
    %jit3A_387 = arith.constant 4 : i32
    %broadcast_in_dim3A_388 = vector.broadcast %jit3A_387 : i32 to vector<8x48xi32>
    %select_n3A_389 = arith.select %and3A_386, %broadcast_in_dim3A_388, %select_n3A_377 : vector<8x48xi1>, vector<8x48xi32>
    %jit3A_390 = arith.constant 1 : i32
    %broadcast_in_dim3A_391 = vector.broadcast %jit3A_390 : i32 to vector<8x48xi32>
    %select_n3A_392 = arith.select %and3A_386, %broadcast_in_dim3A_391, %select_n3A_380 : vector<8x48xi1>, vector<8x48xi32>
    %ge3A_393 = vector.broadcast %add3A_244 : i32 to vector<8x48xi32>
    %ge3A_394 = arith.cmpi sge, %iota3A_329, %ge3A_393 : vector<8x48xi32>
    %add3A_395 = arith.addi %add3A_244, %shift_right_arithmetic3A_248 : i32
    %lt3A_396 = vector.broadcast %add3A_395 : i32 to vector<8x48xi32>
    %lt3A_397 = arith.cmpi slt, %iota3A_329, %lt3A_396 : vector<8x48xi32>
    %and3A_398 = arith.andi %ge3A_394, %lt3A_397 : vector<8x48xi1>
    %jit3A_399 = arith.constant 5 : i32
    %broadcast_in_dim3A_400 = vector.broadcast %jit3A_399 : i32 to vector<8x48xi32>
    %select_n3A_401 = arith.select %and3A_398, %broadcast_in_dim3A_400, %select_n3A_389 : vector<8x48xi1>, vector<8x48xi32>
    %jit3A_402 = arith.constant 1 : i32
    %broadcast_in_dim3A_403 = vector.broadcast %jit3A_402 : i32 to vector<8x48xi32>
    %select_n3A_404 = arith.select %and3A_398, %broadcast_in_dim3A_403, %select_n3A_392 : vector<8x48xi1>, vector<8x48xi32>
    %ge3A_405 = vector.broadcast %add3A_249 : i32 to vector<8x48xi32>
    %ge3A_406 = arith.cmpi sge, %iota3A_329, %ge3A_405 : vector<8x48xi32>
    %add3A_407 = arith.addi %add3A_249, %shift_right_arithmetic3A_253 : i32
    %lt3A_408 = vector.broadcast %add3A_407 : i32 to vector<8x48xi32>
    %lt3A_409 = arith.cmpi slt, %iota3A_329, %lt3A_408 : vector<8x48xi32>
    %and3A_410 = arith.andi %ge3A_406, %lt3A_409 : vector<8x48xi1>
    %jit3A_411 = arith.constant 6 : i32
    %broadcast_in_dim3A_412 = vector.broadcast %jit3A_411 : i32 to vector<8x48xi32>
    %select_n3A_413 = arith.select %and3A_410, %broadcast_in_dim3A_412, %select_n3A_401 : vector<8x48xi1>, vector<8x48xi32>
    %jit3A_414 = arith.constant 1 : i32
    %broadcast_in_dim3A_415 = vector.broadcast %jit3A_414 : i32 to vector<8x48xi32>
    %select_n3A_416 = arith.select %and3A_410, %broadcast_in_dim3A_415, %select_n3A_404 : vector<8x48xi1>, vector<8x48xi32>
    %ge3A_417 = vector.broadcast %add3A_254 : i32 to vector<8x48xi32>
    %ge3A_418 = arith.cmpi sge, %iota3A_329, %ge3A_417 : vector<8x48xi32>
    %add3A_419 = arith.addi %add3A_254, %shift_right_arithmetic3A_258 : i32
    %lt3A_420 = vector.broadcast %add3A_419 : i32 to vector<8x48xi32>
    %lt3A_421 = arith.cmpi slt, %iota3A_329, %lt3A_420 : vector<8x48xi32>
    %and3A_422 = arith.andi %ge3A_418, %lt3A_421 : vector<8x48xi1>
    %jit3A_423 = arith.constant 7 : i32
    %broadcast_in_dim3A_424 = vector.broadcast %jit3A_423 : i32 to vector<8x48xi32>
    %select_n3A_425 = arith.select %and3A_422, %broadcast_in_dim3A_424, %select_n3A_413 : vector<8x48xi1>, vector<8x48xi32>
    %jit3A_426 = arith.constant 1 : i32
    %broadcast_in_dim3A_427 = vector.broadcast %jit3A_426 : i32 to vector<8x48xi32>
    %select_n3A_428 = arith.select %and3A_422, %broadcast_in_dim3A_427, %select_n3A_416 : vector<8x48xi1>, vector<8x48xi32>
    %swap3A_429 = arith.constant 0 : index
    %swap3A_430 = arith.constant 0 : index
    %swap3A_431 = vector.load %arg3[%swap3A_429, %swap3A_430] : memref<8x48xi32, #tpu.memory_space<vmem>>, vector<8x48xi32>
    tpu.vector_store %arg3[%swap3A_429, %swap3A_430], %select_n3A_425 {strides = array<i32>} : memref<8x48xi32, #tpu.memory_space<vmem>>, vector<8x48xi32>,
    %swap3A_432 = arith.constant 0 : index
    %swap3A_433 = arith.constant 0 : index
    %swap3A_434 = vector.load %arg4[%swap3A_432, %swap3A_433] : memref<8x48xi32, #tpu.memory_space<vmem>>, vector<8x48xi32>
    tpu.vector_store %arg4[%swap3A_432, %swap3A_433], %select_n3A_428 {strides = array<i32>} : memref<8x48xi32, #tpu.memory_space<vmem>>, vector<8x48xi32>,
    return
  }
  func.func @transform_0(%arg0: i32) -> (i32, i32) {
    %c0_i32 = arith.constant 0 : i32
    %c0_i32_0 = arith.constant 0 : i32
    %c0_i32_1 = arith.constant 0 : i32
    return %c0_i32, %c0_i32_0 : i32, i32
  }
  func.func @transform_1(%arg0: i32) -> (i32, i32) {
    %c0_i32 = arith.constant 0 : i32
    %c0_i32_0 = arith.constant 0 : i32
    %c0_i32_1 = arith.constant 0 : i32
    return %c0_i32, %c0_i32_0 : i32, i32
  }
  func.func @transform_2(%arg0: i32) -> (i32, i32) {
    %c0_i32 = arith.constant 0 : i32
    %c0_i32_0 = arith.constant 0 : i32
    %c0_i32_1 = arith.constant 0 : i32
    return %c0_i32, %c0_i32_0 : i32, i32
  }
  func.func @transform_3(%arg0: i32) -> (i32, i32) {
    %c0_i32 = arith.constant 0 : i32
    %c0_i32_0 = arith.constant 0 : i32
    %c0_i32_1 = arith.constant 0 : i32
    return %c0_i32, %c0_i32_0 : i32, i32
  }
}

module attributes {stable_mosaic.version = 14 : i64} {
  func.func @_a2_body(%arg0: i32, %arg1: memref<1024x1024xbf16, #tpu.memory_space<vmem>>, %arg2: memref<1024x1024xbf16, #tpu.memory_space<vmem>>, %arg3: memref<1024x1024xbf16, #tpu.memory_space<vmem>>, %arg4: memref<1024x1024xbf16, #tpu.memory_space<vmem>>, %arg5: memref<1024x8x128xf32, #tpu.memory_space<vmem>>) attributes {dimension_semantics = [#tpu.dimension_semantics<arbitrary>], iteration_bounds = array<i64: 4>, scalar_prefetch = 0 : i64, scratch_operands = 0 : i64, tpu.core_type = #tpu.core_type<tc>, window_params = [{transform_indices = @transform_0, window_bounds = array<i64: 1024, 1024>}, {pipeline_mode = #tpu.pipeline_mode<synchronous>, transform_indices = @transform_1, window_bounds = array<i64: 1024, 1024>}, {pipeline_mode = #tpu.pipeline_mode<synchronous>, transform_indices = @transform_2, window_bounds = array<i64: 1024, 1024>}, {pipeline_mode = #tpu.pipeline_mode<synchronous>, transform_indices = @transform_3, window_bounds = array<i64: 1024, 1024>}, {transform_indices = @transform_4, window_bounds = array<i64: 1024, 8, 128>}]} {
    %get3A = arith.constant 0 : index
    %get3A_0 = arith.constant 0 : index
    %get3A_1 = vector.load %arg1[%get3A, %get3A_0] : memref<1024x1024xbf16, #tpu.memory_space<vmem>>, vector<1024x1024xbf16>
    %get3A_2 = arith.constant 0 : index
    %get3A_3 = arith.constant 0 : index
    %get3A_4 = vector.load %arg2[%get3A_2, %get3A_3] : memref<1024x1024xbf16, #tpu.memory_space<vmem>>, vector<1024x1024xbf16>
    %dot_general3A = arith.constant dense<0.000000e+00> : vector<1024x1024xf32>
    %dot_general3A_5 = tpu.matmul %get3A_1, %get3A_4, %dot_general3A {dimension_numbers = #tpu.dot_dimension_numbers<[1], [0], [0], [1], [0, 0, 1, 1], [], []>, transpose_lhs_hint = false} : vector<1024x1024xbf16>, vector<1024x1024xbf16>, vector<1024x1024xf32> -> vector<1024x1024xf32>
    %get3A_6 = arith.constant 0 : index
    %get3A_7 = arith.constant 0 : index
    %get3A_8 = vector.load %arg3[%get3A_6, %get3A_7] : memref<1024x1024xbf16, #tpu.memory_space<vmem>>, vector<1024x1024xbf16>
    %dot_general3A_9 = arith.constant dense<0.000000e+00> : vector<1024x1024xf32>
    %dot_general3A_10 = tpu.matmul %get3A_1, %get3A_8, %dot_general3A_9 {dimension_numbers = #tpu.dot_dimension_numbers<[1], [0], [0], [1], [0, 0, 1, 1], [], []>, transpose_lhs_hint = false} : vector<1024x1024xbf16>, vector<1024x1024xbf16>, vector<1024x1024xf32> -> vector<1024x1024xf32>
    %logistic3A = arith.negf %dot_general3A_5 : vector<1024x1024xf32>
    %logistic3A_11 = math.exp %logistic3A : vector<1024x1024xf32>
    %logistic3A_12 = arith.constant 1.000000e+00 : f32
    %logistic3A_13 = vector.broadcast %logistic3A_12 : f32 to vector<1024x1024xf32>
    %logistic3A_14 = arith.addf %logistic3A_13, %logistic3A_11 : vector<1024x1024xf32>
    %logistic3A_15 = arith.divf %logistic3A_13, %logistic3A_14 : vector<1024x1024xf32>
    %mul3A = arith.mulf %dot_general3A_5, %logistic3A_15 : vector<1024x1024xf32>
    %mul3A_16 = arith.mulf %mul3A, %dot_general3A_10 : vector<1024x1024xf32>
    %convert_element_type3A = arith.truncf %mul3A_16 : vector<1024x1024xf32> to vector<1024x1024xbf16>
    %get3A_17 = arith.constant 0 : index
    %get3A_18 = arith.constant 0 : index
    %get3A_19 = vector.load %arg4[%get3A_17, %get3A_18] : memref<1024x1024xbf16, #tpu.memory_space<vmem>>, vector<1024x1024xbf16>
    %dot_general3A_20 = arith.constant dense<0.000000e+00> : vector<1024x1024xf32>
    %dot_general3A_21 = tpu.matmul %convert_element_type3A, %get3A_19, %dot_general3A_20 {dimension_numbers = #tpu.dot_dimension_numbers<[1], [0], [0], [1], [0, 0, 1, 1], [], []>, transpose_lhs_hint = false} : vector<1024x1024xbf16>, vector<1024x1024xbf16>, vector<1024x1024xf32> -> vector<1024x1024xf32>
    %reshape3A = vector.shape_cast %dot_general3A_21 : vector<1024x1024xf32> to vector<1024x8x128xf32>
    %swap3A = arith.constant 0 : index
    %swap3A_22 = arith.constant 0 : index
    %swap3A_23 = arith.constant 0 : index
    %swap3A_24 = vector.load %arg5[%swap3A, %swap3A_22, %swap3A_23] : memref<1024x8x128xf32, #tpu.memory_space<vmem>>, vector<1024x8x128xf32>
    tpu.vector_store %arg5[%swap3A, %swap3A_22, %swap3A_23], %reshape3A {strides = array<i32>} : memref<1024x8x128xf32, #tpu.memory_space<vmem>>, vector<1024x8x128xf32>,
    return
  }
  func.func @transform_0(%arg0: i32) -> (i32, i32) {
    %c0_i32 = arith.constant 0 : i32
    %c0_i32_0 = arith.constant 0 : i32
    return %arg0, %c0_i32 : i32, i32
  }
  func.func @transform_1(%arg0: i32) -> (i32, i32) {
    %c0_i32 = arith.constant 0 : i32
    %c0_i32_0 = arith.constant 0 : i32
    %c0_i32_1 = arith.constant 0 : i32
    return %c0_i32, %c0_i32_0 : i32, i32
  }
  func.func @transform_2(%arg0: i32) -> (i32, i32) {
    %c0_i32 = arith.constant 0 : i32
    %c0_i32_0 = arith.constant 0 : i32
    %c0_i32_1 = arith.constant 0 : i32
    return %c0_i32, %c0_i32_0 : i32, i32
  }
  func.func @transform_3(%arg0: i32) -> (i32, i32) {
    %c0_i32 = arith.constant 0 : i32
    %c0_i32_0 = arith.constant 0 : i32
    %c0_i32_1 = arith.constant 0 : i32
    return %c0_i32, %c0_i32_0 : i32, i32
  }
  func.func @transform_4(%arg0: i32) -> (i32, i32, i32) {
    %c0_i32 = arith.constant 0 : i32
    %c0_i32_0 = arith.constant 0 : i32
    %c0_i32_1 = arith.constant 0 : i32
    return %arg0, %c0_i32, %c0_i32_0 : i32, i32, i32
  }
}

module attributes {stable_mosaic.version = 14 : i64} {
  func.func @_d_body(%arg0: i32, %arg1: memref<48xi32, #tpu.memory_space<smem>>, %arg2: memref<48xi32, #tpu.memory_space<smem>>, %arg3: memref<256x8x128xf32, #tpu.memory_space<vmem>>, %arg4: memref<1x1x256xf32, #tpu.memory_space<vmem>>, %arg5: memref<1x1024x512xbf16, #tpu.memory_space<vmem>>, %arg6: memref<1x1024x512xbf16, #tpu.memory_space<vmem>>, %arg7: memref<1x512x1024xbf16, #tpu.memory_space<vmem>>, %arg8: memref<256x8x128xf32, #tpu.memory_space<vmem>>) attributes {dimension_semantics = [#tpu.dimension_semantics<arbitrary>], iteration_bounds = array<i64: 40>, scalar_prefetch = 2 : i64, scratch_operands = 0 : i64, tpu.core_type = #tpu.core_type<tc>, window_params = [{transform_indices = @transform_0, window_bounds = array<i64: 256, 8, 128>}, {transform_indices = @transform_1, window_bounds = array<i64: 1, 1, 256>}, {transform_indices = @transform_2, window_bounds = array<i64: 1, 1024, 512>}, {transform_indices = @transform_3, window_bounds = array<i64: 1, 1024, 512>}, {transform_indices = @transform_4, window_bounds = array<i64: 1, 512, 1024>}, {transform_indices = @transform_5, window_bounds = array<i64: 256, 8, 128>}]} {
    %get3A = arith.index_cast %arg0 : i32 to index
    %get3A_0 = memref.load %arg2[%get3A] : memref<48xi32, #tpu.memory_space<smem>>
    %eq3A = arith.constant 1 : i32
    %eq3A_1 = arith.cmpi eq, %get3A_0, %eq3A : i32
    %convert_element_type3A = arith.extui %eq3A_1 : i1 to i32
    %cond3A = arith.constant 0 : i32
    %cond3A_2 = arith.cmpi ne, %convert_element_type3A, %cond3A : i32
    scf.if %cond3A_2 {
      %get3A_3 = arith.constant 0 : index
      %get3A_4 = arith.constant 0 : index
      %get3A_5 = arith.constant 0 : index
      %get3A_6 = vector.load %arg3[%get3A_3, %get3A_4, %get3A_5] : memref<256x8x128xf32, #tpu.memory_space<vmem>>, vector<256x8x128xf32>
      %reshape3A = vector.shape_cast %get3A_6 : vector<256x8x128xf32> to vector<256x1024xf32>
      %convert_element_type3A_7 = arith.truncf %reshape3A : vector<256x1024xf32> to vector<256x1024xbf16>
      %get3A_8 = arith.constant 0 : index
      %get3A_9 = arith.constant 0 : index
      %get3A_10 = arith.constant 0 : index
      %get3A_11 = vector.load %arg5[%get3A_8, %get3A_9, %get3A_10] : memref<1x1024x512xbf16, #tpu.memory_space<vmem>>, vector<1x1024x512xbf16>
      %get3A_12 = vector.shape_cast %get3A_11 : vector<1x1024x512xbf16> to vector<1024x512xbf16>
      %dot_general3A = arith.constant dense<0.000000e+00> : vector<256x512xf32>
      %dot_general3A_13 = tpu.matmul %convert_element_type3A_7, %get3A_12, %dot_general3A {dimension_numbers = #tpu.dot_dimension_numbers<[1], [0], [0], [1], [0, 0, 1, 1], [], []>, transpose_lhs_hint = false} : vector<256x1024xbf16>, vector<1024x512xbf16>, vector<256x512xf32> -> vector<256x512xf32>
      %get3A_14 = arith.constant 0 : index
      %get3A_15 = arith.constant 0 : index
      %get3A_16 = arith.constant 0 : index
      %get3A_17 = vector.load %arg6[%get3A_14, %get3A_15, %get3A_16] : memref<1x1024x512xbf16, #tpu.memory_space<vmem>>, vector<1x1024x512xbf16>
      %get3A_18 = vector.shape_cast %get3A_17 : vector<1x1024x512xbf16> to vector<1024x512xbf16>
      %dot_general3A_19 = arith.constant dense<0.000000e+00> : vector<256x512xf32>
      %dot_general3A_20 = tpu.matmul %convert_element_type3A_7, %get3A_18, %dot_general3A_19 {dimension_numbers = #tpu.dot_dimension_numbers<[1], [0], [0], [1], [0, 0, 1, 1], [], []>, transpose_lhs_hint = false} : vector<256x1024xbf16>, vector<1024x512xbf16>, vector<256x512xf32> -> vector<256x512xf32>
      %get3A_21 = arith.constant 0 : index
      %get3A_22 = arith.constant 0 : index
      %get3A_23 = arith.constant 0 : index
      %get3A_24 = vector.load %arg4[%get3A_21, %get3A_22, %get3A_23] : memref<1x1x256xf32, #tpu.memory_space<vmem>>, vector<1x1x256xf32>
      %get3A_25 = vector.shape_cast %get3A_24 : vector<1x1x256xf32> to vector<256xf32>
      %reshape3A_26 = vector.shape_cast %get3A_25 : vector<256xf32> to vector<256x1xf32>
      %logistic3A = arith.negf %dot_general3A_13 : vector<256x512xf32>
      %logistic3A_27 = math.exp %logistic3A : vector<256x512xf32>
      %logistic3A_28 = arith.constant 1.000000e+00 : f32
      %logistic3A_29 = vector.broadcast %logistic3A_28 : f32 to vector<256x512xf32>
      %logistic3A_30 = arith.addf %logistic3A_29, %logistic3A_27 : vector<256x512xf32>
      %logistic3A_31 = arith.divf %logistic3A_29, %logistic3A_30 : vector<256x512xf32>
      %mul3A = arith.mulf %dot_general3A_13, %logistic3A_31 : vector<256x512xf32>
      %mul3A_32 = arith.mulf %mul3A, %dot_general3A_20 : vector<256x512xf32>
      %mul3A_33 = vector.broadcast %reshape3A_26 : vector<256x1xf32> to vector<256x512xf32>
      %mul3A_34 = arith.mulf %mul3A_32, %mul3A_33 : vector<256x512xf32>
      %convert_element_type3A_35 = arith.truncf %mul3A_34 : vector<256x512xf32> to vector<256x512xbf16>
      %get3A_36 = arith.constant 0 : index
      %get3A_37 = arith.constant 0 : index
      %get3A_38 = arith.constant 0 : index
      %get3A_39 = vector.load %arg7[%get3A_36, %get3A_37, %get3A_38] : memref<1x512x1024xbf16, #tpu.memory_space<vmem>>, vector<1x512x1024xbf16>
      %get3A_40 = vector.shape_cast %get3A_39 : vector<1x512x1024xbf16> to vector<512x1024xbf16>
      %dot_general3A_41 = arith.constant dense<0.000000e+00> : vector<256x1024xf32>
      %dot_general3A_42 = tpu.matmul %convert_element_type3A_35, %get3A_40, %dot_general3A_41 {dimension_numbers = #tpu.dot_dimension_numbers<[1], [0], [0], [1], [0, 0, 1, 1], [], []>, transpose_lhs_hint = false} : vector<256x512xbf16>, vector<512x1024xbf16>, vector<256x1024xf32> -> vector<256x1024xf32>
      %reshape3A_43 = vector.shape_cast %dot_general3A_42 : vector<256x1024xf32> to vector<256x8x128xf32>
      %swap3A = arith.constant 0 : index
      %swap3A_44 = arith.constant 0 : index
      %swap3A_45 = arith.constant 0 : index
      %swap3A_46 = vector.load %arg8[%swap3A, %swap3A_44, %swap3A_45] : memref<256x8x128xf32, #tpu.memory_space<vmem>>, vector<256x8x128xf32>
      tpu.vector_store %arg8[%swap3A, %swap3A_44, %swap3A_45], %reshape3A_43 {strides = array<i32>} : memref<256x8x128xf32, #tpu.memory_space<vmem>>, vector<256x8x128xf32>,
    } else {
    }
    return
  }
  func.func @transform_0(%arg0: i32, %arg1: memref<48xi32, #tpu.memory_space<smem>>, %arg2: memref<48xi32, #tpu.memory_space<smem>>) -> (i32, i32, i32) {
    %c0_i32 = arith.constant 0 : i32
    %c0_i32_0 = arith.constant 0 : i32
    %c0_i32_1 = arith.constant 0 : i32
    return %arg0, %c0_i32, %c0_i32_0 : i32, i32, i32
  }
  func.func @transform_1(%arg0: i32, %arg1: memref<48xi32, #tpu.memory_space<smem>>, %arg2: memref<48xi32, #tpu.memory_space<smem>>) -> (i32, i32, i32) {
    %c0_i32 = arith.constant 0 : i32
    %c0_i32_0 = arith.constant 0 : i32
    %c0_i32_1 = arith.constant 0 : i32
    return %arg0, %c0_i32, %c0_i32_0 : i32, i32, i32
  }
  func.func @transform_2(%arg0: i32, %arg1: memref<48xi32, #tpu.memory_space<smem>>, %arg2: memref<48xi32, #tpu.memory_space<smem>>) -> (i32, i32, i32) {
    %get3A = arith.index_cast %arg0 : i32 to index
    %get3A_0 = memref.load %arg1[%get3A] : memref<48xi32, #tpu.memory_space<smem>>
    %c0_i32 = arith.constant 0 : i32
    %c0_i32_1 = arith.constant 0 : i32
    %c0_i32_2 = arith.constant 0 : i32
    return %get3A_0, %c0_i32, %c0_i32_1 : i32, i32, i32
  }
  func.func @transform_3(%arg0: i32, %arg1: memref<48xi32, #tpu.memory_space<smem>>, %arg2: memref<48xi32, #tpu.memory_space<smem>>) -> (i32, i32, i32) {
    %get3A = arith.index_cast %arg0 : i32 to index
    %get3A_0 = memref.load %arg1[%get3A] : memref<48xi32, #tpu.memory_space<smem>>
    %c0_i32 = arith.constant 0 : i32
    %c0_i32_1 = arith.constant 0 : i32
    %c0_i32_2 = arith.constant 0 : i32
    return %get3A_0, %c0_i32, %c0_i32_1 : i32, i32, i32
  }
  func.func @transform_4(%arg0: i32, %arg1: memref<48xi32, #tpu.memory_space<smem>>, %arg2: memref<48xi32, #tpu.memory_space<smem>>) -> (i32, i32, i32) {
    %get3A = arith.index_cast %arg0 : i32 to index
    %get3A_0 = memref.load %arg1[%get3A] : memref<48xi32, #tpu.memory_space<smem>>
    %c0_i32 = arith.constant 0 : i32
    %c0_i32_1 = arith.constant 0 : i32
    %c0_i32_2 = arith.constant 0 : i32
    return %get3A_0, %c0_i32, %c0_i32_1 : i32, i32, i32
  }
  func.func @transform_5(%arg0: i32, %arg1: memref<48xi32, #tpu.memory_space<smem>>, %arg2: memref<48xi32, #tpu.memory_space<smem>>) -> (i32, i32, i32) {
    %c0_i32 = arith.constant 0 : i32
    %c0_i32_0 = arith.constant 0 : i32
    %c0_i32_1 = arith.constant 0 : i32
    return %arg0, %c0_i32, %c0_i32_0 : i32, i32, i32
  }
}

</mosaic_0001>

<sc_bundles>
// kernel: b_scatter.3.cloned.1.call-start
scs
__scs_entry_jumppad:
0x0: {  	(pc) =	sbr.rel $0x88, $3  }
0x1: {  	(tag) =	ssettag $0x0;
	lr =	simm.s32 $0x1  }
0x2: {  	[smem:$0x3F99] =	sst lr;
	_ =	strace $0xD0000000  }
0x3: {  	_ = 	snop  }
0x4: {  	_ = 	snop  }
0x5: {  	_ = 	snop  }
0x6: {  	_ = 	snop  }
0x7: {  	_ = 	snop  }
__scs_overlays_trampoline_lowered:
0x8: {  	[smem:$0x3FA8] =	sst s0  }
0x9: {  	[smem:$0x3FA9] =	sst s1  }
0xa: {  	[smem:$0x3FAA] =	sst s2  }
0xb: {  	[smem:$0x3FAB] =	sst s3  }
0xc: {  	[smem:$0x3FAC] =	sst s4  }
0xd: {  	[smem:$0x3FAD] =	sst s5  }
0xe: {  	[smem:$0x3FAE] =	sst s6  }
0xf: {  	[smem:$0x3FAF] =	sst s7  }
0x10: {  	[smem:$0x3FB0] =	sst s8  }
0x11: {  	[smem:$0x3FB1] =	sst s9;
	s0 =	simm.s32 @!p0 $0x0  }
0x12: {  	s1 =	sld [smem:$0x3F97];
	s0 =	simm.s32 @p0 $0x1  }
0x13: {  	[smem:$0x3FB2] =	sst s0;
	s0 =	simm.s32 @!p1 $0x0  }
0x14: {  	s2 =	sld [smem:$0x3F96];
	s0 =	simm.s32 @p1 $0x1  }
0x15: {  	[smem:$0x3FB3] =	sst s0;
	s0 =	simm.s32 @!p2 $0x0  }
0x16: {  	s3 =	sld [smem:$0x3FDB];
	s0 =	simm.s32 @p2 $0x1  }
0x17: {  	s4 =	simm.s32 $0x1BF5;
	[smem:$0x3FB5] =	sst s0  }
0x18: {  	s0 =	sld [smem:$0x3F98];
	_ =	swait.ge [sflag:s4], $0x0  }
0x19: {  	s7 =	sld [smem:$0x3F99]  }
0x1a: {  	s8 =	sadd.s32 $0xFFFFE003, lr  }
0x1b: {  	s9 =	sadd.s32 $0xFFFFFEF7, lr;
	s5 =	simm.s32 $0xFFFFFFFF;
	p2 =	slt.u32 s8, $0xFFFFF086  }
0x1c: {  	p1 =	slt.u32 s9, $0xF7A;
	s5 =	simm.s32 @!p2 $0x0  }
0x1d: {  	s5 =	simm.s32 @p1 $0x1;
	p0 =	seq.s32 s7, s2  }
0x1e: {  	s7 =	smul.u32 @!p0 $0xF7A, s2;
	p2 =	seq.s32 @!p0 s5, $0x0  }
0x1f: {  	s9 =	smul.u32 $0xF7A, s1;
	s8 =	simm.s32 @!p0 $0x1BF5;
	p2 =	por !p2, p0  }
0x20: {  	[sflag:s8] =	ssyncset.s32 @!p0 $0xFFFFF086;
	s6 =	sadd.s32 @!p0 s3, s7;
	s7 =	simm.s32 @!p0 $0x108  }
0x21: {  	s3 =	sadd.s32 s3, s9;
	s6 =	sadd.s32 @!p0 $0x88, s6;
	s7 =	simm.s32 @p2 $0x1082  }
0x22: {  	[simem:s7], [sflag:s8] =	dma.local @!p0 [hbm:s6], $0xF7A  }
0x23: {  	s9 =	sor.u32 $0xD0000000, s2;
	s6 =	simm.s32 $0x108;
	_ =	swait.ge @!p0 [sflag:s8], $0x0  }
0x24: {  	s3 =	sadd.s32 $0x88, s3;
	s6 =	simm.s32 @!p1 $0x1082;
	[sflag:s4] =	ssyncset.s32 $0xFFFFF086  }
0x25: {  	[simem:s6], [sflag:s4] =	dma.local [hbm:s3], $0xF7A  }
0x26: {  	[smem:$0x3F99] =	sst s1;
	(tag) =	ssettag s2;
	_ =	strace s9  }
0x27: {  	s1 =	sld [smem:$0x3FA9]  }
0x28: {  	s2 =	sld [smem:$0x3FAA]  }
0x29: {  	s4 =	sld [smem:$0x3FAC]  }
0x2a: {  	p0 =	seq.s32 s5, $0x0;
	s5 =	sld [smem:$0x3FAD]  }
0x2b: {  	s6 =	sld [smem:$0x3FAE]  }
0x2c: {  	s7 =	sld [smem:$0x3FAF]  }
0x2d: {  	s3 =	simm.s32 $0x108;
	s8 =	sld [smem:$0x3FB0]  }
0x2e: {  	s3 =	simm.s32 @!p0 $0x1082;
	s9 =	sld [smem:$0x3FB1]  }
0x2f: {  	lr =	sadd.s32 s0, s3;
	s0 =	sld [smem:$0x3FA8]  }
0x30: {  	s3 =	sld [smem:$0x3FAB]  }
0x31: {  	[smem:$0x3FB4] =	sst s10  }
0x32: {  	s10 =	sld [smem:$0x3FB2];
	_ =	sdelay $0x3  }
0x33: {  	p0 =	seq.s32 s10, $0x1;
	s10 =	sld [smem:$0x3FB4];
	_ =	sdelay $0x3  }
0x34: {  	[smem:$0x3FB4] =	sst s10  }
0x35: {  	s10 =	sld [smem:$0x3FB3];
	_ =	sdelay $0x3  }
0x36: {  	p1 =	seq.s32 s10, $0x1;
	s10 =	sld [smem:$0x3FB4];
	_ =	sdelay $0x3  }
0x37: {  	[smem:$0x3FB4] =	sst s10  }
0x38: {  	s10 =	sld [smem:$0x3FB5]  }
0x39: {  	_ = 	snop;
	(pc) =	sbr.ind lr, $3  }
0x3a: {  	_ = 	snop  }
0x3b: {  	_ = 	snop  }
0x3c: {  	p2 =	seq.s32 s10, $0x1;
	s10 =	sld [smem:$0x3FB4]  }
0x3d: {  	_ =	shalt  }
0x3e: {  	_ =	shalt  }
0x3f: {  	_ =	shalt  }
0x40: {  	_ =	shalt  }
0x41: {  	_ =	shalt  }
0x42: {  	_ =	shalt  }
0x43: {  	_ =	shalt  }
0x44: {  	_ =	shalt  }
0x45: {  	_ =	shalt  }
0x46: {  	_ =	shalt  }
0x47: {  	_ =	shalt  }
0x48: {  	_ =	shalt  }
0x49: {  	_ =	shalt  }
0x4a: {  	_ =	shalt  }
0x4b: {  	_ =	shalt  }
0x4c: {  	_ =	shalt  }
0x4d: {  	_ =	shalt  }
0x4e: {  	_ =	shalt  }
0x4f: {  	_ =	shalt  }
0x50: {  	_ =	shalt  }
0x51: {  	_ =	shalt  }
0x52: {  	_ =	shalt  }
0x53: {  	_ =	shalt  }
0x54: {  	_ =	shalt  }
0x55: {  	_ =	shalt  }
0x56: {  	_ =	shalt  }
0x57: {  	_ =	shalt  }
0x58: {  	_ =	shalt  }
0x59: {  	_ =	shalt  }
0x5a: {  	_ =	shalt  }
0x5b: {  	_ =	shalt  }
0x5c: {  	_ =	shalt  }
0x5d: {  	_ =	shalt  }
0x5e: {  	_ =	shalt  }
0x5f: {  	_ =	shalt  }
0x60: {  	_ =	shalt  }
0x61: {  	_ =	shalt  }
0x62: {  	_ =	shalt  }
0x63: {  	_ =	shalt  }
0x64: {  	_ =	shalt  }
0x65: {  	_ =	shalt  }
0x66: {  	_ =	shalt  }
0x67: {  	_ =	shalt  }
0x68: {  	_ =	shalt  }
0x69: {  	_ =	shalt  }
0x6a: {  	_ =	shalt  }
0x6b: {  	_ =	shalt  }
0x6c: {  	_ =	shalt  }
0x6d: {  	_ =	shalt  }
0x6e: {  	_ =	shalt  }
0x6f: {  	_ =	shalt  }
0x70: {  	_ =	shalt  }
0x71: {  	_ =	shalt  }
0x72: {  	_ =	shalt  }
0x73: {  	_ =	shalt  }
0x74: {  	_ =	shalt  }
0x75: {  	_ =	shalt  }
0x76: {  	_ =	shalt  }
0x77: {  	_ =	shalt  }
0x78: {  	_ =	shalt  }
0x79: {  	_ =	shalt  }
0x7a: {  	_ =	shalt  }
0x7b: {  	_ =	shalt  }
0x7c: {  	_ =	shalt  }
0x7d: {  	_ =	shalt  }
0x7e: {  	_ =	shalt  }
0x7f: {  	_ =	shalt  }
0x80: {  	_ =	shalt  }
0x81: {  	_ =	shalt  }
0x82: {  	_ =	shalt  }
0x83: {  	_ =	shalt  }
0x84: {  	_ =	shalt  }
0x85: {  	_ =	shalt  }
0x86: {  	_ =	shalt  }
0x87: {  	_ =	shalt  }
.Lfunc_end0:
.L_simem_size_0:
called_computation_lowered:
.L_overlay_start_0:
0x88: {  	s0 =	sld [smem:$0x3FD9]  }
0x89: {  	s1 =	sld [smem:$0x3FFE];
	_ =	sdelay $0x3  }
0x8a: {  	s0 =	sadd.s32 s1, s0  }
0x8b: {  	[smem:$0x3FC0] =	sst s0  }
0x8c: {  	_ = 	snop  }
0x8d: {  	(tm) =	ssettm $0x1  }
0x8e: {  	s15 =	sld [smem:$0x3FFB];
	_ =	sdelay $0x3  }
0x8f: {  	_ =	strace s15  }
0x90: {  	s0 =	sld [smem:$0x3FFC];
	_ =	sdelay $0x3  }
0x91: {  	_ =	strace s0  }
0x92: {  	s0 =	sld [smem:$0x3FFD];
	_ =	sdelay $0x3  }
0x93: {  	_ =	strace s0  }
0x94: {  	_ =	strace $0x8FFFFFFF  }
0x95: {  	s16 =	sld [smem:$0x3FDB];
	_ =	sdelay $0x1  }
0x96: {  	s17 =	simm.s32 $_scs_section_size  }
0x97: {  	s2 =	simm.s32 $_size__tile_overlayer_lowered;
	s3 =	simm.s32 $_tile_overlayer_lowered  }
0x98: {  	s20 =	simm.s32 $0x1BFF;
	s19 =	sshll.u32 s3, $0x1;
	s0 =	sadd.s32 s17, s16  }
0x99: {  	s4 =	simm.s32 $0x0;
	s18 =	sshll.u32 s2, $0x1;
	s2 =	sadd.s32 s19, s0  }
0x9a: {  	[timem:s4], [sflag:s20] =	dma.local [hbm:s2], s18  }
0x9b: {  	_ =	swait.ge [sflag:s20], s18  }
0x9c: {  	s1 =	ssub.s32 $0x0, s18;
	[sflag:s20] =	ssyncset.done $0x0  }
0x9d: {  	[sflag:s20] =	ssyncadd.s32 s1;
	_ =	sdelay $0x1  }
0x9e: {  	s21 =	simm.s32 $0x1B8B  }
0x9f: {  	_ =	swait.ge [sflag:s21], $0x1  }
0xa0: {  	[sflag:s21] =	ssyncset.done $0x0  }
0xa1: {  	s23 =	simm.s32 $0x1B8E;
	s22 =	sld [smem:$0x3FFE];
	[sflag:s21] =	ssyncadd.s32 $0xFFFFFFFF  }
0xa2: {  	s24 =	simm.s32 $execute0_lowered;
	[smem:$0x3FD2] =	sst s23  }
0xa3: {  	s2 =	sshll.u32 s24, $0x1;
	_ =	strace $0x80000046;
	[dreg:$0x1] =	wrdreg $0xFFFFFFFF  }
0xa4: {  	s25 =	simm.s32 $_size_execute0_lowered;
	s0 =	sadd.s32 s0, s2;
	[dreg:$0x0] =	wrdreg $0x0  }
0xa5: {  	s2 =	sshll.u32 s25, $0x1;
	[dreg:$0x2] =	wrdreg s0  }
0xa6: {  	[dreg:$0x3] =	wrdreg s2  }
0xa7: {  	[dreg:$0x4] =	wrdreg $0xC0  }
0xa8: {  	_ =	task [dreg:s4], $0x5FFFF  }
0xa9: {  	[dreg:$0x1] =	wrdreg $0xFFFFFFFF  }
0xaa: {  	[dreg:$0x0] =	wrdreg $0x60  }
0xab: {  	[dreg:$0x2] =	wrdreg s22  }
0xac: {  	[dreg:$0x3] =	wrdreg $0x9  }
0xad: {  	_ =	task.clear_ibuf [dreg:s4], $0x4FFFF;
	_ =	strace $0x90000046  }
0xae: {  	s26 =	simm.s32 $0x9;
	_ =	strace $0x80000048  }
0xaf: {  	_ =	swait.ge [sflag:s26], $0x1  }
0xb0: {  	[sflag:s26] =	ssyncadd.s32 $0xFFFFFFFF  }
0xb1: {  	_ =	strace $0x90000048  }
0xb2: {  	_ =	sfence  }
0xb3: {  	s28 =	sld [smem:$0x0];
	_ =	sdelay $0x1  }
0xb4: {  	s29 =	srdreg.scid  }
0xb5: {  	s30 =	sshll.u32 s29, $0xD;
	s31 =	sshrl.u32 s29, $0x2  }
0xb6: {  	s1 =	sand.u32 $0x1, s29;
	s2 =	sand.u32 $0x4000, s30;
	s0 =	sadd.s32 s31, s28  }
0xb7: {  	s1 =	sor.u32 s2, s1;
	s0 =	sshll.u32 s0, $0x11  }
0xb8: {  	s0 =	sor.u32 s0, s1  }
0xb9: {  	s0 =	sadd.s32 $0x8F2B, s0  }
0xba: {  	[sflag:s0] =	ssyncadd.remote.s32 $0x1  }
0xbb: {  	_ =	sfence.sel $0xFFFF  }
0xbc: {  	[dreg:$0x0] =	wrdreg $0xFFFFFFFF;
	(pc) =	sbr.abs _section_cstart, $3  }
0xbd: {  	[dreg:$0x1] =	wrdreg $0xFFFFFFFF  }
0xbe: {  	_ =	task.clear_ibuf [dreg:s4], $0x2FFFF;
	_ =	strace $0x9FFFFFFF  }
0xbf: {  	(tm) =	ssettm $0x7FFFFFFF  }
tec
execute0_lowered:
.L_overlay_start_1:
0x0: {  	(tag) =	ssettag $0x1  }
0x1: {  	s0 =	stileid.u32  }
0x2: {  	s6 =	sshll.u32 s0, $0x9  }
0x3: {  	v0 =	vlaneseq.u32;
	v1 =	vmov s6  }
0x4: {  	v0 =	vmul.u32 $0x2, v0;
	s1 =	sor.u32 $0x10, s6;
	s30 =	sor.u32 $0x20, s6;
	v2 =	vshll.u32 v1, $0x1  }
0x5: {  	s31 =	sor.u32 $0x30, s6;
	s2 =	sor.u32 $0x40, s6;
	s3 =	sor.u32 $0x50, s6;
	v3 =	vmov s1;
	v1 =	vshrl.u32 v1, $0xC;
	v13 =	vmov s30  }
0x6: {  	s4 =	sor.u32 $0x60, s6;
	s5 =	sor.u32 $0x70, s6;
	s13 =	sor.u32 $0xE0, s6;
	v6 =	vmov s31;
	v17 =	vmov s2;
	v8 =	vmov s3  }
0x7: {  	s14 =	sor.u32 $0xF0, s6;
	s15 =	sor.u32 $0x100, s6;
	s16 =	sor.u32 $0x110, s6;
	v21 =	vmov s4;
	v10 =	vmov s5;
	v39 =	vmov s13  }
0x8: {  	s17 =	sor.u32 $0x120, s6;
	s18 =	sor.u32 $0x140, s6;
	s19 =	sor.u32 $0x150, s6;
	v42 =	vmov s14;
	v46 =	vmov s15;
	v49 =	vmov s16  }
0x9: {  	v53 =	vmov s17;
	v60 =	vmov s18;
	v63 =	vmov s19  }
0xa: {  	v2 =	vor.u32 v0, v2;
	v4 =	vshll.u32 v3, $0x1;
	v3 =	vshrl.u32 v3, $0xC  }
0xb: {  	v5 =	vshll.u32 v13, $0x1;
	v15 =	vshll.u32 v6, $0x1;
	v6 =	vshrl.u32 v6, $0xC  }
0xc: {  	s5 =	sor.u32 $0x80, s6;
	v7 =	vshll.u32 v17, $0x1;
	v19 =	vshll.u32 v8, $0x1;
	v8 =	vshrl.u32 v8, $0xC  }
0xd: {  	s3 =	sor.u32 $0xA0, s6;
	v9 =	vshll.u32 v21, $0x1;
	v23 =	vshll.u32 v10, $0x1;
	v25 =	vmov s5  }
0xe: {  	v10 =	vshrl.u32 v10, $0xC;
	v29 =	vmov s3;
	v41 =	vshll.u32 v39, $0x1  }
0xf: {  	v44 =	vshll.u32 v42, $0x1;
	v45 =	vshrl.u32 v39, $0xC;
	v47 =	vshrl.u32 v42, $0xC  }
0x10: {  	s13 =	sor.u32 $0x130, s6;
	v48 =	vshll.u32 v46, $0x1;
	v51 =	vshll.u32 v49, $0x1;
	v54 =	vshrl.u32 v49, $0xC  }
0x11: {  	v55 =	vshll.u32 v53, $0x1;
	v56 =	vmov s13;
	v62 =	vshll.u32 v60, $0x1  }
0x12: {  	v2 =	vand.u32 $0x1C1E, v2;
	v4 =	vor.u32 v0, v4;
	v14 =	vor.u32 v0, v5  }
0x13: {  	v5 =	vor.u32 v0, v15;
	v18 =	vor.u32 v0, v7;
	v7 =	vor.u32 v0, v19  }
0x14: {  	v22 =	vor.u32 v0, v9;
	v9 =	vor.u32 v0, v23;
	v11 =	vshll.u32 v25, $0x1  }
0x15: {  	s20 =	sshrl.u32 s15, $0x3;
	s15 =	sor.u32 $0x1D0, s6;
	v43 =	vor.u32 v0, v41;
	v50 =	vor.u32 v0, v48;
	v57 =	vor.u32 v0, v55  }
0x16: {  	s7 =	sor.u32 $0x90, s6;
	s4 =	rddreg [dreg:$0x0];
	v58 =	vshll.u32 v56, $0x1;
	v61 =	vshrl.u32 v56, $0xC;
	v48 =	vmov s15  }
0x17: {  	s21 =	sor.u32 $0x160, s6;
	s1 =	rddreg [dreg:$0x1];
	s2 =	simm.s32 $0x0;
	v1 =	vor.u32 v1, v2;
	v12 =	vand.u32 $0x1C3E, v4;
	v4 =	vshrl.u32 v13, $0xC  }
0x18: {  	[smem:$0x7FF] =	sst s2;
	s10 =	sadd.s32 $0x43600, s4;
	v16 =	vand.u32 $0x1C7E, v5;
	v2 =	vor.u32 v3, v12;
	v12 =	vmov s7;
	s7 =	sshll.u32 s0, $0x6  }
0x19: {  	s11 =	sadd.s32 $0x43A00, s4;
	_ =	strace $0x80000047;
	v5 =	vshrl.u32 v17, $0xC;
	v20 =	vand.u32 $0x1CBE, v7;
	v7 =	vshrl.u32 v21, $0xC;
	s9 =	sadd.s32 s10, s7  }
0x1a: {  	v24 =	vand.u32 $0x1CFE, v9;
	v26 =	vor.u32 v0, v11;
	v9 =	vshrl.u32 v25, $0xC;
	[tilespmem:s2], [sflag:$0x2] =	stream.linear.gather [hbm4b:s9+s2], $0x80, $0x38;
	[tilespmem:$0xB00] =	vst v63  }
0x1b: {  	s8 =	sor.u32 $0xB0, s6;
	s3 =	simm.s32 $0x200;
	v13 =	vshll.u32 v29, $0x1;
	v21 =	vmov s21;
	v3 =	vand.u32 $0x1C5E, v14;
	s7 =	sadd.s32 s11, s7  }
0x1c: {  	v14 =	vmov s8;
	v30 =	vor.u32 v0, v13;
	v23 =	vshll.u32 v21, $0x1;
	[tilespmem:s3], [sflag:$0x2] =	stream.linear.gather [hbm4b:s7+s2], $0x80, $0x38;
	[tilespmem:$0xB00] =	vst v63  }
0x1d: {  	s12 =	sor.u32 $0xD0, s6;
	v3 =	vor.u32 v4, v3;
	v4 =	vor.u32 v6, v16;
	v6 =	vand.u32 $0x1C9E, v18;
	[tilespmem:$0x400] =	vst v1  }
0x1e: {  	s23 =	sor.u32 $0x170, s6;
	s25 =	sor.u32 $0x180, s6;
	s8 =	sor.u32 $0xC0, s6;
	v27 =	vshll.u32 v12, $0x1;
	v12 =	vshrl.u32 v12, $0xC;
	v31 =	vshll.u32 v14, $0x1;
	[tilespmem:$0x410] =	vst v2  }
0x1f: {  	s26 =	sor.u32 $0x190, s6;
	s28 =	sor.u32 $0x1A0, s6;
	s29 =	sor.u32 $0x1B0, s6;
	v33 =	vmov s8;
	v14 =	vshrl.u32 v14, $0xC;
	v16 =	vmov s12;
	[tilespmem:$0x420] =	vst v3  }
0x20: {  	s14 =	sor.u32 $0x1C0, s6;
	s18 =	sor.u32 $0x1E0, s6;
	s6 =	sor.u32 $0x1F0, s6;
	v18 =	vshrl.u32 v60, $0xC;
	v25 =	vor.u32 v0, v23;
	v5 =	vor.u32 v5, v6;
	[tilespmem:$0x430] =	vst v4  }
0x21: {  	v56 =	vmov s6;
	v6 =	vor.u32 v8, v20;
	v8 =	vand.u32 $0x1CDE, v22;
	[tilespmem:$0x440] =	vst v5  }
0x22: {  	v11 =	vor.u32 v0, v27;
	v13 =	vor.u32 v0, v31;
	v7 =	vor.u32 v7, v8;
	[tilespmem:$0x450] =	vst v6  }
0x23: {  	s5 =	sshrl.u32 s5, $0x3;
	v15 =	vshll.u32 v33, $0x1;
	v35 =	vshll.u32 v16, $0x1;
	v8 =	vor.u32 v10, v24;
	[tilespmem:$0x460] =	vst v7  }
0x24: {  	s12 =	sadd.s32 s11, s5;
	v40 =	vshrl.u32 v16, $0xC;
	s9 =	sadd.s32 s10, s5;
	s5 =	simm.s32 $0x80;
	v16 =	vshll.u32 v63, $0x1;
	v22 =	vshrl.u32 v63, $0xC;
	[tilespmem:$0x470] =	vst v8  }
0x25: {  	v31 =	vmov s26;
	v10 =	vand.u32 $0x1D1E, v26;
	v28 =	vand.u32 $0x1D3E, v11;
	[tilespmem:s5], [sflag:$0x2] =	stream.linear.gather [hbm4b:s9+s2], $0x80, $0x38;
	[tilespmem:$0xB00] =	vst v63  }
0x26: {  	v11 =	vshrl.u32 v29, $0xC;
	v32 =	vand.u32 $0x1D7E, v13;
	v34 =	vor.u32 v0, v15;
	s7 =	simm.s32 $0x280  }
0x27: {  	v13 =	vshrl.u32 v33, $0xC;
	v37 =	vor.u32 v0, v35;
	v9 =	vor.u32 v9, v10;
	[tilespmem:s7], [sflag:$0x2] =	stream.linear.gather [hbm4b:s12+s2], $0x80, $0x38;
	[tilespmem:$0xB00] =	vst v63  }
0x28: {  	v15 =	vor.u32 v0, v62;
	v10 =	vor.u32 v12, v28;
	v12 =	vand.u32 $0x1D5E, v30;
	[tilespmem:$0x480] =	vst v9  }
0x29: {  	v19 =	vor.u32 v0, v16;
	v24 =	vmov s23;
	v11 =	vor.u32 v11, v12;
	[tilespmem:$0x490] =	vst v10  }
0x2a: {  	v33 =	vshll.u32 v31, $0x1;
	v36 =	vand.u32 $0x1D9E, v34;
	v12 =	vor.u32 v14, v32;
	[tilespmem:$0x4A0] =	vst v11  }
0x2b: {  	v38 =	vand.u32 $0x1DBE, v37;
	v17 =	vand.u32 $0x1E9E, v15;
	v1 =	vor.u32 v13, v36;
	[tilespmem:$0x4B0] =	vst v12  }
0x2c: {  	v2 =	vor.u32 v40, v38;
	v3 =	vand.u32 $0x1DDE, v43;
	v4 =	vor.u32 v0, v44;
	[tilespmem:$0x4C0] =	vst v1  }
0x2d: {  	v20 =	vand.u32 $0x1EBE, v19;
	v3 =	vor.u32 v45, v3;
	v4 =	vand.u32 $0x1DFE, v4;
	[tilespmem:$0x4D0] =	vst v2  }
0x2e: {  	v26 =	vshll.u32 v24, $0x1;
	v28 =	vmov s25;
	v4 =	vor.u32 v47, v4;
	[tilespmem:$0x4E0] =	vst v3  }
0x2f: {  	s22 =	sadd.s32 s10, s20;
	s8 =	simm.s32 $0x100;
	v29 =	vshrl.u32 v24, $0xC;
	v37 =	vmov s28;
	v6 =	vand.u32 $0x1E1E, v50;
	[tilespmem:$0x4F0] =	vst v4  }
0x30: {  	v5 =	vshrl.u32 v46, $0xC;
	v7 =	vor.u32 v0, v51;
	v8 =	vand.u32 $0x1E5E, v57;
	[tilespmem:s8], [sflag:$0x2] =	stream.linear.gather [hbm4b:s22+s2], $0x80, $0x38;
	[tilespmem:$0xB00] =	vst v63  }
0x31: {  	s24 =	sadd.s32 s11, s20;
	v30 =	vshll.u32 v28, $0x1;
	v34 =	vshrl.u32 v28, $0xC;
	v38 =	vshrl.u32 v31, $0xC;
	s9 =	simm.s32 $0x300  }
0x32: {  	v39 =	vshll.u32 v37, $0x1;
	v5 =	vor.u32 v5, v6;
	v52 =	vand.u32 $0x1E3E, v7;
	[tilespmem:s9], [sflag:$0x2] =	stream.linear.gather [hbm4b:s24+s2], $0x80, $0x38;
	[tilespmem:$0xB00] =	vst v63  }
0x33: {  	v7 =	vshrl.u32 v53, $0xC;
	v6 =	vor.u32 v54, v52;
	v9 =	vor.u32 v0, v58;
	[tilespmem:$0x500] =	vst v5  }
0x34: {  	v40 =	vmov s29;
	v7 =	vor.u32 v7, v8;
	v59 =	vand.u32 $0x1E7E, v9;
	[tilespmem:$0x510] =	vst v6  }
0x35: {  	v43 =	vshrl.u32 v37, $0xC;
	v50 =	vshll.u32 v48, $0x1;
	v14 =	vor.u32 v61, v59;
	[tilespmem:$0x520] =	vst v7  }
0x36: {  	v32 =	vor.u32 v0, v30;
	v8 =	vshrl.u32 v21, $0xC;
	v2 =	vor.u32 v18, v17;
	[tilespmem:$0x530] =	vst v14  }
0x37: {  	v3 =	vor.u32 v22, v20;
	v4 =	vand.u32 $0x1EDE, v25;
	v9 =	vor.u32 v0, v26;
	[tilespmem:$0x540] =	vst v2  }
0x38: {  	v41 =	vor.u32 v0, v39;
	v4 =	vor.u32 v8, v4;
	v27 =	vand.u32 $0x1EFE, v9;
	[tilespmem:$0x550] =	vst v3  }
0x39: {  	s13 =	sshrl.u32 s25, $0x3;
	v42 =	vshll.u32 v40, $0x1;
	v45 =	vmov s14;
	v5 =	vor.u32 v29, v27;
	[tilespmem:$0x560] =	vst v4  }
0x3a: {  	s31 =	simm.s32 $0x180;
	s30 =	sadd.s32 s10, s13;
	v46 =	vshrl.u32 v40, $0xC;
	v53 =	vmov s18;
	v47 =	vshll.u32 v45, $0x1;
	[tilespmem:$0x570] =	vst v5  }
0x3b: {  	v55 =	vshll.u32 v53, $0x1;
	v49 =	vor.u32 v0, v47;
	v8 =	vor.u32 v0, v33;
	[tilespmem:s31], [sflag:$0x2] =	stream.linear.gather [hbm4b:s30+s2], $0x80, $0x38;
	[tilespmem:$0xB00] =	vst v63  }
0x3c: {  	s17 =	simm.s32 $0x380;
	s16 =	sadd.s32 s11, s13;
	v57 =	vor.u32 v0, v55;
	v36 =	vand.u32 $0x1F3E, v8;
	v6 =	vand.u32 $0x1F1E, v32  }
0x3d: {  	v58 =	vshll.u32 v56, $0x1;
	v2 =	vor.u32 v38, v36;
	v35 =	vor.u32 v34, v6;
	[tilespmem:s17], [sflag:$0x2] =	stream.linear.gather [hbm4b:s16+s2], $0x80, $0x38;
	[tilespmem:$0xB00] =	vst v63  }
0x3e: {  	v3 =	vand.u32 $0x1F5E, v41;
	v7 =	vor.u32 v0, v50;
	v6 =	vor.u32 v0, v42;
	[tilespmem:$0x580] =	vst v35  }
0x3f: {  	v3 =	vor.u32 v43, v3;
	v5 =	vshrl.u32 v45, $0xC;
	v44 =	vand.u32 $0x1F7E, v6;
	[tilespmem:$0x590] =	vst v2  }
0x40: {  	v0 =	vor.u32 v0, v58;
	v6 =	vand.u32 $0x1F9E, v49;
	v4 =	vor.u32 v46, v44;
	[tilespmem:$0x5A0] =	vst v3  }
0x41: {  	v61 =	vshrl.u32 v56, $0xC;
	v0 =	vand.u32 $0x1FFE, v0;
	v51 =	vor.u32 v5, v6;
	[tilespmem:$0x5B0] =	vst v4  }
0x42: {  	v0 =	vor.u32 v61, v0;
	[tilespmem:$0x5C0] =	vst v51  }
0x43: {  	v62 =	vimm.s32 $0x2000;
	[tilespmem:$0x5F0] =	vst v0  }
0x44: {  	v63 =	vimm.f32 $0.0e+00;
	[tilespmem:$0x600] =	vst v62  }
0x45: {  	[tilespmem:$0x880] =	vst v63  }
0x46: {  	[tilespmem:$0x610] =	vst v62  }
0x47: {  	[tilespmem:$0x890] =	vst v63  }
0x48: {  	[tilespmem:$0x620] =	vst v62  }
0x49: {  	[tilespmem:$0x8A0] =	vst v63  }
0x4a: {  	[tilespmem:$0x630] =	vst v62  }
0x4b: {  	[tilespmem:$0x8B0] =	vst v63  }
0x4c: {  	[tilespmem:$0x640] =	vst v62  }
0x4d: {  	[tilespmem:$0x8C0] =	vst v63  }
0x4e: {  	[tilespmem:$0x650] =	vst v62  }
0x4f: {  	[tilespmem:$0x8D0] =	vst v63  }
0x50: {  	[tilespmem:$0x660] =	vst v62  }
0x51: {  	[tilespmem:$0x8E0] =	vst v63  }
0x52: {  	[tilespmem:$0x670] =	vst v62  }
0x53: {  	[tilespmem:$0x8F0] =	vst v63  }
0x54: {  	[tilespmem:$0x680] =	vst v62  }
0x55: {  	[tilespmem:$0x900] =	vst v63  }
0x56: {  	[tilespmem:$0x690] =	vst v62  }
0x57: {  	[tilespmem:$0x910] =	vst v63  }
0x58: {  	[tilespmem:$0x6A0] =	vst v62  }
0x59: {  	[tilespmem:$0x920] =	vst v63  }
0x5a: {  	[tilespmem:$0x6B0] =	vst v62  }
0x5b: {  	[tilespmem:$0x930] =	vst v63  }
0x5c: {  	[tilespmem:$0x6C0] =	vst v62  }
0x5d: {  	[tilespmem:$0x940] =	vst v63  }
0x5e: {  	[tilespmem:$0x6D0] =	vst v62  }
0x5f: {  	[tilespmem:$0x950] =	vst v63  }
0x60: {  	[tilespmem:$0x6E0] =	vst v62  }
0x61: {  	[tilespmem:$0x960] =	vst v63  }
0x62: {  	[tilespmem:$0x6F0] =	vst v62  }
0x63: {  	[tilespmem:$0x970] =	vst v63  }
0x64: {  	[tilespmem:$0x700] =	vst v62  }
0x65: {  	[tilespmem:$0x980] =	vst v63  }
0x66: {  	[tilespmem:$0x710] =	vst v62  }
0x67: {  	[tilespmem:$0x990] =	vst v63  }
0x68: {  	[tilespmem:$0x720] =	vst v62  }
0x69: {  	[tilespmem:$0x9A0] =	vst v63  }
0x6a: {  	[tilespmem:$0x730] =	vst v62  }
0x6b: {  	[tilespmem:$0x9B0] =	vst v63  }
0x6c: {  	[tilespmem:$0x740] =	vst v62  }
0x6d: {  	[tilespmem:$0x9C0] =	vst v63  }
0x6e: {  	[tilespmem:$0x750] =	vst v62  }
0x6f: {  	[tilespmem:$0x9D0] =	vst v63  }
0x70: {  	[tilespmem:$0x760] =	vst v62  }
0x71: {  	[tilespmem:$0x9E0] =	vst v63  }
0x72: {  	[tilespmem:$0x770] =	vst v62  }
0x73: {  	[tilespmem:$0x9F0] =	vst v63  }
0x74: {  	[tilespmem:$0x780] =	vst v62  }
0x75: {  	[tilespmem:$0xA00] =	vst v63  }
0x76: {  	[tilespmem:$0x790] =	vst v62  }
0x77: {  	[tilespmem:$0xA10] =	vst v63  }
0x78: {  	[tilespmem:$0x7A0] =	vst v62  }
0x79: {  	[tilespmem:$0xA20] =	vst v63  }
0x7a: {  	[tilespmem:$0x7B0] =	vst v62  }
0x7b: {  	[tilespmem:$0xA30] =	vst v63  }
0x7c: {  	[tilespmem:$0x7C0] =	vst v62  }
0x7d: {  	[tilespmem:$0xA40] =	vst v63  }
0x7e: {  	[tilespmem:$0x7D0] =	vst v62  }
0x7f: {  	[tilespmem:$0xA50] =	vst v63  }
0x80: {  	[tilespmem:$0x7E0] =	vst v62  }
0x81: {  	[tilespmem:$0xA60] =	vst v63  }
0x82: {  	[tilespmem:$0x7F0] =	vst v62  }
0x83: {  	[tilespmem:$0xA70] =	vst v63  }
0x84: {  	[tilespmem:$0x800] =	vst v62  }
0x85: {  	[tilespmem:$0xA80] =	vst v63  }
0x86: {  	[tilespmem:$0x810] =	vst v62  }
0x87: {  	[tilespmem:$0xA90] =	vst v63  }
0x88: {  	[tilespmem:$0x820] =	vst v62  }
0x89: {  	[tilespmem:$0xAA0] =	vst v63  }
0x8a: {  	[tilespmem:$0x830] =	vst v62  }
0x8b: {  	[tilespmem:$0xAB0] =	vst v63  }
0x8c: {  	[tilespmem:$0x840] =	vst v62  }
0x8d: {  	[tilespmem:$0xAC0] =	vst v63  }
0x8e: {  	[tilespmem:$0x850] =	vst v62  }
0x8f: {  	[tilespmem:$0xAD0] =	vst v63  }
0x90: {  	[tilespmem:$0x860] =	vst v62  }
0x91: {  	[tilespmem:$0xAE0] =	vst v63  }
0x92: {  	v54 =	vshrl.u32 v48, $0xC;
	v52 =	vand.u32 $0x1FBE, v7;
	[tilespmem:$0x870] =	vst v62  }
0x93: {  	s19 =	smul.u32 $0x50, s0;
	v59 =	vshrl.u32 v53, $0xC;
	v2 =	vor.u32 v54, v52;
	v3 =	vand.u32 $0x1FDE, v57;
	[tilespmem:$0xAF0] =	vst v63  }
0x94: {  	s20 =	sadd.s32 $0x43E00, s4;
	v60 =	vor.u32 v59, v3;
	[tilespmem:$0x5D0] =	vst v2  }
0x95: {  	s21 =	sadd.s32 s20, s19;
	s23 =	simm.s32 $0x3;
	s22 =	simm.s32 $0x600;
	[tilespmem:$0x5E0] =	vst v60  }
0x96: {  	[hbm4b:s21+s2] =	stream.linear.scatter [tilespmem:s22], [sflag:$0x3], $0x280, $0x38;
	[tilespmem:$0xB00] =	vst v63  }
0x97: {  	_ =	swait.ge [sflag:s23], $0x280  }
0x98: {  	s4 =	sadd.s32 $0x44400, s4;
	[sflag:s23] =	ssyncset.done $0x0  }
0x99: {  	s6 =	sadd.s32 s4, s19;
	s24 =	simm.s32 $0x880;
	[sflag:s23] =	ssyncadd.s32 $0xFFFFFD80  }
0x9a: {  	[hbm4b:s6+s2] =	stream.linear.scatter [tilespmem:s24], [sflag:$0x3], $0x280, $0x38;
	[tilespmem:$0xB00] =	vst v63  }
0x9b: {  	_ =	swait.ge [sflag:s23], $0x280  }
0x9c: {  	[sflag:s23] =	ssyncset.done $0x0  }
0x9d: {  	s25 =	simm.s32 $0x2;
	[sflag:s23] =	ssyncadd.s32 $0xFFFFFD80  }
0x9e: {  	_ =	swait.ge [sflag:s25], $0x80  }
0x9f: {  	[sflag:s25] =	ssyncset.done $0x0  }
0xa0: {  	[sflag:s25] =	ssyncadd.s32 $0xFFFFFF80  }
0xa1: {  	_ =	swait.ge [sflag:s25], $0x80  }
0xa2: {  	[sflag:s25] =	ssyncset.done $0x0  }
0xa3: {  	[sflag:s25] =	ssyncadd.s32 $0xFFFFFF80  }
0xa4: {  	_ =	swait.ge [sflag:s25], $0x80  }
0xa5: {  	[sflag:s25] =	ssyncset.done $0x0  }
0xa6: {  	[sflag:s25] =	ssyncadd.s32 $0xFFFFFF80  }
0xa7: {  	_ =	swait.ge [sflag:s25], $0x80  }
0xa8: {  	[sflag:s25] =	ssyncset.done $0x0  }
0xa9: {  	[sflag:s25] =	ssyncadd.s32 $0xFFFFFF80  }
0xaa: {  	_ =	swait.ge [sflag:s25], $0x80  }
0xab: {  	[sflag:s25] =	ssyncset.done $0x0  }
0xac: {  	[sflag:s25] =	ssyncadd.s32 $0xFFFFFF80  }
0xad: {  	_ =	swait.ge [sflag:s25], $0x80  }
0xae: {  	[sflag:s25] =	ssyncset.done $0x0  }
0xaf: {  	[sflag:s25] =	ssyncadd.s32 $0xFFFFFF80  }
0xb0: {  	_ =	swait.ge [sflag:s25], $0x80  }
0xb1: {  	[sflag:s25] =	ssyncset.done $0x0  }
0xb2: {  	[sflag:s25] =	ssyncadd.s32 $0xFFFFFF80  }
0xb3: {  	_ =	swait.ge [sflag:s25], $0x80  }
0xb4: {  	[sflag:s25] =	ssyncset.done $0x0  }
0xb5: {  	[sflag:s25] =	ssyncadd.s32 $0xFFFFFF80  }
0xb6: {  	s26 =	simm.s32 $0x400;
	[bflag:$0x0] =	sbarrier.arrive $0xFFFF  }
0xb7: {  	[hbm4b:s20+s5] =	stream.indirect.scatter [tilespmem:s26], [sflag:$0x1], $0x1, s2, s5, $0xb8;
	[tilespmem:$0xB00] =	vst v63  }
0xb8: {  	_ = 	snop  }
0xb9: {  	[hbm4b:s4+s5] =	stream.indirect.scatter [tilespmem:s3], [sflag:$0x1], $0x1, s2, s5, $0xb8;
	[tilespmem:$0xB00] =	vst v63  }
0xba: {  	s28 =	simm.s32 $0x480  }
0xbb: {  	[hbm4b:s20+s5] =	stream.indirect.scatter [tilespmem:s28], [sflag:$0x1], $0x1, s5, s5, $0xb8;
	[tilespmem:$0xB00] =	vst v63  }
0xbc: {  	_ = 	snop  }
0xbd: {  	[hbm4b:s4+s5] =	stream.indirect.scatter [tilespmem:s7], [sflag:$0x1], $0x1, s5, s5, $0xb8;
	[tilespmem:$0xB00] =	vst v63  }
0xbe: {  	s29 =	simm.s32 $0x500  }
0xbf: {  	[hbm4b:s20+s5] =	stream.indirect.scatter [tilespmem:s29], [sflag:$0x1], $0x1, s8, s5, $0xb8;
	[tilespmem:$0xB00] =	vst v63  }
0xc0: {  	_ = 	snop  }
0xc1: {  	[hbm4b:s4+s5] =	stream.indirect.scatter [tilespmem:s9], [sflag:$0x1], $0x1, s8, s5, $0xb8;
	[tilespmem:$0xB00] =	vst v63  }
0xc2: {  	s30 =	simm.s32 $0x580  }
0xc3: {  	[hbm4b:s20+s5] =	stream.indirect.scatter [tilespmem:s30], [sflag:$0x1], $0x1, s31, s5, $0xb8;
	[tilespmem:$0xB00] =	vst v63  }
0xc4: {  	_ = 	snop  }
0xc5: {  	[hbm4b:s4+s5] =	stream.indirect.scatter [tilespmem:s17], [sflag:$0x1], $0x1, s31, s5, $0xb8;
	[tilespmem:$0xB00] =	vst v63  }
0xc6: {  	s31 =	simm.s32 $0x1  }
0xc7: {  	_ =	swait.ge [sflag:s31], $0x80  }
0xc8: {  	[sflag:s31] =	ssyncset.done $0x0  }
0xc9: {  	[sflag:s31] =	ssyncadd.s32 $0xFFFFFF80  }
0xca: {  	_ =	swait.ge [sflag:s31], $0x80  }
0xcb: {  	[sflag:s31] =	ssyncset.done $0x0  }
0xcc: {  	[sflag:s31] =	ssyncadd.s32 $0xFFFFFF80  }
0xcd: {  	_ =	swait.ge [sflag:s31], $0x80  }
0xce: {  	[sflag:s31] =	ssyncset.done $0x0  }
0xcf: {  	[sflag:s31] =	ssyncadd.s32 $0xFFFFFF80  }
0xd0: {  	_ =	swait.ge [sflag:s31], $0x80  }
0xd1: {  	[sflag:s31] =	ssyncset.done $0x0  }
0xd2: {  	[sflag:s31] =	ssyncadd.s32 $0xFFFFFF80  }
0xd3: {  	_ =	swait.ge [sflag:s31], $0x80  }
0xd4: {  	[sflag:s31] =	ssyncset.done $0x0  }
0xd5: {  	[sflag:s31] =	ssyncadd.s32 $0xFFFFFF80  }
0xd6: {  	_ =	swait.ge [sflag:s31], $0x80  }
0xd7: {  	[sflag:s31] =	ssyncset.done $0x0  }
0xd8: {  	[sflag:s31] =	ssyncadd.s32 $0xFFFFFF80  }
0xd9: {  	_ =	swait.ge [sflag:s31], $0x80  }
0xda: {  	[sflag:s31] =	ssyncset.done $0x0  }
0xdb: {  	[sflag:s31] =	ssyncadd.s32 $0xFFFFFF80  }
0xdc: {  	_ =	swait.ge [sflag:s31], $0x80  }
0xdd: {  	[sflag:s31] =	ssyncset.done $0x0  }
0xde: {  	[sflag:s31] =	ssyncadd.s32 $0xFFFFFF80  }
0xdf: {  	_ =	sfence.sel $0x180000  }
0xe0: {  	[bflag:$0x0] =	sbarrier.arrive $0xFFFF  }
0xe1: {  	p0 =	sne.s32 s0, $0x0;
	_ =	strace $0x90000047  }
0xe2: {  	s0 =	sadd.s32 @!p0 $0x100000, s1;
	[bflag:$0x2] =	sbarrier.arrive $0xFFFF  }
0xe3: {  	[sflag:s0] =	ssyncadd.tile.s32 @!p0 $0x1;
	_ =	shalt  }
.Lfunc_end2:
_tile_overlayer_lowered:
.L_overlay_start_2:
0xe4: {  	(tag) =	ssettag $0x2  }
0xe5: {  	s0 =	rddreg [dreg:$0x0];
	s2 =	stileid.u32  }
0xe6: {  	s1 =	rddreg [dreg:$0x1];
	p0 =	sne.s32 s2, $0x0  }
0xe7: {  	s3 =	rddreg [dreg:$0x2];
	[bflag:$0x3] =	sbarrier.arrive $0xFFFF;
	s2 =	simm.s32 @!p0 $0x1C03  }
0xe8: {  	[timem:s3], [sflag:s2] =	dma.local @!p0 [hbm:s0], s1  }
0xe9: {  	s0 =	simm.s32 @!p0 $0x3  }
0xea: {  	_ =	swait.ge @!p0 [sflag:s0], s1  }
0xeb: {  	s1 =	ssub.s32 @!p0 $0x0, s1;
	[sflag:s0] =	ssyncset.done @!p0 $0x0  }
0xec: {  	[sflag:s0] =	ssyncadd.s32 @!p0 s1  }
0xed: {  	[bflag:$0x3] =	sbarrier.arrive $0xFFFF  }
0xee: {  	_ =	shalt  }

// kernel: c_gather.3.cloned.1.call-start
scs
__scs_entry_jumppad:
0x0: {  	(pc) =	sbr.rel $0x88, $3  }
0x1: {  	(tag) =	ssettag $0x0;
	lr =	simm.s32 $0x1  }
0x2: {  	[smem:$0x3F99] =	sst lr;
	_ =	strace $0xD0000000  }
0x3: {  	_ = 	snop  }
0x4: {  	_ = 	snop  }
0x5: {  	_ = 	snop  }
0x6: {  	_ = 	snop  }
0x7: {  	_ = 	snop  }
__scs_overlays_trampoline_lowered:
0x8: {  	[smem:$0x3FA8] =	sst s0  }
0x9: {  	[smem:$0x3FA9] =	sst s1  }
0xa: {  	[smem:$0x3FAA] =	sst s2  }
0xb: {  	[smem:$0x3FAB] =	sst s3  }
0xc: {  	[smem:$0x3FAC] =	sst s4  }
0xd: {  	[smem:$0x3FAD] =	sst s5  }
0xe: {  	[smem:$0x3FAE] =	sst s6  }
0xf: {  	[smem:$0x3FAF] =	sst s7  }
0x10: {  	[smem:$0x3FB0] =	sst s8  }
0x11: {  	[smem:$0x3FB1] =	sst s9;
	s0 =	simm.s32 @!p0 $0x0  }
0x12: {  	s1 =	sld [smem:$0x3F97];
	s0 =	simm.s32 @p0 $0x1  }
0x13: {  	[smem:$0x3FB2] =	sst s0;
	s0 =	simm.s32 @!p1 $0x0  }
0x14: {  	s2 =	sld [smem:$0x3F96];
	s0 =	simm.s32 @p1 $0x1  }
0x15: {  	[smem:$0x3FB3] =	sst s0;
	s0 =	simm.s32 @!p2 $0x0  }
0x16: {  	s3 =	sld [smem:$0x3FDB];
	s0 =	simm.s32 @p2 $0x1  }
0x17: {  	s4 =	simm.s32 $0x1BF5;
	[smem:$0x3FB5] =	sst s0  }
0x18: {  	s0 =	sld [smem:$0x3F98];
	_ =	swait.ge [sflag:s4], $0x0  }
0x19: {  	s7 =	sld [smem:$0x3F99]  }
0x1a: {  	s8 =	sadd.s32 $0xFFFFE003, lr  }
0x1b: {  	s9 =	sadd.s32 $0xFFFFFEF7, lr;
	s5 =	simm.s32 $0xFFFFFFFF;
	p2 =	slt.u32 s8, $0xFFFFF086  }
0x1c: {  	p1 =	slt.u32 s9, $0xF7A;
	s5 =	simm.s32 @!p2 $0x0  }
0x1d: {  	s5 =	simm.s32 @p1 $0x1;
	p0 =	seq.s32 s7, s2  }
0x1e: {  	s7 =	smul.u32 @!p0 $0xF7A, s2;
	p2 =	seq.s32 @!p0 s5, $0x0  }
0x1f: {  	s9 =	smul.u32 $0xF7A, s1;
	s8 =	simm.s32 @!p0 $0x1BF5;
	p2 =	por !p2, p0  }
0x20: {  	[sflag:s8] =	ssyncset.s32 @!p0 $0xFFFFF086;
	s6 =	sadd.s32 @!p0 s3, s7;
	s7 =	simm.s32 @!p0 $0x108  }
0x21: {  	s3 =	sadd.s32 s3, s9;
	s6 =	sadd.s32 @!p0 $0x88, s6;
	s7 =	simm.s32 @p2 $0x1082  }
0x22: {  	[simem:s7], [sflag:s8] =	dma.local @!p0 [hbm:s6], $0xF7A  }
0x23: {  	s9 =	sor.u32 $0xD0000000, s2;
	s6 =	simm.s32 $0x108;
	_ =	swait.ge @!p0 [sflag:s8], $0x0  }
0x24: {  	s3 =	sadd.s32 $0x88, s3;
	s6 =	simm.s32 @!p1 $0x1082;
	[sflag:s4] =	ssyncset.s32 $0xFFFFF086  }
0x25: {  	[simem:s6], [sflag:s4] =	dma.local [hbm:s3], $0xF7A  }
0x26: {  	[smem:$0x3F99] =	sst s1;
	(tag) =	ssettag s2;
	_ =	strace s9  }
0x27: {  	s1 =	sld [smem:$0x3FA9]  }
0x28: {  	s2 =	sld [smem:$0x3FAA]  }
0x29: {  	s4 =	sld [smem:$0x3FAC]  }
0x2a: {  	p0 =	seq.s32 s5, $0x0;
	s5 =	sld [smem:$0x3FAD]  }
0x2b: {  	s6 =	sld [smem:$0x3FAE]  }
0x2c: {  	s7 =	sld [smem:$0x3FAF]  }
0x2d: {  	s3 =	simm.s32 $0x108;
	s8 =	sld [smem:$0x3FB0]  }
0x2e: {  	s3 =	simm.s32 @!p0 $0x1082;
	s9 =	sld [smem:$0x3FB1]  }
0x2f: {  	lr =	sadd.s32 s0, s3;
	s0 =	sld [smem:$0x3FA8]  }
0x30: {  	s3 =	sld [smem:$0x3FAB]  }
0x31: {  	[smem:$0x3FB4] =	sst s10  }
0x32: {  	s10 =	sld [smem:$0x3FB2];
	_ =	sdelay $0x3  }
0x33: {  	p0 =	seq.s32 s10, $0x1;
	s10 =	sld [smem:$0x3FB4];
	_ =	sdelay $0x3  }
0x34: {  	[smem:$0x3FB4] =	sst s10  }
0x35: {  	s10 =	sld [smem:$0x3FB3];
	_ =	sdelay $0x3  }
0x36: {  	p1 =	seq.s32 s10, $0x1;
	s10 =	sld [smem:$0x3FB4];
	_ =	sdelay $0x3  }
0x37: {  	[smem:$0x3FB4] =	sst s10  }
0x38: {  	s10 =	sld [smem:$0x3FB5]  }
0x39: {  	_ = 	snop;
	(pc) =	sbr.ind lr, $3  }
0x3a: {  	_ = 	snop  }
0x3b: {  	_ = 	snop  }
0x3c: {  	p2 =	seq.s32 s10, $0x1;
	s10 =	sld [smem:$0x3FB4]  }
0x3d: {  	_ =	shalt  }
0x3e: {  	_ =	shalt  }
0x3f: {  	_ =	shalt  }
0x40: {  	_ =	shalt  }
0x41: {  	_ =	shalt  }
0x42: {  	_ =	shalt  }
0x43: {  	_ =	shalt  }
0x44: {  	_ =	shalt  }
0x45: {  	_ =	shalt  }
0x46: {  	_ =	shalt  }
0x47: {  	_ =	shalt  }
0x48: {  	_ =	shalt  }
0x49: {  	_ =	shalt  }
0x4a: {  	_ =	shalt  }
0x4b: {  	_ =	shalt  }
0x4c: {  	_ =	shalt  }
0x4d: {  	_ =	shalt  }
0x4e: {  	_ =	shalt  }
0x4f: {  	_ =	shalt  }
0x50: {  	_ =	shalt  }
0x51: {  	_ =	shalt  }
0x52: {  	_ =	shalt  }
0x53: {  	_ =	shalt  }
0x54: {  	_ =	shalt  }
0x55: {  	_ =	shalt  }
0x56: {  	_ =	shalt  }
0x57: {  	_ =	shalt  }
0x58: {  	_ =	shalt  }
0x59: {  	_ =	shalt  }
0x5a: {  	_ =	shalt  }
0x5b: {  	_ =	shalt  }
0x5c: {  	_ =	shalt  }
0x5d: {  	_ =	shalt  }
0x5e: {  	_ =	shalt  }
0x5f: {  	_ =	shalt  }
0x60: {  	_ =	shalt  }
0x61: {  	_ =	shalt  }
0x62: {  	_ =	shalt  }
0x63: {  	_ =	shalt  }
0x64: {  	_ =	shalt  }
0x65: {  	_ =	shalt  }
0x66: {  	_ =	shalt  }
0x67: {  	_ =	shalt  }
0x68: {  	_ =	shalt  }
0x69: {  	_ =	shalt  }
0x6a: {  	_ =	shalt  }
0x6b: {  	_ =	shalt  }
0x6c: {  	_ =	shalt  }
0x6d: {  	_ =	shalt  }
0x6e: {  	_ =	shalt  }
0x6f: {  	_ =	shalt  }
0x70: {  	_ =	shalt  }
0x71: {  	_ =	shalt  }
0x72: {  	_ =	shalt  }
0x73: {  	_ =	shalt  }
0x74: {  	_ =	shalt  }
0x75: {  	_ =	shalt  }
0x76: {  	_ =	shalt  }
0x77: {  	_ =	shalt  }
0x78: {  	_ =	shalt  }
0x79: {  	_ =	shalt  }
0x7a: {  	_ =	shalt  }
0x7b: {  	_ =	shalt  }
0x7c: {  	_ =	shalt  }
0x7d: {  	_ =	shalt  }
0x7e: {  	_ =	shalt  }
0x7f: {  	_ =	shalt  }
0x80: {  	_ =	shalt  }
0x81: {  	_ =	shalt  }
0x82: {  	_ =	shalt  }
0x83: {  	_ =	shalt  }
0x84: {  	_ =	shalt  }
0x85: {  	_ =	shalt  }
0x86: {  	_ =	shalt  }
0x87: {  	_ =	shalt  }
.Lfunc_end0:
.L_simem_size_0:
called_computation.1_lowered:
.L_overlay_start_0:
0x88: {  	s2 =	sld [smem:$0x3FD9]  }
0x89: {  	s3 =	sld [smem:$0x3FFE];
	_ =	sdelay $0x1  }
0x8a: {  	s1 =	srdreg.scid  }
0x8b: {  	s0 =	sand.u32 $0x1, s1  }
0x8c: {  	s17 =	sshll.u32 s0, $0xA;
	s2 =	sadd.s32 s3, s2  }
0x8d: {  	s2 =	sadd.s32 s2, s17  }
0x8e: {  	[smem:$0x3FC0] =	sst s2  }
0x8f: {  	_ = 	snop  }
0x90: {  	s2 =	sld [smem:$0x3FD0];
	(tm) =	ssettm $0x1  }
0x91: {  	s18 =	sld [smem:$0x3FFB];
	_ =	sdelay $0x3  }
0x92: {  	_ =	strace s18  }
0x93: {  	s3 =	sld [smem:$0x3FFC];
	_ =	sdelay $0x3  }
0x94: {  	_ =	strace s3  }
0x95: {  	s3 =	sld [smem:$0x3FFD];
	_ =	sdelay $0x3  }
0x96: {  	_ =	strace s3  }
0x97: {  	_ =	strace $0x8FFFFFFF  }
0x98: {  	s19 =	sld [smem:$0x3FDB];
	_ =	sdelay $0x1  }
0x99: {  	s4 =	simm.s32 $_scs_section_size  }
0x9a: {  	s5 =	simm.s32 $_size__tile_overlayer_lowered;
	s6 =	simm.s32 $_tile_overlayer_lowered  }
0x9b: {  	s22 =	simm.s32 $0x1BFF;
	s21 =	sshll.u32 s6, $0x1;
	s3 =	sadd.s32 s4, s19  }
0x9c: {  	s7 =	simm.s32 $0x0;
	s20 =	sshll.u32 s5, $0x1;
	s5 =	sadd.s32 s21, s3  }
0x9d: {  	[timem:s7], [sflag:s22] =	dma.local [hbm:s5], s20  }
0x9e: {  	_ =	swait.ge [sflag:s22], s20  }
0x9f: {  	s4 =	ssub.s32 $0x0, s20;
	[sflag:s22] =	ssyncset.done $0x0  }
0xa0: {  	[sflag:s22] =	ssyncadd.s32 s4;
	_ =	sdelay $0x1  }
0xa1: {  	s23 =	simm.s32 $0x1B8B  }
0xa2: {  	_ =	swait.ge [sflag:s23], $0x1  }
0xa3: {  	[sflag:s23] =	ssyncset.done $0x0  }
0xa4: {  	s25 =	simm.s32 $0x1B8E;
	s24 =	sld [smem:$0x3FFE];
	[sflag:s23] =	ssyncadd.s32 $0xFFFFFFFF  }
0xa5: {  	s26 =	simm.s32 $execute0_lowered;
	[smem:$0x3FD2] =	sst s25  }
0xa6: {  	s5 =	sshll.u32 s26, $0x1;
	_ =	strace $0x80000049;
	[dreg:$0x1] =	wrdreg $0xFFFFFFFF  }
0xa7: {  	s28 =	simm.s32 $_size_execute0_lowered;
	s3 =	sadd.s32 s3, s5;
	[dreg:$0x0] =	wrdreg $0x0  }
0xa8: {  	s5 =	sshll.u32 s28, $0x1;
	[dreg:$0x2] =	wrdreg s3  }
0xa9: {  	[dreg:$0x3] =	wrdreg s5  }
0xaa: {  	[dreg:$0x4] =	wrdreg $0xC0  }
0xab: {  	_ =	task [dreg:s7], $0x5FFFF  }
0xac: {  	[dreg:$0x1] =	wrdreg $0xFFFFFFFF  }
0xad: {  	[dreg:$0x0] =	wrdreg $0x60  }
0xae: {  	[dreg:$0x2] =	wrdreg s24  }
0xaf: {  	[dreg:$0x3] =	wrdreg s2  }
0xb0: {  	[dreg:$0x4] =	wrdreg $0x9  }
0xb1: {  	_ =	task.clear_ibuf [dreg:s7], $0x5FFFF;
	_ =	strace $0x90000049  }
0xb2: {  	s29 =	simm.s32 $0x9;
	_ =	strace $0x8000004B  }
0xb3: {  	_ =	swait.ge [sflag:s29], $0x1  }
0xb4: {  	[sflag:s29] =	ssyncadd.s32 $0xFFFFFFFF  }
0xb5: {  	_ =	strace $0x9000004B  }
0xb6: {  	_ =	sfence  }
0xb7: {  	s30 =	sld [smem:$0x0];
	_ =	sdelay $0x2  }
0xb8: {  	s31 =	sshll.u32 s1, $0xD;
	s1 =	sshrl.u32 s1, $0x2  }
0xb9: {  	s3 =	sand.u32 $0x4000, s31;
	s1 =	sadd.s32 s1, s30  }
0xba: {  	s0 =	sor.u32 s3, s0;
	s1 =	sshll.u32 s1, $0x11  }
0xbb: {  	s0 =	sor.u32 s1, s0  }
0xbc: {  	s0 =	sadd.s32 $0x8F2B, s0  }
0xbd: {  	[sflag:s0] =	ssyncadd.remote.s32 $0x1  }
0xbe: {  	_ =	sfence.sel $0xFFFF  }
0xbf: {  	[dreg:$0x0] =	wrdreg $0xFFFFFFFF;
	(pc) =	sbr.abs _section_cstart, $3  }
0xc0: {  	[dreg:$0x1] =	wrdreg $0xFFFFFFFF  }
0xc1: {  	_ =	task.clear_ibuf [dreg:s7], $0x2FFFF;
	_ =	strace $0x9FFFFFFF  }
0xc2: {  	(tm) =	ssettm $0x7FFFFFFF  }
0xc3: {  	_ =	shalt  }
tec
execute0_lowered:
.L_overlay_start_1:
0x0: {  	(tag) =	ssettag $0x1  }
0x1: {  	s1 =	srdreg.scid;
	s0 =	stileid.u32  }
0x2: {  	s6 =	sand.u32 $0x1, s1;
	s29 =	sshll.u32 s0, $0x1  }
0x3: {  	s7 =	rddreg [dreg:$0x0];
	s9 =	sor.u32 s6, s29  }
0x4: {  	s3 =	rddreg [dreg:$0x1];
	s4 =	smul.u32 $0x28, s9  }
0x5: {  	s2 =	simm.s32 $0x0;
	s1 =	rddreg [dreg:$0x2]  }
0x6: {  	[smem:$0x7FF] =	sst s2;
	s4 =	sadd.s32 s4, s7  }
0x7: {  	_ =	strace $0x8000004A;
	s5 =	sadd.s32 $0x43E00, s4;
	s4 =	simm.s32 $0x2  }
0x8: {  	[tilespmem:s2], [sflag:$0x2] =	stream.linear.gather [hbm4b:s5+s2], $0x140, $0x38;
	[tilespmem:$0x10400] =	vst v63  }
0x9: {  	_ =	swait.ge [sflag:s4], $0x140  }
0xa: {  	[sflag:s4] =	ssyncset.done $0x0  }
0xb: {  	[sflag:s4] =	ssyncadd.s32 $0xFFFFFEC0  }
0xc: {  	v0 =	vld [tilespmem:$0x130]  }
0xd: {  	v1 =	vld [tilespmem:$0x120]  }
0xe: {  	v2 =	vld [tilespmem:$0x20]  }
0xf: {  	v3 =	vld [tilespmem:$0x30]  }
0x10: {  	v4 =	vld [tilespmem:$0x10]  }
0x11: {  	v5 =	vld [tilespmem:$0x40]  }
0x12: {  	v6 =	vld [tilespmem:$0x110]  }
0x13: {  	v7 =	vld [tilespmem:$0x70]  }
0x14: {  	v8 =	vld [tilespmem:$0x0]  }
0x15: {  	v9 =	vld [tilespmem:$0x50]  }
0x16: {  	v10 =	vld [tilespmem:$0x60]  }
0x17: {  	v11 =	vld [tilespmem:$0x90]  }
0x18: {  	v12 =	vld [tilespmem:$0x80]  }
0x19: {  	v13 =	vld [tilespmem:$0xD0]  }
0x1a: {  	v50 =	vld [tilespmem:$0xF0]  }
0x1b: {  	v54 =	vld [tilespmem:$0xB0];
	v0 =	vshra.s32 v0, $0x1;
	v1 =	vshra.s32 v1, $0x1  }
0x1c: {  	v3 =	vshra.s32 v3, $0x1;
	v4 =	vshra.s32 v4, $0x1;
	v6 =	vshra.s32 v6, $0x1  }
0x1d: {  	v7 =	vshra.s32 v7, $0x1;
	v2 =	vshra.s32 v2, $0x1;
	v8 =	vshra.s32 v8, $0x1  }
0x1e: {  	v5 =	vshra.s32 v5, $0x1;
	v9 =	vshra.s32 v9, $0x1;
	v10 =	vshra.s32 v10, $0x1  }
0x1f: {  	v11 =	vshra.s32 v11, $0x1;
	v12 =	vshra.s32 v12, $0x1;
	v51 =	vshra.s32 v13, $0x1  }
0x20: {  	v57 =	vshra.s32 v50, $0x1;
	v59 =	vshra.s32 v54, $0x1;
	vm0 =	vgt.s32 v0, $0x0  }
0x21: {  	vm1 =	vgt.s32 v1, $0x0;
	vm10 =	vgt.s32 v3, $0x0;
	vm11 =	vgt.s32 v4, $0x0  }
0x22: {  	vm2 =	vgt.s32 v6, $0x0;
	vm12 =	vgt.s32 v2, $0x0;
	v0 =	vnsel vm0, $0x0, v0  }
0x23: {  	vm3 =	vgt.s32 v8, $0x0;
	v1 =	vnsel vm1, $0x0, v1;
	v0 =	vmin.u32 v0, $0xFFF  }
0x24: {  	vm4 =	vgt.s32 v5, $0x0;
	v2 =	vnsel vm12, $0x0, v2;
	v1 =	vmin.u32 v1, $0xFFF;
	[tilespmem:$0x3B0] =	vst v0  }
0x25: {  	vm13 =	vgt.s32 v10, $0x0;
	v5 =	vnsel vm4, $0x0, v5;
	v2 =	vmin.u32 v2, $0xFFF;
	[tilespmem:$0x3A0] =	vst v1  }
0x26: {  	vm14 =	vgt.s32 v11, $0x0;
	v6 =	vnsel vm2, $0x0, v6;
	v5 =	vmin.u32 v5, $0xFFF;
	[tilespmem:$0x1A0] =	vst v2  }
0x27: {  	vm5 =	vgt.s32 v9, $0x0;
	v4 =	vnsel vm11, $0x0, v4;
	v48 =	vmin.u32 v6, $0xFFF;
	[tilespmem:$0x200] =	vst v5  }
0x28: {  	vm8 =	vgt.s32 v7, $0x0;
	v3 =	vnsel vm10, $0x0, v3;
	v4 =	vmin.u32 v4, $0xFFF;
	[tilespmem:$0x390] =	vst v48  }
0x29: {  	v43 =	vld [tilespmem:$0xA0];
	vm15 =	vgt.s32 v12, $0x0;
	v7 =	vnsel vm8, $0x0, v7;
	v3 =	vmin.u32 v3, $0xFFF;
	[tilespmem:$0x190] =	vst v4  }
0x2a: {  	v44 =	vld [tilespmem:$0xC0];
	vm9 =	vgt.s32 v51, $0x0;
	v49 =	vnsel vm5, $0x0, v9;
	v7 =	vmin.u32 v7, $0xFFF;
	[tilespmem:$0x1B0] =	vst v3  }
0x2b: {  	v52 =	vld [tilespmem:$0x100];
	v45 =	vnsel vm14, $0x0, v11;
	v8 =	vnsel vm3, $0x0, v8;
	v6 =	vmin.u32 v49, $0xFFF;
	[tilespmem:$0x230] =	vst v7  }
0x2c: {  	v46 =	vnsel vm15, $0x0, v12;
	v55 =	vnsel vm13, $0x0, v10;
	v8 =	vmin.u32 v8, $0xFFF;
	[tilespmem:$0x210] =	vst v6  }
0x2d: {  	v47 =	vld [tilespmem:$0xE0];
	v53 =	vnsel vm9, $0x0, v51;
	vm15 =	vgt.s32 v59, $0x0;
	v56 =	vmin.u32 v55, $0xFFF;
	[tilespmem:$0x180] =	vst v8  }
0x2e: {  	v62 =	vnsel vm15, $0x0, v59;
	v2 =	vmin.u32 v45, $0xFFF;
	v5 =	vmin.u32 v46, $0xFFF;
	[tilespmem:$0x220] =	vst v56  }
0x2f: {  	v0 =	vshra.s32 v43, $0x1;
	v1 =	vshra.s32 v44, $0x1;
	v3 =	vmin.u32 v53, $0xFFF;
	[tilespmem:$0x290] =	vst v2  }
0x30: {  	v4 =	vshra.s32 v52, $0x1;
	v63 =	vmin.u32 v62, $0xFFF;
	[tilespmem:$0x280] =	vst v5;
	vm11 =	vgt.s32 v1, $0x0  }
0x31: {  	vm10 =	vgt.s32 v0, $0x0;
	[tilespmem:$0x310] =	vst v3;
	vm14 =	vgt.s32 v4, $0x0;
	v1 =	vnsel vm11, $0x0, v1  }
0x32: {  	v2 =	vshra.s32 v47, $0x1;
	[tilespmem:$0x2B0] =	vst v63;
	v60 =	vnsel vm14, $0x0, v4;
	v1 =	vmin.u32 v1, $0xFFF  }
0x33: {  	vm12 =	vgt.s32 v2, $0x0;
	v0 =	vnsel vm10, $0x0, v0;
	v61 =	vmin.u32 v60, $0xFFF;
	[tilespmem:$0x300] =	vst v1  }
0x34: {  	s11 =	simm.s32 $0x180;
	s8 =	simm.s32 $0x1;
	vm13 =	vgt.s32 v57, $0x0;
	v2 =	vnsel vm12, $0x0, v2;
	v0 =	vmin.u32 v0, $0xFFF;
	[tilespmem:$0x380] =	vst v61  }
0x35: {  	s18 =	simm.s32 $0x200;
	s17 =	simm.s32 $0x280;
	s10 =	sadd.s32 $0x44A00, s7;
	v58 =	vnsel vm13, $0x0, v57;
	v2 =	vmin.u32 v2, $0xFFF;
	[tilespmem:$0x2A0] =	vst v0  }
0x36: {  	s12 =	ssub.s32 $0x2, s6;
	s6 =	simm.s32 $0x40;
	s13 =	smul.u32 $0x50000, s9;
	v1 =	vmin.u32 v58, $0xFFF;
	[tilespmem:$0x320] =	vst v2  }
0x37: {  	s14 =	sshrl.u32 s12, $0x1;
	s9 =	smul.u32 $0xA000, s9;
	s7 =	simm.s32 $0x400;
	[tilespmem:$0x330] =	vst v1  }
0x38: {  	[tilespmem:s7], [sflag:$0x1] =	stream.indirect.gather [hbm4b:s3+s6], $0x400, s11, s6, $0xb8;
	[tilespmem:$0x10400] =	vst v63  }
0x39: {  	s14 =	ssub.s32 s12, s14;
	s30 =	sshrl.u32 s13, $0x3;
	_ =	swait.ge [sflag:s8], $0x10000  }
0x3a: {  	s15 =	sadd.s32 s10, s9;
	s19 =	smax.u32 s14, $0x1;
	[sflag:s8] =	ssyncset.done $0x0  }
0x3b: {  	s14 =	simm.s32 $0x300;
	p0 =	sne.s32 s19, $0x1;
	[sflag:s8] =	ssyncadd.s32 $0xFFFF0000  }
0x3c: {  	[hbm4b:s15+s2] =	stream.linear.scatter [tilespmem:s7], [sflag:$0x2], $0x10000, $0x38;
	[tilespmem:$0x10400] =	vst v63  }
.Ltmp0:
0x3d: {  	s13 =	simm.s32 $0x380;
	_ =	swait.ge [sflag:s4], $0x10000;
	(pc) =	sbr.rel @!p0 .LBB2_2-.Ltmp0, $4  }
0x3e: {  	s31 =	sadd.s32 s10, s30;
	s19 =	sadd.s32 $0xFFFFFFFF, s19;
	[sflag:s4] =	ssyncset.done $0x0  }
0x3f: {  	s16 =	sadd.s32 $0x2000, s31;
	s12 =	sadd.s32 $0x4000, s31;
	[sflag:s4] =	ssyncadd.s32 $0xFFFF0000  }
0x40: {  	[tilespmem:s7], [sflag:$0x1] =	stream.indirect.gather [hbm4b:s3+s6], $0x400, s18, s6, $0xb8;
	[tilespmem:$0x10400] =	vst v63  }
0x41: {  	s10 =	sadd.s32 $0x6000, s31;
	s9 =	sadd.s32 $0x8000, s31;
	_ =	swait.ge [sflag:s8], $0x10000  }
.LBB2_1:
0x42: {  	p0 =	sne.s32 s19, $0x1;
	s19 =	sadd.s32 $0xFFFFFFFF, s19;
	[sflag:s8] =	ssyncset.done $0x0  }
0x43: {  	[sflag:s8] =	ssyncadd.s32 $0xFFFF0000  }
0x44: {  	[hbm4b:s16+s2] =	stream.linear.scatter [tilespmem:s7], [sflag:$0x2], $0x10000, $0x38;
	[tilespmem:$0x10400] =	vst v63  }
0x45: {  	_ =	swait.ge [sflag:s4], $0x10000  }
0x46: {  	[sflag:s4] =	ssyncset.done $0x0  }
0x47: {  	[sflag:s4] =	ssyncadd.s32 $0xFFFF0000  }
0x48: {  	[tilespmem:s7], [sflag:$0x1] =	stream.indirect.gather [hbm4b:s3+s6], $0x400, s17, s6, $0xb8;
	[tilespmem:$0x10400] =	vst v63  }
0x49: {  	_ =	swait.ge [sflag:s8], $0x10000  }
0x4a: {  	[sflag:s8] =	ssyncset.done $0x0  }
0x4b: {  	[sflag:s8] =	ssyncadd.s32 $0xFFFF0000  }
0x4c: {  	[hbm4b:s12+s2] =	stream.linear.scatter [tilespmem:s7], [sflag:$0x2], $0x10000, $0x38;
	[tilespmem:$0x10400] =	vst v63  }
0x4d: {  	_ =	swait.ge [sflag:s4], $0x10000  }
0x4e: {  	[sflag:s4] =	ssyncset.done $0x0  }
0x4f: {  	[sflag:s4] =	ssyncadd.s32 $0xFFFF0000  }
0x50: {  	[tilespmem:s7], [sflag:$0x1] =	stream.indirect.gather [hbm4b:s3+s6], $0x400, s14, s6, $0xb8;
	[tilespmem:$0x10400] =	vst v63  }
0x51: {  	_ =	swait.ge [sflag:s8], $0x10000  }
0x52: {  	[sflag:s8] =	ssyncset.done $0x0  }
0x53: {  	[sflag:s8] =	ssyncadd.s32 $0xFFFF0000  }
0x54: {  	[hbm4b:s10+s2] =	stream.linear.scatter [tilespmem:s7], [sflag:$0x2], $0x10000, $0x38;
	[tilespmem:$0x10400] =	vst v63  }
0x55: {  	_ =	swait.ge [sflag:s4], $0x10000  }
0x56: {  	[sflag:s4] =	ssyncset.done $0x0  }
0x57: {  	[sflag:s4] =	ssyncadd.s32 $0xFFFF0000  }
0x58: {  	[tilespmem:s7], [sflag:$0x1] =	stream.indirect.gather [hbm4b:s3+s6], $0x400, s13, s6, $0xb8;
	[tilespmem:$0x10400] =	vst v63  }
0x59: {  	_ =	swait.ge [sflag:s8], $0x10000  }
0x5a: {  	[sflag:s8] =	ssyncset.done $0x0  }
0x5b: {  	[sflag:s8] =	ssyncadd.s32 $0xFFFF0000  }
0x5c: {  	[hbm4b:s9+s2] =	stream.linear.scatter [tilespmem:s7], [sflag:$0x2], $0x10000, $0x38;
	[tilespmem:$0x10400] =	vst v63  }
0x5d: {  	_ =	swait.ge [sflag:s4], $0x10000  }
0x5e: {  	[sflag:s4] =	ssyncset.done $0x0  }
0x5f: {  	[sflag:s4] =	ssyncadd.s32 $0xFFFF0000  }
0x60: {  	[tilespmem:s2], [sflag:$0x2] =	stream.linear.gather [hbm4b:s5+s2], $0x140, $0x38;
	[tilespmem:$0x10400] =	vst v63  }
0x61: {  	_ =	swait.ge [sflag:s4], $0x140  }
0x62: {  	[sflag:s4] =	ssyncset.done $0x0  }
0x63: {  	[sflag:s4] =	ssyncadd.s32 $0xFFFFFEC0  }
0x64: {  	v0 =	vld [tilespmem:$0x130]  }
0x65: {  	v1 =	vld [tilespmem:$0x120]  }
0x66: {  	v2 =	vld [tilespmem:$0x20]  }
0x67: {  	v3 =	vld [tilespmem:$0x40]  }
0x68: {  	v4 =	vld [tilespmem:$0x30]  }
0x69: {  	v5 =	vld [tilespmem:$0x10];
	v0 =	vshra.s32 v0, $0x1  }
0x6a: {  	v6 =	vld [tilespmem:$0x110];
	v1 =	vshra.s32 v1, $0x1;
	vm0 =	vgt.s32 v0, $0x0  }
0x6b: {  	v7 =	vld [tilespmem:$0x70];
	vm1 =	vgt.s32 v1, $0x0;
	v0 =	vnsel vm0, $0x0, v0  }
0x6c: {  	v8 =	vld [tilespmem:$0x0];
	v1 =	vnsel vm1, $0x0, v1;
	v0 =	vmin.u32 v0, $0xFFF  }
0x6d: {  	v4 =	vshra.s32 v4, $0x1;
	v9 =	vld [tilespmem:$0x50];
	[tilespmem:$0x3B0] =	vst v0  }
0x6e: {  	v0 =	vshra.s32 v5, $0x1;
	vm0 =	vgt.s32 v4, $0x0;
	v5 =	vld [tilespmem:$0x60]  }
0x6f: {  	v1 =	vmin.u32 v1, $0xFFF;
	vm1 =	vgt.s32 v0, $0x0;
	v10 =	vld [tilespmem:$0x80];
	v6 =	vshra.s32 v6, $0x1  }
0x70: {  	v0 =	vnsel vm1, $0x0, v0;
	v7 =	vshra.s32 v7, $0x1;
	v11 =	vld [tilespmem:$0x90];
	vm1 =	vgt.s32 v6, $0x0;
	[tilespmem:$0x3A0] =	vst v1  }
0x71: {  	v2 =	vshra.s32 v2, $0x1;
	v3 =	vshra.s32 v3, $0x1;
	v1 =	vshra.s32 v8, $0x1;
	v8 =	vld [tilespmem:$0xA0]  }
0x72: {  	vm2 =	vgt.s32 v2, $0x0;
	vm4 =	vgt.s32 v3, $0x0;
	vm3 =	vgt.s32 v1, $0x0;
	v12 =	vld [tilespmem:$0xB0]  }
0x73: {  	v2 =	vnsel vm2, $0x0, v2;
	v9 =	vshra.s32 v9, $0x1;
	v5 =	vshra.s32 v5, $0x1;
	v13 =	vld [tilespmem:$0xC0]  }
0x74: {  	v2 =	vmin.u32 v2, $0xFFF;
	v3 =	vnsel vm4, $0x0, v3;
	vm2 =	vgt.s32 v5, $0x0;
	v14 =	vld [tilespmem:$0xD0]  }
0x75: {  	vm4 =	vgt.s32 v9, $0x0;
	[tilespmem:$0x1A0] =	vst v2;
	v2 =	vmin.u32 v3, $0xFFF;
	v3 =	vshra.s32 v10, $0x1;
	v10 =	vld [tilespmem:$0xE0]  }
0x76: {  	v1 =	vnsel vm3, $0x0, v1;
	[tilespmem:$0x200] =	vst v2;
	vm3 =	vgt.s32 v3, $0x0;
	v2 =	vshra.s32 v11, $0x1;
	v11 =	vld [tilespmem:$0xF0]  }
0x77: {  	vm5 =	vgt.s32 v7, $0x0;
	v6 =	vnsel vm1, $0x0, v6;
	v3 =	vnsel vm3, $0x0, v3;
	v15 =	vld [tilespmem:$0x100]  }
0x78: {  	v7 =	vnsel vm5, $0x0, v7;
	v8 =	vshra.s32 v8, $0x1;
	vm1 =	vgt.s32 v2, $0x0  }
0x79: {  	v9 =	vnsel vm4, $0x0, v9;
	v2 =	vnsel vm1, $0x0, v2;
	v13 =	vshra.s32 v13, $0x1  }
0x7a: {  	v9 =	vmin.u32 v9, $0xFFF;
	vm1 =	vgt.s32 v8, $0x0;
	v2 =	vmin.u32 v2, $0xFFF  }
0x7b: {  	v3 =	vmin.u32 v3, $0xFFF;
	vm3 =	vgt.s32 v13, $0x0;
	[tilespmem:$0x290] =	vst v2;
	v2 =	vshra.s32 v14, $0x1  }
0x7c: {  	v7 =	vmin.u32 v7, $0xFFF;
	v5 =	vnsel vm2, $0x0, v5;
	[tilespmem:$0x280] =	vst v3;
	v3 =	vmin.u32 v6, $0xFFF  }
0x7d: {  	v4 =	vnsel vm0, $0x0, v4;
	v0 =	vmin.u32 v0, $0xFFF;
	v5 =	vmin.u32 v5, $0xFFF;
	[tilespmem:$0x390] =	vst v3  }
0x7e: {  	v3 =	vshra.s32 v12, $0x1;
	[tilespmem:$0x190] =	vst v0;
	v0 =	vmin.u32 v4, $0xFFF;
	v4 =	vshra.s32 v10, $0x1  }
0x7f: {  	vm2 =	vgt.s32 v2, $0x0;
	vm0 =	vgt.s32 v3, $0x0;
	[tilespmem:$0x1B0] =	vst v0;
	vm4 =	vgt.s32 v4, $0x0  }
0x80: {  	v2 =	vnsel vm2, $0x0, v2;
	v0 =	vnsel vm0, $0x0, v3;
	[tilespmem:$0x230] =	vst v7;
	v3 =	vnsel vm4, $0x0, v4  }
0x81: {  	v2 =	vmin.u32 v2, $0xFFF;
	v0 =	vmin.u32 v0, $0xFFF;
	[tilespmem:$0x210] =	vst v9;
	v3 =	vmin.u32 v3, $0xFFF  }
0x82: {  	v1 =	vmin.u32 v1, $0xFFF;
	v6 =	vnsel vm3, $0x0, v13;
	v4 =	vnsel vm1, $0x0, v8;
	[tilespmem:$0x310] =	vst v2  }
0x83: {  	v2 =	vmin.u32 v6, $0xFFF;
	[tilespmem:$0x180] =	vst v1;
	v1 =	vmin.u32 v4, $0xFFF;
	v4 =	vshra.s32 v11, $0x1  }
0x84: {  	[tilespmem:$0x220] =	vst v5;
	vm0 =	vgt.s32 v4, $0x0;
	v5 =	vshra.s32 v15, $0x1  }
0x85: {  	[tilespmem:$0x300] =	vst v2;
	v2 =	vnsel vm0, $0x0, v4;
	vm0 =	vgt.s32 v5, $0x0  }
0x86: {  	[tilespmem:$0x320] =	vst v3;
	v2 =	vmin.u32 v2, $0xFFF;
	v3 =	vnsel vm0, $0x0, v5  }
0x87: {  	[tilespmem:$0x330] =	vst v2;
	v2 =	vmin.u32 v3, $0xFFF  }
0x88: {  	[tilespmem:$0x380] =	vst v2  }
0x89: {  	[tilespmem:$0x2A0] =	vst v1  }
0x8a: {  	[tilespmem:$0x2B0] =	vst v0  }
0x8b: {  	[tilespmem:s7], [sflag:$0x1] =	stream.indirect.gather [hbm4b:s3+s6], $0x400, s11, s6, $0xb8;
	[tilespmem:$0x10400] =	vst v63  }
0x8c: {  	_ =	swait.ge [sflag:s8], $0x10000  }
0x8d: {  	[sflag:s8] =	ssyncset.done $0x0  }
0x8e: {  	[sflag:s8] =	ssyncadd.s32 $0xFFFF0000  }
0x8f: {  	[hbm4b:s15+s2] =	stream.linear.scatter [tilespmem:s7], [sflag:$0x2], $0x10000, $0x38;
	[tilespmem:$0x10400] =	vst v63  }
.Ltmp1:
0x90: {  	_ =	swait.ge [sflag:s4], $0x10000;
	(pc) =	sbr.rel @p0 .LBB2_1-.Ltmp1, $4  }
0x91: {  	[sflag:s4] =	ssyncset.done $0x0  }
0x92: {  	[sflag:s4] =	ssyncadd.s32 $0xFFFF0000  }
0x93: {  	[tilespmem:s7], [sflag:$0x1] =	stream.indirect.gather [hbm4b:s3+s6], $0x400, s18, s6, $0xb8;
	[tilespmem:$0x10400] =	vst v63  }
0x94: {  	_ =	swait.ge [sflag:s8], $0x10000  }
.LBB2_2:
0x95: {  	[sflag:s8] =	ssyncset.done $0x0  }
0x96: {  	[sflag:s8] =	ssyncadd.s32 $0xFFFF0000  }
0x97: {  	[hbm4b:s16+s2] =	stream.linear.scatter [tilespmem:s7], [sflag:$0x2], $0x10000, $0x38;
	[tilespmem:$0x10400] =	vst v63  }
0x98: {  	_ =	swait.ge [sflag:s4], $0x10000  }
0x99: {  	[sflag:s4] =	ssyncset.done $0x0  }
0x9a: {  	[sflag:s4] =	ssyncadd.s32 $0xFFFF0000  }
0x9b: {  	[tilespmem:s7], [sflag:$0x1] =	stream.indirect.gather [hbm4b:s3+s6], $0x400, s17, s6, $0xb8;
	[tilespmem:$0x10400] =	vst v63  }
0x9c: {  	_ =	swait.ge [sflag:s8], $0x10000  }
0x9d: {  	[sflag:s8] =	ssyncset.done $0x0  }
0x9e: {  	[sflag:s8] =	ssyncadd.s32 $0xFFFF0000  }
0x9f: {  	[hbm4b:s12+s2] =	stream.linear.scatter [tilespmem:s7], [sflag:$0x2], $0x10000, $0x38;
	[tilespmem:$0x10400] =	vst v63  }
0xa0: {  	_ =	swait.ge [sflag:s4], $0x10000  }
0xa1: {  	[sflag:s4] =	ssyncset.done $0x0  }
0xa2: {  	[sflag:s4] =	ssyncadd.s32 $0xFFFF0000  }
0xa3: {  	[tilespmem:s7], [sflag:$0x1] =	stream.indirect.gather [hbm4b:s3+s6], $0x400, s14, s6, $0xb8;
	[tilespmem:$0x10400] =	vst v63  }
0xa4: {  	_ =	swait.ge [sflag:s8], $0x10000  }
0xa5: {  	[sflag:s8] =	ssyncset.done $0x0  }
0xa6: {  	[sflag:s8] =	ssyncadd.s32 $0xFFFF0000  }
0xa7: {  	[hbm4b:s10+s2] =	stream.linear.scatter [tilespmem:s7], [sflag:$0x2], $0x10000, $0x38;
	[tilespmem:$0x10400] =	vst v63  }
0xa8: {  	_ =	swait.ge [sflag:s4], $0x10000  }
0xa9: {  	[sflag:s4] =	ssyncset.done $0x0  }
0xaa: {  	[sflag:s4] =	ssyncadd.s32 $0xFFFF0000  }
0xab: {  	[tilespmem:s7], [sflag:$0x1] =	stream.indirect.gather [hbm4b:s3+s6], $0x400, s13, s6, $0xb8;
	[tilespmem:$0x10400] =	vst v63  }
0xac: {  	_ =	swait.ge [sflag:s8], $0x10000  }
0xad: {  	[sflag:s8] =	ssyncset.done $0x0  }
0xae: {  	[sflag:s8] =	ssyncadd.s32 $0xFFFF0000  }
0xaf: {  	[hbm4b:s9+s2] =	stream.linear.scatter [tilespmem:s7], [sflag:$0x2], $0x10000, $0x38;
	[tilespmem:$0x10400] =	vst v63  }
0xb0: {  	_ =	swait.ge [sflag:s4], $0x10000  }
0xb1: {  	[sflag:s4] =	ssyncset.done $0x0  }
0xb2: {  	[sflag:s4] =	ssyncadd.s32 $0xFFFF0000  }
0xb3: {  	_ =	sfence.sel $0x180000  }
0xb4: {  	[bflag:$0x0] =	sbarrier.arrive $0xFFFF  }
0xb5: {  	p0 =	sne.s32 s0, $0x0;
	_ =	strace $0x9000004A  }
0xb6: {  	s0 =	sadd.s32 @!p0 $0x100000, s1;
	[bflag:$0x2] =	sbarrier.arrive $0xFFFF  }
0xb7: {  	[sflag:s0] =	ssyncadd.tile.s32 @!p0 $0x1;
	_ =	shalt  }
.Lfunc_end2:
_tile_overlayer_lowered:
.L_overlay_start_2:
0xb8: {  	(tag) =	ssettag $0x2  }
0xb9: {  	s0 =	rddreg [dreg:$0x0];
	s2 =	stileid.u32  }
0xba: {  	s1 =	rddreg [dreg:$0x1];
	p0 =	sne.s32 s2, $0x0  }
0xbb: {  	s3 =	rddreg [dreg:$0x2];
	[bflag:$0x3] =	sbarrier.arrive $0xFFFF;
	s2 =	simm.s32 @!p0 $0x1C02  }
0xbc: {  	[timem:s3], [sflag:s2] =	dma.local @!p0 [hbm:s0], s1  }
0xbd: {  	s0 =	simm.s32 @!p0 $0x2  }
0xbe: {  	_ =	swait.ge @!p0 [sflag:s0], s1  }
0xbf: {  	s1 =	ssub.s32 @!p0 $0x0, s1;
	[sflag:s0] =	ssyncset.done @!p0 $0x0  }
0xc0: {  	[sflag:s0] =	ssyncadd.s32 @!p0 s1  }
0xc1: {  	[bflag:$0x3] =	sbarrier.arrive $0xFFFF  }
0xc2: {  	_ =	shalt  }

// kernel: e_combine.3.cloned.1.call-start
scs
__scs_entry_jumppad:
0x0: {  	(pc) =	sbr.rel $0x88, $3  }
0x1: {  	(tag) =	ssettag $0x0;
	lr =	simm.s32 $0x1  }
0x2: {  	[smem:$0x3F99] =	sst lr;
	_ =	strace $0xD0000000  }
0x3: {  	_ = 	snop  }
0x4: {  	_ = 	snop  }
0x5: {  	_ = 	snop  }
0x6: {  	_ = 	snop  }
0x7: {  	_ = 	snop  }
__scs_overlays_trampoline_lowered:
0x8: {  	[smem:$0x3FA8] =	sst s0  }
0x9: {  	[smem:$0x3FA9] =	sst s1  }
0xa: {  	[smem:$0x3FAA] =	sst s2  }
0xb: {  	[smem:$0x3FAB] =	sst s3  }
0xc: {  	[smem:$0x3FAC] =	sst s4  }
0xd: {  	[smem:$0x3FAD] =	sst s5  }
0xe: {  	[smem:$0x3FAE] =	sst s6  }
0xf: {  	[smem:$0x3FAF] =	sst s7  }
0x10: {  	[smem:$0x3FB0] =	sst s8  }
0x11: {  	[smem:$0x3FB1] =	sst s9;
	s0 =	simm.s32 @!p0 $0x0  }
0x12: {  	s1 =	sld [smem:$0x3F97];
	s0 =	simm.s32 @p0 $0x1  }
0x13: {  	[smem:$0x3FB2] =	sst s0;
	s0 =	simm.s32 @!p1 $0x0  }
0x14: {  	s2 =	sld [smem:$0x3F96];
	s0 =	simm.s32 @p1 $0x1  }
0x15: {  	[smem:$0x3FB3] =	sst s0;
	s0 =	simm.s32 @!p2 $0x0  }
0x16: {  	s3 =	sld [smem:$0x3FDB];
	s0 =	simm.s32 @p2 $0x1  }
0x17: {  	s4 =	simm.s32 $0x1BF5;
	[smem:$0x3FB5] =	sst s0  }
0x18: {  	s0 =	sld [smem:$0x3F98];
	_ =	swait.ge [sflag:s4], $0x0  }
0x19: {  	s7 =	sld [smem:$0x3F99]  }
0x1a: {  	s8 =	sadd.s32 $0xFFFFE003, lr  }
0x1b: {  	s9 =	sadd.s32 $0xFFFFFEF7, lr;
	s5 =	simm.s32 $0xFFFFFFFF;
	p2 =	slt.u32 s8, $0xFFFFF086  }
0x1c: {  	p1 =	slt.u32 s9, $0xF7A;
	s5 =	simm.s32 @!p2 $0x0  }
0x1d: {  	s5 =	simm.s32 @p1 $0x1;
	p0 =	seq.s32 s7, s2  }
0x1e: {  	s7 =	smul.u32 @!p0 $0xF7A, s2;
	p2 =	seq.s32 @!p0 s5, $0x0  }
0x1f: {  	s9 =	smul.u32 $0xF7A, s1;
	s8 =	simm.s32 @!p0 $0x1BF5;
	p2 =	por !p2, p0  }
0x20: {  	[sflag:s8] =	ssyncset.s32 @!p0 $0xFFFFF086;
	s6 =	sadd.s32 @!p0 s3, s7;
	s7 =	simm.s32 @!p0 $0x108  }
0x21: {  	s3 =	sadd.s32 s3, s9;
	s6 =	sadd.s32 @!p0 $0x88, s6;
	s7 =	simm.s32 @p2 $0x1082  }
0x22: {  	[simem:s7], [sflag:s8] =	dma.local @!p0 [hbm:s6], $0xF7A  }
0x23: {  	s9 =	sor.u32 $0xD0000000, s2;
	s6 =	simm.s32 $0x108;
	_ =	swait.ge @!p0 [sflag:s8], $0x0  }
0x24: {  	s3 =	sadd.s32 $0x88, s3;
	s6 =	simm.s32 @!p1 $0x1082;
	[sflag:s4] =	ssyncset.s32 $0xFFFFF086  }
0x25: {  	[simem:s6], [sflag:s4] =	dma.local [hbm:s3], $0xF7A  }
0x26: {  	[smem:$0x3F99] =	sst s1;
	(tag) =	ssettag s2;
	_ =	strace s9  }
0x27: {  	s1 =	sld [smem:$0x3FA9]  }
0x28: {  	s2 =	sld [smem:$0x3FAA]  }
0x29: {  	s4 =	sld [smem:$0x3FAC]  }
0x2a: {  	p0 =	seq.s32 s5, $0x0;
	s5 =	sld [smem:$0x3FAD]  }
0x2b: {  	s6 =	sld [smem:$0x3FAE]  }
0x2c: {  	s7 =	sld [smem:$0x3FAF]  }
0x2d: {  	s3 =	simm.s32 $0x108;
	s8 =	sld [smem:$0x3FB0]  }
0x2e: {  	s3 =	simm.s32 @!p0 $0x1082;
	s9 =	sld [smem:$0x3FB1]  }
0x2f: {  	lr =	sadd.s32 s0, s3;
	s0 =	sld [smem:$0x3FA8]  }
0x30: {  	s3 =	sld [smem:$0x3FAB]  }
0x31: {  	[smem:$0x3FB4] =	sst s10  }
0x32: {  	s10 =	sld [smem:$0x3FB2];
	_ =	sdelay $0x3  }
0x33: {  	p0 =	seq.s32 s10, $0x1;
	s10 =	sld [smem:$0x3FB4];
	_ =	sdelay $0x3  }
0x34: {  	[smem:$0x3FB4] =	sst s10  }
0x35: {  	s10 =	sld [smem:$0x3FB3];
	_ =	sdelay $0x3  }
0x36: {  	p1 =	seq.s32 s10, $0x1;
	s10 =	sld [smem:$0x3FB4];
	_ =	sdelay $0x3  }
0x37: {  	[smem:$0x3FB4] =	sst s10  }
0x38: {  	s10 =	sld [smem:$0x3FB5]  }
0x39: {  	_ = 	snop;
	(pc) =	sbr.ind lr, $3  }
0x3a: {  	_ = 	snop  }
0x3b: {  	_ = 	snop  }
0x3c: {  	p2 =	seq.s32 s10, $0x1;
	s10 =	sld [smem:$0x3FB4]  }
0x3d: {  	_ =	shalt  }
0x3e: {  	_ =	shalt  }
0x3f: {  	_ =	shalt  }
0x40: {  	_ =	shalt  }
0x41: {  	_ =	shalt  }
0x42: {  	_ =	shalt  }
0x43: {  	_ =	shalt  }
0x44: {  	_ =	shalt  }
0x45: {  	_ =	shalt  }
0x46: {  	_ =	shalt  }
0x47: {  	_ =	shalt  }
0x48: {  	_ =	shalt  }
0x49: {  	_ =	shalt  }
0x4a: {  	_ =	shalt  }
0x4b: {  	_ =	shalt  }
0x4c: {  	_ =	shalt  }
0x4d: {  	_ =	shalt  }
0x4e: {  	_ =	shalt  }
0x4f: {  	_ =	shalt  }
0x50: {  	_ =	shalt  }
0x51: {  	_ =	shalt  }
0x52: {  	_ =	shalt  }
0x53: {  	_ =	shalt  }
0x54: {  	_ =	shalt  }
0x55: {  	_ =	shalt  }
0x56: {  	_ =	shalt  }
0x57: {  	_ =	shalt  }
0x58: {  	_ =	shalt  }
0x59: {  	_ =	shalt  }
0x5a: {  	_ =	shalt  }
0x5b: {  	_ =	shalt  }
0x5c: {  	_ =	shalt  }
0x5d: {  	_ =	shalt  }
0x5e: {  	_ =	shalt  }
0x5f: {  	_ =	shalt  }
0x60: {  	_ =	shalt  }
0x61: {  	_ =	shalt  }
0x62: {  	_ =	shalt  }
0x63: {  	_ =	shalt  }
0x64: {  	_ =	shalt  }
0x65: {  	_ =	shalt  }
0x66: {  	_ =	shalt  }
0x67: {  	_ =	shalt  }
0x68: {  	_ =	shalt  }
0x69: {  	_ =	shalt  }
0x6a: {  	_ =	shalt  }
0x6b: {  	_ =	shalt  }
0x6c: {  	_ =	shalt  }
0x6d: {  	_ =	shalt  }
0x6e: {  	_ =	shalt  }
0x6f: {  	_ =	shalt  }
0x70: {  	_ =	shalt  }
0x71: {  	_ =	shalt  }
0x72: {  	_ =	shalt  }
0x73: {  	_ =	shalt  }
0x74: {  	_ =	shalt  }
0x75: {  	_ =	shalt  }
0x76: {  	_ =	shalt  }
0x77: {  	_ =	shalt  }
0x78: {  	_ =	shalt  }
0x79: {  	_ =	shalt  }
0x7a: {  	_ =	shalt  }
0x7b: {  	_ =	shalt  }
0x7c: {  	_ =	shalt  }
0x7d: {  	_ =	shalt  }
0x7e: {  	_ =	shalt  }
0x7f: {  	_ =	shalt  }
0x80: {  	_ =	shalt  }
0x81: {  	_ =	shalt  }
0x82: {  	_ =	shalt  }
0x83: {  	_ =	shalt  }
0x84: {  	_ =	shalt  }
0x85: {  	_ =	shalt  }
0x86: {  	_ =	shalt  }
0x87: {  	_ =	shalt  }
.Lfunc_end0:
.L_simem_size_0:
called_computation.2_lowered:
.L_overlay_start_0:
0x88: {  	s2 =	sld [smem:$0x3FD9]  }
0x89: {  	s3 =	sld [smem:$0x3FFE];
	_ =	sdelay $0x1  }
0x8a: {  	s1 =	srdreg.scid  }
0x8b: {  	s0 =	sand.u32 $0x1, s1  }
0x8c: {  	s16 =	sshll.u32 s0, $0xA;
	s2 =	sadd.s32 s3, s2  }
0x8d: {  	s2 =	sadd.s32 s2, s16  }
0x8e: {  	[smem:$0x3FC0] =	sst s2  }
0x8f: {  	_ = 	snop  }
0x90: {  	(tm) =	ssettm $0x1  }
0x91: {  	s17 =	sld [smem:$0x3FFB];
	_ =	sdelay $0x3  }
0x92: {  	_ =	strace s17  }
0x93: {  	s2 =	sld [smem:$0x3FFC];
	_ =	sdelay $0x3  }
0x94: {  	_ =	strace s2  }
0x95: {  	s2 =	sld [smem:$0x3FFD];
	_ =	sdelay $0x3  }
0x96: {  	_ =	strace s2  }
0x97: {  	_ =	strace $0x8FFFFFFF  }
0x98: {  	s18 =	sld [smem:$0x3FDB];
	_ =	sdelay $0x1  }
0x99: {  	s19 =	simm.s32 $_scs_section_size  }
0x9a: {  	s4 =	simm.s32 $_size__tile_overlayer_lowered;
	s5 =	simm.s32 $_tile_overlayer_lowered  }
0x9b: {  	s22 =	simm.s32 $0x1BFF;
	s21 =	sshll.u32 s5, $0x1;
	s2 =	sadd.s32 s19, s18  }
0x9c: {  	s6 =	simm.s32 $0x0;
	s20 =	sshll.u32 s4, $0x1;
	s4 =	sadd.s32 s21, s2  }
0x9d: {  	[timem:s6], [sflag:s22] =	dma.local [hbm:s4], s20  }
0x9e: {  	_ =	swait.ge [sflag:s22], s20  }
0x9f: {  	s3 =	ssub.s32 $0x0, s20;
	[sflag:s22] =	ssyncset.done $0x0  }
0xa0: {  	[sflag:s22] =	ssyncadd.s32 s3;
	_ =	sdelay $0x1  }
0xa1: {  	s23 =	simm.s32 $0x1B8B  }
0xa2: {  	_ =	swait.ge [sflag:s23], $0x1  }
0xa3: {  	[sflag:s23] =	ssyncset.done $0x0  }
0xa4: {  	s25 =	simm.s32 $0x1B8E;
	s24 =	sld [smem:$0x3FFE];
	[sflag:s23] =	ssyncadd.s32 $0xFFFFFFFF  }
0xa5: {  	s26 =	simm.s32 $execute0_lowered;
	[smem:$0x3FD2] =	sst s25  }
0xa6: {  	s4 =	sshll.u32 s26, $0x1;
	_ =	strace $0x8000004C;
	[dreg:$0x1] =	wrdreg $0xFFFFFFFF  }
0xa7: {  	s28 =	simm.s32 $_size_execute0_lowered;
	s2 =	sadd.s32 s2, s4;
	[dreg:$0x0] =	wrdreg $0x0  }
0xa8: {  	s4 =	sshll.u32 s28, $0x1;
	[dreg:$0x2] =	wrdreg s2  }
0xa9: {  	[dreg:$0x3] =	wrdreg s4  }
0xaa: {  	[dreg:$0x4] =	wrdreg $0xC0  }
0xab: {  	_ =	task [dreg:s6], $0x5FFFF  }
0xac: {  	[dreg:$0x1] =	wrdreg $0xFFFFFFFF  }
0xad: {  	[dreg:$0x0] =	wrdreg $0x60  }
0xae: {  	[dreg:$0x2] =	wrdreg s24  }
0xaf: {  	[dreg:$0x3] =	wrdreg $0x9  }
0xb0: {  	_ =	task.clear_ibuf [dreg:s6], $0x4FFFF;
	_ =	strace $0x9000004C  }
0xb1: {  	s29 =	simm.s32 $0x9;
	_ =	strace $0x8000004E  }
0xb2: {  	_ =	swait.ge [sflag:s29], $0x1  }
0xb3: {  	[sflag:s29] =	ssyncadd.s32 $0xFFFFFFFF  }
0xb4: {  	_ =	strace $0x9000004E  }
0xb5: {  	_ =	sfence  }
0xb6: {  	s30 =	sld [smem:$0x0];
	_ =	sdelay $0x2  }
0xb7: {  	s31 =	sshll.u32 s1, $0xD;
	s1 =	sshrl.u32 s1, $0x2  }
0xb8: {  	s3 =	sand.u32 $0x4000, s31;
	s1 =	sadd.s32 s1, s30  }
0xb9: {  	s0 =	sor.u32 s3, s0;
	s1 =	sshll.u32 s1, $0x11  }
0xba: {  	s0 =	sor.u32 s1, s0  }
0xbb: {  	s0 =	sadd.s32 $0x8F2B, s0  }
0xbc: {  	[sflag:s0] =	ssyncadd.remote.s32 $0x1  }
0xbd: {  	_ =	sfence.sel $0xFFFF  }
0xbe: {  	[dreg:$0x0] =	wrdreg $0xFFFFFFFF;
	(pc) =	sbr.abs _section_cstart, $3  }
0xbf: {  	[dreg:$0x1] =	wrdreg $0xFFFFFFFF  }
0xc0: {  	_ =	task.clear_ibuf [dreg:s6], $0x2FFFF;
	_ =	strace $0x9FFFFFFF  }
0xc1: {  	(tm) =	ssettm $0x7FFFFFFF  }
tec
execute0_lowered:
.L_overlay_start_1:
0x0: {  	(tag) =	ssettag $0x1  }
0x1: {  	s2 =	srdreg.scid  }
0x2: {  	s1 =	stileid.u32;
	s15 =	sand.u32 $0x1, s2  }
0x3: {  	s3 =	sshll.u32 s1, $0x8;
	s4 =	sshll.u32 s15, $0x7  }
0x4: {  	s12 =	rddreg [dreg:$0x0];
	v7 =	vlaneseq.u32;
	s2 =	simm.s32 $0x0;
	s13 =	sor.u32 s4, s3  }
0x5: {  	[smem:$0x7FF] =	sst s2;
	v0 =	vor.u32 s13, v7;
	s3 =	sor.u32 $0x30, s13  }
0x6: {  	s0 =	rddreg [dreg:$0x1];
	_ =	strace $0x8000004D;
	s4 =	sor.u32 $0x20, s13;
	v1 =	vor.u32 s3, v7;
	[tilespmem:$0x80] =	vst v0  }
0x7: {  	s24 =	sor.u32 $0x10, s13;
	v2 =	vor.u32 s4, v7;
	[tilespmem:$0xB0] =	vst v1  }
0x8: {  	s14 =	sadd.s32 $0x43600, s12;
	s25 =	sshrl.u32 s13, $0x3;
	v3 =	vor.u32 s24, v7;
	[tilespmem:$0xA0] =	vst v2  }
0x9: {  	s4 =	sadd.s32 s14, s25;
	s3 =	simm.s32 $0x2;
	[tilespmem:$0x90] =	vst v3  }
0xa: {  	[tilespmem:s2], [sflag:$0x2] =	stream.linear.gather [hbm4b:s4+s2], $0x40, $0x38;
	[tilespmem:$0x10100] =	vst v63  }
0xb: {  	_ =	swait.ge [sflag:s3], $0x40  }
0xc: {  	s6 =	simm.s32 $0x40;
	s7 =	simm.s32 $0x100;
	[sflag:s3] =	ssyncset.done $0x0  }
0xd: {  	s8 =	simm.s32 $0x1;
	s5 =	sadd.s32 $0x244A00, s12;
	[sflag:s3] =	ssyncadd.s32 $0xFFFFFFC0  }
0xe: {  	[tilespmem:s7], [sflag:$0x1] =	stream.indirect.gather [hbm4b:s5+s6], $0x400, s2, s6, $0xb8;
	[tilespmem:$0x10100] =	vst v63  }
0xf: {  	_ =	swait.ge [sflag:s8], $0x10000  }
0x10: {  	[sflag:s8] =	ssyncset.done $0x0  }
0x11: {  	s9 =	sadd.s32 $0x200, s4;
	[sflag:s8] =	ssyncadd.s32 $0xFFFF0000  }
0x12: {  	[tilespmem:s2], [sflag:$0x2] =	stream.linear.gather [hbm4b:s9+s2], $0x40, $0x38;
	[tilespmem:$0x10100] =	vst v63  }
0x13: {  	_ =	swait.ge [sflag:s3], $0x40  }
0x14: {  	[sflag:s3] =	ssyncset.done $0x0  }
0x15: {  	[sflag:s3] =	ssyncadd.s32 $0xFFFFFFC0  }
0x16: {  	[tilespmem:s7], [sflag:$0x1] =	stream.indirect.gather.add.f32 [hbm:s5], $0x400, s2, s6, $0xb8;
	[tilespmem:$0x10100] =	vst v63  }
0x17: {  	_ =	swait.ge [sflag:s8], $0x10000  }
0x18: {  	[sflag:s8] =	ssyncset.done $0x0  }
0x19: {  	s11 =	simm.s32 $0x80;
	s10 =	sadd.s32 $0x1C4A00, s12;
	[sflag:s8] =	ssyncadd.s32 $0xFFFF0000  }
0x1a: {  	[tilespmem:s7], [sflag:$0x1] =	stream.indirect.gather.add.f32 [hbm:s10], $0x400, s11, s6, $0xb8;
	[tilespmem:$0x10100] =	vst v63  }
0x1b: {  	_ =	swait.ge [sflag:s8], $0x10000  }
0x1c: {  	s16 =	sadd.s32 $0x43A00, s12;
	s26 =	sshll.u32 s13, $0x7;
	[sflag:s8] =	ssyncset.done $0x0  }
0x1d: {  	s12 =	sadd.s32 s16, s26;
	[sflag:s8] =	ssyncadd.s32 $0xFFFF0000  }
0x1e: {  	[hbm4b:s12+s2] =	stream.linear.scatter [tilespmem:s7], [sflag:$0x2], $0x10000, $0x38;
	[tilespmem:$0x10100] =	vst v63  }
0x1f: {  	_ =	swait.ge [sflag:s3], $0x10000  }
0x20: {  	s17 =	sor.u32 $0x70, s13;
	[sflag:s3] =	ssyncset.done $0x0  }
0x21: {  	s18 =	sor.u32 $0x60, s13;
	v4 =	vor.u32 s17, v7;
	[sflag:s3] =	ssyncadd.s32 $0xFFFF0000  }
0x22: {  	s28 =	sor.u32 $0x40, s13;
	v5 =	vor.u32 s18, v7;
	[tilespmem:$0xB0] =	vst v4  }
0x23: {  	s13 =	sor.u32 $0x50, s13;
	v6 =	vor.u32 s28, v7;
	[tilespmem:$0xA0] =	vst v5  }
0x24: {  	v7 =	vor.u32 s13, v7;
	s29 =	sshrl.u32 s28, $0x3;
	[tilespmem:$0x80] =	vst v6  }
0x25: {  	s13 =	sadd.s32 s14, s29;
	[tilespmem:$0x90] =	vst v7  }
0x26: {  	[tilespmem:s2], [sflag:$0x2] =	stream.linear.gather [hbm4b:s13+s2], $0x40, $0x38;
	[tilespmem:$0x10100] =	vst v63  }
0x27: {  	_ =	swait.ge [sflag:s3], $0x40  }
0x28: {  	[sflag:s3] =	ssyncset.done $0x0  }
0x29: {  	[sflag:s3] =	ssyncadd.s32 $0xFFFFFFC0  }
0x2a: {  	[tilespmem:s7], [sflag:$0x1] =	stream.indirect.gather [hbm4b:s5+s6], $0x400, s2, s6, $0xb8;
	[tilespmem:$0x10100] =	vst v63  }
0x2b: {  	_ =	swait.ge [sflag:s8], $0x10000  }
0x2c: {  	[sflag:s8] =	ssyncset.done $0x0  }
0x2d: {  	s14 =	sadd.s32 $0x208, s4;
	[sflag:s8] =	ssyncadd.s32 $0xFFFF0000  }
0x2e: {  	[tilespmem:s2], [sflag:$0x2] =	stream.linear.gather [hbm4b:s14+s2], $0x40, $0x38;
	[tilespmem:$0x10100] =	vst v63  }
0x2f: {  	s15 =	ssub.s32 $0x2, s15;
	_ =	swait.ge [sflag:s3], $0x40  }
0x30: {  	s30 =	sshrl.u32 s15, $0x1;
	[sflag:s3] =	ssyncset.done $0x0  }
0x31: {  	s15 =	ssub.s32 s15, s30;
	[sflag:s3] =	ssyncadd.s32 $0xFFFFFFC0  }
0x32: {  	[tilespmem:s7], [sflag:$0x1] =	stream.indirect.gather.add.f32 [hbm:s5], $0x400, s2, s6, $0xb8;
	[tilespmem:$0x10100] =	vst v63  }
0x33: {  	s18 =	smax.u32 s15, $0x1;
	_ =	swait.ge [sflag:s8], $0x10000  }
0x34: {  	p0 =	sne.s32 s18, $0x1;
	[sflag:s8] =	ssyncset.done $0x0  }
.Ltmp0:
0x35: {  	[sflag:s8] =	ssyncadd.s32 $0xFFFF0000;
	(pc) =	sbr.rel @!p0 .LBB2_2-.Ltmp0, $4  }
0x36: {  	[tilespmem:s7], [sflag:$0x1] =	stream.indirect.gather.add.f32 [hbm:s10], $0x400, s11, s6, $0xb8;
	[tilespmem:$0x10100] =	vst v63  }
0x37: {  	_ =	swait.ge [sflag:s8], $0x10000  }
0x38: {  	s31 =	sshll.u32 s28, $0x7;
	[sflag:s8] =	ssyncset.done $0x0  }
0x39: {  	s15 =	sadd.s32 s16, s31;
	s16 =	sadd.s32 $0xFFFFFFFF, s18;
	[sflag:s8] =	ssyncadd.s32 $0xFFFF0000  }
.LBB2_1:
0x3a: {  	[hbm4b:s15+s2] =	stream.linear.scatter [tilespmem:s7], [sflag:$0x2], $0x10000, $0x38;
	[tilespmem:$0x10100] =	vst v63  }
0x3b: {  	p0 =	sne.s32 s16, $0x1;
	s16 =	sadd.s32 $0xFFFFFFFF, s16;
	_ =	swait.ge [sflag:s3], $0x10000  }
0x3c: {  	[sflag:s3] =	ssyncset.done $0x0  }
0x3d: {  	[sflag:s3] =	ssyncadd.s32 $0xFFFF0000  }
0x3e: {  	[tilespmem:$0x80] =	vst v0  }
0x3f: {  	[tilespmem:$0xB0] =	vst v1  }
0x40: {  	[tilespmem:$0xA0] =	vst v2  }
0x41: {  	[tilespmem:$0x90] =	vst v3  }
0x42: {  	[tilespmem:s2], [sflag:$0x2] =	stream.linear.gather [hbm4b:s4+s2], $0x40, $0x38;
	[tilespmem:$0x10100] =	vst v63  }
0x43: {  	_ =	swait.ge [sflag:s3], $0x40  }
0x44: {  	[sflag:s3] =	ssyncset.done $0x0  }
0x45: {  	[sflag:s3] =	ssyncadd.s32 $0xFFFFFFC0  }
0x46: {  	[tilespmem:s7], [sflag:$0x1] =	stream.indirect.gather [hbm4b:s5+s6], $0x400, s2, s6, $0xb8;
	[tilespmem:$0x10100] =	vst v63  }
0x47: {  	_ =	swait.ge [sflag:s8], $0x10000  }
0x48: {  	[sflag:s8] =	ssyncset.done $0x0  }
0x49: {  	[sflag:s8] =	ssyncadd.s32 $0xFFFF0000  }
0x4a: {  	[tilespmem:s2], [sflag:$0x2] =	stream.linear.gather [hbm4b:s9+s2], $0x40, $0x38;
	[tilespmem:$0x10100] =	vst v63  }
0x4b: {  	_ =	swait.ge [sflag:s3], $0x40  }
0x4c: {  	[sflag:s3] =	ssyncset.done $0x0  }
0x4d: {  	[sflag:s3] =	ssyncadd.s32 $0xFFFFFFC0  }
0x4e: {  	[tilespmem:s7], [sflag:$0x1] =	stream.indirect.gather.add.f32 [hbm:s5], $0x400, s2, s6, $0xb8;
	[tilespmem:$0x10100] =	vst v63  }
0x4f: {  	_ =	swait.ge [sflag:s8], $0x10000  }
0x50: {  	[sflag:s8] =	ssyncset.done $0x0  }
0x51: {  	[sflag:s8] =	ssyncadd.s32 $0xFFFF0000  }
0x52: {  	[tilespmem:s7], [sflag:$0x1] =	stream.indirect.gather.add.f32 [hbm:s10], $0x400, s11, s6, $0xb8;
	[tilespmem:$0x10100] =	vst v63  }
0x53: {  	_ =	swait.ge [sflag:s8], $0x10000  }
0x54: {  	[sflag:s8] =	ssyncset.done $0x0  }
0x55: {  	[sflag:s8] =	ssyncadd.s32 $0xFFFF0000  }
0x56: {  	[hbm4b:s12+s2] =	stream.linear.scatter [tilespmem:s7], [sflag:$0x2], $0x10000, $0x38;
	[tilespmem:$0x10100] =	vst v63  }
0x57: {  	_ =	swait.ge [sflag:s3], $0x10000  }
0x58: {  	[sflag:s3] =	ssyncset.done $0x0  }
0x59: {  	[sflag:s3] =	ssyncadd.s32 $0xFFFF0000  }
0x5a: {  	[tilespmem:$0xB0] =	vst v4  }
0x5b: {  	[tilespmem:$0xA0] =	vst v5  }
0x5c: {  	[tilespmem:$0x80] =	vst v6  }
0x5d: {  	[tilespmem:$0x90] =	vst v7  }
0x5e: {  	[tilespmem:s2], [sflag:$0x2] =	stream.linear.gather [hbm4b:s13+s2], $0x40, $0x38;
	[tilespmem:$0x10100] =	vst v63  }
0x5f: {  	_ =	swait.ge [sflag:s3], $0x40  }
0x60: {  	[sflag:s3] =	ssyncset.done $0x0  }
0x61: {  	[sflag:s3] =	ssyncadd.s32 $0xFFFFFFC0  }
0x62: {  	[tilespmem:s7], [sflag:$0x1] =	stream.indirect.gather [hbm4b:s5+s6], $0x400, s2, s6, $0xb8;
	[tilespmem:$0x10100] =	vst v63  }
0x63: {  	_ =	swait.ge [sflag:s8], $0x10000  }
0x64: {  	[sflag:s8] =	ssyncset.done $0x0  }
0x65: {  	[sflag:s8] =	ssyncadd.s32 $0xFFFF0000  }
0x66: {  	[tilespmem:s2], [sflag:$0x2] =	stream.linear.gather [hbm4b:s14+s2], $0x40, $0x38;
	[tilespmem:$0x10100] =	vst v63  }
0x67: {  	_ =	swait.ge [sflag:s3], $0x40  }
0x68: {  	[sflag:s3] =	ssyncset.done $0x0  }
0x69: {  	[sflag:s3] =	ssyncadd.s32 $0xFFFFFFC0  }
0x6a: {  	[tilespmem:s7], [sflag:$0x1] =	stream.indirect.gather.add.f32 [hbm:s5], $0x400, s2, s6, $0xb8;
	[tilespmem:$0x10100] =	vst v63  }
0x6b: {  	_ =	swait.ge [sflag:s8], $0x10000  }
0x6c: {  	[sflag:s8] =	ssyncset.done $0x0  }
.Ltmp1:
0x6d: {  	[sflag:s8] =	ssyncadd.s32 $0xFFFF0000;
	(pc) =	sbr.rel @p0 .LBB2_1-.Ltmp1, $4  }
0x6e: {  	[tilespmem:s7], [sflag:$0x1] =	stream.indirect.gather.add.f32 [hbm:s10], $0x400, s11, s6, $0xb8;
	[tilespmem:$0x10100] =	vst v63  }
0x6f: {  	_ =	swait.ge [sflag:s8], $0x10000  }
0x70: {  	[sflag:s8] =	ssyncset.done $0x0  }
0x71: {  	[sflag:s8] =	ssyncadd.s32 $0xFFFF0000  }
.LBB2_2:
0x72: {  	[hbm4b:s15+s2] =	stream.linear.scatter [tilespmem:s7], [sflag:$0x2], $0x10000, $0x38;
	[tilespmem:$0x10100] =	vst v63  }
0x73: {  	_ =	swait.ge [sflag:s3], $0x10000  }
0x74: {  	[sflag:s3] =	ssyncset.done $0x0  }
0x75: {  	[sflag:s3] =	ssyncadd.s32 $0xFFFF0000  }
0x76: {  	_ =	sfence.sel $0x180000  }
0x77: {  	[bflag:$0x0] =	sbarrier.arrive $0xFFFF  }
0x78: {  	p0 =	sne.s32 s1, $0x0;
	_ =	strace $0x9000004D  }
0x79: {  	s0 =	sadd.s32 @!p0 $0x100000, s0;
	[bflag:$0x2] =	sbarrier.arrive $0xFFFF  }
0x7a: {  	[sflag:s0] =	ssyncadd.tile.s32 @!p0 $0x1;
	_ =	shalt  }
.Lfunc_end2:
_tile_overlayer_lowered:
.L_overlay_start_2:
0x7b: {  	(tag) =	ssettag $0x2  }
0x7c: {  	s0 =	rddreg [dreg:$0x0];
	s2 =	stileid.u32  }
0x7d: {  	s1 =	rddreg [dreg:$0x1];
	p0 =	sne.s32 s2, $0x0  }
0x7e: {  	s3 =	rddreg [dreg:$0x2];
	[bflag:$0x3] =	sbarrier.arrive $0xFFFF;
	s2 =	simm.s32 @!p0 $0x1C02  }
0x7f: {  	[timem:s3], [sflag:s2] =	dma.local @!p0 [hbm:s0], s1  }
0x80: {  	s0 =	simm.s32 @!p0 $0x2  }
0x81: {  	_ =	swait.ge @!p0 [sflag:s0], s1  }
0x82: {  	s1 =	ssub.s32 @!p0 $0x0, s1;
	[sflag:s0] =	ssyncset.done @!p0 $0x0  }
0x83: {  	[sflag:s0] =	ssyncadd.s32 @!p0 s1  }
0x84: {  	[bflag:$0x3] =	sbarrier.arrive $0xFFFF  }
0x85: {  	_ =	shalt  }

</sc_bundles>
